<compile_context>
chip_gen: v7x
topology: tpu7x:2x2x1
jax: 0.10.2.dev20260603
libtpu: 0.0.44.dev20260713+nightly
codegen_flags: <defaults>
</compile_context>

<pallas_src>
import functools

import jax
import jax.numpy as jnp
from jax import lax
from jax.experimental import pallas as pl
from jax.experimental.pallas import tpu as pltpu
from jax.experimental.pallas import tpu_sc as plsc

N = 10000
E = 160000
H = 256
HH = 128
G = 64

NS = 16
EPW = E // NS
B = 48
PB = 2 * B
SELS = 10192
TRASH = SELS - 16
NPAD = 10240
CHK = NPAD // 2
DUMP = CHK
AGGR = CHK + 8
SPW = CHK // NS
SCB = 400
PADV = EPW | (DUMP << 14)

BS = 1000
BSE = 2000
GRID = N // BS


def _msg_body(h_hbm, e_hbm, src_hbm, dst_hbm, out_hbm,
              srcb_v, sel_v, rh0_v, rh1_v, re0_v, re1_v,
              gidx_v, geidx_v, dstw_v, dsc0_v, dsc1_v,
              agg_sh, hs0, hs1, es0, es1, ds0, ds1):
    c = lax.axis_index("c")
    s = lax.axis_index("s")
    w0 = s * EPW
    lanes = lax.iota(jnp.int32, 16)

    pltpu.sync_copy(src_hbm.at[pl.ds(w0, EPW)], srcb_v.at[pl.ds(0, EPW)])
    srcb_v[pl.ds(EPW, 16)] = jnp.zeros((16,), jnp.int32)

    def addoff(t, _):
        sl = pl.ds(t * 16, 16)
        srcb_v[sl] = srcb_v[sl] + c * N
        return 0
    lax.fori_loop(0, (EPW + 16) // 16, addoff, 0)

    def chunk_groups(ch, dsc_v, offs):
        def sg(k, offs):
            o0, o1 = offs
            d = dsc_v[pl.ds(k * 16, 16)]
            m0 = d < CHK
            cs = plsc.cumsum(m0.astype(jnp.int32))
            k0 = cs[15]
            pos = lanes + (ch * SCB + k * 16)
            v0 = pos | (d << 14)
            v1 = pos | ((d - CHK) << 14)
            idx0 = jnp.where(m0, o0 + cs - 1, TRASH + lanes)
            idx1 = jnp.where(m0, TRASH + lanes, TRASH - 1 - (o1 + lanes - cs))
            plsc.store_scatter(sel_v, [idx0], v0)
            plsc.store_scatter(sel_v, [idx1], v1)
            return (o0 + k0, o1 + (16 - k0))
        return lax.fori_loop(0, SCB // 16, sg, offs)

    def issue_chunk(ch, dsc_v, dsem):
        pltpu.async_copy(dst_hbm.at[pl.ds(w0 + ch * SCB, SCB)], dsc_v, dsem)

    def wait_chunk(ch, dsc_v, dsem):
        pltpu.make_async_copy(dst_hbm.at[pl.ds(w0 + ch * SCB, SCB)], dsc_v,
                              dsem).wait()

    issue_chunk(0, dsc0_v, ds0)

    def scanpair(t, offs):
        ch = 2 * t
        wait_chunk(ch, dsc0_v, ds0)
        issue_chunk(ch + 1, dsc1_v, ds1)
        offs = chunk_groups(ch, dsc0_v, offs)
        wait_chunk(ch + 1, dsc1_v, ds1)
        issue_chunk(jnp.minimum(ch + 2, EPW // SCB - 1), dsc0_v, ds0)
        offs = chunk_groups(ch + 1, dsc1_v, offs)
        return offs
    offs = lax.fori_loop(0, EPW // SCB // 2, scanpair, (0, 0))
    wait_chunk(EPW // SCB - 1, dsc0_v, ds0)
    n0, n1 = chunk_groups(EPW // SCB - 1, dsc0_v, offs)

    t0 = ((n0 + PB - 1) // PB) * PB

    def fill0(g, _):
        sl = pl.ds(g * 16, 16)
        v = sel_v[sl]
        sel_v[sl] = jnp.where(lanes + g * 16 >= n0, PADV, v)
        return 0
    lax.fori_loop(n0 // 16, t0 // 16, fill0, 0)

    t1 = ((n1 + PB - 1) // PB) * PB

    def fill1(g, _):
        sl = pl.ds(g * 16, 16)
        v = sel_v[sl]
        sel_v[sl] = jnp.where(lanes + g * 16 < TRASH - n1, PADV, v)
        return 0
    lax.fori_loop((TRASH - t1) // 16, (TRASH - n1 + 15) // 16, fill1, 0)

    nbs = (t0 // B, t1 // B)

    for p in range(2):
        lo = p * CHK
        nb = nbs[p]

        if p == 0:
            def start(j):
                return j * B
        else:
            def start(j):
                return TRASH - B - j * B

        def zrow(r, _):
            for f in range(HH // 16):
                rh0_v[r, pl.ds(f * 16, 16)] = jnp.zeros((16,), jnp.float32)
            return 0
        lax.fori_loop(0, 32, zrow, 0)

        def zcopy(j, _):
            pltpu.sync_copy(rh0_v.at[pl.ds(0, 32)],
                            agg_sh.at[pl.ds(s * SPW + j * 32, 32)])
            return 0
        lax.fori_loop(0, SPW // 32, zcopy, 0)
        plsc.subcore_barrier()

        def build_idx(j):
            js = start(j)

            def bg(k, _):
                sl = pl.ds(k * 16, 16)
                v = sel_v[pl.ds(js + k * 16, 16)]
                pos = jnp.minimum(v & 0x3FFF, EPW)
                gidx_v[sl] = plsc.load_gather(srcb_v, [pos])
                geidx_v[sl] = (c * E + w0) + jnp.minimum(pos, EPW - 1)
                return 0
            lax.fori_loop(0, B // 16, bg, 0)

        def process(j, rh_v, re_v, hsem, esem, orh_v, ore_v, ohsem, oesem):
            pltpu.make_async_copy(h_hbm.at[gidx_v], rh_v, hsem).wait()
            pltpu.make_async_copy(e_hbm.at[geidx_v], re_v, esem).wait()
            build_idx(j + 1)
            pltpu.async_copy(h_hbm.at[gidx_v], orh_v, ohsem)
            pltpu.async_copy(e_hbm.at[geidx_v], ore_v, oesem)

            def row(t, _):
                for f in range(HH // 16):
                    sl = pl.ds(f * 16, 16)
                    rh_v[t, sl] = jnp.maximum(rh_v[t, sl] + re_v[t, sl], 0.0)
                return 0
            lax.fori_loop(0, B, row, 0)

            js = start(j)

            def dfix(k, _):
                sl = pl.ds(k * 16, 16)
                v = sel_v[pl.ds(js + k * 16, 16)]
                dstw_v[sl] = jnp.minimum(v >> 14, DUMP + 7)
                return 0
            lax.fori_loop(0, B // 16, dfix, 0)

            pltpu.sync_copy(rh_v, agg_sh.at[dstw_v], add=True)

        build_idx(0)
        pltpu.async_copy(h_hbm.at[gidx_v], rh0_v, hs0)
        pltpu.async_copy(e_hbm.at[geidx_v], re0_v, es0)

        def pair(t, _):
            process(2 * t, rh0_v, re0_v, hs0, es0, rh1_v, re1_v, hs1, es1)
            process(2 * t + 1, rh1_v, re1_v, hs1, es1, rh0_v, re0_v, hs0,
                    es0)
            return 0
        lax.fori_loop(0, nb // 2, pair, 0)

        pltpu.make_async_copy(h_hbm.at[gidx_v], rh0_v, hs0).wait()
        pltpu.make_async_copy(e_hbm.at[geidx_v], re0_v, es0).wait()

        plsc.subcore_barrier()
        pltpu.sync_copy(agg_sh.at[pl.ds(s * SPW, SPW)],
                        out_hbm.at[c, pl.ds(lo + s * SPW, SPW)])


_msg_call = functools.partial(
    pl.kernel,
    mesh=plsc.VectorSubcoreMesh(core_axis_name="c", subcore_axis_name="s"),
    out_type=jax.ShapeDtypeStruct((2, NPAD, HH), jnp.float32),
    compiler_params=pltpu.CompilerParams(needs_layout_passes=False),
    scratch_types=[
        pltpu.VMEM((EPW + 16,), jnp.int32),
        pltpu.VMEM((SELS,), jnp.int32),
        pltpu.VMEM((B, HH), jnp.float32),
        pltpu.VMEM((B, HH), jnp.float32),
        pltpu.VMEM((B, HH), jnp.float32),
        pltpu.VMEM((B, HH), jnp.float32),
        pltpu.VMEM((B,), jnp.int32),
        pltpu.VMEM((B,), jnp.int32),
        pltpu.VMEM((B,), jnp.int32),
        pltpu.VMEM((SCB,), jnp.int32),
        pltpu.VMEM((SCB,), jnp.int32),
        pltpu.VMEM_SHARED((AGGR, HH), jnp.float32),
        pltpu.SemaphoreType.DMA,
        pltpu.SemaphoreType.DMA,
        pltpu.SemaphoreType.DMA,
        pltpu.SemaphoreType.DMA,
        pltpu.SemaphoreType.DMA,
        pltpu.SemaphoreType.DMA,
    ],
)


def _msg(h_flat, e_flat, src, dst):
    return _msg_call(_msg_body)(h_flat, e_flat, src, dst)


def _enc_body(x_ref, Wn_ref, bn_ref, o_ref):
    h = jnp.dot(x_ref[...], Wn_ref[...],
                preferred_element_type=jnp.float32) + bn_ref[...]
    o_ref[0] = h[:, :HH]
    o_ref[1] = h[:, HH:]


def _eenc_body(a_ref, We_ref, be_ref, o_ref):
    e = jnp.dot(a_ref[...], We_ref[...],
                preferred_element_type=jnp.float32) + be_ref[...]
    o_ref[0] = e[:, :HH]
    o_ref[1] = e[:, HH:]


def _mlp_body(h_ref, a_ref, W1_ref, b1_ref, W2_ref, b2_ref, o_ref):
    z = jnp.concatenate([h_ref[0] + a_ref[0], h_ref[1] + a_ref[1]], axis=1)
    t = jnp.maximum(
        jnp.dot(z, W1_ref[...], preferred_element_type=jnp.float32)
        + b1_ref[...], 0.0)
    y = jnp.maximum(
        jnp.dot(t, W2_ref[...], preferred_element_type=jnp.float32)
        + b2_ref[...], 0.0)
    o_ref[0] = y[:, :HH]
    o_ref[1] = y[:, HH:]


def _pool_body(h_ref, bt_ref, o_ref, c_acc):
    i = pl.program_id(0)

    @pl.when(i == 0)
    def _():
        o_ref[...] = jnp.zeros_like(o_ref)
        c_acc[...] = jnp.zeros_like(c_acc)

    y = jnp.concatenate([h_ref[0], h_ref[1]], axis=1)
    ids = bt_ref[0, 0]
    onehot = (ids[None, :] ==
              lax.broadcasted_iota(jnp.int32, (G, 1), 0)).astype(jnp.float32)
    o_ref[...] += jnp.dot(onehot, y, preferred_element_type=jnp.float32)
    c_acc[...] += jnp.sum(onehot, axis=1, keepdims=True)

    @pl.when(i == GRID - 1)
    def _():
        o_ref[...] = o_ref[...] / jnp.maximum(c_acc[...], 1.0)


def kernel(x, edge_index, edge_attr, batch, Wn, bn, We, be,
           W11, b11, W12, b12, W21, b21, W22, b22):
    src = edge_index[0]
    dst = edge_index[1]

    full = pl.BlockSpec((2, BS, HH), lambda i: (0, i, 0))
    wspec = lambda shp: pl.BlockSpec(shp, lambda i: tuple(0 for _ in shp))

    h0 = pl.pallas_call(
        _enc_body,
        grid=(GRID,),
        in_specs=[pl.BlockSpec((BS, 9), lambda i: (i, 0)),
                  wspec((9, H)), wspec((1, H))],
        out_specs=full,
        out_shape=jax.ShapeDtypeStruct((2, N, HH), jnp.float32),
    )(x, Wn, bn.reshape(1, H))

    e_st = pl.pallas_call(
        _eenc_body,
        grid=(E // BSE,),
        in_specs=[pl.BlockSpec((BSE, 3), lambda i: (i, 0)),
                  wspec((3, H)), wspec((1, H))],
        out_specs=pl.BlockSpec((2, BSE, HH), lambda i: (0, i, 0)),
        out_shape=jax.ShapeDtypeStruct((2, E, HH), jnp.float32),
    )(edge_attr, We, be.reshape(1, H))
    e_flat = e_st.reshape(2 * E, HH)

    mlp_call = pl.pallas_call(
        _mlp_body,
        grid=(GRID,),
        in_specs=[full, full, wspec((H, H)), wspec((1, H)),
                  wspec((H, H)), wspec((1, H))],
        out_specs=full,
        out_shape=jax.ShapeDtypeStruct((2, N, HH), jnp.float32),
    )

    W1s = jnp.stack([W11, W21])
    b1s = jnp.stack([b11.reshape(1, H), b21.reshape(1, H)])
    W2s = jnp.stack([W12, W22])
    b2s = jnp.stack([b12.reshape(1, H), b22.reshape(1, H)])

    def layer(h_st, ws):
        W1, b1, W2, b2 = ws
        agg = _msg(h_st.reshape(2 * N, HH), e_flat, src, dst)
        h_next = mlp_call(h_st, agg, W1, b1, W2, b2)
        return h_next, 0

    h2, _ = lax.scan(layer, h0, (W1s, b1s, W2s, b2s))

    out = pl.pallas_call(
        _pool_body,
        grid=(GRID,),
        in_specs=[full, pl.BlockSpec((1, 1, BS), lambda i: (i, 0, 0))],
        out_specs=pl.BlockSpec((G, H), lambda i: (0, 0)),
        out_shape=jax.ShapeDtypeStruct((G, H), jnp.float32),
        scratch_shapes=[pltpu.VMEM((G, 1), jnp.float32)],
    )(h2, batch.reshape(GRID, 1, BS))
    return out

# --- scband reference (transcript-rebuilt; emitter-appended) ---
"""Pipeline reference for scband-gcnnet-70806830842399 (READ-ONLY COPY).

The authoritative reference and input builder live on the scoring server;
editing this copy changes nothing except your own understanding.
"""

import jax, jax.numpy as jnp
import numpy as np

N = 10000
E = 160000
H = 256
G = 64

def setup_inputs(seed: int = 0) -> dict:
    key = jax.random.key(seed)
    ks = jax.random.split(key, 16)
    x = jax.random.normal(ks[0], (N, 9), dtype=jnp.float32)
    edge_index = jax.random.randint(ks[1], (2, E), 0, N, dtype=jnp.int32)
    edge_attr = jax.random.normal(ks[2], (E, 3), dtype=jnp.float32)
    batch = jnp.sort(jax.random.randint(ks[3], (N,), 0, G, dtype=jnp.int32))
    s = 0.05
    Wn = jax.random.normal(ks[4], (9, H), dtype=jnp.float32) * s
    bn = jnp.zeros((H,), dtype=jnp.float32)
    We = jax.random.normal(ks[5], (3, H), dtype=jnp.float32) * s
    be = jnp.zeros((H,), dtype=jnp.float32)
    W11 = jax.random.normal(ks[6], (H, H), dtype=jnp.float32) * s
    b11 = jnp.zeros((H,), dtype=jnp.float32)
    W12 = jax.random.normal(ks[7], (H, H), dtype=jnp.float32) * s
    b12 = jnp.zeros((H,), dtype=jnp.float32)
    W21 = jax.random.normal(ks[8], (H, H), dtype=jnp.float32) * s
    b21 = jnp.zeros((H,), dtype=jnp.float32)
    W22 = jax.random.normal(ks[9], (H, H), dtype=jnp.float32) * s
    b22 = jnp.zeros((H,), dtype=jnp.float32)
    return {"x": x, "edge_index": edge_index, "edge_attr": edge_attr, "batch": batch,
            "Wn": Wn, "bn": bn, "We": We, "be": be,
            "W11": W11, "b11": b11, "W12": W12, "b12": b12,
            "W21": W21, "b21": b21, "W22": W22, "b22": b22}

def reference(x, edge_index, edge_attr, batch, Wn, bn, We, be, W11, b11, W12, b12, W21, b21, W22, b22):
    src = edge_index[0]
    dst = edge_index[1]
    # encoders
    h = x @ Wn + bn
    e = edge_attr @ We + be
    # GINEConv (eps=0): out = MLP(x + sum_j relu(x_j + e_ij))
    def gine(h, W1, b1, W2, b2):
        m = jax.nn.relu(h[src] + e)
        agg = jax.ops.segment_sum(m, dst, num_segments=N)
        z = h + agg
        return jax.nn.relu(z @ W1 + b1) @ W2 + b2
    h = jax.nn.relu(gine(h, W11, b11, W12, b12))
    h = jax.nn.relu(gine(h, W21, b21, W22, b22))
    # global mean pool over batch segment ids
    sums = jax.ops.segment_sum(h, batch, num_segments=G)
    counts = jax.ops.segment_sum(jnp.ones((N,), dtype=jnp.float32), batch, num_segments=G)
    return sums / jnp.clip(counts, 1.0, None)[:, None]

if __name__ == "__main__":
    import jax
    _d = setup_inputs()
    print(jax.jit(kernel)(*tuple(_d.values())))

</pallas_src>

<mosaic_0001>
#map = affine_map<(d0, d1) -> (0, 0)>
#map1 = affine_map<(d0, d1) -> (0)>
#map2 = affine_map<(d0, d1) -> (0, 0, 0)>
module attributes {stable_mosaic.version = 14 : i64} {
  func.func @_msg_body(%arg0: i32, %arg1: i32, %arg2: memref<20000x128xf32, #tpu.memory_space<hbm>>, %arg3: memref<320000x128xf32, #tpu.memory_space<hbm>>, %arg4: memref<160000xi32, #tpu.memory_space<hbm>>, %arg5: memref<160000xi32, #tpu.memory_space<hbm>>, %arg6: memref<2x10240x128xf32, #tpu.memory_space<hbm>>, %arg7: memref<10016xi32, #tpu.memory_space<vmem>>, %arg8: memref<10192xi32, #tpu.memory_space<vmem>>, %arg9: memref<48x128xf32, #tpu.memory_space<vmem>>, %arg10: memref<48x128xf32, #tpu.memory_space<vmem>>, %arg11: memref<48x128xf32, #tpu.memory_space<vmem>>, %arg12: memref<48x128xf32, #tpu.memory_space<vmem>>, %arg13: memref<48xi32, #tpu.memory_space<vmem>>, %arg14: memref<48xi32, #tpu.memory_space<vmem>>, %arg15: memref<48xi32, #tpu.memory_space<vmem>>, %arg16: memref<400xi32, #tpu.memory_space<vmem>>, %arg17: memref<400xi32, #tpu.memory_space<vmem>>, %arg18: memref<5128x128xf32, #tpu.memory_space<vmem_shared>>, %arg19: memref<!tpu.dma_semaphore, #tpu.memory_space<semaphore_mem>>, %arg20: memref<!tpu.dma_semaphore, #tpu.memory_space<semaphore_mem>>, %arg21: memref<!tpu.dma_semaphore, #tpu.memory_space<semaphore_mem>>, %arg22: memref<!tpu.dma_semaphore, #tpu.memory_space<semaphore_mem>>, %arg23: memref<!tpu.dma_semaphore, #tpu.memory_space<semaphore_mem>>, %arg24: memref<!tpu.dma_semaphore, #tpu.memory_space<semaphore_mem>>) attributes {dimension_semantics = [#tpu.dimension_semantics<core_parallel>, #tpu.dimension_semantics<subcore_parallel>], iteration_bounds = array<i64: 2, 16>, scalar_prefetch = 0 : i64, scratch_operands = 18 : i64, tpu.core_type = #tpu.core_type<sc_vector_subcore>, window_params = [{transform_indices = #map}, {transform_indices = #map}, {transform_indices = #map1}, {transform_indices = #map1}, {transform_indices = #map2}]} {
    %mul3A = arith.constant 10000 : i32
    %mul3A_0 = arith.muli %arg1, %mul3A : i32
    %iota3A = tpu.iota {dimensions = array<i32: 0>} : vector<16xi32>
    "tpu.region"() ({
      %run_scoped3A = tpu.sem_alloc : memref<!tpu.dma_semaphore, #tpu.memory_space<semaphore_mem>>
      %dma_start3A_404 = arith.constant 0 : i32
      %dma_start3A_405 = tpu.memref_slice %arg7[%dma_start3A_404] : memref<10016xi32, #tpu.memory_space<vmem>> -> memref<10000xi32, #tpu.memory_space<vmem>>
      %dma_start3A_406 = tpu.memref_slice %arg4[%mul3A_0] : memref<160000xi32, #tpu.memory_space<hbm>> -> memref<10000xi32, #tpu.memory_space<hbm>>
      %dma_start3A_407 = arith.constant 0 : i32
      %dma_start3A_408 = tpu.memref_slice %arg7[%dma_start3A_407] : memref<10016xi32, #tpu.memory_space<vmem>> -> memref<10000xi32, #tpu.memory_space<vmem>>
      %dma_start3A_409 = tpu.memref_slice %arg4[%mul3A_0] : memref<160000xi32, #tpu.memory_space<hbm>> -> memref<10000xi32, #tpu.memory_space<hbm>>
      tpu.enqueue_dma source(%dma_start3A_409 : memref<10000xi32, #tpu.memory_space<hbm>>) target(%dma_start3A_408 : memref<10000xi32, #tpu.memory_space<vmem>>) target_semaphore(%run_scoped3A : memref<!tpu.dma_semaphore, #tpu.memory_space<semaphore_mem>>)
      %dma_wait3A_410 = arith.constant 0 : i32
      %dma_wait3A_411 = tpu.memref_slice %arg7[%dma_wait3A_410] : memref<10016xi32, #tpu.memory_space<vmem>> -> memref<10000xi32, #tpu.memory_space<vmem>>
      %dma_wait3A_412 = tpu.memref_slice %arg4[%mul3A_0] : memref<160000xi32, #tpu.memory_space<hbm>> -> memref<10000xi32, #tpu.memory_space<hbm>>
      %dma_wait3A_413 = arith.constant 0 : i32
      %dma_wait3A_414 = tpu.memref_slice %arg7[%dma_wait3A_413] : memref<10016xi32, #tpu.memory_space<vmem>> -> memref<10000xi32, #tpu.memory_space<vmem>>
      %dma_wait3A_415 = tpu.memref_slice %arg4[%mul3A_0] : memref<160000xi32, #tpu.memory_space<hbm>> -> memref<10000xi32, #tpu.memory_space<hbm>>
      tpu.wait_dma2 semaphore(%run_scoped3A : memref<!tpu.dma_semaphore, #tpu.memory_space<semaphore_mem>>) src(%dma_wait3A_415 : memref<10000xi32, #tpu.memory_space<hbm>>) dst(%dma_wait3A_414 : memref<10000xi32, #tpu.memory_space<vmem>>)
      tpu.yield
    }) : () -> ()
    %broadcast_in_dim3A = arith.constant 0 : i32
    %broadcast_in_dim3A_1 = vector.broadcast %broadcast_in_dim3A : i32 to vector<16xi32>
    %swap3A = arith.constant 10000 : index
    %swap3A_2 = tpu.vector_load %arg7[%swap3A] {strides = array<i32>} : memref<10016xi32, #tpu.memory_space<vmem>>, vector<16xi32>,
    tpu.vector_store %arg7[%swap3A], %broadcast_in_dim3A_1 {strides = array<i32>} : memref<10016xi32, #tpu.memory_space<vmem>>, vector<16xi32>,
    %scan3A = arith.constant 0 : i32
    %scan3A_3 = arith.constant 0 : i32
    %scan3A_4 = arith.constant 626 : i32
    %scan3A_5 = arith.addi %scan3A_3, %scan3A_4 : i32
    %scan3A_6 = arith.constant 1 : i32
    %scan3A_7 = scf.for %scan3A_404 = %scan3A_3 to %scan3A_5 step %scan3A_6 iter_args(%scan3A_405 = %scan3A) -> (i32)  : i32 {
      %mul3A_406 = arith.constant 16 : i32
      %mul3A_407 = arith.muli %scan3A_404, %mul3A_406 : i32
      %get3A = arith.index_cast %mul3A_407 : i32 to index
      %get3A_408 = tpu.vector_load %arg7[%get3A] {strides = array<i32>} : memref<10016xi32, #tpu.memory_space<vmem>>, vector<16xi32>,
      %mul3A_409 = arith.constant 10000 : i32
      %mul3A_410 = arith.muli %arg0, %mul3A_409 : i32
      %add3A_411 = vector.broadcast %mul3A_410 : i32 to vector<16xi32>
      %add3A_412 = arith.addi %get3A_408, %add3A_411 : vector<16xi32>
      %swap3A_413 = arith.index_cast %mul3A_407 : i32 to index
      %swap3A_414 = tpu.vector_load %arg7[%swap3A_413] {strides = array<i32>} : memref<10016xi32, #tpu.memory_space<vmem>>, vector<16xi32>,
      tpu.vector_store %arg7[%swap3A_413], %add3A_412 {strides = array<i32>} : memref<10016xi32, #tpu.memory_space<vmem>>, vector<16xi32>,
      %scan3A_415 = arith.constant 0 : i32
      scf.yield %scan3A_415 : i32
    }
    %scan3A_8 = arith.constant 626 : i32
    %add3A = arith.constant 0 : i32
    %add3A_9 = arith.addi %mul3A_0, %add3A : i32
    %dma_start3A = tpu.memref_slice %arg5[%add3A_9] : memref<160000xi32, #tpu.memory_space<hbm>> -> memref<400xi32, #tpu.memory_space<hbm>>
    %dma_start3A_10 = tpu.memref_slice %arg5[%add3A_9] : memref<160000xi32, #tpu.memory_space<hbm>> -> memref<400xi32, #tpu.memory_space<hbm>>
    tpu.enqueue_dma source(%dma_start3A_10 : memref<400xi32, #tpu.memory_space<hbm>>) target(%arg16 : memref<400xi32, #tpu.memory_space<vmem>>) target_semaphore(%arg23 : memref<!tpu.dma_semaphore, #tpu.memory_space<semaphore_mem>>)
    %scan3A_11 = arith.constant 0 : i32
    %scan3A_12 = arith.constant 0 : i32
    %scan3A_13 = arith.constant 0 : i32
    %scan3A_14 = arith.constant 12 : i32
    %scan3A_15 = arith.addi %scan3A_13, %scan3A_14 : i32
    %scan3A_16 = arith.constant 1 : i32
    %scan3A_17:2 = scf.for %scan3A_404 = %scan3A_13 to %scan3A_15 step %scan3A_16 iter_args(%scan3A_405 = %scan3A_11, %scan3A_406 = %scan3A_12) -> (i32, i32)  : i32 {
      %mul3A_407 = arith.constant 2 : i32
      %mul3A_408 = arith.muli %mul3A_407, %scan3A_404 : i32
      %mul3A_409 = arith.constant 400 : i32
      %mul3A_410 = arith.muli %mul3A_408, %mul3A_409 : i32
      %add3A_411 = arith.addi %mul3A_0, %mul3A_410 : i32
      %dma_wait3A_412 = tpu.memref_slice %arg5[%add3A_411] : memref<160000xi32, #tpu.memory_space<hbm>> -> memref<400xi32, #tpu.memory_space<hbm>>
      %dma_wait3A_413 = tpu.memref_slice %arg5[%add3A_411] : memref<160000xi32, #tpu.memory_space<hbm>> -> memref<400xi32, #tpu.memory_space<hbm>>
      tpu.wait_dma2 semaphore(%arg23 : memref<!tpu.dma_semaphore, #tpu.memory_space<semaphore_mem>>) src(%dma_wait3A_413 : memref<400xi32, #tpu.memory_space<hbm>>) dst(%arg16 : memref<400xi32, #tpu.memory_space<vmem>>)
      %add3A_414 = arith.constant 1 : i32
      %add3A_415 = arith.addi %mul3A_408, %add3A_414 : i32
      %mul3A_416 = arith.constant 400 : i32
      %mul3A_417 = arith.muli %add3A_415, %mul3A_416 : i32
      %add3A_418 = arith.addi %mul3A_0, %mul3A_417 : i32
      %dma_start3A_419 = tpu.memref_slice %arg5[%add3A_418] : memref<160000xi32, #tpu.memory_space<hbm>> -> memref<400xi32, #tpu.memory_space<hbm>>
      %dma_start3A_420 = tpu.memref_slice %arg5[%add3A_418] : memref<160000xi32, #tpu.memory_space<hbm>> -> memref<400xi32, #tpu.memory_space<hbm>>
      tpu.enqueue_dma source(%dma_start3A_420 : memref<400xi32, #tpu.memory_space<hbm>>) target(%arg17 : memref<400xi32, #tpu.memory_space<vmem>>) target_semaphore(%arg24 : memref<!tpu.dma_semaphore, #tpu.memory_space<semaphore_mem>>)
      %scan3A_421 = arith.constant 0 : i32
      %scan3A_422 = arith.constant 25 : i32
      %scan3A_423 = arith.addi %scan3A_421, %scan3A_422 : i32
      %scan3A_424 = arith.constant 1 : i32
      %scan3A_425:2 = scf.for %scan3A_450 = %scan3A_421 to %scan3A_423 step %scan3A_424 iter_args(%scan3A_451 = %scan3A_405, %scan3A_452 = %scan3A_406) -> (i32, i32)  : i32 {
        %mul3A_453 = arith.constant 16 : i32
        %mul3A_454 = arith.muli %scan3A_450, %mul3A_453 : i32
        %get3A = arith.index_cast %mul3A_454 : i32 to index
        %get3A_455 = tpu.vector_load %arg16[%get3A] {strides = array<i32>} : memref<400xi32, #tpu.memory_space<vmem>>, vector<16xi32>,
        %lt3A = arith.constant 5120 : i32
        %lt3A_456 = vector.broadcast %lt3A : i32 to vector<16xi32>
        %lt3A_457 = arith.cmpi slt, %get3A_455, %lt3A_456 : vector<16xi32>
        %convert_element_type3A = arith.extui %lt3A_457 : vector<16xi1> to vector<16xi32>
        %broadcast_in_dim3A_458 = arith.constant true
        %broadcast_in_dim3A_459 = vector.broadcast %broadcast_in_dim3A_458 : i1 to vector<16xi1>
        %masked_cumsum3A = tpu.scan <sum>, %convert_element_type3A masked %broadcast_in_dim3A_459 : vector<16xi32>, vector<16xi1> -> vector<16xi32>
        %slice3A = vector.extract_strided_slice %masked_cumsum3A {offsets = [15], sizes = [1], strides = [1]} : vector<16xi32> to vector<1xi32>
        %squeeze3A = vector.extract %slice3A[0] : i32 from vector<1xi32>
        %mul3A_460 = arith.constant 400 : i32
        %mul3A_461 = arith.muli %mul3A_408, %mul3A_460 : i32
        %mul3A_462 = arith.constant 16 : i32
        %mul3A_463 = arith.muli %scan3A_450, %mul3A_462 : i32
        %add3A_464 = arith.addi %mul3A_461, %mul3A_463 : i32
        %add3A_465 = vector.broadcast %add3A_464 : i32 to vector<16xi32>
        %add3A_466 = arith.addi %iota3A, %add3A_465 : vector<16xi32>
        %shift_left3A = arith.constant 14 : i32
        %shift_left3A_467 = vector.broadcast %shift_left3A : i32 to vector<16xi32>
        %shift_left3A_468 = arith.shli %get3A_455, %shift_left3A_467 : vector<16xi32>
        %or3A = arith.ori %add3A_466, %shift_left3A_468 : vector<16xi32>
        %sub3A_469 = arith.constant 5120 : i32
        %sub3A_470 = vector.broadcast %sub3A_469 : i32 to vector<16xi32>
        %sub3A_471 = arith.subi %get3A_455, %sub3A_470 : vector<16xi32>
        %shift_left3A_472 = arith.constant 14 : i32
        %shift_left3A_473 = vector.broadcast %shift_left3A_472 : i32 to vector<16xi32>
        %shift_left3A_474 = arith.shli %sub3A_471, %shift_left3A_473 : vector<16xi32>
        %or3A_475 = arith.ori %add3A_466, %shift_left3A_474 : vector<16xi32>
        %add3A_476 = vector.broadcast %scan3A_451 : i32 to vector<16xi32>
        %add3A_477 = arith.addi %add3A_476, %masked_cumsum3A : vector<16xi32>
        %sub3A_478 = arith.constant 1 : i32
        %sub3A_479 = vector.broadcast %sub3A_478 : i32 to vector<16xi32>
        %sub3A_480 = arith.subi %add3A_477, %sub3A_479 : vector<16xi32>
        %add3A_481 = arith.constant 10176 : i32
        %add3A_482 = vector.broadcast %add3A_481 : i32 to vector<16xi32>
        %add3A_483 = arith.addi %add3A_482, %iota3A : vector<16xi32>
        %select_n3A_484 = arith.select %lt3A_457, %sub3A_480, %add3A_483 : vector<16xi1>, vector<16xi32>
        %add3A_485 = arith.constant 10176 : i32
        %add3A_486 = vector.broadcast %add3A_485 : i32 to vector<16xi32>
        %add3A_487 = arith.addi %add3A_486, %iota3A : vector<16xi32>
        %add3A_488 = vector.broadcast %scan3A_452 : i32 to vector<16xi32>
        %add3A_489 = arith.addi %add3A_488, %iota3A : vector<16xi32>
        %sub3A_490 = arith.subi %add3A_489, %masked_cumsum3A : vector<16xi32>
        %sub3A_491 = arith.constant 10175 : i32
        %sub3A_492 = vector.broadcast %sub3A_491 : i32 to vector<16xi32>
        %sub3A_493 = arith.subi %sub3A_492, %sub3A_490 : vector<16xi32>
        %select_n3A_494 = arith.select %lt3A_457, %add3A_487, %sub3A_493 : vector<16xi1>, vector<16xi32>
        tpu.vector_store_idx %arg8[%select_n3A_484], %or3A : memref<10192xi32, #tpu.memory_space<vmem>>[vector<16xi32>], vector<16xi32>,
        tpu.vector_store_idx %arg8[%select_n3A_494], %or3A_475 : memref<10192xi32, #tpu.memory_space<vmem>>[vector<16xi32>], vector<16xi32>,
        %add3A_495 = arith.addi %scan3A_451, %squeeze3A : i32
        %sub3A_496 = arith.constant 16 : i32
        %sub3A_497 = arith.subi %sub3A_496, %squeeze3A : i32
        %add3A_498 = arith.addi %scan3A_452, %sub3A_497 : i32
        scf.yield %add3A_495, %add3A_498 : i32, i32
      }
      %scan3A_426 = arith.constant 25 : i32
      %add3A_427 = arith.constant 1 : i32
      %add3A_428 = arith.addi %mul3A_408, %add3A_427 : i32
      %mul3A_429 = arith.constant 400 : i32
      %mul3A_430 = arith.muli %add3A_428, %mul3A_429 : i32
      %add3A_431 = arith.addi %mul3A_0, %mul3A_430 : i32
      %dma_wait3A_432 = tpu.memref_slice %arg5[%add3A_431] : memref<160000xi32, #tpu.memory_space<hbm>> -> memref<400xi32, #tpu.memory_space<hbm>>
      %dma_wait3A_433 = tpu.memref_slice %arg5[%add3A_431] : memref<160000xi32, #tpu.memory_space<hbm>> -> memref<400xi32, #tpu.memory_space<hbm>>
      tpu.wait_dma2 semaphore(%arg24 : memref<!tpu.dma_semaphore, #tpu.memory_space<semaphore_mem>>) src(%dma_wait3A_433 : memref<400xi32, #tpu.memory_space<hbm>>) dst(%arg17 : memref<400xi32, #tpu.memory_space<vmem>>)
      %add3A_434 = arith.constant 2 : i32
      %add3A_435 = arith.addi %mul3A_408, %add3A_434 : i32
      %min3A = arith.constant 24 : i32
      %min3A_436 = arith.minsi %add3A_435, %min3A : i32
      %mul3A_437 = arith.constant 400 : i32
      %mul3A_438 = arith.muli %min3A_436, %mul3A_437 : i32
      %add3A_439 = arith.addi %mul3A_0, %mul3A_438 : i32
      %dma_start3A_440 = tpu.memref_slice %arg5[%add3A_439] : memref<160000xi32, #tpu.memory_space<hbm>> -> memref<400xi32, #tpu.memory_space<hbm>>
      %dma_start3A_441 = tpu.memref_slice %arg5[%add3A_439] : memref<160000xi32, #tpu.memory_space<hbm>> -> memref<400xi32, #tpu.memory_space<hbm>>
      tpu.enqueue_dma source(%dma_start3A_441 : memref<400xi32, #tpu.memory_space<hbm>>) target(%arg16 : memref<400xi32, #tpu.memory_space<vmem>>) target_semaphore(%arg23 : memref<!tpu.dma_semaphore, #tpu.memory_space<semaphore_mem>>)
      %add3A_442 = arith.constant 1 : i32
      %add3A_443 = arith.addi %mul3A_408, %add3A_442 : i32
      %scan3A_444 = arith.constant 0 : i32
      %scan3A_445 = arith.constant 25 : i32
      %scan3A_446 = arith.addi %scan3A_444, %scan3A_445 : i32
      %scan3A_447 = arith.constant 1 : i32
      %scan3A_448:2 = scf.for %scan3A_450 = %scan3A_444 to %scan3A_446 step %scan3A_447 iter_args(%scan3A_451 = %scan3A_425#0, %scan3A_452 = %scan3A_425#1) -> (i32, i32)  : i32 {
        %mul3A_453 = arith.constant 16 : i32
        %mul3A_454 = arith.muli %scan3A_450, %mul3A_453 : i32
        %get3A = arith.index_cast %mul3A_454 : i32 to index
        %get3A_455 = tpu.vector_load %arg17[%get3A] {strides = array<i32>} : memref<400xi32, #tpu.memory_space<vmem>>, vector<16xi32>,
        %lt3A = arith.constant 5120 : i32
        %lt3A_456 = vector.broadcast %lt3A : i32 to vector<16xi32>
        %lt3A_457 = arith.cmpi slt, %get3A_455, %lt3A_456 : vector<16xi32>
        %convert_element_type3A = arith.extui %lt3A_457 : vector<16xi1> to vector<16xi32>
        %broadcast_in_dim3A_458 = arith.constant true
        %broadcast_in_dim3A_459 = vector.broadcast %broadcast_in_dim3A_458 : i1 to vector<16xi1>
        %masked_cumsum3A = tpu.scan <sum>, %convert_element_type3A masked %broadcast_in_dim3A_459 : vector<16xi32>, vector<16xi1> -> vector<16xi32>
        %slice3A = vector.extract_strided_slice %masked_cumsum3A {offsets = [15], sizes = [1], strides = [1]} : vector<16xi32> to vector<1xi32>
        %squeeze3A = vector.extract %slice3A[0] : i32 from vector<1xi32>
        %mul3A_460 = arith.constant 400 : i32
        %mul3A_461 = arith.muli %add3A_443, %mul3A_460 : i32
        %mul3A_462 = arith.constant 16 : i32
        %mul3A_463 = arith.muli %scan3A_450, %mul3A_462 : i32
        %add3A_464 = arith.addi %mul3A_461, %mul3A_463 : i32
        %add3A_465 = vector.broadcast %add3A_464 : i32 to vector<16xi32>
        %add3A_466 = arith.addi %iota3A, %add3A_465 : vector<16xi32>
        %shift_left3A = arith.constant 14 : i32
        %shift_left3A_467 = vector.broadcast %shift_left3A : i32 to vector<16xi32>
        %shift_left3A_468 = arith.shli %get3A_455, %shift_left3A_467 : vector<16xi32>
        %or3A = arith.ori %add3A_466, %shift_left3A_468 : vector<16xi32>
        %sub3A_469 = arith.constant 5120 : i32
        %sub3A_470 = vector.broadcast %sub3A_469 : i32 to vector<16xi32>
        %sub3A_471 = arith.subi %get3A_455, %sub3A_470 : vector<16xi32>
        %shift_left3A_472 = arith.constant 14 : i32
        %shift_left3A_473 = vector.broadcast %shift_left3A_472 : i32 to vector<16xi32>
        %shift_left3A_474 = arith.shli %sub3A_471, %shift_left3A_473 : vector<16xi32>
        %or3A_475 = arith.ori %add3A_466, %shift_left3A_474 : vector<16xi32>
        %add3A_476 = vector.broadcast %scan3A_451 : i32 to vector<16xi32>
        %add3A_477 = arith.addi %add3A_476, %masked_cumsum3A : vector<16xi32>
        %sub3A_478 = arith.constant 1 : i32
        %sub3A_479 = vector.broadcast %sub3A_478 : i32 to vector<16xi32>
        %sub3A_480 = arith.subi %add3A_477, %sub3A_479 : vector<16xi32>
        %add3A_481 = arith.constant 10176 : i32
        %add3A_482 = vector.broadcast %add3A_481 : i32 to vector<16xi32>
        %add3A_483 = arith.addi %add3A_482, %iota3A : vector<16xi32>
        %select_n3A_484 = arith.select %lt3A_457, %sub3A_480, %add3A_483 : vector<16xi1>, vector<16xi32>
        %add3A_485 = arith.constant 10176 : i32
        %add3A_486 = vector.broadcast %add3A_485 : i32 to vector<16xi32>
        %add3A_487 = arith.addi %add3A_486, %iota3A : vector<16xi32>
        %add3A_488 = vector.broadcast %scan3A_452 : i32 to vector<16xi32>
        %add3A_489 = arith.addi %add3A_488, %iota3A : vector<16xi32>
        %sub3A_490 = arith.subi %add3A_489, %masked_cumsum3A : vector<16xi32>
        %sub3A_491 = arith.constant 10175 : i32
        %sub3A_492 = vector.broadcast %sub3A_491 : i32 to vector<16xi32>
        %sub3A_493 = arith.subi %sub3A_492, %sub3A_490 : vector<16xi32>
        %select_n3A_494 = arith.select %lt3A_457, %add3A_487, %sub3A_493 : vector<16xi1>, vector<16xi32>
        tpu.vector_store_idx %arg8[%select_n3A_484], %or3A : memref<10192xi32, #tpu.memory_space<vmem>>[vector<16xi32>], vector<16xi32>,
        tpu.vector_store_idx %arg8[%select_n3A_494], %or3A_475 : memref<10192xi32, #tpu.memory_space<vmem>>[vector<16xi32>], vector<16xi32>,
        %add3A_495 = arith.addi %scan3A_451, %squeeze3A : i32
        %sub3A_496 = arith.constant 16 : i32
        %sub3A_497 = arith.subi %sub3A_496, %squeeze3A : i32
        %add3A_498 = arith.addi %scan3A_452, %sub3A_497 : i32
        scf.yield %add3A_495, %add3A_498 : i32, i32
      }
      %scan3A_449 = arith.constant 25 : i32
      scf.yield %scan3A_448#0, %scan3A_448#1 : i32, i32
    }
    %scan3A_18 = arith.constant 12 : i32
    %add3A_19 = arith.constant 9600 : i32
    %add3A_20 = arith.addi %mul3A_0, %add3A_19 : i32
    %dma_wait3A = tpu.memref_slice %arg5[%add3A_20] : memref<160000xi32, #tpu.memory_space<hbm>> -> memref<400xi32, #tpu.memory_space<hbm>>
    %dma_wait3A_21 = tpu.memref_slice %arg5[%add3A_20] : memref<160000xi32, #tpu.memory_space<hbm>> -> memref<400xi32, #tpu.memory_space<hbm>>
    tpu.wait_dma2 semaphore(%arg23 : memref<!tpu.dma_semaphore, #tpu.memory_space<semaphore_mem>>) src(%dma_wait3A_21 : memref<400xi32, #tpu.memory_space<hbm>>) dst(%arg16 : memref<400xi32, #tpu.memory_space<vmem>>)
    %scan3A_22 = arith.constant 0 : i32
    %scan3A_23 = arith.constant 25 : i32
    %scan3A_24 = arith.addi %scan3A_22, %scan3A_23 : i32
    %scan3A_25 = arith.constant 1 : i32
    %scan3A_26:2 = scf.for %scan3A_404 = %scan3A_22 to %scan3A_24 step %scan3A_25 iter_args(%scan3A_405 = %scan3A_17#0, %scan3A_406 = %scan3A_17#1) -> (i32, i32)  : i32 {
      %mul3A_407 = arith.constant 16 : i32
      %mul3A_408 = arith.muli %scan3A_404, %mul3A_407 : i32
      %get3A = arith.index_cast %mul3A_408 : i32 to index
      %get3A_409 = tpu.vector_load %arg16[%get3A] {strides = array<i32>} : memref<400xi32, #tpu.memory_space<vmem>>, vector<16xi32>,
      %lt3A = arith.constant 5120 : i32
      %lt3A_410 = vector.broadcast %lt3A : i32 to vector<16xi32>
      %lt3A_411 = arith.cmpi slt, %get3A_409, %lt3A_410 : vector<16xi32>
      %convert_element_type3A = arith.extui %lt3A_411 : vector<16xi1> to vector<16xi32>
      %broadcast_in_dim3A_412 = arith.constant true
      %broadcast_in_dim3A_413 = vector.broadcast %broadcast_in_dim3A_412 : i1 to vector<16xi1>
      %masked_cumsum3A = tpu.scan <sum>, %convert_element_type3A masked %broadcast_in_dim3A_413 : vector<16xi32>, vector<16xi1> -> vector<16xi32>
      %slice3A = vector.extract_strided_slice %masked_cumsum3A {offsets = [15], sizes = [1], strides = [1]} : vector<16xi32> to vector<1xi32>
      %squeeze3A = vector.extract %slice3A[0] : i32 from vector<1xi32>
      %mul3A_414 = arith.constant 16 : i32
      %mul3A_415 = arith.muli %scan3A_404, %mul3A_414 : i32
      %add3A_416 = arith.constant 9600 : i32
      %add3A_417 = arith.addi %add3A_416, %mul3A_415 : i32
      %add3A_418 = vector.broadcast %add3A_417 : i32 to vector<16xi32>
      %add3A_419 = arith.addi %iota3A, %add3A_418 : vector<16xi32>
      %shift_left3A = arith.constant 14 : i32
      %shift_left3A_420 = vector.broadcast %shift_left3A : i32 to vector<16xi32>
      %shift_left3A_421 = arith.shli %get3A_409, %shift_left3A_420 : vector<16xi32>
      %or3A = arith.ori %add3A_419, %shift_left3A_421 : vector<16xi32>
      %sub3A_422 = arith.constant 5120 : i32
      %sub3A_423 = vector.broadcast %sub3A_422 : i32 to vector<16xi32>
      %sub3A_424 = arith.subi %get3A_409, %sub3A_423 : vector<16xi32>
      %shift_left3A_425 = arith.constant 14 : i32
      %shift_left3A_426 = vector.broadcast %shift_left3A_425 : i32 to vector<16xi32>
      %shift_left3A_427 = arith.shli %sub3A_424, %shift_left3A_426 : vector<16xi32>
      %or3A_428 = arith.ori %add3A_419, %shift_left3A_427 : vector<16xi32>
      %add3A_429 = vector.broadcast %scan3A_405 : i32 to vector<16xi32>
      %add3A_430 = arith.addi %add3A_429, %masked_cumsum3A : vector<16xi32>
      %sub3A_431 = arith.constant 1 : i32
      %sub3A_432 = vector.broadcast %sub3A_431 : i32 to vector<16xi32>
      %sub3A_433 = arith.subi %add3A_430, %sub3A_432 : vector<16xi32>
      %add3A_434 = arith.constant 10176 : i32
      %add3A_435 = vector.broadcast %add3A_434 : i32 to vector<16xi32>
      %add3A_436 = arith.addi %add3A_435, %iota3A : vector<16xi32>
      %select_n3A_437 = arith.select %lt3A_411, %sub3A_433, %add3A_436 : vector<16xi1>, vector<16xi32>
      %add3A_438 = arith.constant 10176 : i32
      %add3A_439 = vector.broadcast %add3A_438 : i32 to vector<16xi32>
      %add3A_440 = arith.addi %add3A_439, %iota3A : vector<16xi32>
      %add3A_441 = vector.broadcast %scan3A_406 : i32 to vector<16xi32>
      %add3A_442 = arith.addi %add3A_441, %iota3A : vector<16xi32>
      %sub3A_443 = arith.subi %add3A_442, %masked_cumsum3A : vector<16xi32>
      %sub3A_444 = arith.constant 10175 : i32
      %sub3A_445 = vector.broadcast %sub3A_444 : i32 to vector<16xi32>
      %sub3A_446 = arith.subi %sub3A_445, %sub3A_443 : vector<16xi32>
      %select_n3A_447 = arith.select %lt3A_411, %add3A_440, %sub3A_446 : vector<16xi1>, vector<16xi32>
      tpu.vector_store_idx %arg8[%select_n3A_437], %or3A : memref<10192xi32, #tpu.memory_space<vmem>>[vector<16xi32>], vector<16xi32>,
      tpu.vector_store_idx %arg8[%select_n3A_447], %or3A_428 : memref<10192xi32, #tpu.memory_space<vmem>>[vector<16xi32>], vector<16xi32>,
      %add3A_448 = arith.addi %scan3A_405, %squeeze3A : i32
      %sub3A_449 = arith.constant 16 : i32
      %sub3A_450 = arith.subi %sub3A_449, %squeeze3A : i32
      %add3A_451 = arith.addi %scan3A_406, %sub3A_450 : i32
      scf.yield %add3A_448, %add3A_451 : i32, i32
    }
    %scan3A_27 = arith.constant 25 : i32
    %add3A_28 = arith.constant 96 : i32
    %add3A_29 = arith.addi %scan3A_26#0, %add3A_28 : i32
    %sub3A = arith.constant 1 : i32
    %sub3A_30 = arith.subi %add3A_29, %sub3A : i32
    %jit3A = arith.constant 96 : i32
    %div3A = arith.divsi %sub3A_30, %jit3A : i32
    %sign3A = arith.constant 0 : i32
    %sign3A_31 = arith.cmpi sgt, %sub3A_30, %sign3A : i32
    %sign3A_32 = arith.extui %sign3A_31 : i1 to i32
    %sign3A_33 = arith.constant 0 : i32
    %sign3A_34 = arith.cmpi slt, %sub3A_30, %sign3A_33 : i32
    %sign3A_35 = arith.extui %sign3A_34 : i1 to i32
    %sign3A_36 = arith.subi %sign3A_32, %sign3A_35 : i32
    %sign3A_37 = arith.constant 0 : i32
    %sign3A_38 = arith.cmpi sgt, %jit3A, %sign3A_37 : i32
    %sign3A_39 = arith.extui %sign3A_38 : i1 to i32
    %sign3A_40 = arith.constant 0 : i32
    %sign3A_41 = arith.cmpi slt, %jit3A, %sign3A_40 : i32
    %sign3A_42 = arith.extui %sign3A_41 : i1 to i32
    %sign3A_43 = arith.subi %sign3A_39, %sign3A_42 : i32
    %ne3A = arith.cmpi ne, %sign3A_36, %sign3A_43 : i32
    %rem3A = arith.remsi %sub3A_30, %jit3A : i32
    %ne3A_44 = arith.constant 0 : i32
    %ne3A_45 = arith.cmpi ne, %rem3A, %ne3A_44 : i32
    %and3A = arith.andi %ne3A, %ne3A_45 : i1
    %sub3A_46 = arith.constant 1 : i32
    %sub3A_47 = arith.subi %div3A, %sub3A_46 : i32
    %select_n3A = arith.select %and3A, %sub3A_47, %div3A : i32
    %mul3A_48 = arith.constant 96 : i32
    %mul3A_49 = arith.muli %select_n3A, %mul3A_48 : i32
    %jit3A_50 = arith.constant 16 : i32
    %div3A_51 = arith.divsi %scan3A_26#0, %jit3A_50 : i32
    %sign3A_52 = arith.constant 0 : i32
    %sign3A_53 = arith.cmpi sgt, %scan3A_26#0, %sign3A_52 : i32
    %sign3A_54 = arith.extui %sign3A_53 : i1 to i32
    %sign3A_55 = arith.constant 0 : i32
    %sign3A_56 = arith.cmpi slt, %scan3A_26#0, %sign3A_55 : i32
    %sign3A_57 = arith.extui %sign3A_56 : i1 to i32
    %sign3A_58 = arith.subi %sign3A_54, %sign3A_57 : i32
    %sign3A_59 = arith.constant 0 : i32
    %sign3A_60 = arith.cmpi sgt, %jit3A_50, %sign3A_59 : i32
    %sign3A_61 = arith.extui %sign3A_60 : i1 to i32
    %sign3A_62 = arith.constant 0 : i32
    %sign3A_63 = arith.cmpi slt, %jit3A_50, %sign3A_62 : i32
    %sign3A_64 = arith.extui %sign3A_63 : i1 to i32
    %sign3A_65 = arith.subi %sign3A_61, %sign3A_64 : i32
    %ne3A_66 = arith.cmpi ne, %sign3A_58, %sign3A_65 : i32
    %rem3A_67 = arith.remsi %scan3A_26#0, %jit3A_50 : i32
    %ne3A_68 = arith.constant 0 : i32
    %ne3A_69 = arith.cmpi ne, %rem3A_67, %ne3A_68 : i32
    %and3A_70 = arith.andi %ne3A_66, %ne3A_69 : i1
    %sub3A_71 = arith.constant 1 : i32
    %sub3A_72 = arith.subi %div3A_51, %sub3A_71 : i32
    %select_n3A_73 = arith.select %and3A_70, %sub3A_72, %div3A_51 : i32
    %jit3A_74 = arith.constant 16 : i32
    %div3A_75 = arith.divsi %mul3A_49, %jit3A_74 : i32
    %sign3A_76 = arith.constant 0 : i32
    %sign3A_77 = arith.cmpi sgt, %mul3A_49, %sign3A_76 : i32
    %sign3A_78 = arith.extui %sign3A_77 : i1 to i32
    %sign3A_79 = arith.constant 0 : i32
    %sign3A_80 = arith.cmpi slt, %mul3A_49, %sign3A_79 : i32
    %sign3A_81 = arith.extui %sign3A_80 : i1 to i32
    %sign3A_82 = arith.subi %sign3A_78, %sign3A_81 : i32
    %sign3A_83 = arith.constant 0 : i32
    %sign3A_84 = arith.cmpi sgt, %jit3A_74, %sign3A_83 : i32
    %sign3A_85 = arith.extui %sign3A_84 : i1 to i32
    %sign3A_86 = arith.constant 0 : i32
    %sign3A_87 = arith.cmpi slt, %jit3A_74, %sign3A_86 : i32
    %sign3A_88 = arith.extui %sign3A_87 : i1 to i32
    %sign3A_89 = arith.subi %sign3A_85, %sign3A_88 : i32
    %ne3A_90 = arith.cmpi ne, %sign3A_82, %sign3A_89 : i32
    %rem3A_91 = arith.remsi %mul3A_49, %jit3A_74 : i32
    %ne3A_92 = arith.constant 0 : i32
    %ne3A_93 = arith.cmpi ne, %rem3A_91, %ne3A_92 : i32
    %and3A_94 = arith.andi %ne3A_90, %ne3A_93 : i1
    %sub3A_95 = arith.constant 1 : i32
    %sub3A_96 = arith.subi %div3A_75, %sub3A_95 : i32
    %select_n3A_97 = arith.select %and3A_94, %sub3A_96, %div3A_75 : i32
    %while3A = arith.constant 0 : i32
    %while3A_98 = arith.subi %select_n3A_97, %select_n3A_73 : i32
    %while3A_99 = arith.addi %select_n3A_73, %while3A_98 : i32
    %while3A_100 = arith.constant 1 : i32
    %while3A_101 = arith.divsi %while3A_98, %while3A_100 : i32
    %while3A_102 = arith.muli %while3A_101, %while3A_100 : i32
    %while3A_103 = arith.addi %select_n3A_73, %while3A_102 : i32
    %while3A_104 = arith.constant 1 : i32
    %while3A_105 = scf.for %while3A_404 = %select_n3A_73 to %while3A_103 step %while3A_104 iter_args(%while3A_405 = %while3A) -> (i32)  : i32 {
      %mul3A_406 = arith.constant 16 : i32
      %mul3A_407 = arith.muli %while3A_404, %mul3A_406 : i32
      %get3A = arith.index_cast %mul3A_407 : i32 to index
      %get3A_408 = tpu.vector_load %arg8[%get3A] {strides = array<i32>} : memref<10192xi32, #tpu.memory_space<vmem>>, vector<16xi32>,
      %mul3A_409 = arith.constant 16 : i32
      %mul3A_410 = arith.muli %while3A_404, %mul3A_409 : i32
      %add3A_411 = vector.broadcast %mul3A_410 : i32 to vector<16xi32>
      %add3A_412 = arith.addi %iota3A, %add3A_411 : vector<16xi32>
      %ge3A = vector.broadcast %scan3A_26#0 : i32 to vector<16xi32>
      %ge3A_413 = arith.cmpi sge, %add3A_412, %ge3A : vector<16xi32>
      %jit3A_414 = arith.constant 83896080 : i32
      %broadcast_in_dim3A_415 = vector.broadcast %jit3A_414 : i32 to vector<16xi32>
      %select_n3A_416 = arith.select %ge3A_413, %broadcast_in_dim3A_415, %get3A_408 : vector<16xi1>, vector<16xi32>
      %swap3A_417 = arith.index_cast %mul3A_407 : i32 to index
      %swap3A_418 = tpu.vector_load %arg8[%swap3A_417] {strides = array<i32>} : memref<10192xi32, #tpu.memory_space<vmem>>, vector<16xi32>,
      tpu.vector_store %arg8[%swap3A_417], %select_n3A_416 {strides = array<i32>} : memref<10192xi32, #tpu.memory_space<vmem>>, vector<16xi32>,
      %while3A_419 = arith.constant 0 : i32
      scf.yield %while3A_419 : i32
    }
    %while3A_106 = arith.constant 1 : i32
    %while3A_107 = scf.for %while3A_404 = %while3A_103 to %while3A_99 step %while3A_106 iter_args(%while3A_405 = %while3A_105) -> (i32)  : i32 {
      %mul3A_406 = arith.constant 16 : i32
      %mul3A_407 = arith.muli %while3A_404, %mul3A_406 : i32
      %get3A = arith.index_cast %mul3A_407 : i32 to index
      %get3A_408 = tpu.vector_load %arg8[%get3A] {strides = array<i32>} : memref<10192xi32, #tpu.memory_space<vmem>>, vector<16xi32>,
      %mul3A_409 = arith.constant 16 : i32
      %mul3A_410 = arith.muli %while3A_404, %mul3A_409 : i32
      %add3A_411 = vector.broadcast %mul3A_410 : i32 to vector<16xi32>
      %add3A_412 = arith.addi %iota3A, %add3A_411 : vector<16xi32>
      %ge3A = vector.broadcast %scan3A_26#0 : i32 to vector<16xi32>
      %ge3A_413 = arith.cmpi sge, %add3A_412, %ge3A : vector<16xi32>
      %jit3A_414 = arith.constant 83896080 : i32
      %broadcast_in_dim3A_415 = vector.broadcast %jit3A_414 : i32 to vector<16xi32>
      %select_n3A_416 = arith.select %ge3A_413, %broadcast_in_dim3A_415, %get3A_408 : vector<16xi1>, vector<16xi32>
      %swap3A_417 = arith.index_cast %mul3A_407 : i32 to index
      %swap3A_418 = tpu.vector_load %arg8[%swap3A_417] {strides = array<i32>} : memref<10192xi32, #tpu.memory_space<vmem>>, vector<16xi32>,
      tpu.vector_store %arg8[%swap3A_417], %select_n3A_416 {strides = array<i32>} : memref<10192xi32, #tpu.memory_space<vmem>>, vector<16xi32>,
      %while3A_419 = arith.constant 0 : i32
      scf.yield %while3A_419 : i32
    }
    %add3A_108 = arith.constant 96 : i32
    %add3A_109 = arith.addi %scan3A_26#1, %add3A_108 : i32
    %sub3A_110 = arith.constant 1 : i32
    %sub3A_111 = arith.subi %add3A_109, %sub3A_110 : i32
    %jit3A_112 = arith.constant 96 : i32
    %div3A_113 = arith.divsi %sub3A_111, %jit3A_112 : i32
    %sign3A_114 = arith.constant 0 : i32
    %sign3A_115 = arith.cmpi sgt, %sub3A_111, %sign3A_114 : i32
    %sign3A_116 = arith.extui %sign3A_115 : i1 to i32
    %sign3A_117 = arith.constant 0 : i32
    %sign3A_118 = arith.cmpi slt, %sub3A_111, %sign3A_117 : i32
    %sign3A_119 = arith.extui %sign3A_118 : i1 to i32
    %sign3A_120 = arith.subi %sign3A_116, %sign3A_119 : i32
    %sign3A_121 = arith.constant 0 : i32
    %sign3A_122 = arith.cmpi sgt, %jit3A_112, %sign3A_121 : i32
    %sign3A_123 = arith.extui %sign3A_122 : i1 to i32
    %sign3A_124 = arith.constant 0 : i32
    %sign3A_125 = arith.cmpi slt, %jit3A_112, %sign3A_124 : i32
    %sign3A_126 = arith.extui %sign3A_125 : i1 to i32
    %sign3A_127 = arith.subi %sign3A_123, %sign3A_126 : i32
    %ne3A_128 = arith.cmpi ne, %sign3A_120, %sign3A_127 : i32
    %rem3A_129 = arith.remsi %sub3A_111, %jit3A_112 : i32
    %ne3A_130 = arith.constant 0 : i32
    %ne3A_131 = arith.cmpi ne, %rem3A_129, %ne3A_130 : i32
    %and3A_132 = arith.andi %ne3A_128, %ne3A_131 : i1
    %sub3A_133 = arith.constant 1 : i32
    %sub3A_134 = arith.subi %div3A_113, %sub3A_133 : i32
    %select_n3A_135 = arith.select %and3A_132, %sub3A_134, %div3A_113 : i32
    %mul3A_136 = arith.constant 96 : i32
    %mul3A_137 = arith.muli %select_n3A_135, %mul3A_136 : i32
    %sub3A_138 = arith.constant 10176 : i32
    %sub3A_139 = arith.subi %sub3A_138, %mul3A_137 : i32
    %jit3A_140 = arith.constant 16 : i32
    %div3A_141 = arith.divsi %sub3A_139, %jit3A_140 : i32
    %sign3A_142 = arith.constant 0 : i32
    %sign3A_143 = arith.cmpi sgt, %sub3A_139, %sign3A_142 : i32
    %sign3A_144 = arith.extui %sign3A_143 : i1 to i32
    %sign3A_145 = arith.constant 0 : i32
    %sign3A_146 = arith.cmpi slt, %sub3A_139, %sign3A_145 : i32
    %sign3A_147 = arith.extui %sign3A_146 : i1 to i32
    %sign3A_148 = arith.subi %sign3A_144, %sign3A_147 : i32
    %sign3A_149 = arith.constant 0 : i32
    %sign3A_150 = arith.cmpi sgt, %jit3A_140, %sign3A_149 : i32
    %sign3A_151 = arith.extui %sign3A_150 : i1 to i32
    %sign3A_152 = arith.constant 0 : i32
    %sign3A_153 = arith.cmpi slt, %jit3A_140, %sign3A_152 : i32
    %sign3A_154 = arith.extui %sign3A_153 : i1 to i32
    %sign3A_155 = arith.subi %sign3A_151, %sign3A_154 : i32
    %ne3A_156 = arith.cmpi ne, %sign3A_148, %sign3A_155 : i32
    %rem3A_157 = arith.remsi %sub3A_139, %jit3A_140 : i32
    %ne3A_158 = arith.constant 0 : i32
    %ne3A_159 = arith.cmpi ne, %rem3A_157, %ne3A_158 : i32
    %and3A_160 = arith.andi %ne3A_156, %ne3A_159 : i1
    %sub3A_161 = arith.constant 1 : i32
    %sub3A_162 = arith.subi %div3A_141, %sub3A_161 : i32
    %select_n3A_163 = arith.select %and3A_160, %sub3A_162, %div3A_141 : i32
    %sub3A_164 = arith.constant 10176 : i32
    %sub3A_165 = arith.subi %sub3A_164, %scan3A_26#1 : i32
    %add3A_166 = arith.constant 15 : i32
    %add3A_167 = arith.addi %sub3A_165, %add3A_166 : i32
    %jit3A_168 = arith.constant 16 : i32
    %div3A_169 = arith.divsi %add3A_167, %jit3A_168 : i32
    %sign3A_170 = arith.constant 0 : i32
    %sign3A_171 = arith.cmpi sgt, %add3A_167, %sign3A_170 : i32
    %sign3A_172 = arith.extui %sign3A_171 : i1 to i32
    %sign3A_173 = arith.constant 0 : i32
    %sign3A_174 = arith.cmpi slt, %add3A_167, %sign3A_173 : i32
    %sign3A_175 = arith.extui %sign3A_174 : i1 to i32
    %sign3A_176 = arith.subi %sign3A_172, %sign3A_175 : i32
    %sign3A_177 = arith.constant 0 : i32
    %sign3A_178 = arith.cmpi sgt, %jit3A_168, %sign3A_177 : i32
    %sign3A_179 = arith.extui %sign3A_178 : i1 to i32
    %sign3A_180 = arith.constant 0 : i32
    %sign3A_181 = arith.cmpi slt, %jit3A_168, %sign3A_180 : i32
    %sign3A_182 = arith.extui %sign3A_181 : i1 to i32
    %sign3A_183 = arith.subi %sign3A_179, %sign3A_182 : i32
    %ne3A_184 = arith.cmpi ne, %sign3A_176, %sign3A_183 : i32
    %rem3A_185 = arith.remsi %add3A_167, %jit3A_168 : i32
    %ne3A_186 = arith.constant 0 : i32
    %ne3A_187 = arith.cmpi ne, %rem3A_185, %ne3A_186 : i32
    %and3A_188 = arith.andi %ne3A_184, %ne3A_187 : i1
    %sub3A_189 = arith.constant 1 : i32
    %sub3A_190 = arith.subi %div3A_169, %sub3A_189 : i32
    %select_n3A_191 = arith.select %and3A_188, %sub3A_190, %div3A_169 : i32
    %while3A_192 = arith.constant 0 : i32
    %while3A_193 = arith.subi %select_n3A_191, %select_n3A_163 : i32
    %while3A_194 = arith.addi %select_n3A_163, %while3A_193 : i32
    %while3A_195 = arith.constant 1 : i32
    %while3A_196 = arith.divsi %while3A_193, %while3A_195 : i32
    %while3A_197 = arith.muli %while3A_196, %while3A_195 : i32
    %while3A_198 = arith.addi %select_n3A_163, %while3A_197 : i32
    %while3A_199 = arith.constant 1 : i32
    %while3A_200 = scf.for %while3A_404 = %select_n3A_163 to %while3A_198 step %while3A_199 iter_args(%while3A_405 = %while3A_192) -> (i32)  : i32 {
      %mul3A_406 = arith.constant 16 : i32
      %mul3A_407 = arith.muli %while3A_404, %mul3A_406 : i32
      %get3A = arith.index_cast %mul3A_407 : i32 to index
      %get3A_408 = tpu.vector_load %arg8[%get3A] {strides = array<i32>} : memref<10192xi32, #tpu.memory_space<vmem>>, vector<16xi32>,
      %mul3A_409 = arith.constant 16 : i32
      %mul3A_410 = arith.muli %while3A_404, %mul3A_409 : i32
      %add3A_411 = vector.broadcast %mul3A_410 : i32 to vector<16xi32>
      %add3A_412 = arith.addi %iota3A, %add3A_411 : vector<16xi32>
      %sub3A_413 = arith.constant 10176 : i32
      %sub3A_414 = arith.subi %sub3A_413, %scan3A_26#1 : i32
      %lt3A = vector.broadcast %sub3A_414 : i32 to vector<16xi32>
      %lt3A_415 = arith.cmpi slt, %add3A_412, %lt3A : vector<16xi32>
      %jit3A_416 = arith.constant 83896080 : i32
      %broadcast_in_dim3A_417 = vector.broadcast %jit3A_416 : i32 to vector<16xi32>
      %select_n3A_418 = arith.select %lt3A_415, %broadcast_in_dim3A_417, %get3A_408 : vector<16xi1>, vector<16xi32>
      %swap3A_419 = arith.index_cast %mul3A_407 : i32 to index
      %swap3A_420 = tpu.vector_load %arg8[%swap3A_419] {strides = array<i32>} : memref<10192xi32, #tpu.memory_space<vmem>>, vector<16xi32>,
      tpu.vector_store %arg8[%swap3A_419], %select_n3A_418 {strides = array<i32>} : memref<10192xi32, #tpu.memory_space<vmem>>, vector<16xi32>,
      %while3A_421 = arith.constant 0 : i32
      scf.yield %while3A_421 : i32
    }
    %while3A_201 = arith.constant 1 : i32
    %while3A_202 = scf.for %while3A_404 = %while3A_198 to %while3A_194 step %while3A_201 iter_args(%while3A_405 = %while3A_200) -> (i32)  : i32 {
      %mul3A_406 = arith.constant 16 : i32
      %mul3A_407 = arith.muli %while3A_404, %mul3A_406 : i32
      %get3A = arith.index_cast %mul3A_407 : i32 to index
      %get3A_408 = tpu.vector_load %arg8[%get3A] {strides = array<i32>} : memref<10192xi32, #tpu.memory_space<vmem>>, vector<16xi32>,
      %mul3A_409 = arith.constant 16 : i32
      %mul3A_410 = arith.muli %while3A_404, %mul3A_409 : i32
      %add3A_411 = vector.broadcast %mul3A_410 : i32 to vector<16xi32>
      %add3A_412 = arith.addi %iota3A, %add3A_411 : vector<16xi32>
      %sub3A_413 = arith.constant 10176 : i32
      %sub3A_414 = arith.subi %sub3A_413, %scan3A_26#1 : i32
      %lt3A = vector.broadcast %sub3A_414 : i32 to vector<16xi32>
      %lt3A_415 = arith.cmpi slt, %add3A_412, %lt3A : vector<16xi32>
      %jit3A_416 = arith.constant 83896080 : i32
      %broadcast_in_dim3A_417 = vector.broadcast %jit3A_416 : i32 to vector<16xi32>
      %select_n3A_418 = arith.select %lt3A_415, %broadcast_in_dim3A_417, %get3A_408 : vector<16xi1>, vector<16xi32>
      %swap3A_419 = arith.index_cast %mul3A_407 : i32 to index
      %swap3A_420 = tpu.vector_load %arg8[%swap3A_419] {strides = array<i32>} : memref<10192xi32, #tpu.memory_space<vmem>>, vector<16xi32>,
      tpu.vector_store %arg8[%swap3A_419], %select_n3A_418 {strides = array<i32>} : memref<10192xi32, #tpu.memory_space<vmem>>, vector<16xi32>,
      %while3A_421 = arith.constant 0 : i32
      scf.yield %while3A_421 : i32
    }
    %jit3A_203 = arith.constant 48 : i32
    %div3A_204 = arith.divsi %mul3A_49, %jit3A_203 : i32
    %sign3A_205 = arith.constant 0 : i32
    %sign3A_206 = arith.cmpi sgt, %mul3A_49, %sign3A_205 : i32
    %sign3A_207 = arith.extui %sign3A_206 : i1 to i32
    %sign3A_208 = arith.constant 0 : i32
    %sign3A_209 = arith.cmpi slt, %mul3A_49, %sign3A_208 : i32
    %sign3A_210 = arith.extui %sign3A_209 : i1 to i32
    %sign3A_211 = arith.subi %sign3A_207, %sign3A_210 : i32
    %sign3A_212 = arith.constant 0 : i32
    %sign3A_213 = arith.cmpi sgt, %jit3A_203, %sign3A_212 : i32
    %sign3A_214 = arith.extui %sign3A_213 : i1 to i32
    %sign3A_215 = arith.constant 0 : i32
    %sign3A_216 = arith.cmpi slt, %jit3A_203, %sign3A_215 : i32
    %sign3A_217 = arith.extui %sign3A_216 : i1 to i32
    %sign3A_218 = arith.subi %sign3A_214, %sign3A_217 : i32
    %ne3A_219 = arith.cmpi ne, %sign3A_211, %sign3A_218 : i32
    %rem3A_220 = arith.remsi %mul3A_49, %jit3A_203 : i32
    %ne3A_221 = arith.constant 0 : i32
    %ne3A_222 = arith.cmpi ne, %rem3A_220, %ne3A_221 : i32
    %and3A_223 = arith.andi %ne3A_219, %ne3A_222 : i1
    %sub3A_224 = arith.constant 1 : i32
    %sub3A_225 = arith.subi %div3A_204, %sub3A_224 : i32
    %select_n3A_226 = arith.select %and3A_223, %sub3A_225, %div3A_204 : i32
    %jit3A_227 = arith.constant 48 : i32
    %div3A_228 = arith.divsi %mul3A_137, %jit3A_227 : i32
    %sign3A_229 = arith.constant 0 : i32
    %sign3A_230 = arith.cmpi sgt, %mul3A_137, %sign3A_229 : i32
    %sign3A_231 = arith.extui %sign3A_230 : i1 to i32
    %sign3A_232 = arith.constant 0 : i32
    %sign3A_233 = arith.cmpi slt, %mul3A_137, %sign3A_232 : i32
    %sign3A_234 = arith.extui %sign3A_233 : i1 to i32
    %sign3A_235 = arith.subi %sign3A_231, %sign3A_234 : i32
    %sign3A_236 = arith.constant 0 : i32
    %sign3A_237 = arith.cmpi sgt, %jit3A_227, %sign3A_236 : i32
    %sign3A_238 = arith.extui %sign3A_237 : i1 to i32
    %sign3A_239 = arith.constant 0 : i32
    %sign3A_240 = arith.cmpi slt, %jit3A_227, %sign3A_239 : i32
    %sign3A_241 = arith.extui %sign3A_240 : i1 to i32
    %sign3A_242 = arith.subi %sign3A_238, %sign3A_241 : i32
    %ne3A_243 = arith.cmpi ne, %sign3A_235, %sign3A_242 : i32
    %rem3A_244 = arith.remsi %mul3A_137, %jit3A_227 : i32
    %ne3A_245 = arith.constant 0 : i32
    %ne3A_246 = arith.cmpi ne, %rem3A_244, %ne3A_245 : i32
    %and3A_247 = arith.andi %ne3A_243, %ne3A_246 : i1
    %sub3A_248 = arith.constant 1 : i32
    %sub3A_249 = arith.subi %div3A_228, %sub3A_248 : i32
    %select_n3A_250 = arith.select %and3A_247, %sub3A_249, %div3A_228 : i32
    %scan3A_251 = arith.constant 0 : i32
    %scan3A_252 = arith.constant 0 : i32
    %scan3A_253 = arith.constant 32 : i32
    %scan3A_254 = arith.addi %scan3A_252, %scan3A_253 : i32
    %scan3A_255 = arith.constant 1 : i32
    %scan3A_256 = scf.for %scan3A_404 = %scan3A_252 to %scan3A_254 step %scan3A_255 iter_args(%scan3A_405 = %scan3A_251) -> (i32)  : i32 {
      %broadcast_in_dim3A_406 = arith.constant 0.000000e+00 : f32
      %broadcast_in_dim3A_407 = vector.broadcast %broadcast_in_dim3A_406 : f32 to vector<16xf32>
      %swap3A_408 = arith.index_cast %scan3A_404 : i32 to index
      %swap3A_409 = arith.constant 0 : index
      %swap3A_410 = tpu.vector_load %arg9[%swap3A_408, %swap3A_409] {strides = array<i32>} : memref<48x128xf32, #tpu.memory_space<vmem>>, vector<16xf32>,
      tpu.vector_store %arg9[%swap3A_408, %swap3A_409], %broadcast_in_dim3A_407 {strides = array<i32>} : memref<48x128xf32, #tpu.memory_space<vmem>>, vector<16xf32>,
      %broadcast_in_dim3A_411 = arith.constant 0.000000e+00 : f32
      %broadcast_in_dim3A_412 = vector.broadcast %broadcast_in_dim3A_411 : f32 to vector<16xf32>
      %swap3A_413 = arith.index_cast %scan3A_404 : i32 to index
      %swap3A_414 = arith.constant 16 : index
      %swap3A_415 = tpu.vector_load %arg9[%swap3A_413, %swap3A_414] {strides = array<i32>} : memref<48x128xf32, #tpu.memory_space<vmem>>, vector<16xf32>,
      tpu.vector_store %arg9[%swap3A_413, %swap3A_414], %broadcast_in_dim3A_412 {strides = array<i32>} : memref<48x128xf32, #tpu.memory_space<vmem>>, vector<16xf32>,
      %broadcast_in_dim3A_416 = arith.constant 0.000000e+00 : f32
      %broadcast_in_dim3A_417 = vector.broadcast %broadcast_in_dim3A_416 : f32 to vector<16xf32>
      %swap3A_418 = arith.index_cast %scan3A_404 : i32 to index
      %swap3A_419 = arith.constant 32 : index
      %swap3A_420 = tpu.vector_load %arg9[%swap3A_418, %swap3A_419] {strides = array<i32>} : memref<48x128xf32, #tpu.memory_space<vmem>>, vector<16xf32>,
      tpu.vector_store %arg9[%swap3A_418, %swap3A_419], %broadcast_in_dim3A_417 {strides = array<i32>} : memref<48x128xf32, #tpu.memory_space<vmem>>, vector<16xf32>,
      %broadcast_in_dim3A_421 = arith.constant 0.000000e+00 : f32
      %broadcast_in_dim3A_422 = vector.broadcast %broadcast_in_dim3A_421 : f32 to vector<16xf32>
      %swap3A_423 = arith.index_cast %scan3A_404 : i32 to index
      %swap3A_424 = arith.constant 48 : index
      %swap3A_425 = tpu.vector_load %arg9[%swap3A_423, %swap3A_424] {strides = array<i32>} : memref<48x128xf32, #tpu.memory_space<vmem>>, vector<16xf32>,
      tpu.vector_store %arg9[%swap3A_423, %swap3A_424], %broadcast_in_dim3A_422 {strides = array<i32>} : memref<48x128xf32, #tpu.memory_space<vmem>>, vector<16xf32>,
      %broadcast_in_dim3A_426 = arith.constant 0.000000e+00 : f32
      %broadcast_in_dim3A_427 = vector.broadcast %broadcast_in_dim3A_426 : f32 to vector<16xf32>
      %swap3A_428 = arith.index_cast %scan3A_404 : i32 to index
      %swap3A_429 = arith.constant 64 : index
      %swap3A_430 = tpu.vector_load %arg9[%swap3A_428, %swap3A_429] {strides = array<i32>} : memref<48x128xf32, #tpu.memory_space<vmem>>, vector<16xf32>,
      tpu.vector_store %arg9[%swap3A_428, %swap3A_429], %broadcast_in_dim3A_427 {strides = array<i32>} : memref<48x128xf32, #tpu.memory_space<vmem>>, vector<16xf32>,
      %broadcast_in_dim3A_431 = arith.constant 0.000000e+00 : f32
      %broadcast_in_dim3A_432 = vector.broadcast %broadcast_in_dim3A_431 : f32 to vector<16xf32>
      %swap3A_433 = arith.index_cast %scan3A_404 : i32 to index
      %swap3A_434 = arith.constant 80 : index
      %swap3A_435 = tpu.vector_load %arg9[%swap3A_433, %swap3A_434] {strides = array<i32>} : memref<48x128xf32, #tpu.memory_space<vmem>>, vector<16xf32>,
      tpu.vector_store %arg9[%swap3A_433, %swap3A_434], %broadcast_in_dim3A_432 {strides = array<i32>} : memref<48x128xf32, #tpu.memory_space<vmem>>, vector<16xf32>,
      %broadcast_in_dim3A_436 = arith.constant 0.000000e+00 : f32
      %broadcast_in_dim3A_437 = vector.broadcast %broadcast_in_dim3A_436 : f32 to vector<16xf32>
      %swap3A_438 = arith.index_cast %scan3A_404 : i32 to index
      %swap3A_439 = arith.constant 96 : index
      %swap3A_440 = tpu.vector_load %arg9[%swap3A_438, %swap3A_439] {strides = array<i32>} : memref<48x128xf32, #tpu.memory_space<vmem>>, vector<16xf32>,
      tpu.vector_store %arg9[%swap3A_438, %swap3A_439], %broadcast_in_dim3A_437 {strides = array<i32>} : memref<48x128xf32, #tpu.memory_space<vmem>>, vector<16xf32>,
      %broadcast_in_dim3A_441 = arith.constant 0.000000e+00 : f32
      %broadcast_in_dim3A_442 = vector.broadcast %broadcast_in_dim3A_441 : f32 to vector<16xf32>
      %swap3A_443 = arith.index_cast %scan3A_404 : i32 to index
      %swap3A_444 = arith.constant 112 : index
      %swap3A_445 = tpu.vector_load %arg9[%swap3A_443, %swap3A_444] {strides = array<i32>} : memref<48x128xf32, #tpu.memory_space<vmem>>, vector<16xf32>,
      tpu.vector_store %arg9[%swap3A_443, %swap3A_444], %broadcast_in_dim3A_442 {strides = array<i32>} : memref<48x128xf32, #tpu.memory_space<vmem>>, vector<16xf32>,
      %scan3A_446 = arith.constant 0 : i32
      scf.yield %scan3A_446 : i32
    }
    %scan3A_257 = arith.constant 32 : i32
    %scan3A_258 = arith.constant 0 : i32
    %scan3A_259 = arith.constant 0 : i32
    %scan3A_260 = arith.constant 10 : i32
    %scan3A_261 = arith.addi %scan3A_259, %scan3A_260 : i32
    %scan3A_262 = arith.constant 1 : i32
    %scan3A_263 = scf.for %scan3A_404 = %scan3A_259 to %scan3A_261 step %scan3A_262 iter_args(%scan3A_405 = %scan3A_258) -> (i32)  : i32 {
      %mul3A_406 = arith.constant 320 : i32
      %mul3A_407 = arith.muli %arg1, %mul3A_406 : i32
      %mul3A_408 = arith.constant 32 : i32
      %mul3A_409 = arith.muli %scan3A_404, %mul3A_408 : i32
      %add3A_410 = arith.addi %mul3A_407, %mul3A_409 : i32
      "tpu.region"() ({
        %run_scoped3A = tpu.sem_alloc : memref<!tpu.dma_semaphore, #tpu.memory_space<semaphore_mem>>
        %dma_start3A_412 = arith.constant 0 : i32
        %dma_start3A_413 = arith.constant 0 : i32
        %dma_start3A_414 = tpu.memref_slice %arg9[%dma_start3A_412, %dma_start3A_413] : memref<48x128xf32, #tpu.memory_space<vmem>> -> memref<32x128xf32, #tpu.memory_space<vmem>>
        %dma_start3A_415 = arith.constant 0 : i32
        %dma_start3A_416 = tpu.memref_slice %arg18[%add3A_410, %dma_start3A_415] : memref<5128x128xf32, #tpu.memory_space<vmem_shared>> -> memref<32x128xf32, #tpu.memory_space<vmem_shared>>
        %dma_start3A_417 = arith.constant 0 : i32
        %dma_start3A_418 = tpu.memref_slice %arg18[%add3A_410, %dma_start3A_417] : memref<5128x128xf32, #tpu.memory_space<vmem_shared>> -> memref<32x128xf32, #tpu.memory_space<vmem_shared>>
        %dma_start3A_419 = arith.constant 0 : i32
        %dma_start3A_420 = arith.constant 0 : i32
        %dma_start3A_421 = tpu.memref_slice %arg9[%dma_start3A_419, %dma_start3A_420] : memref<48x128xf32, #tpu.memory_space<vmem>> -> memref<32x128xf32, #tpu.memory_space<vmem>>
        tpu.enqueue_dma source(%dma_start3A_421 : memref<32x128xf32, #tpu.memory_space<vmem>>) target(%dma_start3A_418 : memref<32x128xf32, #tpu.memory_space<vmem_shared>>) target_semaphore(%run_scoped3A : memref<!tpu.dma_semaphore, #tpu.memory_space<semaphore_mem>>)
        %dma_wait3A_422 = arith.constant 0 : i32
        %dma_wait3A_423 = arith.constant 0 : i32
        %dma_wait3A_424 = tpu.memref_slice %arg9[%dma_wait3A_422, %dma_wait3A_423] : memref<48x128xf32, #tpu.memory_space<vmem>> -> memref<32x128xf32, #tpu.memory_space<vmem>>
        %dma_wait3A_425 = arith.constant 0 : i32
        %dma_wait3A_426 = tpu.memref_slice %arg18[%add3A_410, %dma_wait3A_425] : memref<5128x128xf32, #tpu.memory_space<vmem_shared>> -> memref<32x128xf32, #tpu.memory_space<vmem_shared>>
        %dma_wait3A_427 = arith.constant 0 : i32
        %dma_wait3A_428 = tpu.memref_slice %arg18[%add3A_410, %dma_wait3A_427] : memref<5128x128xf32, #tpu.memory_space<vmem_shared>> -> memref<32x128xf32, #tpu.memory_space<vmem_shared>>
        %dma_wait3A_429 = arith.constant 0 : i32
        %dma_wait3A_430 = arith.constant 0 : i32
        %dma_wait3A_431 = tpu.memref_slice %arg9[%dma_wait3A_429, %dma_wait3A_430] : memref<48x128xf32, #tpu.memory_space<vmem>> -> memref<32x128xf32, #tpu.memory_space<vmem>>
        tpu.wait_dma2 semaphore(%run_scoped3A : memref<!tpu.dma_semaphore, #tpu.memory_space<semaphore_mem>>) src(%dma_wait3A_431 : memref<32x128xf32, #tpu.memory_space<vmem>>) dst(%dma_wait3A_428 : memref<32x128xf32, #tpu.memory_space<vmem_shared>>)
        tpu.yield
      }) : () -> ()
      %scan3A_411 = arith.constant 0 : i32
      scf.yield %scan3A_411 : i32
    }
    %scan3A_264 = arith.constant 10 : i32
    %barrier3A = arith.constant 0 : index
    tpu.barrier barrier_id(%barrier3A)
    %scan3A_265 = arith.constant 0 : i32
    %scan3A_266 = arith.constant 0 : i32
    %scan3A_267 = arith.constant 3 : i32
    %scan3A_268 = arith.addi %scan3A_266, %scan3A_267 : i32
    %scan3A_269 = arith.constant 1 : i32
    %scan3A_270 = scf.for %scan3A_404 = %scan3A_266 to %scan3A_268 step %scan3A_269 iter_args(%scan3A_405 = %scan3A_265) -> (i32)  : i32 {
      %mul3A_406 = arith.constant 16 : i32
      %mul3A_407 = arith.muli %scan3A_404, %mul3A_406 : i32
      %mul3A_408 = arith.constant 16 : i32
      %mul3A_409 = arith.muli %scan3A_404, %mul3A_408 : i32
      %add3A_410 = arith.constant 0 : i32
      %add3A_411 = arith.addi %add3A_410, %mul3A_409 : i32
      %get3A = arith.index_cast %add3A_411 : i32 to index
      %get3A_412 = tpu.vector_load %arg8[%get3A] {strides = array<i32>} : memref<10192xi32, #tpu.memory_space<vmem>>, vector<16xi32>,
      %and3A_413 = arith.constant 16383 : i32
      %and3A_414 = vector.broadcast %and3A_413 : i32 to vector<16xi32>
      %and3A_415 = arith.andi %get3A_412, %and3A_414 : vector<16xi32>
      %min3A = arith.constant 10000 : i32
      %min3A_416 = vector.broadcast %min3A : i32 to vector<16xi32>
      %min3A_417 = arith.minsi %and3A_415, %min3A_416 : vector<16xi32>
      %gather3A = tpu.vector_load_idx %arg7[%min3A_417] : memref<10016xi32, #tpu.memory_space<vmem>>[vector<16xi32>], vector<16xi32>,
      %swap3A_418 = arith.index_cast %mul3A_407 : i32 to index
      %swap3A_419 = tpu.vector_load %arg13[%swap3A_418] {strides = array<i32>} : memref<48xi32, #tpu.memory_space<vmem>>, vector<16xi32>,
      tpu.vector_store %arg13[%swap3A_418], %gather3A {strides = array<i32>} : memref<48xi32, #tpu.memory_space<vmem>>, vector<16xi32>,
      %mul3A_420 = arith.constant 160000 : i32
      %mul3A_421 = arith.muli %arg0, %mul3A_420 : i32
      %add3A_422 = arith.addi %mul3A_421, %mul3A_0 : i32
      %min3A_423 = arith.constant 9999 : i32
      %min3A_424 = vector.broadcast %min3A_423 : i32 to vector<16xi32>
      %min3A_425 = arith.minsi %min3A_417, %min3A_424 : vector<16xi32>
      %add3A_426 = vector.broadcast %add3A_422 : i32 to vector<16xi32>
      %add3A_427 = arith.addi %add3A_426, %min3A_425 : vector<16xi32>
      %swap3A_428 = arith.index_cast %mul3A_407 : i32 to index
      %swap3A_429 = tpu.vector_load %arg14[%swap3A_428] {strides = array<i32>} : memref<48xi32, #tpu.memory_space<vmem>>, vector<16xi32>,
      tpu.vector_store %arg14[%swap3A_428], %add3A_427 {strides = array<i32>} : memref<48xi32, #tpu.memory_space<vmem>>, vector<16xi32>,
      %scan3A_430 = arith.constant 0 : i32
      scf.yield %scan3A_430 : i32
    }
    %scan3A_271 = arith.constant 3 : i32
    %dma_start3A_272 = arith.constant 0 : i32
    %dma_start3A_273 = arith.constant 0 : i32
    %dma_start3A_274 = tpu.memref_slice %arg2[%dma_start3A_272, %dma_start3A_273] : memref<20000x128xf32, #tpu.memory_space<hbm>> -> memref<20000x128xf32, #tpu.memory_space<hbm>>
    tpu.enqueue_indirect_dma source(%dma_start3A_274 : memref<20000x128xf32, #tpu.memory_space<hbm>>) target(%arg9 : memref<48x128xf32, #tpu.memory_space<vmem>>) offsets(%arg13 : memref<48xi32, #tpu.memory_space<vmem>>) semaphore(%arg19 : memref<!tpu.dma_semaphore, #tpu.memory_space<semaphore_mem>>)
    %dma_start3A_275 = arith.constant 0 : i32
    %dma_start3A_276 = arith.constant 0 : i32
    %dma_start3A_277 = tpu.memref_slice %arg3[%dma_start3A_275, %dma_start3A_276] : memref<320000x128xf32, #tpu.memory_space<hbm>> -> memref<320000x128xf32, #tpu.memory_space<hbm>>
    tpu.enqueue_indirect_dma source(%dma_start3A_277 : memref<320000x128xf32, #tpu.memory_space<hbm>>) target(%arg11 : memref<48x128xf32, #tpu.memory_space<vmem>>) offsets(%arg14 : memref<48xi32, #tpu.memory_space<vmem>>) semaphore(%arg21 : memref<!tpu.dma_semaphore, #tpu.memory_space<semaphore_mem>>)
    %jit3A_278 = arith.constant 2 : i32
    %div3A_279 = arith.divsi %select_n3A_226, %jit3A_278 : i32
    %sign3A_280 = arith.constant 0 : i32
    %sign3A_281 = arith.cmpi sgt, %select_n3A_226, %sign3A_280 : i32
    %sign3A_282 = arith.extui %sign3A_281 : i1 to i32
    %sign3A_283 = arith.constant 0 : i32
    %sign3A_284 = arith.cmpi slt, %select_n3A_226, %sign3A_283 : i32
    %sign3A_285 = arith.extui %sign3A_284 : i1 to i32
    %sign3A_286 = arith.subi %sign3A_282, %sign3A_285 : i32
    %sign3A_287 = arith.constant 0 : i32
    %sign3A_288 = arith.cmpi sgt, %jit3A_278, %sign3A_287 : i32
    %sign3A_289 = arith.extui %sign3A_288 : i1 to i32
    %sign3A_290 = arith.constant 0 : i32
    %sign3A_291 = arith.cmpi slt, %jit3A_278, %sign3A_290 : i32
    %sign3A_292 = arith.extui %sign3A_291 : i1 to i32
    %sign3A_293 = arith.subi %sign3A_289, %sign3A_292 : i32
    %ne3A_294 = arith.cmpi ne, %sign3A_286, %sign3A_293 : i32
    %rem3A_295 = arith.remsi %select_n3A_226, %jit3A_278 : i32
    %ne3A_296 = arith.constant 0 : i32
    %ne3A_297 = arith.cmpi ne, %rem3A_295, %ne3A_296 : i32
    %and3A_298 = arith.andi %ne3A_294, %ne3A_297 : i1
    %sub3A_299 = arith.constant 1 : i32
    %sub3A_300 = arith.subi %div3A_279, %sub3A_299 : i32
    %select_n3A_301 = arith.select %and3A_298, %sub3A_300, %div3A_279 : i32
    %while3A_302 = arith.constant 0 : i32
    %while3A_303 = arith.constant 0 : i32
    %while3A_304 = arith.subi %select_n3A_301, %while3A_302 : i32
    %while3A_305 = arith.addi %while3A_302, %while3A_304 : i32
    %while3A_306 = arith.constant 1 : i32
    %while3A_307 = arith.divsi %while3A_304, %while3A_306 : i32
    %while3A_308 = arith.muli %while3A_307, %while3A_306 : i32
    %while3A_309 = arith.addi %while3A_302, %while3A_308 : i32
    %while3A_310 = arith.constant 1 : i32
    %while3A_311 = scf.for %while3A_404 = %while3A_302 to %while3A_309 step %while3A_310 iter_args(%while3A_405 = %while3A_303) -> (i32)  : i32 {
      %mul3A_406 = arith.constant 2 : i32
      %mul3A_407 = arith.muli %mul3A_406, %while3A_404 : i32
      %dma_wait3A_408 = arith.constant 0 : i32
      %dma_wait3A_409 = arith.constant 0 : i32
      %dma_wait3A_410 = tpu.memref_slice %arg2[%dma_wait3A_408, %dma_wait3A_409] : memref<20000x128xf32, #tpu.memory_space<hbm>> -> memref<20000x128xf32, #tpu.memory_space<hbm>>
      tpu.wait_indirect_dma semaphore(%arg19 : memref<!tpu.dma_semaphore, #tpu.memory_space<semaphore_mem>>) src(%dma_wait3A_410 : memref<20000x128xf32, #tpu.memory_space<hbm>>) dst(%arg9 : memref<48x128xf32, #tpu.memory_space<vmem>>)
      %dma_wait3A_411 = arith.constant 0 : i32
      %dma_wait3A_412 = arith.constant 0 : i32
      %dma_wait3A_413 = tpu.memref_slice %arg3[%dma_wait3A_411, %dma_wait3A_412] : memref<320000x128xf32, #tpu.memory_space<hbm>> -> memref<320000x128xf32, #tpu.memory_space<hbm>>
      tpu.wait_indirect_dma semaphore(%arg21 : memref<!tpu.dma_semaphore, #tpu.memory_space<semaphore_mem>>) src(%dma_wait3A_413 : memref<320000x128xf32, #tpu.memory_space<hbm>>) dst(%arg11 : memref<48x128xf32, #tpu.memory_space<vmem>>)
      %add3A_414 = arith.constant 1 : i32
      %add3A_415 = arith.addi %mul3A_407, %add3A_414 : i32
      %mul3A_416 = arith.constant 48 : i32
      %mul3A_417 = arith.muli %add3A_415, %mul3A_416 : i32
      %scan3A_418 = arith.constant 0 : i32
      %scan3A_419 = arith.constant 0 : i32
      %scan3A_420 = arith.constant 3 : i32
      %scan3A_421 = arith.addi %scan3A_419, %scan3A_420 : i32
      %scan3A_422 = arith.constant 1 : i32
      %scan3A_423 = scf.for %scan3A_491 = %scan3A_419 to %scan3A_421 step %scan3A_422 iter_args(%scan3A_492 = %scan3A_418) -> (i32)  : i32 {
        %mul3A_493 = arith.constant 16 : i32
        %mul3A_494 = arith.muli %scan3A_491, %mul3A_493 : i32
        %mul3A_495 = arith.constant 16 : i32
        %mul3A_496 = arith.muli %scan3A_491, %mul3A_495 : i32
        %add3A_497 = arith.addi %mul3A_417, %mul3A_496 : i32
        %get3A = arith.index_cast %add3A_497 : i32 to index
        %get3A_498 = tpu.vector_load %arg8[%get3A] {strides = array<i32>} : memref<10192xi32, #tpu.memory_space<vmem>>, vector<16xi32>,
        %and3A_499 = arith.constant 16383 : i32
        %and3A_500 = vector.broadcast %and3A_499 : i32 to vector<16xi32>
        %and3A_501 = arith.andi %get3A_498, %and3A_500 : vector<16xi32>
        %min3A = arith.constant 10000 : i32
        %min3A_502 = vector.broadcast %min3A : i32 to vector<16xi32>
        %min3A_503 = arith.minsi %and3A_501, %min3A_502 : vector<16xi32>
        %gather3A = tpu.vector_load_idx %arg7[%min3A_503] : memref<10016xi32, #tpu.memory_space<vmem>>[vector<16xi32>], vector<16xi32>,
        %swap3A_504 = arith.index_cast %mul3A_494 : i32 to index
        %swap3A_505 = tpu.vector_load %arg13[%swap3A_504] {strides = array<i32>} : memref<48xi32, #tpu.memory_space<vmem>>, vector<16xi32>,
        tpu.vector_store %arg13[%swap3A_504], %gather3A {strides = array<i32>} : memref<48xi32, #tpu.memory_space<vmem>>, vector<16xi32>,
        %mul3A_506 = arith.constant 160000 : i32
        %mul3A_507 = arith.muli %arg0, %mul3A_506 : i32
        %add3A_508 = arith.addi %mul3A_507, %mul3A_0 : i32
        %min3A_509 = arith.constant 9999 : i32
        %min3A_510 = vector.broadcast %min3A_509 : i32 to vector<16xi32>
        %min3A_511 = arith.minsi %min3A_503, %min3A_510 : vector<16xi32>
        %add3A_512 = vector.broadcast %add3A_508 : i32 to vector<16xi32>
        %add3A_513 = arith.addi %add3A_512, %min3A_511 : vector<16xi32>
        %swap3A_514 = arith.index_cast %mul3A_494 : i32 to index
        %swap3A_515 = tpu.vector_load %arg14[%swap3A_514] {strides = array<i32>} : memref<48xi32, #tpu.memory_space<vmem>>, vector<16xi32>,
        tpu.vector_store %arg14[%swap3A_514], %add3A_513 {strides = array<i32>} : memref<48xi32, #tpu.memory_space<vmem>>, vector<16xi32>,
        %scan3A_516 = arith.constant 0 : i32
        scf.yield %scan3A_516 : i32
      }
      %scan3A_424 = arith.constant 3 : i32
      %dma_start3A_425 = arith.constant 0 : i32
      %dma_start3A_426 = arith.constant 0 : i32
      %dma_start3A_427 = tpu.memref_slice %arg2[%dma_start3A_425, %dma_start3A_426] : memref<20000x128xf32, #tpu.memory_space<hbm>> -> memref<20000x128xf32, #tpu.memory_space<hbm>>
      tpu.enqueue_indirect_dma source(%dma_start3A_427 : memref<20000x128xf32, #tpu.memory_space<hbm>>) target(%arg10 : memref<48x128xf32, #tpu.memory_space<vmem>>) offsets(%arg13 : memref<48xi32, #tpu.memory_space<vmem>>) semaphore(%arg20 : memref<!tpu.dma_semaphore, #tpu.memory_space<semaphore_mem>>)
      %dma_start3A_428 = arith.constant 0 : i32
      %dma_start3A_429 = arith.constant 0 : i32
      %dma_start3A_430 = tpu.memref_slice %arg3[%dma_start3A_428, %dma_start3A_429] : memref<320000x128xf32, #tpu.memory_space<hbm>> -> memref<320000x128xf32, #tpu.memory_space<hbm>>
      tpu.enqueue_indirect_dma source(%dma_start3A_430 : memref<320000x128xf32, #tpu.memory_space<hbm>>) target(%arg12 : memref<48x128xf32, #tpu.memory_space<vmem>>) offsets(%arg14 : memref<48xi32, #tpu.memory_space<vmem>>) semaphore(%arg22 : memref<!tpu.dma_semaphore, #tpu.memory_space<semaphore_mem>>)
      %scan3A_431 = arith.constant 0 : i32
      %scan3A_432 = arith.constant 0 : i32
      %scan3A_433 = arith.constant 48 : i32
      %scan3A_434 = arith.addi %scan3A_432, %scan3A_433 : i32
      %scan3A_435 = arith.constant 1 : i32
      %scan3A_436 = scf.for %scan3A_491 = %scan3A_432 to %scan3A_434 step %scan3A_435 iter_args(%scan3A_492 = %scan3A_431) -> (i32)  : i32 {
        %get3A = arith.index_cast %scan3A_491 : i32 to index
        %get3A_493 = arith.constant 0 : index
        %get3A_494 = tpu.vector_load %arg9[%get3A, %get3A_493] {strides = array<i32>} : memref<48x128xf32, #tpu.memory_space<vmem>>, vector<16xf32>,
        %get3A_495 = arith.index_cast %scan3A_491 : i32 to index
        %get3A_496 = arith.constant 0 : index
        %get3A_497 = tpu.vector_load %arg11[%get3A_495, %get3A_496] {strides = array<i32>} : memref<48x128xf32, #tpu.memory_space<vmem>>, vector<16xf32>,
        %add3A_498 = arith.addf %get3A_494, %get3A_497 : vector<16xf32>
        %max3A = arith.constant 0.000000e+00 : f32
        %max3A_499 = vector.broadcast %max3A : f32 to vector<16xf32>
        %max3A_500 = arith.maximumf %add3A_498, %max3A_499 : vector<16xf32>
        %swap3A_501 = arith.index_cast %scan3A_491 : i32 to index
        %swap3A_502 = arith.constant 0 : index
        %swap3A_503 = tpu.vector_load %arg9[%swap3A_501, %swap3A_502] {strides = array<i32>} : memref<48x128xf32, #tpu.memory_space<vmem>>, vector<16xf32>,
        tpu.vector_store %arg9[%swap3A_501, %swap3A_502], %max3A_500 {strides = array<i32>} : memref<48x128xf32, #tpu.memory_space<vmem>>, vector<16xf32>,
        %get3A_504 = arith.index_cast %scan3A_491 : i32 to index
        %get3A_505 = arith.constant 16 : index
        %get3A_506 = tpu.vector_load %arg9[%get3A_504, %get3A_505] {strides = array<i32>} : memref<48x128xf32, #tpu.memory_space<vmem>>, vector<16xf32>,
        %get3A_507 = arith.index_cast %scan3A_491 : i32 to index
        %get3A_508 = arith.constant 16 : index
        %get3A_509 = tpu.vector_load %arg11[%get3A_507, %get3A_508] {strides = array<i32>} : memref<48x128xf32, #tpu.memory_space<vmem>>, vector<16xf32>,
        %add3A_510 = arith.addf %get3A_506, %get3A_509 : vector<16xf32>
        %max3A_511 = arith.constant 0.000000e+00 : f32
        %max3A_512 = vector.broadcast %max3A_511 : f32 to vector<16xf32>
        %max3A_513 = arith.maximumf %add3A_510, %max3A_512 : vector<16xf32>
        %swap3A_514 = arith.index_cast %scan3A_491 : i32 to index
        %swap3A_515 = arith.constant 16 : index
        %swap3A_516 = tpu.vector_load %arg9[%swap3A_514, %swap3A_515] {strides = array<i32>} : memref<48x128xf32, #tpu.memory_space<vmem>>, vector<16xf32>,
        tpu.vector_store %arg9[%swap3A_514, %swap3A_515], %max3A_513 {strides = array<i32>} : memref<48x128xf32, #tpu.memory_space<vmem>>, vector<16xf32>,
        %get3A_517 = arith.index_cast %scan3A_491 : i32 to index
        %get3A_518 = arith.constant 32 : index
        %get3A_519 = tpu.vector_load %arg9[%get3A_517, %get3A_518] {strides = array<i32>} : memref<48x128xf32, #tpu.memory_space<vmem>>, vector<16xf32>,
        %get3A_520 = arith.index_cast %scan3A_491 : i32 to index
        %get3A_521 = arith.constant 32 : index
        %get3A_522 = tpu.vector_load %arg11[%get3A_520, %get3A_521] {strides = array<i32>} : memref<48x128xf32, #tpu.memory_space<vmem>>, vector<16xf32>,
        %add3A_523 = arith.addf %get3A_519, %get3A_522 : vector<16xf32>
        %max3A_524 = arith.constant 0.000000e+00 : f32
        %max3A_525 = vector.broadcast %max3A_524 : f32 to vector<16xf32>
        %max3A_526 = arith.maximumf %add3A_523, %max3A_525 : vector<16xf32>
        %swap3A_527 = arith.index_cast %scan3A_491 : i32 to index
        %swap3A_528 = arith.constant 32 : index
        %swap3A_529 = tpu.vector_load %arg9[%swap3A_527, %swap3A_528] {strides = array<i32>} : memref<48x128xf32, #tpu.memory_space<vmem>>, vector<16xf32>,
        tpu.vector_store %arg9[%swap3A_527, %swap3A_528], %max3A_526 {strides = array<i32>} : memref<48x128xf32, #tpu.memory_space<vmem>>, vector<16xf32>,
        %get3A_530 = arith.index_cast %scan3A_491 : i32 to index
        %get3A_531 = arith.constant 48 : index
        %get3A_532 = tpu.vector_load %arg9[%get3A_530, %get3A_531] {strides = array<i32>} : memref<48x128xf32, #tpu.memory_space<vmem>>, vector<16xf32>,
        %get3A_533 = arith.index_cast %scan3A_491 : i32 to index
        %get3A_534 = arith.constant 48 : index
        %get3A_535 = tpu.vector_load %arg11[%get3A_533, %get3A_534] {strides = array<i32>} : memref<48x128xf32, #tpu.memory_space<vmem>>, vector<16xf32>,
        %add3A_536 = arith.addf %get3A_532, %get3A_535 : vector<16xf32>
        %max3A_537 = arith.constant 0.000000e+00 : f32
        %max3A_538 = vector.broadcast %max3A_537 : f32 to vector<16xf32>
        %max3A_539 = arith.maximumf %add3A_536, %max3A_538 : vector<16xf32>
        %swap3A_540 = arith.index_cast %scan3A_491 : i32 to index
        %swap3A_541 = arith.constant 48 : index
        %swap3A_542 = tpu.vector_load %arg9[%swap3A_540, %swap3A_541] {strides = array<i32>} : memref<48x128xf32, #tpu.memory_space<vmem>>, vector<16xf32>,
        tpu.vector_store %arg9[%swap3A_540, %swap3A_541], %max3A_539 {strides = array<i32>} : memref<48x128xf32, #tpu.memory_space<vmem>>, vector<16xf32>,
        %get3A_543 = arith.index_cast %scan3A_491 : i32 to index
        %get3A_544 = arith.constant 64 : index
        %get3A_545 = tpu.vector_load %arg9[%get3A_543, %get3A_544] {strides = array<i32>} : memref<48x128xf32, #tpu.memory_space<vmem>>, vector<16xf32>,
        %get3A_546 = arith.index_cast %scan3A_491 : i32 to index
        %get3A_547 = arith.constant 64 : index
        %get3A_548 = tpu.vector_load %arg11[%get3A_546, %get3A_547] {strides = array<i32>} : memref<48x128xf32, #tpu.memory_space<vmem>>, vector<16xf32>,
        %add3A_549 = arith.addf %get3A_545, %get3A_548 : vector<16xf32>
        %max3A_550 = arith.constant 0.000000e+00 : f32
        %max3A_551 = vector.broadcast %max3A_550 : f32 to vector<16xf32>
        %max3A_552 = arith.maximumf %add3A_549, %max3A_551 : vector<16xf32>
        %swap3A_553 = arith.index_cast %scan3A_491 : i32 to index
        %swap3A_554 = arith.constant 64 : index
        %swap3A_555 = tpu.vector_load %arg9[%swap3A_553, %swap3A_554] {strides = array<i32>} : memref<48x128xf32, #tpu.memory_space<vmem>>, vector<16xf32>,
        tpu.vector_store %arg9[%swap3A_553, %swap3A_554], %max3A_552 {strides = array<i32>} : memref<48x128xf32, #tpu.memory_space<vmem>>, vector<16xf32>,
        %get3A_556 = arith.index_cast %scan3A_491 : i32 to index
        %get3A_557 = arith.constant 80 : index
        %get3A_558 = tpu.vector_load %arg9[%get3A_556, %get3A_557] {strides = array<i32>} : memref<48x128xf32, #tpu.memory_space<vmem>>, vector<16xf32>,
        %get3A_559 = arith.index_cast %scan3A_491 : i32 to index
        %get3A_560 = arith.constant 80 : index
        %get3A_561 = tpu.vector_load %arg11[%get3A_559, %get3A_560] {strides = array<i32>} : memref<48x128xf32, #tpu.memory_space<vmem>>, vector<16xf32>,
        %add3A_562 = arith.addf %get3A_558, %get3A_561 : vector<16xf32>
        %max3A_563 = arith.constant 0.000000e+00 : f32
        %max3A_564 = vector.broadcast %max3A_563 : f32 to vector<16xf32>
        %max3A_565 = arith.maximumf %add3A_562, %max3A_564 : vector<16xf32>
        %swap3A_566 = arith.index_cast %scan3A_491 : i32 to index
        %swap3A_567 = arith.constant 80 : index
        %swap3A_568 = tpu.vector_load %arg9[%swap3A_566, %swap3A_567] {strides = array<i32>} : memref<48x128xf32, #tpu.memory_space<vmem>>, vector<16xf32>,
        tpu.vector_store %arg9[%swap3A_566, %swap3A_567], %max3A_565 {strides = array<i32>} : memref<48x128xf32, #tpu.memory_space<vmem>>, vector<16xf32>,
        %get3A_569 = arith.index_cast %scan3A_491 : i32 to index
        %get3A_570 = arith.constant 96 : index
        %get3A_571 = tpu.vector_load %arg9[%get3A_569, %get3A_570] {strides = array<i32>} : memref<48x128xf32, #tpu.memory_space<vmem>>, vector<16xf32>,
        %get3A_572 = arith.index_cast %scan3A_491 : i32 to index
        %get3A_573 = arith.constant 96 : index
        %get3A_574 = tpu.vector_load %arg11[%get3A_572, %get3A_573] {strides = array<i32>} : memref<48x128xf32, #tpu.memory_space<vmem>>, vector<16xf32>,
        %add3A_575 = arith.addf %get3A_571, %get3A_574 : vector<16xf32>
        %max3A_576 = arith.constant 0.000000e+00 : f32
        %max3A_577 = vector.broadcast %max3A_576 : f32 to vector<16xf32>
        %max3A_578 = arith.maximumf %add3A_575, %max3A_577 : vector<16xf32>
        %swap3A_579 = arith.index_cast %scan3A_491 : i32 to index
        %swap3A_580 = arith.constant 96 : index
        %swap3A_581 = tpu.vector_load %arg9[%swap3A_579, %swap3A_580] {strides = array<i32>} : memref<48x128xf32, #tpu.memory_space<vmem>>, vector<16xf32>,
        tpu.vector_store %arg9[%swap3A_579, %swap3A_580], %max3A_578 {strides = array<i32>} : memref<48x128xf32, #tpu.memory_space<vmem>>, vector<16xf32>,
        %get3A_582 = arith.index_cast %scan3A_491 : i32 to index
        %get3A_583 = arith.constant 112 : index
        %get3A_584 = tpu.vector_load %arg9[%get3A_582, %get3A_583] {strides = array<i32>} : memref<48x128xf32, #tpu.memory_space<vmem>>, vector<16xf32>,
        %get3A_585 = arith.index_cast %scan3A_491 : i32 to index
        %get3A_586 = arith.constant 112 : index
        %get3A_587 = tpu.vector_load %arg11[%get3A_585, %get3A_586] {strides = array<i32>} : memref<48x128xf32, #tpu.memory_space<vmem>>, vector<16xf32>,
        %add3A_588 = arith.addf %get3A_584, %get3A_587 : vector<16xf32>
        %max3A_589 = arith.constant 0.000000e+00 : f32
        %max3A_590 = vector.broadcast %max3A_589 : f32 to vector<16xf32>
        %max3A_591 = arith.maximumf %add3A_588, %max3A_590 : vector<16xf32>
        %swap3A_592 = arith.index_cast %scan3A_491 : i32 to index
        %swap3A_593 = arith.constant 112 : index
        %swap3A_594 = tpu.vector_load %arg9[%swap3A_592, %swap3A_593] {strides = array<i32>} : memref<48x128xf32, #tpu.memory_space<vmem>>, vector<16xf32>,
        tpu.vector_store %arg9[%swap3A_592, %swap3A_593], %max3A_591 {strides = array<i32>} : memref<48x128xf32, #tpu.memory_space<vmem>>, vector<16xf32>,
        %scan3A_595 = arith.constant 0 : i32
        scf.yield %scan3A_595 : i32
      }
      %scan3A_437 = arith.constant 48 : i32
      %mul3A_438 = arith.constant 48 : i32
      %mul3A_439 = arith.muli %mul3A_407, %mul3A_438 : i32
      %scan3A_440 = arith.constant 0 : i32
      %scan3A_441 = arith.constant 0 : i32
      %scan3A_442 = arith.constant 3 : i32
      %scan3A_443 = arith.addi %scan3A_441, %scan3A_442 : i32
      %scan3A_444 = arith.constant 1 : i32
      %scan3A_445 = scf.for %scan3A_491 = %scan3A_441 to %scan3A_443 step %scan3A_444 iter_args(%scan3A_492 = %scan3A_440) -> (i32)  : i32 {
        %mul3A_493 = arith.constant 16 : i32
        %mul3A_494 = arith.muli %scan3A_491, %mul3A_493 : i32
        %mul3A_495 = arith.constant 16 : i32
        %mul3A_496 = arith.muli %scan3A_491, %mul3A_495 : i32
        %add3A_497 = arith.addi %mul3A_439, %mul3A_496 : i32
        %get3A = arith.index_cast %add3A_497 : i32 to index
        %get3A_498 = tpu.vector_load %arg8[%get3A] {strides = array<i32>} : memref<10192xi32, #tpu.memory_space<vmem>>, vector<16xi32>,
        %shift_right_arithmetic3A = arith.constant 14 : i32
        %shift_right_arithmetic3A_499 = vector.broadcast %shift_right_arithmetic3A : i32 to vector<16xi32>
        %shift_right_arithmetic3A_500 = arith.shrsi %get3A_498, %shift_right_arithmetic3A_499 : vector<16xi32>
        %min3A = arith.constant 5127 : i32
        %min3A_501 = vector.broadcast %min3A : i32 to vector<16xi32>
        %min3A_502 = arith.minsi %shift_right_arithmetic3A_500, %min3A_501 : vector<16xi32>
        %swap3A_503 = arith.index_cast %mul3A_494 : i32 to index
        %swap3A_504 = tpu.vector_load %arg15[%swap3A_503] {strides = array<i32>} : memref<48xi32, #tpu.memory_space<vmem>>, vector<16xi32>,
        tpu.vector_store %arg15[%swap3A_503], %min3A_502 {strides = array<i32>} : memref<48xi32, #tpu.memory_space<vmem>>, vector<16xi32>,
        %scan3A_505 = arith.constant 0 : i32
        scf.yield %scan3A_505 : i32
      }
      %scan3A_446 = arith.constant 3 : i32
      "tpu.region"() ({
        %run_scoped3A = tpu.sem_alloc : memref<!tpu.dma_semaphore, #tpu.memory_space<semaphore_mem>>
        %dma_start3A_491 = arith.constant 0 : i32
        %dma_start3A_492 = arith.constant 0 : i32
        %dma_start3A_493 = tpu.memref_slice %arg18[%dma_start3A_491, %dma_start3A_492] : memref<5128x128xf32, #tpu.memory_space<vmem_shared>> -> memref<5128x128xf32, #tpu.memory_space<vmem_shared>>
        tpu.enqueue_indirect_dma source(%arg9 : memref<48x128xf32, #tpu.memory_space<vmem>>) target(%dma_start3A_493 : memref<5128x128xf32, #tpu.memory_space<vmem_shared>>) offsets(%arg15 : memref<48xi32, #tpu.memory_space<vmem>>) semaphore(%run_scoped3A : memref<!tpu.dma_semaphore, #tpu.memory_space<semaphore_mem>>) {add = true}
        %dma_wait3A_494 = arith.constant 0 : i32
        %dma_wait3A_495 = arith.constant 0 : i32
        %dma_wait3A_496 = tpu.memref_slice %arg18[%dma_wait3A_494, %dma_wait3A_495] : memref<5128x128xf32, #tpu.memory_space<vmem_shared>> -> memref<5128x128xf32, #tpu.memory_space<vmem_shared>>
        tpu.wait_indirect_dma semaphore(%run_scoped3A : memref<!tpu.dma_semaphore, #tpu.memory_space<semaphore_mem>>) src(%arg9 : memref<48x128xf32, #tpu.memory_space<vmem>>) dst(%dma_wait3A_496 : memref<5128x128xf32, #tpu.memory_space<vmem_shared>>)
        tpu.yield
      }) : () -> ()
      %mul3A_447 = arith.constant 2 : i32
      %mul3A_448 = arith.muli %mul3A_447, %while3A_404 : i32
      %add3A_449 = arith.constant 1 : i32
      %add3A_450 = arith.addi %mul3A_448, %add3A_449 : i32
      %dma_wait3A_451 = arith.constant 0 : i32
      %dma_wait3A_452 = arith.constant 0 : i32
      %dma_wait3A_453 = tpu.memref_slice %arg2[%dma_wait3A_451, %dma_wait3A_452] : memref<20000x128xf32, #tpu.memory_space<hbm>> -> memref<20000x128xf32, #tpu.memory_space<hbm>>
      tpu.wait_indirect_dma semaphore(%arg20 : memref<!tpu.dma_semaphore, #tpu.memory_space<semaphore_mem>>) src(%dma_wait3A_453 : memref<20000x128xf32, #tpu.memory_space<hbm>>) dst(%arg10 : memref<48x128xf32, #tpu.memory_space<vmem>>)
      %dma_wait3A_454 = arith.constant 0 : i32
      %dma_wait3A_455 = arith.constant 0 : i32
      %dma_wait3A_456 = tpu.memref_slice %arg3[%dma_wait3A_454, %dma_wait3A_455] : memref<320000x128xf32, #tpu.memory_space<hbm>> -> memref<320000x128xf32, #tpu.memory_space<hbm>>
      tpu.wait_indirect_dma semaphore(%arg22 : memref<!tpu.dma_semaphore, #tpu.memory_space<semaphore_mem>>) src(%dma_wait3A_456 : memref<320000x128xf32, #tpu.memory_space<hbm>>) dst(%arg12 : memref<48x128xf32, #tpu.memory_space<vmem>>)
      %add3A_457 = arith.constant 1 : i32
      %add3A_458 = arith.addi %add3A_450, %add3A_457 : i32
      %mul3A_459 = arith.constant 48 : i32
      %mul3A_460 = arith.muli %add3A_458, %mul3A_459 : i32
      %scan3A_461 = arith.constant 0 : i32
      %scan3A_462 = arith.constant 0 : i32
      %scan3A_463 = arith.constant 3 : i32
      %scan3A_464 = arith.addi %scan3A_462, %scan3A_463 : i32
      %scan3A_465 = arith.constant 1 : i32
      %scan3A_466 = scf.for %scan3A_491 = %scan3A_462 to %scan3A_464 step %scan3A_465 iter_args(%scan3A_492 = %scan3A_461) -> (i32)  : i32 {
        %mul3A_493 = arith.constant 16 : i32
        %mul3A_494 = arith.muli %scan3A_491, %mul3A_493 : i32
        %mul3A_495 = arith.constant 16 : i32
        %mul3A_496 = arith.muli %scan3A_491, %mul3A_495 : i32
        %add3A_497 = arith.addi %mul3A_460, %mul3A_496 : i32
        %get3A = arith.index_cast %add3A_497 : i32 to index
        %get3A_498 = tpu.vector_load %arg8[%get3A] {strides = array<i32>} : memref<10192xi32, #tpu.memory_space<vmem>>, vector<16xi32>,
        %and3A_499 = arith.constant 16383 : i32
        %and3A_500 = vector.broadcast %and3A_499 : i32 to vector<16xi32>
        %and3A_501 = arith.andi %get3A_498, %and3A_500 : vector<16xi32>
        %min3A = arith.constant 10000 : i32
        %min3A_502 = vector.broadcast %min3A : i32 to vector<16xi32>
        %min3A_503 = arith.minsi %and3A_501, %min3A_502 : vector<16xi32>
        %gather3A = tpu.vector_load_idx %arg7[%min3A_503] : memref<10016xi32, #tpu.memory_space<vmem>>[vector<16xi32>], vector<16xi32>,
        %swap3A_504 = arith.index_cast %mul3A_494 : i32 to index
        %swap3A_505 = tpu.vector_load %arg13[%swap3A_504] {strides = array<i32>} : memref<48xi32, #tpu.memory_space<vmem>>, vector<16xi32>,
        tpu.vector_store %arg13[%swap3A_504], %gather3A {strides = array<i32>} : memref<48xi32, #tpu.memory_space<vmem>>, vector<16xi32>,
        %mul3A_506 = arith.constant 160000 : i32
        %mul3A_507 = arith.muli %arg0, %mul3A_506 : i32
        %add3A_508 = arith.addi %mul3A_507, %mul3A_0 : i32
        %min3A_509 = arith.constant 9999 : i32
        %min3A_510 = vector.broadcast %min3A_509 : i32 to vector<16xi32>
        %min3A_511 = arith.minsi %min3A_503, %min3A_510 : vector<16xi32>
        %add3A_512 = vector.broadcast %add3A_508 : i32 to vector<16xi32>
        %add3A_513 = arith.addi %add3A_512, %min3A_511 : vector<16xi32>
        %swap3A_514 = arith.index_cast %mul3A_494 : i32 to index
        %swap3A_515 = tpu.vector_load %arg14[%swap3A_514] {strides = array<i32>} : memref<48xi32, #tpu.memory_space<vmem>>, vector<16xi32>,
        tpu.vector_store %arg14[%swap3A_514], %add3A_513 {strides = array<i32>} : memref<48xi32, #tpu.memory_space<vmem>>, vector<16xi32>,
        %scan3A_516 = arith.constant 0 : i32
        scf.yield %scan3A_516 : i32
      }
      %scan3A_467 = arith.constant 3 : i32
      %dma_start3A_468 = arith.constant 0 : i32
      %dma_start3A_469 = arith.constant 0 : i32
      %dma_start3A_470 = tpu.memref_slice %arg2[%dma_start3A_468, %dma_start3A_469] : memref<20000x128xf32, #tpu.memory_space<hbm>> -> memref<20000x128xf32, #tpu.memory_space<hbm>>
      tpu.enqueue_indirect_dma source(%dma_start3A_470 : memref<20000x128xf32, #tpu.memory_space<hbm>>) target(%arg9 : memref<48x128xf32, #tpu.memory_space<vmem>>) offsets(%arg13 : memref<48xi32, #tpu.memory_space<vmem>>) semaphore(%arg19 : memref<!tpu.dma_semaphore, #tpu.memory_space<semaphore_mem>>)
      %dma_start3A_471 = arith.constant 0 : i32
      %dma_start3A_472 = arith.constant 0 : i32
      %dma_start3A_473 = tpu.memref_slice %arg3[%dma_start3A_471, %dma_start3A_472] : memref<320000x128xf32, #tpu.memory_space<hbm>> -> memref<320000x128xf32, #tpu.memory_space<hbm>>
      tpu.enqueue_indirect_dma source(%dma_start3A_473 : memref<320000x128xf32, #tpu.memory_space<hbm>>) target(%arg11 : memref<48x128xf32, #tpu.memory_space<vmem>>) offsets(%arg14 : memref<48xi32, #tpu.memory_space<vmem>>) semaphore(%arg21 : memref<!tpu.dma_semaphore, #tpu.memory_space<semaphore_mem>>)
      %scan3A_474 = arith.constant 0 : i32
      %scan3A_475 = arith.constant 0 : i32
      %scan3A_476 = arith.constant 48 : i32
      %scan3A_477 = arith.addi %scan3A_475, %scan3A_476 : i32
      %scan3A_478 = arith.constant 1 : i32
      %scan3A_479 = scf.for %scan3A_491 = %scan3A_475 to %scan3A_477 step %scan3A_478 iter_args(%scan3A_492 = %scan3A_474) -> (i32)  : i32 {
        %get3A = arith.index_cast %scan3A_491 : i32 to index
        %get3A_493 = arith.constant 0 : index
        %get3A_494 = tpu.vector_load %arg10[%get3A, %get3A_493] {strides = array<i32>} : memref<48x128xf32, #tpu.memory_space<vmem>>, vector<16xf32>,
        %get3A_495 = arith.index_cast %scan3A_491 : i32 to index
        %get3A_496 = arith.constant 0 : index
        %get3A_497 = tpu.vector_load %arg12[%get3A_495, %get3A_496] {strides = array<i32>} : memref<48x128xf32, #tpu.memory_space<vmem>>, vector<16xf32>,
        %add3A_498 = arith.addf %get3A_494, %get3A_497 : vector<16xf32>
        %max3A = arith.constant 0.000000e+00 : f32
        %max3A_499 = vector.broadcast %max3A : f32 to vector<16xf32>
        %max3A_500 = arith.maximumf %add3A_498, %max3A_499 : vector<16xf32>
        %swap3A_501 = arith.index_cast %scan3A_491 : i32 to index
        %swap3A_502 = arith.constant 0 : index
        %swap3A_503 = tpu.vector_load %arg10[%swap3A_501, %swap3A_502] {strides = array<i32>} : memref<48x128xf32, #tpu.memory_space<vmem>>, vector<16xf32>,
        tpu.vector_store %arg10[%swap3A_501, %swap3A_502], %max3A_500 {strides = array<i32>} : memref<48x128xf32, #tpu.memory_space<vmem>>, vector<16xf32>,
        %get3A_504 = arith.index_cast %scan3A_491 : i32 to index
        %get3A_505 = arith.constant 16 : index
        %get3A_506 = tpu.vector_load %arg10[%get3A_504, %get3A_505] {strides = array<i32>} : memref<48x128xf32, #tpu.memory_space<vmem>>, vector<16xf32>,
        %get3A_507 = arith.index_cast %scan3A_491 : i32 to index
        %get3A_508 = arith.constant 16 : index
        %get3A_509 = tpu.vector_load %arg12[%get3A_507, %get3A_508] {strides = array<i32>} : memref<48x128xf32, #tpu.memory_space<vmem>>, vector<16xf32>,
        %add3A_510 = arith.addf %get3A_506, %get3A_509 : vector<16xf32>
        %max3A_511 = arith.constant 0.000000e+00 : f32
        %max3A_512 = vector.broadcast %max3A_511 : f32 to vector<16xf32>
        %max3A_513 = arith.maximumf %add3A_510, %max3A_512 : vector<16xf32>
        %swap3A_514 = arith.index_cast %scan3A_491 : i32 to index
        %swap3A_515 = arith.constant 16 : index
        %swap3A_516 = tpu.vector_load %arg10[%swap3A_514, %swap3A_515] {strides = array<i32>} : memref<48x128xf32, #tpu.memory_space<vmem>>, vector<16xf32>,
        tpu.vector_store %arg10[%swap3A_514, %swap3A_515], %max3A_513 {strides = array<i32>} : memref<48x128xf32, #tpu.memory_space<vmem>>, vector<16xf32>,
        %get3A_517 = arith.index_cast %scan3A_491 : i32 to index
        %get3A_518 = arith.constant 32 : index
        %get3A_519 = tpu.vector_load %arg10[%get3A_517, %get3A_518] {strides = array<i32>} : memref<48x128xf32, #tpu.memory_space<vmem>>, vector<16xf32>,
        %get3A_520 = arith.index_cast %scan3A_491 : i32 to index
        %get3A_521 = arith.constant 32 : index
        %get3A_522 = tpu.vector_load %arg12[%get3A_520, %get3A_521] {strides = array<i32>} : memref<48x128xf32, #tpu.memory_space<vmem>>, vector<16xf32>,
        %add3A_523 = arith.addf %get3A_519, %get3A_522 : vector<16xf32>
        %max3A_524 = arith.constant 0.000000e+00 : f32
        %max3A_525 = vector.broadcast %max3A_524 : f32 to vector<16xf32>
        %max3A_526 = arith.maximumf %add3A_523, %max3A_525 : vector<16xf32>
        %swap3A_527 = arith.index_cast %scan3A_491 : i32 to index
        %swap3A_528 = arith.constant 32 : index
        %swap3A_529 = tpu.vector_load %arg10[%swap3A_527, %swap3A_528] {strides = array<i32>} : memref<48x128xf32, #tpu.memory_space<vmem>>, vector<16xf32>,
        tpu.vector_store %arg10[%swap3A_527, %swap3A_528], %max3A_526 {strides = array<i32>} : memref<48x128xf32, #tpu.memory_space<vmem>>, vector<16xf32>,
        %get3A_530 = arith.index_cast %scan3A_491 : i32 to index
        %get3A_531 = arith.constant 48 : index
        %get3A_532 = tpu.vector_load %arg10[%get3A_530, %get3A_531] {strides = array<i32>} : memref<48x128xf32, #tpu.memory_space<vmem>>, vector<16xf32>,
        %get3A_533 = arith.index_cast %scan3A_491 : i32 to index
        %get3A_534 = arith.constant 48 : index
        %get3A_535 = tpu.vector_load %arg12[%get3A_533, %get3A_534] {strides = array<i32>} : memref<48x128xf32, #tpu.memory_space<vmem>>, vector<16xf32>,
        %add3A_536 = arith.addf %get3A_532, %get3A_535 : vector<16xf32>
        %max3A_537 = arith.constant 0.000000e+00 : f32
        %max3A_538 = vector.broadcast %max3A_537 : f32 to vector<16xf32>
        %max3A_539 = arith.maximumf %add3A_536, %max3A_538 : vector<16xf32>
        %swap3A_540 = arith.index_cast %scan3A_491 : i32 to index
        %swap3A_541 = arith.constant 48 : index
        %swap3A_542 = tpu.vector_load %arg10[%swap3A_540, %swap3A_541] {strides = array<i32>} : memref<48x128xf32, #tpu.memory_space<vmem>>, vector<16xf32>,
        tpu.vector_store %arg10[%swap3A_540, %swap3A_541], %max3A_539 {strides = array<i32>} : memref<48x128xf32, #tpu.memory_space<vmem>>, vector<16xf32>,
        %get3A_543 = arith.index_cast %scan3A_491 : i32 to index
        %get3A_544 = arith.constant 64 : index
        %get3A_545 = tpu.vector_load %arg10[%get3A_543, %get3A_544] {strides = array<i32>} : memref<48x128xf32, #tpu.memory_space<vmem>>, vector<16xf32>,
        %get3A_546 = arith.index_cast %scan3A_491 : i32 to index
        %get3A_547 = arith.constant 64 : index
        %get3A_548 = tpu.vector_load %arg12[%get3A_546, %get3A_547] {strides = array<i32>} : memref<48x128xf32, #tpu.memory_space<vmem>>, vector<16xf32>,
        %add3A_549 = arith.addf %get3A_545, %get3A_548 : vector<16xf32>
        %max3A_550 = arith.constant 0.000000e+00 : f32
        %max3A_551 = vector.broadcast %max3A_550 : f32 to vector<16xf32>
        %max3A_552 = arith.maximumf %add3A_549, %max3A_551 : vector<16xf32>
        %swap3A_553 = arith.index_cast %scan3A_491 : i32 to index
        %swap3A_554 = arith.constant 64 : index
        %swap3A_555 = tpu.vector_load %arg10[%swap3A_553, %swap3A_554] {strides = array<i32>} : memref<48x128xf32, #tpu.memory_space<vmem>>, vector<16xf32>,
        tpu.vector_store %arg10[%swap3A_553, %swap3A_554], %max3A_552 {strides = array<i32>} : memref<48x128xf32, #tpu.memory_space<vmem>>, vector<16xf32>,
        %get3A_556 = arith.index_cast %scan3A_491 : i32 to index
        %get3A_557 = arith.constant 80 : index
        %get3A_558 = tpu.vector_load %arg10[%get3A_556, %get3A_557] {strides = array<i32>} : memref<48x128xf32, #tpu.memory_space<vmem>>, vector<16xf32>,
        %get3A_559 = arith.index_cast %scan3A_491 : i32 to index
        %get3A_560 = arith.constant 80 : index
        %get3A_561 = tpu.vector_load %arg12[%get3A_559, %get3A_560] {strides = array<i32>} : memref<48x128xf32, #tpu.memory_space<vmem>>, vector<16xf32>,
        %add3A_562 = arith.addf %get3A_558, %get3A_561 : vector<16xf32>
        %max3A_563 = arith.constant 0.000000e+00 : f32
        %max3A_564 = vector.broadcast %max3A_563 : f32 to vector<16xf32>
        %max3A_565 = arith.maximumf %add3A_562, %max3A_564 : vector<16xf32>
        %swap3A_566 = arith.index_cast %scan3A_491 : i32 to index
        %swap3A_567 = arith.constant 80 : index
        %swap3A_568 = tpu.vector_load %arg10[%swap3A_566, %swap3A_567] {strides = array<i32>} : memref<48x128xf32, #tpu.memory_space<vmem>>, vector<16xf32>,
        tpu.vector_store %arg10[%swap3A_566, %swap3A_567], %max3A_565 {strides = array<i32>} : memref<48x128xf32, #tpu.memory_space<vmem>>, vector<16xf32>,
        %get3A_569 = arith.index_cast %scan3A_491 : i32 to index
        %get3A_570 = arith.constant 96 : index
        %get3A_571 = tpu.vector_load %arg10[%get3A_569, %get3A_570] {strides = array<i32>} : memref<48x128xf32, #tpu.memory_space<vmem>>, vector<16xf32>,
        %get3A_572 = arith.index_cast %scan3A_491 : i32 to index
        %get3A_573 = arith.constant 96 : index
        %get3A_574 = tpu.vector_load %arg12[%get3A_572, %get3A_573] {strides = array<i32>} : memref<48x128xf32, #tpu.memory_space<vmem>>, vector<16xf32>,
        %add3A_575 = arith.addf %get3A_571, %get3A_574 : vector<16xf32>
        %max3A_576 = arith.constant 0.000000e+00 : f32
        %max3A_577 = vector.broadcast %max3A_576 : f32 to vector<16xf32>
        %max3A_578 = arith.maximumf %add3A_575, %max3A_577 : vector<16xf32>
        %swap3A_579 = arith.index_cast %scan3A_491 : i32 to index
        %swap3A_580 = arith.constant 96 : index
        %swap3A_581 = tpu.vector_load %arg10[%swap3A_579, %swap3A_580] {strides = array<i32>} : memref<48x128xf32, #tpu.memory_space<vmem>>, vector<16xf32>,
        tpu.vector_store %arg10[%swap3A_579, %swap3A_580], %max3A_578 {strides = array<i32>} : memref<48x128xf32, #tpu.memory_space<vmem>>, vector<16xf32>,
        %get3A_582 = arith.index_cast %scan3A_491 : i32 to index
        %get3A_583 = arith.constant 112 : index
        %get3A_584 = tpu.vector_load %arg10[%get3A_582, %get3A_583] {strides = array<i32>} : memref<48x128xf32, #tpu.memory_space<vmem>>, vector<16xf32>,
        %get3A_585 = arith.index_cast %scan3A_491 : i32 to index
        %get3A_586 = arith.constant 112 : index
        %get3A_587 = tpu.vector_load %arg12[%get3A_585, %get3A_586] {strides = array<i32>} : memref<48x128xf32, #tpu.memory_space<vmem>>, vector<16xf32>,
        %add3A_588 = arith.addf %get3A_584, %get3A_587 : vector<16xf32>
        %max3A_589 = arith.constant 0.000000e+00 : f32
        %max3A_590 = vector.broadcast %max3A_589 : f32 to vector<16xf32>
        %max3A_591 = arith.maximumf %add3A_588, %max3A_590 : vector<16xf32>
        %swap3A_592 = arith.index_cast %scan3A_491 : i32 to index
        %swap3A_593 = arith.constant 112 : index
        %swap3A_594 = tpu.vector_load %arg10[%swap3A_592, %swap3A_593] {strides = array<i32>} : memref<48x128xf32, #tpu.memory_space<vmem>>, vector<16xf32>,
        tpu.vector_store %arg10[%swap3A_592, %swap3A_593], %max3A_591 {strides = array<i32>} : memref<48x128xf32, #tpu.memory_space<vmem>>, vector<16xf32>,
        %scan3A_595 = arith.constant 0 : i32
        scf.yield %scan3A_595 : i32
      }
      %scan3A_480 = arith.constant 48 : i32
      %mul3A_481 = arith.constant 48 : i32
      %mul3A_482 = arith.muli %add3A_450, %mul3A_481 : i32
      %scan3A_483 = arith.constant 0 : i32
      %scan3A_484 = arith.constant 0 : i32
      %scan3A_485 = arith.constant 3 : i32
      %scan3A_486 = arith.addi %scan3A_484, %scan3A_485 : i32
      %scan3A_487 = arith.constant 1 : i32
      %scan3A_488 = scf.for %scan3A_491 = %scan3A_484 to %scan3A_486 step %scan3A_487 iter_args(%scan3A_492 = %scan3A_483) -> (i32)  : i32 {
        %mul3A_493 = arith.constant 16 : i32
        %mul3A_494 = arith.muli %scan3A_491, %mul3A_493 : i32
        %mul3A_495 = arith.constant 16 : i32
        %mul3A_496 = arith.muli %scan3A_491, %mul3A_495 : i32
        %add3A_497 = arith.addi %mul3A_482, %mul3A_496 : i32
        %get3A = arith.index_cast %add3A_497 : i32 to index
        %get3A_498 = tpu.vector_load %arg8[%get3A] {strides = array<i32>} : memref<10192xi32, #tpu.memory_space<vmem>>, vector<16xi32>,
        %shift_right_arithmetic3A = arith.constant 14 : i32
        %shift_right_arithmetic3A_499 = vector.broadcast %shift_right_arithmetic3A : i32 to vector<16xi32>
        %shift_right_arithmetic3A_500 = arith.shrsi %get3A_498, %shift_right_arithmetic3A_499 : vector<16xi32>
        %min3A = arith.constant 5127 : i32
        %min3A_501 = vector.broadcast %min3A : i32 to vector<16xi32>
        %min3A_502 = arith.minsi %shift_right_arithmetic3A_500, %min3A_501 : vector<16xi32>
        %swap3A_503 = arith.index_cast %mul3A_494 : i32 to index
        %swap3A_504 = tpu.vector_load %arg15[%swap3A_503] {strides = array<i32>} : memref<48xi32, #tpu.memory_space<vmem>>, vector<16xi32>,
        tpu.vector_store %arg15[%swap3A_503], %min3A_502 {strides = array<i32>} : memref<48xi32, #tpu.memory_space<vmem>>, vector<16xi32>,
        %scan3A_505 = arith.constant 0 : i32
        scf.yield %scan3A_505 : i32
      }
      %scan3A_489 = arith.constant 3 : i32
      "tpu.region"() ({
        %run_scoped3A = tpu.sem_alloc : memref<!tpu.dma_semaphore, #tpu.memory_space<semaphore_mem>>
        %dma_start3A_491 = arith.constant 0 : i32
        %dma_start3A_492 = arith.constant 0 : i32
        %dma_start3A_493 = tpu.memref_slice %arg18[%dma_start3A_491, %dma_start3A_492] : memref<5128x128xf32, #tpu.memory_space<vmem_shared>> -> memref<5128x128xf32, #tpu.memory_space<vmem_shared>>
        tpu.enqueue_indirect_dma source(%arg10 : memref<48x128xf32, #tpu.memory_space<vmem>>) target(%dma_start3A_493 : memref<5128x128xf32, #tpu.memory_space<vmem_shared>>) offsets(%arg15 : memref<48xi32, #tpu.memory_space<vmem>>) semaphore(%run_scoped3A : memref<!tpu.dma_semaphore, #tpu.memory_space<semaphore_mem>>) {add = true}
        %dma_wait3A_494 = arith.constant 0 : i32
        %dma_wait3A_495 = arith.constant 0 : i32
        %dma_wait3A_496 = tpu.memref_slice %arg18[%dma_wait3A_494, %dma_wait3A_495] : memref<5128x128xf32, #tpu.memory_space<vmem_shared>> -> memref<5128x128xf32, #tpu.memory_space<vmem_shared>>
        tpu.wait_indirect_dma semaphore(%run_scoped3A : memref<!tpu.dma_semaphore, #tpu.memory_space<semaphore_mem>>) src(%arg10 : memref<48x128xf32, #tpu.memory_space<vmem>>) dst(%dma_wait3A_496 : memref<5128x128xf32, #tpu.memory_space<vmem_shared>>)
        tpu.yield
      }) : () -> ()
      %while3A_490 = arith.constant 0 : i32
      scf.yield %while3A_490 : i32
    }
    %while3A_312 = arith.constant 1 : i32
    %while3A_313 = scf.for %while3A_404 = %while3A_309 to %while3A_305 step %while3A_312 iter_args(%while3A_405 = %while3A_311) -> (i32)  : i32 {
      %mul3A_406 = arith.constant 2 : i32
      %mul3A_407 = arith.muli %mul3A_406, %while3A_404 : i32
      %dma_wait3A_408 = arith.constant 0 : i32
      %dma_wait3A_409 = arith.constant 0 : i32
      %dma_wait3A_410 = tpu.memref_slice %arg2[%dma_wait3A_408, %dma_wait3A_409] : memref<20000x128xf32, #tpu.memory_space<hbm>> -> memref<20000x128xf32, #tpu.memory_space<hbm>>
      tpu.wait_indirect_dma semaphore(%arg19 : memref<!tpu.dma_semaphore, #tpu.memory_space<semaphore_mem>>) src(%dma_wait3A_410 : memref<20000x128xf32, #tpu.memory_space<hbm>>) dst(%arg9 : memref<48x128xf32, #tpu.memory_space<vmem>>)
      %dma_wait3A_411 = arith.constant 0 : i32
      %dma_wait3A_412 = arith.constant 0 : i32
      %dma_wait3A_413 = tpu.memref_slice %arg3[%dma_wait3A_411, %dma_wait3A_412] : memref<320000x128xf32, #tpu.memory_space<hbm>> -> memref<320000x128xf32, #tpu.memory_space<hbm>>
      tpu.wait_indirect_dma semaphore(%arg21 : memref<!tpu.dma_semaphore, #tpu.memory_space<semaphore_mem>>) src(%dma_wait3A_413 : memref<320000x128xf32, #tpu.memory_space<hbm>>) dst(%arg11 : memref<48x128xf32, #tpu.memory_space<vmem>>)
      %add3A_414 = arith.constant 1 : i32
      %add3A_415 = arith.addi %mul3A_407, %add3A_414 : i32
      %mul3A_416 = arith.constant 48 : i32
      %mul3A_417 = arith.muli %add3A_415, %mul3A_416 : i32
      %scan3A_418 = arith.constant 0 : i32
      %scan3A_419 = arith.constant 0 : i32
      %scan3A_420 = arith.constant 3 : i32
      %scan3A_421 = arith.addi %scan3A_419, %scan3A_420 : i32
      %scan3A_422 = arith.constant 1 : i32
      %scan3A_423 = scf.for %scan3A_491 = %scan3A_419 to %scan3A_421 step %scan3A_422 iter_args(%scan3A_492 = %scan3A_418) -> (i32)  : i32 {
        %mul3A_493 = arith.constant 16 : i32
        %mul3A_494 = arith.muli %scan3A_491, %mul3A_493 : i32
        %mul3A_495 = arith.constant 16 : i32
        %mul3A_496 = arith.muli %scan3A_491, %mul3A_495 : i32
        %add3A_497 = arith.addi %mul3A_417, %mul3A_496 : i32
        %get3A = arith.index_cast %add3A_497 : i32 to index
        %get3A_498 = tpu.vector_load %arg8[%get3A] {strides = array<i32>} : memref<10192xi32, #tpu.memory_space<vmem>>, vector<16xi32>,
        %and3A_499 = arith.constant 16383 : i32
        %and3A_500 = vector.broadcast %and3A_499 : i32 to vector<16xi32>
        %and3A_501 = arith.andi %get3A_498, %and3A_500 : vector<16xi32>
        %min3A = arith.constant 10000 : i32
        %min3A_502 = vector.broadcast %min3A : i32 to vector<16xi32>
        %min3A_503 = arith.minsi %and3A_501, %min3A_502 : vector<16xi32>
        %gather3A = tpu.vector_load_idx %arg7[%min3A_503] : memref<10016xi32, #tpu.memory_space<vmem>>[vector<16xi32>], vector<16xi32>,
        %swap3A_504 = arith.index_cast %mul3A_494 : i32 to index
        %swap3A_505 = tpu.vector_load %arg13[%swap3A_504] {strides = array<i32>} : memref<48xi32, #tpu.memory_space<vmem>>, vector<16xi32>,
        tpu.vector_store %arg13[%swap3A_504], %gather3A {strides = array<i32>} : memref<48xi32, #tpu.memory_space<vmem>>, vector<16xi32>,
        %mul3A_506 = arith.constant 160000 : i32
        %mul3A_507 = arith.muli %arg0, %mul3A_506 : i32
        %add3A_508 = arith.addi %mul3A_507, %mul3A_0 : i32
        %min3A_509 = arith.constant 9999 : i32
        %min3A_510 = vector.broadcast %min3A_509 : i32 to vector<16xi32>
        %min3A_511 = arith.minsi %min3A_503, %min3A_510 : vector<16xi32>
        %add3A_512 = vector.broadcast %add3A_508 : i32 to vector<16xi32>
        %add3A_513 = arith.addi %add3A_512, %min3A_511 : vector<16xi32>
        %swap3A_514 = arith.index_cast %mul3A_494 : i32 to index
        %swap3A_515 = tpu.vector_load %arg14[%swap3A_514] {strides = array<i32>} : memref<48xi32, #tpu.memory_space<vmem>>, vector<16xi32>,
        tpu.vector_store %arg14[%swap3A_514], %add3A_513 {strides = array<i32>} : memref<48xi32, #tpu.memory_space<vmem>>, vector<16xi32>,
        %scan3A_516 = arith.constant 0 : i32
        scf.yield %scan3A_516 : i32
      }
      %scan3A_424 = arith.constant 3 : i32
      %dma_start3A_425 = arith.constant 0 : i32
      %dma_start3A_426 = arith.constant 0 : i32
      %dma_start3A_427 = tpu.memref_slice %arg2[%dma_start3A_425, %dma_start3A_426] : memref<20000x128xf32, #tpu.memory_space<hbm>> -> memref<20000x128xf32, #tpu.memory_space<hbm>>
      tpu.enqueue_indirect_dma source(%dma_start3A_427 : memref<20000x128xf32, #tpu.memory_space<hbm>>) target(%arg10 : memref<48x128xf32, #tpu.memory_space<vmem>>) offsets(%arg13 : memref<48xi32, #tpu.memory_space<vmem>>) semaphore(%arg20 : memref<!tpu.dma_semaphore, #tpu.memory_space<semaphore_mem>>)
      %dma_start3A_428 = arith.constant 0 : i32
      %dma_start3A_429 = arith.constant 0 : i32
      %dma_start3A_430 = tpu.memref_slice %arg3[%dma_start3A_428, %dma_start3A_429] : memref<320000x128xf32, #tpu.memory_space<hbm>> -> memref<320000x128xf32, #tpu.memory_space<hbm>>
      tpu.enqueue_indirect_dma source(%dma_start3A_430 : memref<320000x128xf32, #tpu.memory_space<hbm>>) target(%arg12 : memref<48x128xf32, #tpu.memory_space<vmem>>) offsets(%arg14 : memref<48xi32, #tpu.memory_space<vmem>>) semaphore(%arg22 : memref<!tpu.dma_semaphore, #tpu.memory_space<semaphore_mem>>)
      %scan3A_431 = arith.constant 0 : i32
      %scan3A_432 = arith.constant 0 : i32
      %scan3A_433 = arith.constant 48 : i32
      %scan3A_434 = arith.addi %scan3A_432, %scan3A_433 : i32
      %scan3A_435 = arith.constant 1 : i32
      %scan3A_436 = scf.for %scan3A_491 = %scan3A_432 to %scan3A_434 step %scan3A_435 iter_args(%scan3A_492 = %scan3A_431) -> (i32)  : i32 {
        %get3A = arith.index_cast %scan3A_491 : i32 to index
        %get3A_493 = arith.constant 0 : index
        %get3A_494 = tpu.vector_load %arg9[%get3A, %get3A_493] {strides = array<i32>} : memref<48x128xf32, #tpu.memory_space<vmem>>, vector<16xf32>,
        %get3A_495 = arith.index_cast %scan3A_491 : i32 to index
        %get3A_496 = arith.constant 0 : index
        %get3A_497 = tpu.vector_load %arg11[%get3A_495, %get3A_496] {strides = array<i32>} : memref<48x128xf32, #tpu.memory_space<vmem>>, vector<16xf32>,
        %add3A_498 = arith.addf %get3A_494, %get3A_497 : vector<16xf32>
        %max3A = arith.constant 0.000000e+00 : f32
        %max3A_499 = vector.broadcast %max3A : f32 to vector<16xf32>
        %max3A_500 = arith.maximumf %add3A_498, %max3A_499 : vector<16xf32>
        %swap3A_501 = arith.index_cast %scan3A_491 : i32 to index
        %swap3A_502 = arith.constant 0 : index
        %swap3A_503 = tpu.vector_load %arg9[%swap3A_501, %swap3A_502] {strides = array<i32>} : memref<48x128xf32, #tpu.memory_space<vmem>>, vector<16xf32>,
        tpu.vector_store %arg9[%swap3A_501, %swap3A_502], %max3A_500 {strides = array<i32>} : memref<48x128xf32, #tpu.memory_space<vmem>>, vector<16xf32>,
        %get3A_504 = arith.index_cast %scan3A_491 : i32 to index
        %get3A_505 = arith.constant 16 : index
        %get3A_506 = tpu.vector_load %arg9[%get3A_504, %get3A_505] {strides = array<i32>} : memref<48x128xf32, #tpu.memory_space<vmem>>, vector<16xf32>,
        %get3A_507 = arith.index_cast %scan3A_491 : i32 to index
        %get3A_508 = arith.constant 16 : index
        %get3A_509 = tpu.vector_load %arg11[%get3A_507, %get3A_508] {strides = array<i32>} : memref<48x128xf32, #tpu.memory_space<vmem>>, vector<16xf32>,
        %add3A_510 = arith.addf %get3A_506, %get3A_509 : vector<16xf32>
        %max3A_511 = arith.constant 0.000000e+00 : f32
        %max3A_512 = vector.broadcast %max3A_511 : f32 to vector<16xf32>
        %max3A_513 = arith.maximumf %add3A_510, %max3A_512 : vector<16xf32>
        %swap3A_514 = arith.index_cast %scan3A_491 : i32 to index
        %swap3A_515 = arith.constant 16 : index
        %swap3A_516 = tpu.vector_load %arg9[%swap3A_514, %swap3A_515] {strides = array<i32>} : memref<48x128xf32, #tpu.memory_space<vmem>>, vector<16xf32>,
        tpu.vector_store %arg9[%swap3A_514, %swap3A_515], %max3A_513 {strides = array<i32>} : memref<48x128xf32, #tpu.memory_space<vmem>>, vector<16xf32>,
        %get3A_517 = arith.index_cast %scan3A_491 : i32 to index
        %get3A_518 = arith.constant 32 : index
        %get3A_519 = tpu.vector_load %arg9[%get3A_517, %get3A_518] {strides = array<i32>} : memref<48x128xf32, #tpu.memory_space<vmem>>, vector<16xf32>,
        %get3A_520 = arith.index_cast %scan3A_491 : i32 to index
        %get3A_521 = arith.constant 32 : index
        %get3A_522 = tpu.vector_load %arg11[%get3A_520, %get3A_521] {strides = array<i32>} : memref<48x128xf32, #tpu.memory_space<vmem>>, vector<16xf32>,
        %add3A_523 = arith.addf %get3A_519, %get3A_522 : vector<16xf32>
        %max3A_524 = arith.constant 0.000000e+00 : f32
        %max3A_525 = vector.broadcast %max3A_524 : f32 to vector<16xf32>
        %max3A_526 = arith.maximumf %add3A_523, %max3A_525 : vector<16xf32>
        %swap3A_527 = arith.index_cast %scan3A_491 : i32 to index
        %swap3A_528 = arith.constant 32 : index
        %swap3A_529 = tpu.vector_load %arg9[%swap3A_527, %swap3A_528] {strides = array<i32>} : memref<48x128xf32, #tpu.memory_space<vmem>>, vector<16xf32>,
        tpu.vector_store %arg9[%swap3A_527, %swap3A_528], %max3A_526 {strides = array<i32>} : memref<48x128xf32, #tpu.memory_space<vmem>>, vector<16xf32>,
        %get3A_530 = arith.index_cast %scan3A_491 : i32 to index
        %get3A_531 = arith.constant 48 : index
        %get3A_532 = tpu.vector_load %arg9[%get3A_530, %get3A_531] {strides = array<i32>} : memref<48x128xf32, #tpu.memory_space<vmem>>, vector<16xf32>,
        %get3A_533 = arith.index_cast %scan3A_491 : i32 to index
        %get3A_534 = arith.constant 48 : index
        %get3A_535 = tpu.vector_load %arg11[%get3A_533, %get3A_534] {strides = array<i32>} : memref<48x128xf32, #tpu.memory_space<vmem>>, vector<16xf32>,
        %add3A_536 = arith.addf %get3A_532, %get3A_535 : vector<16xf32>
        %max3A_537 = arith.constant 0.000000e+00 : f32
        %max3A_538 = vector.broadcast %max3A_537 : f32 to vector<16xf32>
        %max3A_539 = arith.maximumf %add3A_536, %max3A_538 : vector<16xf32>
        %swap3A_540 = arith.index_cast %scan3A_491 : i32 to index
        %swap3A_541 = arith.constant 48 : index
        %swap3A_542 = tpu.vector_load %arg9[%swap3A_540, %swap3A_541] {strides = array<i32>} : memref<48x128xf32, #tpu.memory_space<vmem>>, vector<16xf32>,
        tpu.vector_store %arg9[%swap3A_540, %swap3A_541], %max3A_539 {strides = array<i32>} : memref<48x128xf32, #tpu.memory_space<vmem>>, vector<16xf32>,
        %get3A_543 = arith.index_cast %scan3A_491 : i32 to index
        %get3A_544 = arith.constant 64 : index
        %get3A_545 = tpu.vector_load %arg9[%get3A_543, %get3A_544] {strides = array<i32>} : memref<48x128xf32, #tpu.memory_space<vmem>>, vector<16xf32>,
        %get3A_546 = arith.index_cast %scan3A_491 : i32 to index
        %get3A_547 = arith.constant 64 : index
        %get3A_548 = tpu.vector_load %arg11[%get3A_546, %get3A_547] {strides = array<i32>} : memref<48x128xf32, #tpu.memory_space<vmem>>, vector<16xf32>,
        %add3A_549 = arith.addf %get3A_545, %get3A_548 : vector<16xf32>
        %max3A_550 = arith.constant 0.000000e+00 : f32
        %max3A_551 = vector.broadcast %max3A_550 : f32 to vector<16xf32>
        %max3A_552 = arith.maximumf %add3A_549, %max3A_551 : vector<16xf32>
        %swap3A_553 = arith.index_cast %scan3A_491 : i32 to index
        %swap3A_554 = arith.constant 64 : index
        %swap3A_555 = tpu.vector_load %arg9[%swap3A_553, %swap3A_554] {strides = array<i32>} : memref<48x128xf32, #tpu.memory_space<vmem>>, vector<16xf32>,
        tpu.vector_store %arg9[%swap3A_553, %swap3A_554], %max3A_552 {strides = array<i32>} : memref<48x128xf32, #tpu.memory_space<vmem>>, vector<16xf32>,
        %get3A_556 = arith.index_cast %scan3A_491 : i32 to index
        %get3A_557 = arith.constant 80 : index
        %get3A_558 = tpu.vector_load %arg9[%get3A_556, %get3A_557] {strides = array<i32>} : memref<48x128xf32, #tpu.memory_space<vmem>>, vector<16xf32>,
        %get3A_559 = arith.index_cast %scan3A_491 : i32 to index
        %get3A_560 = arith.constant 80 : index
        %get3A_561 = tpu.vector_load %arg11[%get3A_559, %get3A_560] {strides = array<i32>} : memref<48x128xf32, #tpu.memory_space<vmem>>, vector<16xf32>,
        %add3A_562 = arith.addf %get3A_558, %get3A_561 : vector<16xf32>
        %max3A_563 = arith.constant 0.000000e+00 : f32
        %max3A_564 = vector.broadcast %max3A_563 : f32 to vector<16xf32>
        %max3A_565 = arith.maximumf %add3A_562, %max3A_564 : vector<16xf32>
        %swap3A_566 = arith.index_cast %scan3A_491 : i32 to index
        %swap3A_567 = arith.constant 80 : index
        %swap3A_568 = tpu.vector_load %arg9[%swap3A_566, %swap3A_567] {strides = array<i32>} : memref<48x128xf32, #tpu.memory_space<vmem>>, vector<16xf32>,
        tpu.vector_store %arg9[%swap3A_566, %swap3A_567], %max3A_565 {strides = array<i32>} : memref<48x128xf32, #tpu.memory_space<vmem>>, vector<16xf32>,
        %get3A_569 = arith.index_cast %scan3A_491 : i32 to index
        %get3A_570 = arith.constant 96 : index
        %get3A_571 = tpu.vector_load %arg9[%get3A_569, %get3A_570] {strides = array<i32>} : memref<48x128xf32, #tpu.memory_space<vmem>>, vector<16xf32>,
        %get3A_572 = arith.index_cast %scan3A_491 : i32 to index
        %get3A_573 = arith.constant 96 : index
        %get3A_574 = tpu.vector_load %arg11[%get3A_572, %get3A_573] {strides = array<i32>} : memref<48x128xf32, #tpu.memory_space<vmem>>, vector<16xf32>,
        %add3A_575 = arith.addf %get3A_571, %get3A_574 : vector<16xf32>
        %max3A_576 = arith.constant 0.000000e+00 : f32
        %max3A_577 = vector.broadcast %max3A_576 : f32 to vector<16xf32>
        %max3A_578 = arith.maximumf %add3A_575, %max3A_577 : vector<16xf32>
        %swap3A_579 = arith.index_cast %scan3A_491 : i32 to index
        %swap3A_580 = arith.constant 96 : index
        %swap3A_581 = tpu.vector_load %arg9[%swap3A_579, %swap3A_580] {strides = array<i32>} : memref<48x128xf32, #tpu.memory_space<vmem>>, vector<16xf32>,
        tpu.vector_store %arg9[%swap3A_579, %swap3A_580], %max3A_578 {strides = array<i32>} : memref<48x128xf32, #tpu.memory_space<vmem>>, vector<16xf32>,
        %get3A_582 = arith.index_cast %scan3A_491 : i32 to index
        %get3A_583 = arith.constant 112 : index
        %get3A_584 = tpu.vector_load %arg9[%get3A_582, %get3A_583] {strides = array<i32>} : memref<48x128xf32, #tpu.memory_space<vmem>>, vector<16xf32>,
        %get3A_585 = arith.index_cast %scan3A_491 : i32 to index
        %get3A_586 = arith.constant 112 : index
        %get3A_587 = tpu.vector_load %arg11[%get3A_585, %get3A_586] {strides = array<i32>} : memref<48x128xf32, #tpu.memory_space<vmem>>, vector<16xf32>,
        %add3A_588 = arith.addf %get3A_584, %get3A_587 : vector<16xf32>
        %max3A_589 = arith.constant 0.000000e+00 : f32
        %max3A_590 = vector.broadcast %max3A_589 : f32 to vector<16xf32>
        %max3A_591 = arith.maximumf %add3A_588, %max3A_590 : vector<16xf32>
        %swap3A_592 = arith.index_cast %scan3A_491 : i32 to index
        %swap3A_593 = arith.constant 112 : index
        %swap3A_594 = tpu.vector_load %arg9[%swap3A_592, %swap3A_593] {strides = array<i32>} : memref<48x128xf32, #tpu.memory_space<vmem>>, vector<16xf32>,
        tpu.vector_store %arg9[%swap3A_592, %swap3A_593], %max3A_591 {strides = array<i32>} : memref<48x128xf32, #tpu.memory_space<vmem>>, vector<16xf32>,
        %scan3A_595 = arith.constant 0 : i32
        scf.yield %scan3A_595 : i32
      }
      %scan3A_437 = arith.constant 48 : i32
      %mul3A_438 = arith.constant 48 : i32
      %mul3A_439 = arith.muli %mul3A_407, %mul3A_438 : i32
      %scan3A_440 = arith.constant 0 : i32
      %scan3A_441 = arith.constant 0 : i32
      %scan3A_442 = arith.constant 3 : i32
      %scan3A_443 = arith.addi %scan3A_441, %scan3A_442 : i32
      %scan3A_444 = arith.constant 1 : i32
      %scan3A_445 = scf.for %scan3A_491 = %scan3A_441 to %scan3A_443 step %scan3A_444 iter_args(%scan3A_492 = %scan3A_440) -> (i32)  : i32 {
        %mul3A_493 = arith.constant 16 : i32
        %mul3A_494 = arith.muli %scan3A_491, %mul3A_493 : i32
        %mul3A_495 = arith.constant 16 : i32
        %mul3A_496 = arith.muli %scan3A_491, %mul3A_495 : i32
        %add3A_497 = arith.addi %mul3A_439, %mul3A_496 : i32
        %get3A = arith.index_cast %add3A_497 : i32 to index
        %get3A_498 = tpu.vector_load %arg8[%get3A] {strides = array<i32>} : memref<10192xi32, #tpu.memory_space<vmem>>, vector<16xi32>,
        %shift_right_arithmetic3A = arith.constant 14 : i32
        %shift_right_arithmetic3A_499 = vector.broadcast %shift_right_arithmetic3A : i32 to vector<16xi32>
        %shift_right_arithmetic3A_500 = arith.shrsi %get3A_498, %shift_right_arithmetic3A_499 : vector<16xi32>
        %min3A = arith.constant 5127 : i32
        %min3A_501 = vector.broadcast %min3A : i32 to vector<16xi32>
        %min3A_502 = arith.minsi %shift_right_arithmetic3A_500, %min3A_501 : vector<16xi32>
        %swap3A_503 = arith.index_cast %mul3A_494 : i32 to index
        %swap3A_504 = tpu.vector_load %arg15[%swap3A_503] {strides = array<i32>} : memref<48xi32, #tpu.memory_space<vmem>>, vector<16xi32>,
        tpu.vector_store %arg15[%swap3A_503], %min3A_502 {strides = array<i32>} : memref<48xi32, #tpu.memory_space<vmem>>, vector<16xi32>,
        %scan3A_505 = arith.constant 0 : i32
        scf.yield %scan3A_505 : i32
      }
      %scan3A_446 = arith.constant 3 : i32
      "tpu.region"() ({
        %run_scoped3A = tpu.sem_alloc : memref<!tpu.dma_semaphore, #tpu.memory_space<semaphore_mem>>
        %dma_start3A_491 = arith.constant 0 : i32
        %dma_start3A_492 = arith.constant 0 : i32
        %dma_start3A_493 = tpu.memref_slice %arg18[%dma_start3A_491, %dma_start3A_492] : memref<5128x128xf32, #tpu.memory_space<vmem_shared>> -> memref<5128x128xf32, #tpu.memory_space<vmem_shared>>
        tpu.enqueue_indirect_dma source(%arg9 : memref<48x128xf32, #tpu.memory_space<vmem>>) target(%dma_start3A_493 : memref<5128x128xf32, #tpu.memory_space<vmem_shared>>) offsets(%arg15 : memref<48xi32, #tpu.memory_space<vmem>>) semaphore(%run_scoped3A : memref<!tpu.dma_semaphore, #tpu.memory_space<semaphore_mem>>) {add = true}
        %dma_wait3A_494 = arith.constant 0 : i32
        %dma_wait3A_495 = arith.constant 0 : i32
        %dma_wait3A_496 = tpu.memref_slice %arg18[%dma_wait3A_494, %dma_wait3A_495] : memref<5128x128xf32, #tpu.memory_space<vmem_shared>> -> memref<5128x128xf32, #tpu.memory_space<vmem_shared>>
        tpu.wait_indirect_dma semaphore(%run_scoped3A : memref<!tpu.dma_semaphore, #tpu.memory_space<semaphore_mem>>) src(%arg9 : memref<48x128xf32, #tpu.memory_space<vmem>>) dst(%dma_wait3A_496 : memref<5128x128xf32, #tpu.memory_space<vmem_shared>>)
        tpu.yield
      }) : () -> ()
      %mul3A_447 = arith.constant 2 : i32
      %mul3A_448 = arith.muli %mul3A_447, %while3A_404 : i32
      %add3A_449 = arith.constant 1 : i32
      %add3A_450 = arith.addi %mul3A_448, %add3A_449 : i32
      %dma_wait3A_451 = arith.constant 0 : i32
      %dma_wait3A_452 = arith.constant 0 : i32
      %dma_wait3A_453 = tpu.memref_slice %arg2[%dma_wait3A_451, %dma_wait3A_452] : memref<20000x128xf32, #tpu.memory_space<hbm>> -> memref<20000x128xf32, #tpu.memory_space<hbm>>
      tpu.wait_indirect_dma semaphore(%arg20 : memref<!tpu.dma_semaphore, #tpu.memory_space<semaphore_mem>>) src(%dma_wait3A_453 : memref<20000x128xf32, #tpu.memory_space<hbm>>) dst(%arg10 : memref<48x128xf32, #tpu.memory_space<vmem>>)
      %dma_wait3A_454 = arith.constant 0 : i32
      %dma_wait3A_455 = arith.constant 0 : i32
      %dma_wait3A_456 = tpu.memref_slice %arg3[%dma_wait3A_454, %dma_wait3A_455] : memref<320000x128xf32, #tpu.memory_space<hbm>> -> memref<320000x128xf32, #tpu.memory_space<hbm>>
      tpu.wait_indirect_dma semaphore(%arg22 : memref<!tpu.dma_semaphore, #tpu.memory_space<semaphore_mem>>) src(%dma_wait3A_456 : memref<320000x128xf32, #tpu.memory_space<hbm>>) dst(%arg12 : memref<48x128xf32, #tpu.memory_space<vmem>>)
      %add3A_457 = arith.constant 1 : i32
      %add3A_458 = arith.addi %add3A_450, %add3A_457 : i32
      %mul3A_459 = arith.constant 48 : i32
      %mul3A_460 = arith.muli %add3A_458, %mul3A_459 : i32
      %scan3A_461 = arith.constant 0 : i32
      %scan3A_462 = arith.constant 0 : i32
      %scan3A_463 = arith.constant 3 : i32
      %scan3A_464 = arith.addi %scan3A_462, %scan3A_463 : i32
      %scan3A_465 = arith.constant 1 : i32
      %scan3A_466 = scf.for %scan3A_491 = %scan3A_462 to %scan3A_464 step %scan3A_465 iter_args(%scan3A_492 = %scan3A_461) -> (i32)  : i32 {
        %mul3A_493 = arith.constant 16 : i32
        %mul3A_494 = arith.muli %scan3A_491, %mul3A_493 : i32
        %mul3A_495 = arith.constant 16 : i32
        %mul3A_496 = arith.muli %scan3A_491, %mul3A_495 : i32
        %add3A_497 = arith.addi %mul3A_460, %mul3A_496 : i32
        %get3A = arith.index_cast %add3A_497 : i32 to index
        %get3A_498 = tpu.vector_load %arg8[%get3A] {strides = array<i32>} : memref<10192xi32, #tpu.memory_space<vmem>>, vector<16xi32>,
        %and3A_499 = arith.constant 16383 : i32
        %and3A_500 = vector.broadcast %and3A_499 : i32 to vector<16xi32>
        %and3A_501 = arith.andi %get3A_498, %and3A_500 : vector<16xi32>
        %min3A = arith.constant 10000 : i32
        %min3A_502 = vector.broadcast %min3A : i32 to vector<16xi32>
        %min3A_503 = arith.minsi %and3A_501, %min3A_502 : vector<16xi32>
        %gather3A = tpu.vector_load_idx %arg7[%min3A_503] : memref<10016xi32, #tpu.memory_space<vmem>>[vector<16xi32>], vector<16xi32>,
        %swap3A_504 = arith.index_cast %mul3A_494 : i32 to index
        %swap3A_505 = tpu.vector_load %arg13[%swap3A_504] {strides = array<i32>} : memref<48xi32, #tpu.memory_space<vmem>>, vector<16xi32>,
        tpu.vector_store %arg13[%swap3A_504], %gather3A {strides = array<i32>} : memref<48xi32, #tpu.memory_space<vmem>>, vector<16xi32>,
        %mul3A_506 = arith.constant 160000 : i32
        %mul3A_507 = arith.muli %arg0, %mul3A_506 : i32
        %add3A_508 = arith.addi %mul3A_507, %mul3A_0 : i32
        %min3A_509 = arith.constant 9999 : i32
        %min3A_510 = vector.broadcast %min3A_509 : i32 to vector<16xi32>
        %min3A_511 = arith.minsi %min3A_503, %min3A_510 : vector<16xi32>
        %add3A_512 = vector.broadcast %add3A_508 : i32 to vector<16xi32>
        %add3A_513 = arith.addi %add3A_512, %min3A_511 : vector<16xi32>
        %swap3A_514 = arith.index_cast %mul3A_494 : i32 to index
        %swap3A_515 = tpu.vector_load %arg14[%swap3A_514] {strides = array<i32>} : memref<48xi32, #tpu.memory_space<vmem>>, vector<16xi32>,
        tpu.vector_store %arg14[%swap3A_514], %add3A_513 {strides = array<i32>} : memref<48xi32, #tpu.memory_space<vmem>>, vector<16xi32>,
        %scan3A_516 = arith.constant 0 : i32
        scf.yield %scan3A_516 : i32
      }
      %scan3A_467 = arith.constant 3 : i32
      %dma_start3A_468 = arith.constant 0 : i32
      %dma_start3A_469 = arith.constant 0 : i32
      %dma_start3A_470 = tpu.memref_slice %arg2[%dma_start3A_468, %dma_start3A_469] : memref<20000x128xf32, #tpu.memory_space<hbm>> -> memref<20000x128xf32, #tpu.memory_space<hbm>>
      tpu.enqueue_indirect_dma source(%dma_start3A_470 : memref<20000x128xf32, #tpu.memory_space<hbm>>) target(%arg9 : memref<48x128xf32, #tpu.memory_space<vmem>>) offsets(%arg13 : memref<48xi32, #tpu.memory_space<vmem>>) semaphore(%arg19 : memref<!tpu.dma_semaphore, #tpu.memory_space<semaphore_mem>>)
      %dma_start3A_471 = arith.constant 0 : i32
      %dma_start3A_472 = arith.constant 0 : i32
      %dma_start3A_473 = tpu.memref_slice %arg3[%dma_start3A_471, %dma_start3A_472] : memref<320000x128xf32, #tpu.memory_space<hbm>> -> memref<320000x128xf32, #tpu.memory_space<hbm>>
      tpu.enqueue_indirect_dma source(%dma_start3A_473 : memref<320000x128xf32, #tpu.memory_space<hbm>>) target(%arg11 : memref<48x128xf32, #tpu.memory_space<vmem>>) offsets(%arg14 : memref<48xi32, #tpu.memory_space<vmem>>) semaphore(%arg21 : memref<!tpu.dma_semaphore, #tpu.memory_space<semaphore_mem>>)
      %scan3A_474 = arith.constant 0 : i32
      %scan3A_475 = arith.constant 0 : i32
      %scan3A_476 = arith.constant 48 : i32
      %scan3A_477 = arith.addi %scan3A_475, %scan3A_476 : i32
      %scan3A_478 = arith.constant 1 : i32
      %scan3A_479 = scf.for %scan3A_491 = %scan3A_475 to %scan3A_477 step %scan3A_478 iter_args(%scan3A_492 = %scan3A_474) -> (i32)  : i32 {
        %get3A = arith.index_cast %scan3A_491 : i32 to index
        %get3A_493 = arith.constant 0 : index
        %get3A_494 = tpu.vector_load %arg10[%get3A, %get3A_493] {strides = array<i32>} : memref<48x128xf32, #tpu.memory_space<vmem>>, vector<16xf32>,
        %get3A_495 = arith.index_cast %scan3A_491 : i32 to index
        %get3A_496 = arith.constant 0 : index
        %get3A_497 = tpu.vector_load %arg12[%get3A_495, %get3A_496] {strides = array<i32>} : memref<48x128xf32, #tpu.memory_space<vmem>>, vector<16xf32>,
        %add3A_498 = arith.addf %get3A_494, %get3A_497 : vector<16xf32>
        %max3A = arith.constant 0.000000e+00 : f32
        %max3A_499 = vector.broadcast %max3A : f32 to vector<16xf32>
        %max3A_500 = arith.maximumf %add3A_498, %max3A_499 : vector<16xf32>
        %swap3A_501 = arith.index_cast %scan3A_491 : i32 to index
        %swap3A_502 = arith.constant 0 : index
        %swap3A_503 = tpu.vector_load %arg10[%swap3A_501, %swap3A_502] {strides = array<i32>} : memref<48x128xf32, #tpu.memory_space<vmem>>, vector<16xf32>,
        tpu.vector_store %arg10[%swap3A_501, %swap3A_502], %max3A_500 {strides = array<i32>} : memref<48x128xf32, #tpu.memory_space<vmem>>, vector<16xf32>,
        %get3A_504 = arith.index_cast %scan3A_491 : i32 to index
        %get3A_505 = arith.constant 16 : index
        %get3A_506 = tpu.vector_load %arg10[%get3A_504, %get3A_505] {strides = array<i32>} : memref<48x128xf32, #tpu.memory_space<vmem>>, vector<16xf32>,
        %get3A_507 = arith.index_cast %scan3A_491 : i32 to index
        %get3A_508 = arith.constant 16 : index
        %get3A_509 = tpu.vector_load %arg12[%get3A_507, %get3A_508] {strides = array<i32>} : memref<48x128xf32, #tpu.memory_space<vmem>>, vector<16xf32>,
        %add3A_510 = arith.addf %get3A_506, %get3A_509 : vector<16xf32>
        %max3A_511 = arith.constant 0.000000e+00 : f32
        %max3A_512 = vector.broadcast %max3A_511 : f32 to vector<16xf32>
        %max3A_513 = arith.maximumf %add3A_510, %max3A_512 : vector<16xf32>
        %swap3A_514 = arith.index_cast %scan3A_491 : i32 to index
        %swap3A_515 = arith.constant 16 : index
        %swap3A_516 = tpu.vector_load %arg10[%swap3A_514, %swap3A_515] {strides = array<i32>} : memref<48x128xf32, #tpu.memory_space<vmem>>, vector<16xf32>,
        tpu.vector_store %arg10[%swap3A_514, %swap3A_515], %max3A_513 {strides = array<i32>} : memref<48x128xf32, #tpu.memory_space<vmem>>, vector<16xf32>,
        %get3A_517 = arith.index_cast %scan3A_491 : i32 to index
        %get3A_518 = arith.constant 32 : index
        %get3A_519 = tpu.vector_load %arg10[%get3A_517, %get3A_518] {strides = array<i32>} : memref<48x128xf32, #tpu.memory_space<vmem>>, vector<16xf32>,
        %get3A_520 = arith.index_cast %scan3A_491 : i32 to index
        %get3A_521 = arith.constant 32 : index
        %get3A_522 = tpu.vector_load %arg12[%get3A_520, %get3A_521] {strides = array<i32>} : memref<48x128xf32, #tpu.memory_space<vmem>>, vector<16xf32>,
        %add3A_523 = arith.addf %get3A_519, %get3A_522 : vector<16xf32>
        %max3A_524 = arith.constant 0.000000e+00 : f32
        %max3A_525 = vector.broadcast %max3A_524 : f32 to vector<16xf32>
        %max3A_526 = arith.maximumf %add3A_523, %max3A_525 : vector<16xf32>
        %swap3A_527 = arith.index_cast %scan3A_491 : i32 to index
        %swap3A_528 = arith.constant 32 : index
        %swap3A_529 = tpu.vector_load %arg10[%swap3A_527, %swap3A_528] {strides = array<i32>} : memref<48x128xf32, #tpu.memory_space<vmem>>, vector<16xf32>,
        tpu.vector_store %arg10[%swap3A_527, %swap3A_528], %max3A_526 {strides = array<i32>} : memref<48x128xf32, #tpu.memory_space<vmem>>, vector<16xf32>,
        %get3A_530 = arith.index_cast %scan3A_491 : i32 to index
        %get3A_531 = arith.constant 48 : index
        %get3A_532 = tpu.vector_load %arg10[%get3A_530, %get3A_531] {strides = array<i32>} : memref<48x128xf32, #tpu.memory_space<vmem>>, vector<16xf32>,
        %get3A_533 = arith.index_cast %scan3A_491 : i32 to index
        %get3A_534 = arith.constant 48 : index
        %get3A_535 = tpu.vector_load %arg12[%get3A_533, %get3A_534] {strides = array<i32>} : memref<48x128xf32, #tpu.memory_space<vmem>>, vector<16xf32>,
        %add3A_536 = arith.addf %get3A_532, %get3A_535 : vector<16xf32>
        %max3A_537 = arith.constant 0.000000e+00 : f32
        %max3A_538 = vector.broadcast %max3A_537 : f32 to vector<16xf32>
        %max3A_539 = arith.maximumf %add3A_536, %max3A_538 : vector<16xf32>
        %swap3A_540 = arith.index_cast %scan3A_491 : i32 to index
        %swap3A_541 = arith.constant 48 : index
        %swap3A_542 = tpu.vector_load %arg10[%swap3A_540, %swap3A_541] {strides = array<i32>} : memref<48x128xf32, #tpu.memory_space<vmem>>, vector<16xf32>,
        tpu.vector_store %arg10[%swap3A_540, %swap3A_541], %max3A_539 {strides = array<i32>} : memref<48x128xf32, #tpu.memory_space<vmem>>, vector<16xf32>,
        %get3A_543 = arith.index_cast %scan3A_491 : i32 to index
        %get3A_544 = arith.constant 64 : index
        %get3A_545 = tpu.vector_load %arg10[%get3A_543, %get3A_544] {strides = array<i32>} : memref<48x128xf32, #tpu.memory_space<vmem>>, vector<16xf32>,
        %get3A_546 = arith.index_cast %scan3A_491 : i32 to index
        %get3A_547 = arith.constant 64 : index
        %get3A_548 = tpu.vector_load %arg12[%get3A_546, %get3A_547] {strides = array<i32>} : memref<48x128xf32, #tpu.memory_space<vmem>>, vector<16xf32>,
        %add3A_549 = arith.addf %get3A_545, %get3A_548 : vector<16xf32>
        %max3A_550 = arith.constant 0.000000e+00 : f32
        %max3A_551 = vector.broadcast %max3A_550 : f32 to vector<16xf32>
        %max3A_552 = arith.maximumf %add3A_549, %max3A_551 : vector<16xf32>
        %swap3A_553 = arith.index_cast %scan3A_491 : i32 to index
        %swap3A_554 = arith.constant 64 : index
        %swap3A_555 = tpu.vector_load %arg10[%swap3A_553, %swap3A_554] {strides = array<i32>} : memref<48x128xf32, #tpu.memory_space<vmem>>, vector<16xf32>,
        tpu.vector_store %arg10[%swap3A_553, %swap3A_554], %max3A_552 {strides = array<i32>} : memref<48x128xf32, #tpu.memory_space<vmem>>, vector<16xf32>,
        %get3A_556 = arith.index_cast %scan3A_491 : i32 to index
        %get3A_557 = arith.constant 80 : index
        %get3A_558 = tpu.vector_load %arg10[%get3A_556, %get3A_557] {strides = array<i32>} : memref<48x128xf32, #tpu.memory_space<vmem>>, vector<16xf32>,
        %get3A_559 = arith.index_cast %scan3A_491 : i32 to index
        %get3A_560 = arith.constant 80 : index
        %get3A_561 = tpu.vector_load %arg12[%get3A_559, %get3A_560] {strides = array<i32>} : memref<48x128xf32, #tpu.memory_space<vmem>>, vector<16xf32>,
        %add3A_562 = arith.addf %get3A_558, %get3A_561 : vector<16xf32>
        %max3A_563 = arith.constant 0.000000e+00 : f32
        %max3A_564 = vector.broadcast %max3A_563 : f32 to vector<16xf32>
        %max3A_565 = arith.maximumf %add3A_562, %max3A_564 : vector<16xf32>
        %swap3A_566 = arith.index_cast %scan3A_491 : i32 to index
        %swap3A_567 = arith.constant 80 : index
        %swap3A_568 = tpu.vector_load %arg10[%swap3A_566, %swap3A_567] {strides = array<i32>} : memref<48x128xf32, #tpu.memory_space<vmem>>, vector<16xf32>,
        tpu.vector_store %arg10[%swap3A_566, %swap3A_567], %max3A_565 {strides = array<i32>} : memref<48x128xf32, #tpu.memory_space<vmem>>, vector<16xf32>,
        %get3A_569 = arith.index_cast %scan3A_491 : i32 to index
        %get3A_570 = arith.constant 96 : index
        %get3A_571 = tpu.vector_load %arg10[%get3A_569, %get3A_570] {strides = array<i32>} : memref<48x128xf32, #tpu.memory_space<vmem>>, vector<16xf32>,
        %get3A_572 = arith.index_cast %scan3A_491 : i32 to index
        %get3A_573 = arith.constant 96 : index
        %get3A_574 = tpu.vector_load %arg12[%get3A_572, %get3A_573] {strides = array<i32>} : memref<48x128xf32, #tpu.memory_space<vmem>>, vector<16xf32>,
        %add3A_575 = arith.addf %get3A_571, %get3A_574 : vector<16xf32>
        %max3A_576 = arith.constant 0.000000e+00 : f32
        %max3A_577 = vector.broadcast %max3A_576 : f32 to vector<16xf32>
        %max3A_578 = arith.maximumf %add3A_575, %max3A_577 : vector<16xf32>
        %swap3A_579 = arith.index_cast %scan3A_491 : i32 to index
        %swap3A_580 = arith.constant 96 : index
        %swap3A_581 = tpu.vector_load %arg10[%swap3A_579, %swap3A_580] {strides = array<i32>} : memref<48x128xf32, #tpu.memory_space<vmem>>, vector<16xf32>,
        tpu.vector_store %arg10[%swap3A_579, %swap3A_580], %max3A_578 {strides = array<i32>} : memref<48x128xf32, #tpu.memory_space<vmem>>, vector<16xf32>,
        %get3A_582 = arith.index_cast %scan3A_491 : i32 to index
        %get3A_583 = arith.constant 112 : index
        %get3A_584 = tpu.vector_load %arg10[%get3A_582, %get3A_583] {strides = array<i32>} : memref<48x128xf32, #tpu.memory_space<vmem>>, vector<16xf32>,
        %get3A_585 = arith.index_cast %scan3A_491 : i32 to index
        %get3A_586 = arith.constant 112 : index
        %get3A_587 = tpu.vector_load %arg12[%get3A_585, %get3A_586] {strides = array<i32>} : memref<48x128xf32, #tpu.memory_space<vmem>>, vector<16xf32>,
        %add3A_588 = arith.addf %get3A_584, %get3A_587 : vector<16xf32>
        %max3A_589 = arith.constant 0.000000e+00 : f32
        %max3A_590 = vector.broadcast %max3A_589 : f32 to vector<16xf32>
        %max3A_591 = arith.maximumf %add3A_588, %max3A_590 : vector<16xf32>
        %swap3A_592 = arith.index_cast %scan3A_491 : i32 to index
        %swap3A_593 = arith.constant 112 : index
        %swap3A_594 = tpu.vector_load %arg10[%swap3A_592, %swap3A_593] {strides = array<i32>} : memref<48x128xf32, #tpu.memory_space<vmem>>, vector<16xf32>,
        tpu.vector_store %arg10[%swap3A_592, %swap3A_593], %max3A_591 {strides = array<i32>} : memref<48x128xf32, #tpu.memory_space<vmem>>, vector<16xf32>,
        %scan3A_595 = arith.constant 0 : i32
        scf.yield %scan3A_595 : i32
      }
      %scan3A_480 = arith.constant 48 : i32
      %mul3A_481 = arith.constant 48 : i32
      %mul3A_482 = arith.muli %add3A_450, %mul3A_481 : i32
      %scan3A_483 = arith.constant 0 : i32
      %scan3A_484 = arith.constant 0 : i32
      %scan3A_485 = arith.constant 3 : i32
      %scan3A_486 = arith.addi %scan3A_484, %scan3A_485 : i32
      %scan3A_487 = arith.constant 1 : i32
      %scan3A_488 = scf.for %scan3A_491 = %scan3A_484 to %scan3A_486 step %scan3A_487 iter_args(%scan3A_492 = %scan3A_483) -> (i32)  : i32 {
        %mul3A_493 = arith.constant 16 : i32
        %mul3A_494 = arith.muli %scan3A_491, %mul3A_493 : i32
        %mul3A_495 = arith.constant 16 : i32
        %mul3A_496 = arith.muli %scan3A_491, %mul3A_495 : i32
        %add3A_497 = arith.addi %mul3A_482, %mul3A_496 : i32
        %get3A = arith.index_cast %add3A_497 : i32 to index
        %get3A_498 = tpu.vector_load %arg8[%get3A] {strides = array<i32>} : memref<10192xi32, #tpu.memory_space<vmem>>, vector<16xi32>,
        %shift_right_arithmetic3A = arith.constant 14 : i32
        %shift_right_arithmetic3A_499 = vector.broadcast %shift_right_arithmetic3A : i32 to vector<16xi32>
        %shift_right_arithmetic3A_500 = arith.shrsi %get3A_498, %shift_right_arithmetic3A_499 : vector<16xi32>
        %min3A = arith.constant 5127 : i32
        %min3A_501 = vector.broadcast %min3A : i32 to vector<16xi32>
        %min3A_502 = arith.minsi %shift_right_arithmetic3A_500, %min3A_501 : vector<16xi32>
        %swap3A_503 = arith.index_cast %mul3A_494 : i32 to index
        %swap3A_504 = tpu.vector_load %arg15[%swap3A_503] {strides = array<i32>} : memref<48xi32, #tpu.memory_space<vmem>>, vector<16xi32>,
        tpu.vector_store %arg15[%swap3A_503], %min3A_502 {strides = array<i32>} : memref<48xi32, #tpu.memory_space<vmem>>, vector<16xi32>,
        %scan3A_505 = arith.constant 0 : i32
        scf.yield %scan3A_505 : i32
      }
      %scan3A_489 = arith.constant 3 : i32
      "tpu.region"() ({
        %run_scoped3A = tpu.sem_alloc : memref<!tpu.dma_semaphore, #tpu.memory_space<semaphore_mem>>
        %dma_start3A_491 = arith.constant 0 : i32
        %dma_start3A_492 = arith.constant 0 : i32
        %dma_start3A_493 = tpu.memref_slice %arg18[%dma_start3A_491, %dma_start3A_492] : memref<5128x128xf32, #tpu.memory_space<vmem_shared>> -> memref<5128x128xf32, #tpu.memory_space<vmem_shared>>
        tpu.enqueue_indirect_dma source(%arg10 : memref<48x128xf32, #tpu.memory_space<vmem>>) target(%dma_start3A_493 : memref<5128x128xf32, #tpu.memory_space<vmem_shared>>) offsets(%arg15 : memref<48xi32, #tpu.memory_space<vmem>>) semaphore(%run_scoped3A : memref<!tpu.dma_semaphore, #tpu.memory_space<semaphore_mem>>) {add = true}
        %dma_wait3A_494 = arith.constant 0 : i32
        %dma_wait3A_495 = arith.constant 0 : i32
        %dma_wait3A_496 = tpu.memref_slice %arg18[%dma_wait3A_494, %dma_wait3A_495] : memref<5128x128xf32, #tpu.memory_space<vmem_shared>> -> memref<5128x128xf32, #tpu.memory_space<vmem_shared>>
        tpu.wait_indirect_dma semaphore(%run_scoped3A : memref<!tpu.dma_semaphore, #tpu.memory_space<semaphore_mem>>) src(%arg10 : memref<48x128xf32, #tpu.memory_space<vmem>>) dst(%dma_wait3A_496 : memref<5128x128xf32, #tpu.memory_space<vmem_shared>>)
        tpu.yield
      }) : () -> ()
      %while3A_490 = arith.constant 0 : i32
      scf.yield %while3A_490 : i32
    }
    %dma_wait3A_314 = arith.constant 0 : i32
    %dma_wait3A_315 = arith.constant 0 : i32
    %dma_wait3A_316 = tpu.memref_slice %arg2[%dma_wait3A_314, %dma_wait3A_315] : memref<20000x128xf32, #tpu.memory_space<hbm>> -> memref<20000x128xf32, #tpu.memory_space<hbm>>
    tpu.wait_indirect_dma semaphore(%arg19 : memref<!tpu.dma_semaphore, #tpu.memory_space<semaphore_mem>>) src(%dma_wait3A_316 : memref<20000x128xf32, #tpu.memory_space<hbm>>) dst(%arg9 : memref<48x128xf32, #tpu.memory_space<vmem>>)
    %dma_wait3A_317 = arith.constant 0 : i32
    %dma_wait3A_318 = arith.constant 0 : i32
    %dma_wait3A_319 = tpu.memref_slice %arg3[%dma_wait3A_317, %dma_wait3A_318] : memref<320000x128xf32, #tpu.memory_space<hbm>> -> memref<320000x128xf32, #tpu.memory_space<hbm>>
    tpu.wait_indirect_dma semaphore(%arg21 : memref<!tpu.dma_semaphore, #tpu.memory_space<semaphore_mem>>) src(%dma_wait3A_319 : memref<320000x128xf32, #tpu.memory_space<hbm>>) dst(%arg11 : memref<48x128xf32, #tpu.memory_space<vmem>>)
    %barrier3A_320 = arith.constant 0 : index
    tpu.barrier barrier_id(%barrier3A_320)
    %mul3A_321 = arith.constant 320 : i32
    %mul3A_322 = arith.muli %arg1, %mul3A_321 : i32
    %mul3A_323 = arith.constant 320 : i32
    %mul3A_324 = arith.muli %arg1, %mul3A_323 : i32
    %add3A_325 = arith.constant 0 : i32
    %add3A_326 = arith.addi %add3A_325, %mul3A_324 : i32
    "tpu.region"() ({
      %run_scoped3A = tpu.sem_alloc : memref<!tpu.dma_semaphore, #tpu.memory_space<semaphore_mem>>
      %dma_start3A_404 = arith.constant 0 : i32
      %dma_start3A_405 = tpu.memref_slice %arg6[%arg0, %add3A_326, %dma_start3A_404] : memref<2x10240x128xf32, #tpu.memory_space<hbm>> -> memref<1x320x128xf32, #tpu.memory_space<hbm>>
      %dma_start3A_406 = tpu.memref_squeeze %dma_start3A_405 : memref<1x320x128xf32, #tpu.memory_space<hbm>> -> memref<320x128xf32, #tpu.memory_space<hbm>>
      %dma_start3A_407 = arith.constant 0 : i32
      %dma_start3A_408 = tpu.memref_slice %arg18[%mul3A_322, %dma_start3A_407] : memref<5128x128xf32, #tpu.memory_space<vmem_shared>> -> memref<320x128xf32, #tpu.memory_space<vmem_shared>>
      tpu.enqueue_dma source(%dma_start3A_408 : memref<320x128xf32, #tpu.memory_space<vmem_shared>>) target(%dma_start3A_406 : memref<320x128xf32, #tpu.memory_space<hbm>>) target_semaphore(%run_scoped3A : memref<!tpu.dma_semaphore, #tpu.memory_space<semaphore_mem>>)
      %dma_wait3A_409 = arith.constant 0 : i32
      %dma_wait3A_410 = tpu.memref_slice %arg6[%arg0, %add3A_326, %dma_wait3A_409] : memref<2x10240x128xf32, #tpu.memory_space<hbm>> -> memref<1x320x128xf32, #tpu.memory_space<hbm>>
      %dma_wait3A_411 = tpu.memref_squeeze %dma_wait3A_410 : memref<1x320x128xf32, #tpu.memory_space<hbm>> -> memref<320x128xf32, #tpu.memory_space<hbm>>
      %dma_wait3A_412 = arith.constant 0 : i32
      %dma_wait3A_413 = tpu.memref_slice %arg18[%mul3A_322, %dma_wait3A_412] : memref<5128x128xf32, #tpu.memory_space<vmem_shared>> -> memref<320x128xf32, #tpu.memory_space<vmem_shared>>
      tpu.wait_dma2 semaphore(%run_scoped3A : memref<!tpu.dma_semaphore, #tpu.memory_space<semaphore_mem>>) src(%dma_wait3A_413 : memref<320x128xf32, #tpu.memory_space<vmem_shared>>) dst(%dma_wait3A_411 : memref<320x128xf32, #tpu.memory_space<hbm>>)
      tpu.yield
    }) : () -> ()
    %scan3A_327 = arith.constant 0 : i32
    %scan3A_328 = arith.constant 0 : i32
    %scan3A_329 = arith.constant 32 : i32
    %scan3A_330 = arith.addi %scan3A_328, %scan3A_329 : i32
    %scan3A_331 = arith.constant 1 : i32
    %scan3A_332 = scf.for %scan3A_404 = %scan3A_328 to %scan3A_330 step %scan3A_331 iter_args(%scan3A_405 = %scan3A_327) -> (i32)  : i32 {
      %broadcast_in_dim3A_406 = arith.constant 0.000000e+00 : f32
      %broadcast_in_dim3A_407 = vector.broadcast %broadcast_in_dim3A_406 : f32 to vector<16xf32>
      %swap3A_408 = arith.index_cast %scan3A_404 : i32 to index
      %swap3A_409 = arith.constant 0 : index
      %swap3A_410 = tpu.vector_load %arg9[%swap3A_408, %swap3A_409] {strides = array<i32>} : memref<48x128xf32, #tpu.memory_space<vmem>>, vector<16xf32>,
      tpu.vector_store %arg9[%swap3A_408, %swap3A_409], %broadcast_in_dim3A_407 {strides = array<i32>} : memref<48x128xf32, #tpu.memory_space<vmem>>, vector<16xf32>,
      %broadcast_in_dim3A_411 = arith.constant 0.000000e+00 : f32
      %broadcast_in_dim3A_412 = vector.broadcast %broadcast_in_dim3A_411 : f32 to vector<16xf32>
      %swap3A_413 = arith.index_cast %scan3A_404 : i32 to index
      %swap3A_414 = arith.constant 16 : index
      %swap3A_415 = tpu.vector_load %arg9[%swap3A_413, %swap3A_414] {strides = array<i32>} : memref<48x128xf32, #tpu.memory_space<vmem>>, vector<16xf32>,
      tpu.vector_store %arg9[%swap3A_413, %swap3A_414], %broadcast_in_dim3A_412 {strides = array<i32>} : memref<48x128xf32, #tpu.memory_space<vmem>>, vector<16xf32>,
      %broadcast_in_dim3A_416 = arith.constant 0.000000e+00 : f32
      %broadcast_in_dim3A_417 = vector.broadcast %broadcast_in_dim3A_416 : f32 to vector<16xf32>
      %swap3A_418 = arith.index_cast %scan3A_404 : i32 to index
      %swap3A_419 = arith.constant 32 : index
      %swap3A_420 = tpu.vector_load %arg9[%swap3A_418, %swap3A_419] {strides = array<i32>} : memref<48x128xf32, #tpu.memory_space<vmem>>, vector<16xf32>,
      tpu.vector_store %arg9[%swap3A_418, %swap3A_419], %broadcast_in_dim3A_417 {strides = array<i32>} : memref<48x128xf32, #tpu.memory_space<vmem>>, vector<16xf32>,
      %broadcast_in_dim3A_421 = arith.constant 0.000000e+00 : f32
      %broadcast_in_dim3A_422 = vector.broadcast %broadcast_in_dim3A_421 : f32 to vector<16xf32>
      %swap3A_423 = arith.index_cast %scan3A_404 : i32 to index
      %swap3A_424 = arith.constant 48 : index
      %swap3A_425 = tpu.vector_load %arg9[%swap3A_423, %swap3A_424] {strides = array<i32>} : memref<48x128xf32, #tpu.memory_space<vmem>>, vector<16xf32>,
      tpu.vector_store %arg9[%swap3A_423, %swap3A_424], %broadcast_in_dim3A_422 {strides = array<i32>} : memref<48x128xf32, #tpu.memory_space<vmem>>, vector<16xf32>,
      %broadcast_in_dim3A_426 = arith.constant 0.000000e+00 : f32
      %broadcast_in_dim3A_427 = vector.broadcast %broadcast_in_dim3A_426 : f32 to vector<16xf32>
      %swap3A_428 = arith.index_cast %scan3A_404 : i32 to index
      %swap3A_429 = arith.constant 64 : index
      %swap3A_430 = tpu.vector_load %arg9[%swap3A_428, %swap3A_429] {strides = array<i32>} : memref<48x128xf32, #tpu.memory_space<vmem>>, vector<16xf32>,
      tpu.vector_store %arg9[%swap3A_428, %swap3A_429], %broadcast_in_dim3A_427 {strides = array<i32>} : memref<48x128xf32, #tpu.memory_space<vmem>>, vector<16xf32>,
      %broadcast_in_dim3A_431 = arith.constant 0.000000e+00 : f32
      %broadcast_in_dim3A_432 = vector.broadcast %broadcast_in_dim3A_431 : f32 to vector<16xf32>
      %swap3A_433 = arith.index_cast %scan3A_404 : i32 to index
      %swap3A_434 = arith.constant 80 : index
      %swap3A_435 = tpu.vector_load %arg9[%swap3A_433, %swap3A_434] {strides = array<i32>} : memref<48x128xf32, #tpu.memory_space<vmem>>, vector<16xf32>,
      tpu.vector_store %arg9[%swap3A_433, %swap3A_434], %broadcast_in_dim3A_432 {strides = array<i32>} : memref<48x128xf32, #tpu.memory_space<vmem>>, vector<16xf32>,
      %broadcast_in_dim3A_436 = arith.constant 0.000000e+00 : f32
      %broadcast_in_dim3A_437 = vector.broadcast %broadcast_in_dim3A_436 : f32 to vector<16xf32>
      %swap3A_438 = arith.index_cast %scan3A_404 : i32 to index
      %swap3A_439 = arith.constant 96 : index
      %swap3A_440 = tpu.vector_load %arg9[%swap3A_438, %swap3A_439] {strides = array<i32>} : memref<48x128xf32, #tpu.memory_space<vmem>>, vector<16xf32>,
      tpu.vector_store %arg9[%swap3A_438, %swap3A_439], %broadcast_in_dim3A_437 {strides = array<i32>} : memref<48x128xf32, #tpu.memory_space<vmem>>, vector<16xf32>,
      %broadcast_in_dim3A_441 = arith.constant 0.000000e+00 : f32
      %broadcast_in_dim3A_442 = vector.broadcast %broadcast_in_dim3A_441 : f32 to vector<16xf32>
      %swap3A_443 = arith.index_cast %scan3A_404 : i32 to index
      %swap3A_444 = arith.constant 112 : index
      %swap3A_445 = tpu.vector_load %arg9[%swap3A_443, %swap3A_444] {strides = array<i32>} : memref<48x128xf32, #tpu.memory_space<vmem>>, vector<16xf32>,
      tpu.vector_store %arg9[%swap3A_443, %swap3A_444], %broadcast_in_dim3A_442 {strides = array<i32>} : memref<48x128xf32, #tpu.memory_space<vmem>>, vector<16xf32>,
      %scan3A_446 = arith.constant 0 : i32
      scf.yield %scan3A_446 : i32
    }
    %scan3A_333 = arith.constant 32 : i32
    %scan3A_334 = arith.constant 0 : i32
    %scan3A_335 = arith.constant 0 : i32
    %scan3A_336 = arith.constant 10 : i32
    %scan3A_337 = arith.addi %scan3A_335, %scan3A_336 : i32
    %scan3A_338 = arith.constant 1 : i32
    %scan3A_339 = scf.for %scan3A_404 = %scan3A_335 to %scan3A_337 step %scan3A_338 iter_args(%scan3A_405 = %scan3A_334) -> (i32)  : i32 {
      %mul3A_406 = arith.constant 320 : i32
      %mul3A_407 = arith.muli %arg1, %mul3A_406 : i32
      %mul3A_408 = arith.constant 32 : i32
      %mul3A_409 = arith.muli %scan3A_404, %mul3A_408 : i32
      %add3A_410 = arith.addi %mul3A_407, %mul3A_409 : i32
      "tpu.region"() ({
        %run_scoped3A = tpu.sem_alloc : memref<!tpu.dma_semaphore, #tpu.memory_space<semaphore_mem>>
        %dma_start3A_412 = arith.constant 0 : i32
        %dma_start3A_413 = arith.constant 0 : i32
        %dma_start3A_414 = tpu.memref_slice %arg9[%dma_start3A_412, %dma_start3A_413] : memref<48x128xf32, #tpu.memory_space<vmem>> -> memref<32x128xf32, #tpu.memory_space<vmem>>
        %dma_start3A_415 = arith.constant 0 : i32
        %dma_start3A_416 = tpu.memref_slice %arg18[%add3A_410, %dma_start3A_415] : memref<5128x128xf32, #tpu.memory_space<vmem_shared>> -> memref<32x128xf32, #tpu.memory_space<vmem_shared>>
        %dma_start3A_417 = arith.constant 0 : i32
        %dma_start3A_418 = tpu.memref_slice %arg18[%add3A_410, %dma_start3A_417] : memref<5128x128xf32, #tpu.memory_space<vmem_shared>> -> memref<32x128xf32, #tpu.memory_space<vmem_shared>>
        %dma_start3A_419 = arith.constant 0 : i32
        %dma_start3A_420 = arith.constant 0 : i32
        %dma_start3A_421 = tpu.memref_slice %arg9[%dma_start3A_419, %dma_start3A_420] : memref<48x128xf32, #tpu.memory_space<vmem>> -> memref<32x128xf32, #tpu.memory_space<vmem>>
        tpu.enqueue_dma source(%dma_start3A_421 : memref<32x128xf32, #tpu.memory_space<vmem>>) target(%dma_start3A_418 : memref<32x128xf32, #tpu.memory_space<vmem_shared>>) target_semaphore(%run_scoped3A : memref<!tpu.dma_semaphore, #tpu.memory_space<semaphore_mem>>)
        %dma_wait3A_422 = arith.constant 0 : i32
        %dma_wait3A_423 = arith.constant 0 : i32
        %dma_wait3A_424 = tpu.memref_slice %arg9[%dma_wait3A_422, %dma_wait3A_423] : memref<48x128xf32, #tpu.memory_space<vmem>> -> memref<32x128xf32, #tpu.memory_space<vmem>>
        %dma_wait3A_425 = arith.constant 0 : i32
        %dma_wait3A_426 = tpu.memref_slice %arg18[%add3A_410, %dma_wait3A_425] : memref<5128x128xf32, #tpu.memory_space<vmem_shared>> -> memref<32x128xf32, #tpu.memory_space<vmem_shared>>
        %dma_wait3A_427 = arith.constant 0 : i32
        %dma_wait3A_428 = tpu.memref_slice %arg18[%add3A_410, %dma_wait3A_427] : memref<5128x128xf32, #tpu.memory_space<vmem_shared>> -> memref<32x128xf32, #tpu.memory_space<vmem_shared>>
        %dma_wait3A_429 = arith.constant 0 : i32
        %dma_wait3A_430 = arith.constant 0 : i32
        %dma_wait3A_431 = tpu.memref_slice %arg9[%dma_wait3A_429, %dma_wait3A_430] : memref<48x128xf32, #tpu.memory_space<vmem>> -> memref<32x128xf32, #tpu.memory_space<vmem>>
        tpu.wait_dma2 semaphore(%run_scoped3A : memref<!tpu.dma_semaphore, #tpu.memory_space<semaphore_mem>>) src(%dma_wait3A_431 : memref<32x128xf32, #tpu.memory_space<vmem>>) dst(%dma_wait3A_428 : memref<32x128xf32, #tpu.memory_space<vmem_shared>>)
        tpu.yield
      }) : () -> ()
      %scan3A_411 = arith.constant 0 : i32
      scf.yield %scan3A_411 : i32
    }
    %scan3A_340 = arith.constant 10 : i32
    %barrier3A_341 = arith.constant 0 : index
    tpu.barrier barrier_id(%barrier3A_341)
    %scan3A_342 = arith.constant 0 : i32
    %scan3A_343 = arith.constant 0 : i32
    %scan3A_344 = arith.constant 3 : i32
    %scan3A_345 = arith.addi %scan3A_343, %scan3A_344 : i32
    %scan3A_346 = arith.constant 1 : i32
    %scan3A_347 = scf.for %scan3A_404 = %scan3A_343 to %scan3A_345 step %scan3A_346 iter_args(%scan3A_405 = %scan3A_342) -> (i32)  : i32 {
      %mul3A_406 = arith.constant 16 : i32
      %mul3A_407 = arith.muli %scan3A_404, %mul3A_406 : i32
      %mul3A_408 = arith.constant 16 : i32
      %mul3A_409 = arith.muli %scan3A_404, %mul3A_408 : i32
      %add3A_410 = arith.constant 10128 : i32
      %add3A_411 = arith.addi %add3A_410, %mul3A_409 : i32
      %get3A = arith.index_cast %add3A_411 : i32 to index
      %get3A_412 = tpu.vector_load %arg8[%get3A] {strides = array<i32>} : memref<10192xi32, #tpu.memory_space<vmem>>, vector<16xi32>,
      %and3A_413 = arith.constant 16383 : i32
      %and3A_414 = vector.broadcast %and3A_413 : i32 to vector<16xi32>
      %and3A_415 = arith.andi %get3A_412, %and3A_414 : vector<16xi32>
      %min3A = arith.constant 10000 : i32
      %min3A_416 = vector.broadcast %min3A : i32 to vector<16xi32>
      %min3A_417 = arith.minsi %and3A_415, %min3A_416 : vector<16xi32>
      %gather3A = tpu.vector_load_idx %arg7[%min3A_417] : memref<10016xi32, #tpu.memory_space<vmem>>[vector<16xi32>], vector<16xi32>,
      %swap3A_418 = arith.index_cast %mul3A_407 : i32 to index
      %swap3A_419 = tpu.vector_load %arg13[%swap3A_418] {strides = array<i32>} : memref<48xi32, #tpu.memory_space<vmem>>, vector<16xi32>,
      tpu.vector_store %arg13[%swap3A_418], %gather3A {strides = array<i32>} : memref<48xi32, #tpu.memory_space<vmem>>, vector<16xi32>,
      %mul3A_420 = arith.constant 160000 : i32
      %mul3A_421 = arith.muli %arg0, %mul3A_420 : i32
      %add3A_422 = arith.addi %mul3A_421, %mul3A_0 : i32
      %min3A_423 = arith.constant 9999 : i32
      %min3A_424 = vector.broadcast %min3A_423 : i32 to vector<16xi32>
      %min3A_425 = arith.minsi %min3A_417, %min3A_424 : vector<16xi32>
      %add3A_426 = vector.broadcast %add3A_422 : i32 to vector<16xi32>
      %add3A_427 = arith.addi %add3A_426, %min3A_425 : vector<16xi32>
      %swap3A_428 = arith.index_cast %mul3A_407 : i32 to index
      %swap3A_429 = tpu.vector_load %arg14[%swap3A_428] {strides = array<i32>} : memref<48xi32, #tpu.memory_space<vmem>>, vector<16xi32>,
      tpu.vector_store %arg14[%swap3A_428], %add3A_427 {strides = array<i32>} : memref<48xi32, #tpu.memory_space<vmem>>, vector<16xi32>,
      %scan3A_430 = arith.constant 0 : i32
      scf.yield %scan3A_430 : i32
    }
    %scan3A_348 = arith.constant 3 : i32
    %dma_start3A_349 = arith.constant 0 : i32
    %dma_start3A_350 = arith.constant 0 : i32
    %dma_start3A_351 = tpu.memref_slice %arg2[%dma_start3A_349, %dma_start3A_350] : memref<20000x128xf32, #tpu.memory_space<hbm>> -> memref<20000x128xf32, #tpu.memory_space<hbm>>
    tpu.enqueue_indirect_dma source(%dma_start3A_351 : memref<20000x128xf32, #tpu.memory_space<hbm>>) target(%arg9 : memref<48x128xf32, #tpu.memory_space<vmem>>) offsets(%arg13 : memref<48xi32, #tpu.memory_space<vmem>>) semaphore(%arg19 : memref<!tpu.dma_semaphore, #tpu.memory_space<semaphore_mem>>)
    %dma_start3A_352 = arith.constant 0 : i32
    %dma_start3A_353 = arith.constant 0 : i32
    %dma_start3A_354 = tpu.memref_slice %arg3[%dma_start3A_352, %dma_start3A_353] : memref<320000x128xf32, #tpu.memory_space<hbm>> -> memref<320000x128xf32, #tpu.memory_space<hbm>>
    tpu.enqueue_indirect_dma source(%dma_start3A_354 : memref<320000x128xf32, #tpu.memory_space<hbm>>) target(%arg11 : memref<48x128xf32, #tpu.memory_space<vmem>>) offsets(%arg14 : memref<48xi32, #tpu.memory_space<vmem>>) semaphore(%arg21 : memref<!tpu.dma_semaphore, #tpu.memory_space<semaphore_mem>>)
    %jit3A_355 = arith.constant 2 : i32
    %div3A_356 = arith.divsi %select_n3A_250, %jit3A_355 : i32
    %sign3A_357 = arith.constant 0 : i32
    %sign3A_358 = arith.cmpi sgt, %select_n3A_250, %sign3A_357 : i32
    %sign3A_359 = arith.extui %sign3A_358 : i1 to i32
    %sign3A_360 = arith.constant 0 : i32
    %sign3A_361 = arith.cmpi slt, %select_n3A_250, %sign3A_360 : i32
    %sign3A_362 = arith.extui %sign3A_361 : i1 to i32
    %sign3A_363 = arith.subi %sign3A_359, %sign3A_362 : i32
    %sign3A_364 = arith.constant 0 : i32
    %sign3A_365 = arith.cmpi sgt, %jit3A_355, %sign3A_364 : i32
    %sign3A_366 = arith.extui %sign3A_365 : i1 to i32
    %sign3A_367 = arith.constant 0 : i32
    %sign3A_368 = arith.cmpi slt, %jit3A_355, %sign3A_367 : i32
    %sign3A_369 = arith.extui %sign3A_368 : i1 to i32
    %sign3A_370 = arith.subi %sign3A_366, %sign3A_369 : i32
    %ne3A_371 = arith.cmpi ne, %sign3A_363, %sign3A_370 : i32
    %rem3A_372 = arith.remsi %select_n3A_250, %jit3A_355 : i32
    %ne3A_373 = arith.constant 0 : i32
    %ne3A_374 = arith.cmpi ne, %rem3A_372, %ne3A_373 : i32
    %and3A_375 = arith.andi %ne3A_371, %ne3A_374 : i1
    %sub3A_376 = arith.constant 1 : i32
    %sub3A_377 = arith.subi %div3A_356, %sub3A_376 : i32
    %select_n3A_378 = arith.select %and3A_375, %sub3A_377, %div3A_356 : i32
    %while3A_379 = arith.constant 0 : i32
    %while3A_380 = arith.constant 0 : i32
    %while3A_381 = arith.subi %select_n3A_378, %while3A_379 : i32
    %while3A_382 = arith.addi %while3A_379, %while3A_381 : i32
    %while3A_383 = arith.constant 1 : i32
    %while3A_384 = arith.divsi %while3A_381, %while3A_383 : i32
    %while3A_385 = arith.muli %while3A_384, %while3A_383 : i32
    %while3A_386 = arith.addi %while3A_379, %while3A_385 : i32
    %while3A_387 = arith.constant 1 : i32
    %while3A_388 = scf.for %while3A_404 = %while3A_379 to %while3A_386 step %while3A_387 iter_args(%while3A_405 = %while3A_380) -> (i32)  : i32 {
      %mul3A_406 = arith.constant 2 : i32
      %mul3A_407 = arith.muli %mul3A_406, %while3A_404 : i32
      %dma_wait3A_408 = arith.constant 0 : i32
      %dma_wait3A_409 = arith.constant 0 : i32
      %dma_wait3A_410 = tpu.memref_slice %arg2[%dma_wait3A_408, %dma_wait3A_409] : memref<20000x128xf32, #tpu.memory_space<hbm>> -> memref<20000x128xf32, #tpu.memory_space<hbm>>
      tpu.wait_indirect_dma semaphore(%arg19 : memref<!tpu.dma_semaphore, #tpu.memory_space<semaphore_mem>>) src(%dma_wait3A_410 : memref<20000x128xf32, #tpu.memory_space<hbm>>) dst(%arg9 : memref<48x128xf32, #tpu.memory_space<vmem>>)
      %dma_wait3A_411 = arith.constant 0 : i32
      %dma_wait3A_412 = arith.constant 0 : i32
      %dma_wait3A_413 = tpu.memref_slice %arg3[%dma_wait3A_411, %dma_wait3A_412] : memref<320000x128xf32, #tpu.memory_space<hbm>> -> memref<320000x128xf32, #tpu.memory_space<hbm>>
      tpu.wait_indirect_dma semaphore(%arg21 : memref<!tpu.dma_semaphore, #tpu.memory_space<semaphore_mem>>) src(%dma_wait3A_413 : memref<320000x128xf32, #tpu.memory_space<hbm>>) dst(%arg11 : memref<48x128xf32, #tpu.memory_space<vmem>>)
      %add3A_414 = arith.constant 1 : i32
      %add3A_415 = arith.addi %mul3A_407, %add3A_414 : i32
      %mul3A_416 = arith.constant 48 : i32
      %mul3A_417 = arith.muli %add3A_415, %mul3A_416 : i32
      %sub3A_418 = arith.constant 10128 : i32
      %sub3A_419 = arith.subi %sub3A_418, %mul3A_417 : i32
      %scan3A_420 = arith.constant 0 : i32
      %scan3A_421 = arith.constant 0 : i32
      %scan3A_422 = arith.constant 3 : i32
      %scan3A_423 = arith.addi %scan3A_421, %scan3A_422 : i32
      %scan3A_424 = arith.constant 1 : i32
      %scan3A_425 = scf.for %scan3A_499 = %scan3A_421 to %scan3A_423 step %scan3A_424 iter_args(%scan3A_500 = %scan3A_420) -> (i32)  : i32 {
        %mul3A_501 = arith.constant 16 : i32
        %mul3A_502 = arith.muli %scan3A_499, %mul3A_501 : i32
        %mul3A_503 = arith.constant 16 : i32
        %mul3A_504 = arith.muli %scan3A_499, %mul3A_503 : i32
        %add3A_505 = arith.addi %sub3A_419, %mul3A_504 : i32
        %get3A = arith.index_cast %add3A_505 : i32 to index
        %get3A_506 = tpu.vector_load %arg8[%get3A] {strides = array<i32>} : memref<10192xi32, #tpu.memory_space<vmem>>, vector<16xi32>,
        %and3A_507 = arith.constant 16383 : i32
        %and3A_508 = vector.broadcast %and3A_507 : i32 to vector<16xi32>
        %and3A_509 = arith.andi %get3A_506, %and3A_508 : vector<16xi32>
        %min3A = arith.constant 10000 : i32
        %min3A_510 = vector.broadcast %min3A : i32 to vector<16xi32>
        %min3A_511 = arith.minsi %and3A_509, %min3A_510 : vector<16xi32>
        %gather3A = tpu.vector_load_idx %arg7[%min3A_511] : memref<10016xi32, #tpu.memory_space<vmem>>[vector<16xi32>], vector<16xi32>,
        %swap3A_512 = arith.index_cast %mul3A_502 : i32 to index
        %swap3A_513 = tpu.vector_load %arg13[%swap3A_512] {strides = array<i32>} : memref<48xi32, #tpu.memory_space<vmem>>, vector<16xi32>,
        tpu.vector_store %arg13[%swap3A_512], %gather3A {strides = array<i32>} : memref<48xi32, #tpu.memory_space<vmem>>, vector<16xi32>,
        %mul3A_514 = arith.constant 160000 : i32
        %mul3A_515 = arith.muli %arg0, %mul3A_514 : i32
        %add3A_516 = arith.addi %mul3A_515, %mul3A_0 : i32
        %min3A_517 = arith.constant 9999 : i32
        %min3A_518 = vector.broadcast %min3A_517 : i32 to vector<16xi32>
        %min3A_519 = arith.minsi %min3A_511, %min3A_518 : vector<16xi32>
        %add3A_520 = vector.broadcast %add3A_516 : i32 to vector<16xi32>
        %add3A_521 = arith.addi %add3A_520, %min3A_519 : vector<16xi32>
        %swap3A_522 = arith.index_cast %mul3A_502 : i32 to index
        %swap3A_523 = tpu.vector_load %arg14[%swap3A_522] {strides = array<i32>} : memref<48xi32, #tpu.memory_space<vmem>>, vector<16xi32>,
        tpu.vector_store %arg14[%swap3A_522], %add3A_521 {strides = array<i32>} : memref<48xi32, #tpu.memory_space<vmem>>, vector<16xi32>,
        %scan3A_524 = arith.constant 0 : i32
        scf.yield %scan3A_524 : i32
      }
      %scan3A_426 = arith.constant 3 : i32
      %dma_start3A_427 = arith.constant 0 : i32
      %dma_start3A_428 = arith.constant 0 : i32
      %dma_start3A_429 = tpu.memref_slice %arg2[%dma_start3A_427, %dma_start3A_428] : memref<20000x128xf32, #tpu.memory_space<hbm>> -> memref<20000x128xf32, #tpu.memory_space<hbm>>
      tpu.enqueue_indirect_dma source(%dma_start3A_429 : memref<20000x128xf32, #tpu.memory_space<hbm>>) target(%arg10 : memref<48x128xf32, #tpu.memory_space<vmem>>) offsets(%arg13 : memref<48xi32, #tpu.memory_space<vmem>>) semaphore(%arg20 : memref<!tpu.dma_semaphore, #tpu.memory_space<semaphore_mem>>)
      %dma_start3A_430 = arith.constant 0 : i32
      %dma_start3A_431 = arith.constant 0 : i32
      %dma_start3A_432 = tpu.memref_slice %arg3[%dma_start3A_430, %dma_start3A_431] : memref<320000x128xf32, #tpu.memory_space<hbm>> -> memref<320000x128xf32, #tpu.memory_space<hbm>>
      tpu.enqueue_indirect_dma source(%dma_start3A_432 : memref<320000x128xf32, #tpu.memory_space<hbm>>) target(%arg12 : memref<48x128xf32, #tpu.memory_space<vmem>>) offsets(%arg14 : memref<48xi32, #tpu.memory_space<vmem>>) semaphore(%arg22 : memref<!tpu.dma_semaphore, #tpu.memory_space<semaphore_mem>>)
      %scan3A_433 = arith.constant 0 : i32
      %scan3A_434 = arith.constant 0 : i32
      %scan3A_435 = arith.constant 48 : i32
      %scan3A_436 = arith.addi %scan3A_434, %scan3A_435 : i32
      %scan3A_437 = arith.constant 1 : i32
      %scan3A_438 = scf.for %scan3A_499 = %scan3A_434 to %scan3A_436 step %scan3A_437 iter_args(%scan3A_500 = %scan3A_433) -> (i32)  : i32 {
        %get3A = arith.index_cast %scan3A_499 : i32 to index
        %get3A_501 = arith.constant 0 : index
        %get3A_502 = tpu.vector_load %arg9[%get3A, %get3A_501] {strides = array<i32>} : memref<48x128xf32, #tpu.memory_space<vmem>>, vector<16xf32>,
        %get3A_503 = arith.index_cast %scan3A_499 : i32 to index
        %get3A_504 = arith.constant 0 : index
        %get3A_505 = tpu.vector_load %arg11[%get3A_503, %get3A_504] {strides = array<i32>} : memref<48x128xf32, #tpu.memory_space<vmem>>, vector<16xf32>,
        %add3A_506 = arith.addf %get3A_502, %get3A_505 : vector<16xf32>
        %max3A = arith.constant 0.000000e+00 : f32
        %max3A_507 = vector.broadcast %max3A : f32 to vector<16xf32>
        %max3A_508 = arith.maximumf %add3A_506, %max3A_507 : vector<16xf32>
        %swap3A_509 = arith.index_cast %scan3A_499 : i32 to index
        %swap3A_510 = arith.constant 0 : index
        %swap3A_511 = tpu.vector_load %arg9[%swap3A_509, %swap3A_510] {strides = array<i32>} : memref<48x128xf32, #tpu.memory_space<vmem>>, vector<16xf32>,
        tpu.vector_store %arg9[%swap3A_509, %swap3A_510], %max3A_508 {strides = array<i32>} : memref<48x128xf32, #tpu.memory_space<vmem>>, vector<16xf32>,
        %get3A_512 = arith.index_cast %scan3A_499 : i32 to index
        %get3A_513 = arith.constant 16 : index
        %get3A_514 = tpu.vector_load %arg9[%get3A_512, %get3A_513] {strides = array<i32>} : memref<48x128xf32, #tpu.memory_space<vmem>>, vector<16xf32>,
        %get3A_515 = arith.index_cast %scan3A_499 : i32 to index
        %get3A_516 = arith.constant 16 : index
        %get3A_517 = tpu.vector_load %arg11[%get3A_515, %get3A_516] {strides = array<i32>} : memref<48x128xf32, #tpu.memory_space<vmem>>, vector<16xf32>,
        %add3A_518 = arith.addf %get3A_514, %get3A_517 : vector<16xf32>
        %max3A_519 = arith.constant 0.000000e+00 : f32
        %max3A_520 = vector.broadcast %max3A_519 : f32 to vector<16xf32>
        %max3A_521 = arith.maximumf %add3A_518, %max3A_520 : vector<16xf32>
        %swap3A_522 = arith.index_cast %scan3A_499 : i32 to index
        %swap3A_523 = arith.constant 16 : index
        %swap3A_524 = tpu.vector_load %arg9[%swap3A_522, %swap3A_523] {strides = array<i32>} : memref<48x128xf32, #tpu.memory_space<vmem>>, vector<16xf32>,
        tpu.vector_store %arg9[%swap3A_522, %swap3A_523], %max3A_521 {strides = array<i32>} : memref<48x128xf32, #tpu.memory_space<vmem>>, vector<16xf32>,
        %get3A_525 = arith.index_cast %scan3A_499 : i32 to index
        %get3A_526 = arith.constant 32 : index
        %get3A_527 = tpu.vector_load %arg9[%get3A_525, %get3A_526] {strides = array<i32>} : memref<48x128xf32, #tpu.memory_space<vmem>>, vector<16xf32>,
        %get3A_528 = arith.index_cast %scan3A_499 : i32 to index
        %get3A_529 = arith.constant 32 : index
        %get3A_530 = tpu.vector_load %arg11[%get3A_528, %get3A_529] {strides = array<i32>} : memref<48x128xf32, #tpu.memory_space<vmem>>, vector<16xf32>,
        %add3A_531 = arith.addf %get3A_527, %get3A_530 : vector<16xf32>
        %max3A_532 = arith.constant 0.000000e+00 : f32
        %max3A_533 = vector.broadcast %max3A_532 : f32 to vector<16xf32>
        %max3A_534 = arith.maximumf %add3A_531, %max3A_533 : vector<16xf32>
        %swap3A_535 = arith.index_cast %scan3A_499 : i32 to index
        %swap3A_536 = arith.constant 32 : index
        %swap3A_537 = tpu.vector_load %arg9[%swap3A_535, %swap3A_536] {strides = array<i32>} : memref<48x128xf32, #tpu.memory_space<vmem>>, vector<16xf32>,
        tpu.vector_store %arg9[%swap3A_535, %swap3A_536], %max3A_534 {strides = array<i32>} : memref<48x128xf32, #tpu.memory_space<vmem>>, vector<16xf32>,
        %get3A_538 = arith.index_cast %scan3A_499 : i32 to index
        %get3A_539 = arith.constant 48 : index
        %get3A_540 = tpu.vector_load %arg9[%get3A_538, %get3A_539] {strides = array<i32>} : memref<48x128xf32, #tpu.memory_space<vmem>>, vector<16xf32>,
        %get3A_541 = arith.index_cast %scan3A_499 : i32 to index
        %get3A_542 = arith.constant 48 : index
        %get3A_543 = tpu.vector_load %arg11[%get3A_541, %get3A_542] {strides = array<i32>} : memref<48x128xf32, #tpu.memory_space<vmem>>, vector<16xf32>,
        %add3A_544 = arith.addf %get3A_540, %get3A_543 : vector<16xf32>
        %max3A_545 = arith.constant 0.000000e+00 : f32
        %max3A_546 = vector.broadcast %max3A_545 : f32 to vector<16xf32>
        %max3A_547 = arith.maximumf %add3A_544, %max3A_546 : vector<16xf32>
        %swap3A_548 = arith.index_cast %scan3A_499 : i32 to index
        %swap3A_549 = arith.constant 48 : index
        %swap3A_550 = tpu.vector_load %arg9[%swap3A_548, %swap3A_549] {strides = array<i32>} : memref<48x128xf32, #tpu.memory_space<vmem>>, vector<16xf32>,
        tpu.vector_store %arg9[%swap3A_548, %swap3A_549], %max3A_547 {strides = array<i32>} : memref<48x128xf32, #tpu.memory_space<vmem>>, vector<16xf32>,
        %get3A_551 = arith.index_cast %scan3A_499 : i32 to index
        %get3A_552 = arith.constant 64 : index
        %get3A_553 = tpu.vector_load %arg9[%get3A_551, %get3A_552] {strides = array<i32>} : memref<48x128xf32, #tpu.memory_space<vmem>>, vector<16xf32>,
        %get3A_554 = arith.index_cast %scan3A_499 : i32 to index
        %get3A_555 = arith.constant 64 : index
        %get3A_556 = tpu.vector_load %arg11[%get3A_554, %get3A_555] {strides = array<i32>} : memref<48x128xf32, #tpu.memory_space<vmem>>, vector<16xf32>,
        %add3A_557 = arith.addf %get3A_553, %get3A_556 : vector<16xf32>
        %max3A_558 = arith.constant 0.000000e+00 : f32
        %max3A_559 = vector.broadcast %max3A_558 : f32 to vector<16xf32>
        %max3A_560 = arith.maximumf %add3A_557, %max3A_559 : vector<16xf32>
        %swap3A_561 = arith.index_cast %scan3A_499 : i32 to index
        %swap3A_562 = arith.constant 64 : index
        %swap3A_563 = tpu.vector_load %arg9[%swap3A_561, %swap3A_562] {strides = array<i32>} : memref<48x128xf32, #tpu.memory_space<vmem>>, vector<16xf32>,
        tpu.vector_store %arg9[%swap3A_561, %swap3A_562], %max3A_560 {strides = array<i32>} : memref<48x128xf32, #tpu.memory_space<vmem>>, vector<16xf32>,
        %get3A_564 = arith.index_cast %scan3A_499 : i32 to index
        %get3A_565 = arith.constant 80 : index
        %get3A_566 = tpu.vector_load %arg9[%get3A_564, %get3A_565] {strides = array<i32>} : memref<48x128xf32, #tpu.memory_space<vmem>>, vector<16xf32>,
        %get3A_567 = arith.index_cast %scan3A_499 : i32 to index
        %get3A_568 = arith.constant 80 : index
        %get3A_569 = tpu.vector_load %arg11[%get3A_567, %get3A_568] {strides = array<i32>} : memref<48x128xf32, #tpu.memory_space<vmem>>, vector<16xf32>,
        %add3A_570 = arith.addf %get3A_566, %get3A_569 : vector<16xf32>
        %max3A_571 = arith.constant 0.000000e+00 : f32
        %max3A_572 = vector.broadcast %max3A_571 : f32 to vector<16xf32>
        %max3A_573 = arith.maximumf %add3A_570, %max3A_572 : vector<16xf32>
        %swap3A_574 = arith.index_cast %scan3A_499 : i32 to index
        %swap3A_575 = arith.constant 80 : index
        %swap3A_576 = tpu.vector_load %arg9[%swap3A_574, %swap3A_575] {strides = array<i32>} : memref<48x128xf32, #tpu.memory_space<vmem>>, vector<16xf32>,
        tpu.vector_store %arg9[%swap3A_574, %swap3A_575], %max3A_573 {strides = array<i32>} : memref<48x128xf32, #tpu.memory_space<vmem>>, vector<16xf32>,
        %get3A_577 = arith.index_cast %scan3A_499 : i32 to index
        %get3A_578 = arith.constant 96 : index
        %get3A_579 = tpu.vector_load %arg9[%get3A_577, %get3A_578] {strides = array<i32>} : memref<48x128xf32, #tpu.memory_space<vmem>>, vector<16xf32>,
        %get3A_580 = arith.index_cast %scan3A_499 : i32 to index
        %get3A_581 = arith.constant 96 : index
        %get3A_582 = tpu.vector_load %arg11[%get3A_580, %get3A_581] {strides = array<i32>} : memref<48x128xf32, #tpu.memory_space<vmem>>, vector<16xf32>,
        %add3A_583 = arith.addf %get3A_579, %get3A_582 : vector<16xf32>
        %max3A_584 = arith.constant 0.000000e+00 : f32
        %max3A_585 = vector.broadcast %max3A_584 : f32 to vector<16xf32>
        %max3A_586 = arith.maximumf %add3A_583, %max3A_585 : vector<16xf32>
        %swap3A_587 = arith.index_cast %scan3A_499 : i32 to index
        %swap3A_588 = arith.constant 96 : index
        %swap3A_589 = tpu.vector_load %arg9[%swap3A_587, %swap3A_588] {strides = array<i32>} : memref<48x128xf32, #tpu.memory_space<vmem>>, vector<16xf32>,
        tpu.vector_store %arg9[%swap3A_587, %swap3A_588], %max3A_586 {strides = array<i32>} : memref<48x128xf32, #tpu.memory_space<vmem>>, vector<16xf32>,
        %get3A_590 = arith.index_cast %scan3A_499 : i32 to index
        %get3A_591 = arith.constant 112 : index
        %get3A_592 = tpu.vector_load %arg9[%get3A_590, %get3A_591] {strides = array<i32>} : memref<48x128xf32, #tpu.memory_space<vmem>>, vector<16xf32>,
        %get3A_593 = arith.index_cast %scan3A_499 : i32 to index
        %get3A_594 = arith.constant 112 : index
        %get3A_595 = tpu.vector_load %arg11[%get3A_593, %get3A_594] {strides = array<i32>} : memref<48x128xf32, #tpu.memory_space<vmem>>, vector<16xf32>,
        %add3A_596 = arith.addf %get3A_592, %get3A_595 : vector<16xf32>
        %max3A_597 = arith.constant 0.000000e+00 : f32
        %max3A_598 = vector.broadcast %max3A_597 : f32 to vector<16xf32>
        %max3A_599 = arith.maximumf %add3A_596, %max3A_598 : vector<16xf32>
        %swap3A_600 = arith.index_cast %scan3A_499 : i32 to index
        %swap3A_601 = arith.constant 112 : index
        %swap3A_602 = tpu.vector_load %arg9[%swap3A_600, %swap3A_601] {strides = array<i32>} : memref<48x128xf32, #tpu.memory_space<vmem>>, vector<16xf32>,
        tpu.vector_store %arg9[%swap3A_600, %swap3A_601], %max3A_599 {strides = array<i32>} : memref<48x128xf32, #tpu.memory_space<vmem>>, vector<16xf32>,
        %scan3A_603 = arith.constant 0 : i32
        scf.yield %scan3A_603 : i32
      }
      %scan3A_439 = arith.constant 48 : i32
      %mul3A_440 = arith.constant 48 : i32
      %mul3A_441 = arith.muli %mul3A_407, %mul3A_440 : i32
      %sub3A_442 = arith.constant 10128 : i32
      %sub3A_443 = arith.subi %sub3A_442, %mul3A_441 : i32
      %scan3A_444 = arith.constant 0 : i32
      %scan3A_445 = arith.constant 0 : i32
      %scan3A_446 = arith.constant 3 : i32
      %scan3A_447 = arith.addi %scan3A_445, %scan3A_446 : i32
      %scan3A_448 = arith.constant 1 : i32
      %scan3A_449 = scf.for %scan3A_499 = %scan3A_445 to %scan3A_447 step %scan3A_448 iter_args(%scan3A_500 = %scan3A_444) -> (i32)  : i32 {
        %mul3A_501 = arith.constant 16 : i32
        %mul3A_502 = arith.muli %scan3A_499, %mul3A_501 : i32
        %mul3A_503 = arith.constant 16 : i32
        %mul3A_504 = arith.muli %scan3A_499, %mul3A_503 : i32
        %add3A_505 = arith.addi %sub3A_443, %mul3A_504 : i32
        %get3A = arith.index_cast %add3A_505 : i32 to index
        %get3A_506 = tpu.vector_load %arg8[%get3A] {strides = array<i32>} : memref<10192xi32, #tpu.memory_space<vmem>>, vector<16xi32>,
        %shift_right_arithmetic3A = arith.constant 14 : i32
        %shift_right_arithmetic3A_507 = vector.broadcast %shift_right_arithmetic3A : i32 to vector<16xi32>
        %shift_right_arithmetic3A_508 = arith.shrsi %get3A_506, %shift_right_arithmetic3A_507 : vector<16xi32>
        %min3A = arith.constant 5127 : i32
        %min3A_509 = vector.broadcast %min3A : i32 to vector<16xi32>
        %min3A_510 = arith.minsi %shift_right_arithmetic3A_508, %min3A_509 : vector<16xi32>
        %swap3A_511 = arith.index_cast %mul3A_502 : i32 to index
        %swap3A_512 = tpu.vector_load %arg15[%swap3A_511] {strides = array<i32>} : memref<48xi32, #tpu.memory_space<vmem>>, vector<16xi32>,
        tpu.vector_store %arg15[%swap3A_511], %min3A_510 {strides = array<i32>} : memref<48xi32, #tpu.memory_space<vmem>>, vector<16xi32>,
        %scan3A_513 = arith.constant 0 : i32
        scf.yield %scan3A_513 : i32
      }
      %scan3A_450 = arith.constant 3 : i32
      "tpu.region"() ({
        %run_scoped3A = tpu.sem_alloc : memref<!tpu.dma_semaphore, #tpu.memory_space<semaphore_mem>>
        %dma_start3A_499 = arith.constant 0 : i32
        %dma_start3A_500 = arith.constant 0 : i32
        %dma_start3A_501 = tpu.memref_slice %arg18[%dma_start3A_499, %dma_start3A_500] : memref<5128x128xf32, #tpu.memory_space<vmem_shared>> -> memref<5128x128xf32, #tpu.memory_space<vmem_shared>>
        tpu.enqueue_indirect_dma source(%arg9 : memref<48x128xf32, #tpu.memory_space<vmem>>) target(%dma_start3A_501 : memref<5128x128xf32, #tpu.memory_space<vmem_shared>>) offsets(%arg15 : memref<48xi32, #tpu.memory_space<vmem>>) semaphore(%run_scoped3A : memref<!tpu.dma_semaphore, #tpu.memory_space<semaphore_mem>>) {add = true}
        %dma_wait3A_502 = arith.constant 0 : i32
        %dma_wait3A_503 = arith.constant 0 : i32
        %dma_wait3A_504 = tpu.memref_slice %arg18[%dma_wait3A_502, %dma_wait3A_503] : memref<5128x128xf32, #tpu.memory_space<vmem_shared>> -> memref<5128x128xf32, #tpu.memory_space<vmem_shared>>
        tpu.wait_indirect_dma semaphore(%run_scoped3A : memref<!tpu.dma_semaphore, #tpu.memory_space<semaphore_mem>>) src(%arg9 : memref<48x128xf32, #tpu.memory_space<vmem>>) dst(%dma_wait3A_504 : memref<5128x128xf32, #tpu.memory_space<vmem_shared>>)
        tpu.yield
      }) : () -> ()
      %mul3A_451 = arith.constant 2 : i32
      %mul3A_452 = arith.muli %mul3A_451, %while3A_404 : i32
      %add3A_453 = arith.constant 1 : i32
      %add3A_454 = arith.addi %mul3A_452, %add3A_453 : i32
      %dma_wait3A_455 = arith.constant 0 : i32
      %dma_wait3A_456 = arith.constant 0 : i32
      %dma_wait3A_457 = tpu.memref_slice %arg2[%dma_wait3A_455, %dma_wait3A_456] : memref<20000x128xf32, #tpu.memory_space<hbm>> -> memref<20000x128xf32, #tpu.memory_space<hbm>>
      tpu.wait_indirect_dma semaphore(%arg20 : memref<!tpu.dma_semaphore, #tpu.memory_space<semaphore_mem>>) src(%dma_wait3A_457 : memref<20000x128xf32, #tpu.memory_space<hbm>>) dst(%arg10 : memref<48x128xf32, #tpu.memory_space<vmem>>)
      %dma_wait3A_458 = arith.constant 0 : i32
      %dma_wait3A_459 = arith.constant 0 : i32
      %dma_wait3A_460 = tpu.memref_slice %arg3[%dma_wait3A_458, %dma_wait3A_459] : memref<320000x128xf32, #tpu.memory_space<hbm>> -> memref<320000x128xf32, #tpu.memory_space<hbm>>
      tpu.wait_indirect_dma semaphore(%arg22 : memref<!tpu.dma_semaphore, #tpu.memory_space<semaphore_mem>>) src(%dma_wait3A_460 : memref<320000x128xf32, #tpu.memory_space<hbm>>) dst(%arg12 : memref<48x128xf32, #tpu.memory_space<vmem>>)
      %add3A_461 = arith.constant 1 : i32
      %add3A_462 = arith.addi %add3A_454, %add3A_461 : i32
      %mul3A_463 = arith.constant 48 : i32
      %mul3A_464 = arith.muli %add3A_462, %mul3A_463 : i32
      %sub3A_465 = arith.constant 10128 : i32
      %sub3A_466 = arith.subi %sub3A_465, %mul3A_464 : i32
      %scan3A_467 = arith.constant 0 : i32
      %scan3A_468 = arith.constant 0 : i32
      %scan3A_469 = arith.constant 3 : i32
      %scan3A_470 = arith.addi %scan3A_468, %scan3A_469 : i32
      %scan3A_471 = arith.constant 1 : i32
      %scan3A_472 = scf.for %scan3A_499 = %scan3A_468 to %scan3A_470 step %scan3A_471 iter_args(%scan3A_500 = %scan3A_467) -> (i32)  : i32 {
        %mul3A_501 = arith.constant 16 : i32
        %mul3A_502 = arith.muli %scan3A_499, %mul3A_501 : i32
        %mul3A_503 = arith.constant 16 : i32
        %mul3A_504 = arith.muli %scan3A_499, %mul3A_503 : i32
        %add3A_505 = arith.addi %sub3A_466, %mul3A_504 : i32
        %get3A = arith.index_cast %add3A_505 : i32 to index
        %get3A_506 = tpu.vector_load %arg8[%get3A] {strides = array<i32>} : memref<10192xi32, #tpu.memory_space<vmem>>, vector<16xi32>,
        %and3A_507 = arith.constant 16383 : i32
        %and3A_508 = vector.broadcast %and3A_507 : i32 to vector<16xi32>
        %and3A_509 = arith.andi %get3A_506, %and3A_508 : vector<16xi32>
        %min3A = arith.constant 10000 : i32
        %min3A_510 = vector.broadcast %min3A : i32 to vector<16xi32>
        %min3A_511 = arith.minsi %and3A_509, %min3A_510 : vector<16xi32>
        %gather3A = tpu.vector_load_idx %arg7[%min3A_511] : memref<10016xi32, #tpu.memory_space<vmem>>[vector<16xi32>], vector<16xi32>,
        %swap3A_512 = arith.index_cast %mul3A_502 : i32 to index
        %swap3A_513 = tpu.vector_load %arg13[%swap3A_512] {strides = array<i32>} : memref<48xi32, #tpu.memory_space<vmem>>, vector<16xi32>,
        tpu.vector_store %arg13[%swap3A_512], %gather3A {strides = array<i32>} : memref<48xi32, #tpu.memory_space<vmem>>, vector<16xi32>,
        %mul3A_514 = arith.constant 160000 : i32
        %mul3A_515 = arith.muli %arg0, %mul3A_514 : i32
        %add3A_516 = arith.addi %mul3A_515, %mul3A_0 : i32
        %min3A_517 = arith.constant 9999 : i32
        %min3A_518 = vector.broadcast %min3A_517 : i32 to vector<16xi32>
        %min3A_519 = arith.minsi %min3A_511, %min3A_518 : vector<16xi32>
        %add3A_520 = vector.broadcast %add3A_516 : i32 to vector<16xi32>
        %add3A_521 = arith.addi %add3A_520, %min3A_519 : vector<16xi32>
        %swap3A_522 = arith.index_cast %mul3A_502 : i32 to index
        %swap3A_523 = tpu.vector_load %arg14[%swap3A_522] {strides = array<i32>} : memref<48xi32, #tpu.memory_space<vmem>>, vector<16xi32>,
        tpu.vector_store %arg14[%swap3A_522], %add3A_521 {strides = array<i32>} : memref<48xi32, #tpu.memory_space<vmem>>, vector<16xi32>,
        %scan3A_524 = arith.constant 0 : i32
        scf.yield %scan3A_524 : i32
      }
      %scan3A_473 = arith.constant 3 : i32
      %dma_start3A_474 = arith.constant 0 : i32
      %dma_start3A_475 = arith.constant 0 : i32
      %dma_start3A_476 = tpu.memref_slice %arg2[%dma_start3A_474, %dma_start3A_475] : memref<20000x128xf32, #tpu.memory_space<hbm>> -> memref<20000x128xf32, #tpu.memory_space<hbm>>
      tpu.enqueue_indirect_dma source(%dma_start3A_476 : memref<20000x128xf32, #tpu.memory_space<hbm>>) target(%arg9 : memref<48x128xf32, #tpu.memory_space<vmem>>) offsets(%arg13 : memref<48xi32, #tpu.memory_space<vmem>>) semaphore(%arg19 : memref<!tpu.dma_semaphore, #tpu.memory_space<semaphore_mem>>)
      %dma_start3A_477 = arith.constant 0 : i32
      %dma_start3A_478 = arith.constant 0 : i32
      %dma_start3A_479 = tpu.memref_slice %arg3[%dma_start3A_477, %dma_start3A_478] : memref<320000x128xf32, #tpu.memory_space<hbm>> -> memref<320000x128xf32, #tpu.memory_space<hbm>>
      tpu.enqueue_indirect_dma source(%dma_start3A_479 : memref<320000x128xf32, #tpu.memory_space<hbm>>) target(%arg11 : memref<48x128xf32, #tpu.memory_space<vmem>>) offsets(%arg14 : memref<48xi32, #tpu.memory_space<vmem>>) semaphore(%arg21 : memref<!tpu.dma_semaphore, #tpu.memory_space<semaphore_mem>>)
      %scan3A_480 = arith.constant 0 : i32
      %scan3A_481 = arith.constant 0 : i32
      %scan3A_482 = arith.constant 48 : i32
      %scan3A_483 = arith.addi %scan3A_481, %scan3A_482 : i32
      %scan3A_484 = arith.constant 1 : i32
      %scan3A_485 = scf.for %scan3A_499 = %scan3A_481 to %scan3A_483 step %scan3A_484 iter_args(%scan3A_500 = %scan3A_480) -> (i32)  : i32 {
        %get3A = arith.index_cast %scan3A_499 : i32 to index
        %get3A_501 = arith.constant 0 : index
        %get3A_502 = tpu.vector_load %arg10[%get3A, %get3A_501] {strides = array<i32>} : memref<48x128xf32, #tpu.memory_space<vmem>>, vector<16xf32>,
        %get3A_503 = arith.index_cast %scan3A_499 : i32 to index
        %get3A_504 = arith.constant 0 : index
        %get3A_505 = tpu.vector_load %arg12[%get3A_503, %get3A_504] {strides = array<i32>} : memref<48x128xf32, #tpu.memory_space<vmem>>, vector<16xf32>,
        %add3A_506 = arith.addf %get3A_502, %get3A_505 : vector<16xf32>
        %max3A = arith.constant 0.000000e+00 : f32
        %max3A_507 = vector.broadcast %max3A : f32 to vector<16xf32>
        %max3A_508 = arith.maximumf %add3A_506, %max3A_507 : vector<16xf32>
        %swap3A_509 = arith.index_cast %scan3A_499 : i32 to index
        %swap3A_510 = arith.constant 0 : index
        %swap3A_511 = tpu.vector_load %arg10[%swap3A_509, %swap3A_510] {strides = array<i32>} : memref<48x128xf32, #tpu.memory_space<vmem>>, vector<16xf32>,
        tpu.vector_store %arg10[%swap3A_509, %swap3A_510], %max3A_508 {strides = array<i32>} : memref<48x128xf32, #tpu.memory_space<vmem>>, vector<16xf32>,
        %get3A_512 = arith.index_cast %scan3A_499 : i32 to index
        %get3A_513 = arith.constant 16 : index
        %get3A_514 = tpu.vector_load %arg10[%get3A_512, %get3A_513] {strides = array<i32>} : memref<48x128xf32, #tpu.memory_space<vmem>>, vector<16xf32>,
        %get3A_515 = arith.index_cast %scan3A_499 : i32 to index
        %get3A_516 = arith.constant 16 : index
        %get3A_517 = tpu.vector_load %arg12[%get3A_515, %get3A_516] {strides = array<i32>} : memref<48x128xf32, #tpu.memory_space<vmem>>, vector<16xf32>,
        %add3A_518 = arith.addf %get3A_514, %get3A_517 : vector<16xf32>
        %max3A_519 = arith.constant 0.000000e+00 : f32
        %max3A_520 = vector.broadcast %max3A_519 : f32 to vector<16xf32>
        %max3A_521 = arith.maximumf %add3A_518, %max3A_520 : vector<16xf32>
        %swap3A_522 = arith.index_cast %scan3A_499 : i32 to index
        %swap3A_523 = arith.constant 16 : index
        %swap3A_524 = tpu.vector_load %arg10[%swap3A_522, %swap3A_523] {strides = array<i32>} : memref<48x128xf32, #tpu.memory_space<vmem>>, vector<16xf32>,
        tpu.vector_store %arg10[%swap3A_522, %swap3A_523], %max3A_521 {strides = array<i32>} : memref<48x128xf32, #tpu.memory_space<vmem>>, vector<16xf32>,
        %get3A_525 = arith.index_cast %scan3A_499 : i32 to index
        %get3A_526 = arith.constant 32 : index
        %get3A_527 = tpu.vector_load %arg10[%get3A_525, %get3A_526] {strides = array<i32>} : memref<48x128xf32, #tpu.memory_space<vmem>>, vector<16xf32>,
        %get3A_528 = arith.index_cast %scan3A_499 : i32 to index
        %get3A_529 = arith.constant 32 : index
        %get3A_530 = tpu.vector_load %arg12[%get3A_528, %get3A_529] {strides = array<i32>} : memref<48x128xf32, #tpu.memory_space<vmem>>, vector<16xf32>,
        %add3A_531 = arith.addf %get3A_527, %get3A_530 : vector<16xf32>
        %max3A_532 = arith.constant 0.000000e+00 : f32
        %max3A_533 = vector.broadcast %max3A_532 : f32 to vector<16xf32>
        %max3A_534 = arith.maximumf %add3A_531, %max3A_533 : vector<16xf32>
        %swap3A_535 = arith.index_cast %scan3A_499 : i32 to index
        %swap3A_536 = arith.constant 32 : index
        %swap3A_537 = tpu.vector_load %arg10[%swap3A_535, %swap3A_536] {strides = array<i32>} : memref<48x128xf32, #tpu.memory_space<vmem>>, vector<16xf32>,
        tpu.vector_store %arg10[%swap3A_535, %swap3A_536], %max3A_534 {strides = array<i32>} : memref<48x128xf32, #tpu.memory_space<vmem>>, vector<16xf32>,
        %get3A_538 = arith.index_cast %scan3A_499 : i32 to index
        %get3A_539 = arith.constant 48 : index
        %get3A_540 = tpu.vector_load %arg10[%get3A_538, %get3A_539] {strides = array<i32>} : memref<48x128xf32, #tpu.memory_space<vmem>>, vector<16xf32>,
        %get3A_541 = arith.index_cast %scan3A_499 : i32 to index
        %get3A_542 = arith.constant 48 : index
        %get3A_543 = tpu.vector_load %arg12[%get3A_541, %get3A_542] {strides = array<i32>} : memref<48x128xf32, #tpu.memory_space<vmem>>, vector<16xf32>,
        %add3A_544 = arith.addf %get3A_540, %get3A_543 : vector<16xf32>
        %max3A_545 = arith.constant 0.000000e+00 : f32
        %max3A_546 = vector.broadcast %max3A_545 : f32 to vector<16xf32>
        %max3A_547 = arith.maximumf %add3A_544, %max3A_546 : vector<16xf32>
        %swap3A_548 = arith.index_cast %scan3A_499 : i32 to index
        %swap3A_549 = arith.constant 48 : index
        %swap3A_550 = tpu.vector_load %arg10[%swap3A_548, %swap3A_549] {strides = array<i32>} : memref<48x128xf32, #tpu.memory_space<vmem>>, vector<16xf32>,
        tpu.vector_store %arg10[%swap3A_548, %swap3A_549], %max3A_547 {strides = array<i32>} : memref<48x128xf32, #tpu.memory_space<vmem>>, vector<16xf32>,
        %get3A_551 = arith.index_cast %scan3A_499 : i32 to index
        %get3A_552 = arith.constant 64 : index
        %get3A_553 = tpu.vector_load %arg10[%get3A_551, %get3A_552] {strides = array<i32>} : memref<48x128xf32, #tpu.memory_space<vmem>>, vector<16xf32>,
        %get3A_554 = arith.index_cast %scan3A_499 : i32 to index
        %get3A_555 = arith.constant 64 : index
        %get3A_556 = tpu.vector_load %arg12[%get3A_554, %get3A_555] {strides = array<i32>} : memref<48x128xf32, #tpu.memory_space<vmem>>, vector<16xf32>,
        %add3A_557 = arith.addf %get3A_553, %get3A_556 : vector<16xf32>
        %max3A_558 = arith.constant 0.000000e+00 : f32
        %max3A_559 = vector.broadcast %max3A_558 : f32 to vector<16xf32>
        %max3A_560 = arith.maximumf %add3A_557, %max3A_559 : vector<16xf32>
        %swap3A_561 = arith.index_cast %scan3A_499 : i32 to index
        %swap3A_562 = arith.constant 64 : index
        %swap3A_563 = tpu.vector_load %arg10[%swap3A_561, %swap3A_562] {strides = array<i32>} : memref<48x128xf32, #tpu.memory_space<vmem>>, vector<16xf32>,
        tpu.vector_store %arg10[%swap3A_561, %swap3A_562], %max3A_560 {strides = array<i32>} : memref<48x128xf32, #tpu.memory_space<vmem>>, vector<16xf32>,
        %get3A_564 = arith.index_cast %scan3A_499 : i32 to index
        %get3A_565 = arith.constant 80 : index
        %get3A_566 = tpu.vector_load %arg10[%get3A_564, %get3A_565] {strides = array<i32>} : memref<48x128xf32, #tpu.memory_space<vmem>>, vector<16xf32>,
        %get3A_567 = arith.index_cast %scan3A_499 : i32 to index
        %get3A_568 = arith.constant 80 : index
        %get3A_569 = tpu.vector_load %arg12[%get3A_567, %get3A_568] {strides = array<i32>} : memref<48x128xf32, #tpu.memory_space<vmem>>, vector<16xf32>,
        %add3A_570 = arith.addf %get3A_566, %get3A_569 : vector<16xf32>
        %max3A_571 = arith.constant 0.000000e+00 : f32
        %max3A_572 = vector.broadcast %max3A_571 : f32 to vector<16xf32>
        %max3A_573 = arith.maximumf %add3A_570, %max3A_572 : vector<16xf32>
        %swap3A_574 = arith.index_cast %scan3A_499 : i32 to index
        %swap3A_575 = arith.constant 80 : index
        %swap3A_576 = tpu.vector_load %arg10[%swap3A_574, %swap3A_575] {strides = array<i32>} : memref<48x128xf32, #tpu.memory_space<vmem>>, vector<16xf32>,
        tpu.vector_store %arg10[%swap3A_574, %swap3A_575], %max3A_573 {strides = array<i32>} : memref<48x128xf32, #tpu.memory_space<vmem>>, vector<16xf32>,
        %get3A_577 = arith.index_cast %scan3A_499 : i32 to index
        %get3A_578 = arith.constant 96 : index
        %get3A_579 = tpu.vector_load %arg10[%get3A_577, %get3A_578] {strides = array<i32>} : memref<48x128xf32, #tpu.memory_space<vmem>>, vector<16xf32>,
        %get3A_580 = arith.index_cast %scan3A_499 : i32 to index
        %get3A_581 = arith.constant 96 : index
        %get3A_582 = tpu.vector_load %arg12[%get3A_580, %get3A_581] {strides = array<i32>} : memref<48x128xf32, #tpu.memory_space<vmem>>, vector<16xf32>,
        %add3A_583 = arith.addf %get3A_579, %get3A_582 : vector<16xf32>
        %max3A_584 = arith.constant 0.000000e+00 : f32
        %max3A_585 = vector.broadcast %max3A_584 : f32 to vector<16xf32>
        %max3A_586 = arith.maximumf %add3A_583, %max3A_585 : vector<16xf32>
        %swap3A_587 = arith.index_cast %scan3A_499 : i32 to index
        %swap3A_588 = arith.constant 96 : index
        %swap3A_589 = tpu.vector_load %arg10[%swap3A_587, %swap3A_588] {strides = array<i32>} : memref<48x128xf32, #tpu.memory_space<vmem>>, vector<16xf32>,
        tpu.vector_store %arg10[%swap3A_587, %swap3A_588], %max3A_586 {strides = array<i32>} : memref<48x128xf32, #tpu.memory_space<vmem>>, vector<16xf32>,
        %get3A_590 = arith.index_cast %scan3A_499 : i32 to index
        %get3A_591 = arith.constant 112 : index
        %get3A_592 = tpu.vector_load %arg10[%get3A_590, %get3A_591] {strides = array<i32>} : memref<48x128xf32, #tpu.memory_space<vmem>>, vector<16xf32>,
        %get3A_593 = arith.index_cast %scan3A_499 : i32 to index
        %get3A_594 = arith.constant 112 : index
        %get3A_595 = tpu.vector_load %arg12[%get3A_593, %get3A_594] {strides = array<i32>} : memref<48x128xf32, #tpu.memory_space<vmem>>, vector<16xf32>,
        %add3A_596 = arith.addf %get3A_592, %get3A_595 : vector<16xf32>
        %max3A_597 = arith.constant 0.000000e+00 : f32
        %max3A_598 = vector.broadcast %max3A_597 : f32 to vector<16xf32>
        %max3A_599 = arith.maximumf %add3A_596, %max3A_598 : vector<16xf32>
        %swap3A_600 = arith.index_cast %scan3A_499 : i32 to index
        %swap3A_601 = arith.constant 112 : index
        %swap3A_602 = tpu.vector_load %arg10[%swap3A_600, %swap3A_601] {strides = array<i32>} : memref<48x128xf32, #tpu.memory_space<vmem>>, vector<16xf32>,
        tpu.vector_store %arg10[%swap3A_600, %swap3A_601], %max3A_599 {strides = array<i32>} : memref<48x128xf32, #tpu.memory_space<vmem>>, vector<16xf32>,
        %scan3A_603 = arith.constant 0 : i32
        scf.yield %scan3A_603 : i32
      }
      %scan3A_486 = arith.constant 48 : i32
      %mul3A_487 = arith.constant 48 : i32
      %mul3A_488 = arith.muli %add3A_454, %mul3A_487 : i32
      %sub3A_489 = arith.constant 10128 : i32
      %sub3A_490 = arith.subi %sub3A_489, %mul3A_488 : i32
      %scan3A_491 = arith.constant 0 : i32
      %scan3A_492 = arith.constant 0 : i32
      %scan3A_493 = arith.constant 3 : i32
      %scan3A_494 = arith.addi %scan3A_492, %scan3A_493 : i32
      %scan3A_495 = arith.constant 1 : i32
      %scan3A_496 = scf.for %scan3A_499 = %scan3A_492 to %scan3A_494 step %scan3A_495 iter_args(%scan3A_500 = %scan3A_491) -> (i32)  : i32 {
        %mul3A_501 = arith.constant 16 : i32
        %mul3A_502 = arith.muli %scan3A_499, %mul3A_501 : i32
        %mul3A_503 = arith.constant 16 : i32
        %mul3A_504 = arith.muli %scan3A_499, %mul3A_503 : i32
        %add3A_505 = arith.addi %sub3A_490, %mul3A_504 : i32
        %get3A = arith.index_cast %add3A_505 : i32 to index
        %get3A_506 = tpu.vector_load %arg8[%get3A] {strides = array<i32>} : memref<10192xi32, #tpu.memory_space<vmem>>, vector<16xi32>,
        %shift_right_arithmetic3A = arith.constant 14 : i32
        %shift_right_arithmetic3A_507 = vector.broadcast %shift_right_arithmetic3A : i32 to vector<16xi32>
        %shift_right_arithmetic3A_508 = arith.shrsi %get3A_506, %shift_right_arithmetic3A_507 : vector<16xi32>
        %min3A = arith.constant 5127 : i32
        %min3A_509 = vector.broadcast %min3A : i32 to vector<16xi32>
        %min3A_510 = arith.minsi %shift_right_arithmetic3A_508, %min3A_509 : vector<16xi32>
        %swap3A_511 = arith.index_cast %mul3A_502 : i32 to index
        %swap3A_512 = tpu.vector_load %arg15[%swap3A_511] {strides = array<i32>} : memref<48xi32, #tpu.memory_space<vmem>>, vector<16xi32>,
        tpu.vector_store %arg15[%swap3A_511], %min3A_510 {strides = array<i32>} : memref<48xi32, #tpu.memory_space<vmem>>, vector<16xi32>,
        %scan3A_513 = arith.constant 0 : i32
        scf.yield %scan3A_513 : i32
      }
      %scan3A_497 = arith.constant 3 : i32
      "tpu.region"() ({
        %run_scoped3A = tpu.sem_alloc : memref<!tpu.dma_semaphore, #tpu.memory_space<semaphore_mem>>
        %dma_start3A_499 = arith.constant 0 : i32
        %dma_start3A_500 = arith.constant 0 : i32
        %dma_start3A_501 = tpu.memref_slice %arg18[%dma_start3A_499, %dma_start3A_500] : memref<5128x128xf32, #tpu.memory_space<vmem_shared>> -> memref<5128x128xf32, #tpu.memory_space<vmem_shared>>
        tpu.enqueue_indirect_dma source(%arg10 : memref<48x128xf32, #tpu.memory_space<vmem>>) target(%dma_start3A_501 : memref<5128x128xf32, #tpu.memory_space<vmem_shared>>) offsets(%arg15 : memref<48xi32, #tpu.memory_space<vmem>>) semaphore(%run_scoped3A : memref<!tpu.dma_semaphore, #tpu.memory_space<semaphore_mem>>) {add = true}
        %dma_wait3A_502 = arith.constant 0 : i32
        %dma_wait3A_503 = arith.constant 0 : i32
        %dma_wait3A_504 = tpu.memref_slice %arg18[%dma_wait3A_502, %dma_wait3A_503] : memref<5128x128xf32, #tpu.memory_space<vmem_shared>> -> memref<5128x128xf32, #tpu.memory_space<vmem_shared>>
        tpu.wait_indirect_dma semaphore(%run_scoped3A : memref<!tpu.dma_semaphore, #tpu.memory_space<semaphore_mem>>) src(%arg10 : memref<48x128xf32, #tpu.memory_space<vmem>>) dst(%dma_wait3A_504 : memref<5128x128xf32, #tpu.memory_space<vmem_shared>>)
        tpu.yield
      }) : () -> ()
      %while3A_498 = arith.constant 0 : i32
      scf.yield %while3A_498 : i32
    }
    %while3A_389 = arith.constant 1 : i32
    %while3A_390 = scf.for %while3A_404 = %while3A_386 to %while3A_382 step %while3A_389 iter_args(%while3A_405 = %while3A_388) -> (i32)  : i32 {
      %mul3A_406 = arith.constant 2 : i32
      %mul3A_407 = arith.muli %mul3A_406, %while3A_404 : i32
      %dma_wait3A_408 = arith.constant 0 : i32
      %dma_wait3A_409 = arith.constant 0 : i32
      %dma_wait3A_410 = tpu.memref_slice %arg2[%dma_wait3A_408, %dma_wait3A_409] : memref<20000x128xf32, #tpu.memory_space<hbm>> -> memref<20000x128xf32, #tpu.memory_space<hbm>>
      tpu.wait_indirect_dma semaphore(%arg19 : memref<!tpu.dma_semaphore, #tpu.memory_space<semaphore_mem>>) src(%dma_wait3A_410 : memref<20000x128xf32, #tpu.memory_space<hbm>>) dst(%arg9 : memref<48x128xf32, #tpu.memory_space<vmem>>)
      %dma_wait3A_411 = arith.constant 0 : i32
      %dma_wait3A_412 = arith.constant 0 : i32
      %dma_wait3A_413 = tpu.memref_slice %arg3[%dma_wait3A_411, %dma_wait3A_412] : memref<320000x128xf32, #tpu.memory_space<hbm>> -> memref<320000x128xf32, #tpu.memory_space<hbm>>
      tpu.wait_indirect_dma semaphore(%arg21 : memref<!tpu.dma_semaphore, #tpu.memory_space<semaphore_mem>>) src(%dma_wait3A_413 : memref<320000x128xf32, #tpu.memory_space<hbm>>) dst(%arg11 : memref<48x128xf32, #tpu.memory_space<vmem>>)
      %add3A_414 = arith.constant 1 : i32
      %add3A_415 = arith.addi %mul3A_407, %add3A_414 : i32
      %mul3A_416 = arith.constant 48 : i32
      %mul3A_417 = arith.muli %add3A_415, %mul3A_416 : i32
      %sub3A_418 = arith.constant 10128 : i32
      %sub3A_419 = arith.subi %sub3A_418, %mul3A_417 : i32
      %scan3A_420 = arith.constant 0 : i32
      %scan3A_421 = arith.constant 0 : i32
      %scan3A_422 = arith.constant 3 : i32
      %scan3A_423 = arith.addi %scan3A_421, %scan3A_422 : i32
      %scan3A_424 = arith.constant 1 : i32
      %scan3A_425 = scf.for %scan3A_499 = %scan3A_421 to %scan3A_423 step %scan3A_424 iter_args(%scan3A_500 = %scan3A_420) -> (i32)  : i32 {
        %mul3A_501 = arith.constant 16 : i32
        %mul3A_502 = arith.muli %scan3A_499, %mul3A_501 : i32
        %mul3A_503 = arith.constant 16 : i32
        %mul3A_504 = arith.muli %scan3A_499, %mul3A_503 : i32
        %add3A_505 = arith.addi %sub3A_419, %mul3A_504 : i32
        %get3A = arith.index_cast %add3A_505 : i32 to index
        %get3A_506 = tpu.vector_load %arg8[%get3A] {strides = array<i32>} : memref<10192xi32, #tpu.memory_space<vmem>>, vector<16xi32>,
        %and3A_507 = arith.constant 16383 : i32
        %and3A_508 = vector.broadcast %and3A_507 : i32 to vector<16xi32>
        %and3A_509 = arith.andi %get3A_506, %and3A_508 : vector<16xi32>
        %min3A = arith.constant 10000 : i32
        %min3A_510 = vector.broadcast %min3A : i32 to vector<16xi32>
        %min3A_511 = arith.minsi %and3A_509, %min3A_510 : vector<16xi32>
        %gather3A = tpu.vector_load_idx %arg7[%min3A_511] : memref<10016xi32, #tpu.memory_space<vmem>>[vector<16xi32>], vector<16xi32>,
        %swap3A_512 = arith.index_cast %mul3A_502 : i32 to index
        %swap3A_513 = tpu.vector_load %arg13[%swap3A_512] {strides = array<i32>} : memref<48xi32, #tpu.memory_space<vmem>>, vector<16xi32>,
        tpu.vector_store %arg13[%swap3A_512], %gather3A {strides = array<i32>} : memref<48xi32, #tpu.memory_space<vmem>>, vector<16xi32>,
        %mul3A_514 = arith.constant 160000 : i32
        %mul3A_515 = arith.muli %arg0, %mul3A_514 : i32
        %add3A_516 = arith.addi %mul3A_515, %mul3A_0 : i32
        %min3A_517 = arith.constant 9999 : i32
        %min3A_518 = vector.broadcast %min3A_517 : i32 to vector<16xi32>
        %min3A_519 = arith.minsi %min3A_511, %min3A_518 : vector<16xi32>
        %add3A_520 = vector.broadcast %add3A_516 : i32 to vector<16xi32>
        %add3A_521 = arith.addi %add3A_520, %min3A_519 : vector<16xi32>
        %swap3A_522 = arith.index_cast %mul3A_502 : i32 to index
        %swap3A_523 = tpu.vector_load %arg14[%swap3A_522] {strides = array<i32>} : memref<48xi32, #tpu.memory_space<vmem>>, vector<16xi32>,
        tpu.vector_store %arg14[%swap3A_522], %add3A_521 {strides = array<i32>} : memref<48xi32, #tpu.memory_space<vmem>>, vector<16xi32>,
        %scan3A_524 = arith.constant 0 : i32
        scf.yield %scan3A_524 : i32
      }
      %scan3A_426 = arith.constant 3 : i32
      %dma_start3A_427 = arith.constant 0 : i32
      %dma_start3A_428 = arith.constant 0 : i32
      %dma_start3A_429 = tpu.memref_slice %arg2[%dma_start3A_427, %dma_start3A_428] : memref<20000x128xf32, #tpu.memory_space<hbm>> -> memref<20000x128xf32, #tpu.memory_space<hbm>>
      tpu.enqueue_indirect_dma source(%dma_start3A_429 : memref<20000x128xf32, #tpu.memory_space<hbm>>) target(%arg10 : memref<48x128xf32, #tpu.memory_space<vmem>>) offsets(%arg13 : memref<48xi32, #tpu.memory_space<vmem>>) semaphore(%arg20 : memref<!tpu.dma_semaphore, #tpu.memory_space<semaphore_mem>>)
      %dma_start3A_430 = arith.constant 0 : i32
      %dma_start3A_431 = arith.constant 0 : i32
      %dma_start3A_432 = tpu.memref_slice %arg3[%dma_start3A_430, %dma_start3A_431] : memref<320000x128xf32, #tpu.memory_space<hbm>> -> memref<320000x128xf32, #tpu.memory_space<hbm>>
      tpu.enqueue_indirect_dma source(%dma_start3A_432 : memref<320000x128xf32, #tpu.memory_space<hbm>>) target(%arg12 : memref<48x128xf32, #tpu.memory_space<vmem>>) offsets(%arg14 : memref<48xi32, #tpu.memory_space<vmem>>) semaphore(%arg22 : memref<!tpu.dma_semaphore, #tpu.memory_space<semaphore_mem>>)
      %scan3A_433 = arith.constant 0 : i32
      %scan3A_434 = arith.constant 0 : i32
      %scan3A_435 = arith.constant 48 : i32
      %scan3A_436 = arith.addi %scan3A_434, %scan3A_435 : i32
      %scan3A_437 = arith.constant 1 : i32
      %scan3A_438 = scf.for %scan3A_499 = %scan3A_434 to %scan3A_436 step %scan3A_437 iter_args(%scan3A_500 = %scan3A_433) -> (i32)  : i32 {
        %get3A = arith.index_cast %scan3A_499 : i32 to index
        %get3A_501 = arith.constant 0 : index
        %get3A_502 = tpu.vector_load %arg9[%get3A, %get3A_501] {strides = array<i32>} : memref<48x128xf32, #tpu.memory_space<vmem>>, vector<16xf32>,
        %get3A_503 = arith.index_cast %scan3A_499 : i32 to index
        %get3A_504 = arith.constant 0 : index
        %get3A_505 = tpu.vector_load %arg11[%get3A_503, %get3A_504] {strides = array<i32>} : memref<48x128xf32, #tpu.memory_space<vmem>>, vector<16xf32>,
        %add3A_506 = arith.addf %get3A_502, %get3A_505 : vector<16xf32>
        %max3A = arith.constant 0.000000e+00 : f32
        %max3A_507 = vector.broadcast %max3A : f32 to vector<16xf32>
        %max3A_508 = arith.maximumf %add3A_506, %max3A_507 : vector<16xf32>
        %swap3A_509 = arith.index_cast %scan3A_499 : i32 to index
        %swap3A_510 = arith.constant 0 : index
        %swap3A_511 = tpu.vector_load %arg9[%swap3A_509, %swap3A_510] {strides = array<i32>} : memref<48x128xf32, #tpu.memory_space<vmem>>, vector<16xf32>,
        tpu.vector_store %arg9[%swap3A_509, %swap3A_510], %max3A_508 {strides = array<i32>} : memref<48x128xf32, #tpu.memory_space<vmem>>, vector<16xf32>,
        %get3A_512 = arith.index_cast %scan3A_499 : i32 to index
        %get3A_513 = arith.constant 16 : index
        %get3A_514 = tpu.vector_load %arg9[%get3A_512, %get3A_513] {strides = array<i32>} : memref<48x128xf32, #tpu.memory_space<vmem>>, vector<16xf32>,
        %get3A_515 = arith.index_cast %scan3A_499 : i32 to index
        %get3A_516 = arith.constant 16 : index
        %get3A_517 = tpu.vector_load %arg11[%get3A_515, %get3A_516] {strides = array<i32>} : memref<48x128xf32, #tpu.memory_space<vmem>>, vector<16xf32>,
        %add3A_518 = arith.addf %get3A_514, %get3A_517 : vector<16xf32>
        %max3A_519 = arith.constant 0.000000e+00 : f32
        %max3A_520 = vector.broadcast %max3A_519 : f32 to vector<16xf32>
        %max3A_521 = arith.maximumf %add3A_518, %max3A_520 : vector<16xf32>
        %swap3A_522 = arith.index_cast %scan3A_499 : i32 to index
        %swap3A_523 = arith.constant 16 : index
        %swap3A_524 = tpu.vector_load %arg9[%swap3A_522, %swap3A_523] {strides = array<i32>} : memref<48x128xf32, #tpu.memory_space<vmem>>, vector<16xf32>,
        tpu.vector_store %arg9[%swap3A_522, %swap3A_523], %max3A_521 {strides = array<i32>} : memref<48x128xf32, #tpu.memory_space<vmem>>, vector<16xf32>,
        %get3A_525 = arith.index_cast %scan3A_499 : i32 to index
        %get3A_526 = arith.constant 32 : index
        %get3A_527 = tpu.vector_load %arg9[%get3A_525, %get3A_526] {strides = array<i32>} : memref<48x128xf32, #tpu.memory_space<vmem>>, vector<16xf32>,
        %get3A_528 = arith.index_cast %scan3A_499 : i32 to index
        %get3A_529 = arith.constant 32 : index
        %get3A_530 = tpu.vector_load %arg11[%get3A_528, %get3A_529] {strides = array<i32>} : memref<48x128xf32, #tpu.memory_space<vmem>>, vector<16xf32>,
        %add3A_531 = arith.addf %get3A_527, %get3A_530 : vector<16xf32>
        %max3A_532 = arith.constant 0.000000e+00 : f32
        %max3A_533 = vector.broadcast %max3A_532 : f32 to vector<16xf32>
        %max3A_534 = arith.maximumf %add3A_531, %max3A_533 : vector<16xf32>
        %swap3A_535 = arith.index_cast %scan3A_499 : i32 to index
        %swap3A_536 = arith.constant 32 : index
        %swap3A_537 = tpu.vector_load %arg9[%swap3A_535, %swap3A_536] {strides = array<i32>} : memref<48x128xf32, #tpu.memory_space<vmem>>, vector<16xf32>,
        tpu.vector_store %arg9[%swap3A_535, %swap3A_536], %max3A_534 {strides = array<i32>} : memref<48x128xf32, #tpu.memory_space<vmem>>, vector<16xf32>,
        %get3A_538 = arith.index_cast %scan3A_499 : i32 to index
        %get3A_539 = arith.constant 48 : index
        %get3A_540 = tpu.vector_load %arg9[%get3A_538, %get3A_539] {strides = array<i32>} : memref<48x128xf32, #tpu.memory_space<vmem>>, vector<16xf32>,
        %get3A_541 = arith.index_cast %scan3A_499 : i32 to index
        %get3A_542 = arith.constant 48 : index
        %get3A_543 = tpu.vector_load %arg11[%get3A_541, %get3A_542] {strides = array<i32>} : memref<48x128xf32, #tpu.memory_space<vmem>>, vector<16xf32>,
        %add3A_544 = arith.addf %get3A_540, %get3A_543 : vector<16xf32>
        %max3A_545 = arith.constant 0.000000e+00 : f32
        %max3A_546 = vector.broadcast %max3A_545 : f32 to vector<16xf32>
        %max3A_547 = arith.maximumf %add3A_544, %max3A_546 : vector<16xf32>
        %swap3A_548 = arith.index_cast %scan3A_499 : i32 to index
        %swap3A_549 = arith.constant 48 : index
        %swap3A_550 = tpu.vector_load %arg9[%swap3A_548, %swap3A_549] {strides = array<i32>} : memref<48x128xf32, #tpu.memory_space<vmem>>, vector<16xf32>,
        tpu.vector_store %arg9[%swap3A_548, %swap3A_549], %max3A_547 {strides = array<i32>} : memref<48x128xf32, #tpu.memory_space<vmem>>, vector<16xf32>,
        %get3A_551 = arith.index_cast %scan3A_499 : i32 to index
        %get3A_552 = arith.constant 64 : index
        %get3A_553 = tpu.vector_load %arg9[%get3A_551, %get3A_552] {strides = array<i32>} : memref<48x128xf32, #tpu.memory_space<vmem>>, vector<16xf32>,
        %get3A_554 = arith.index_cast %scan3A_499 : i32 to index
        %get3A_555 = arith.constant 64 : index
        %get3A_556 = tpu.vector_load %arg11[%get3A_554, %get3A_555] {strides = array<i32>} : memref<48x128xf32, #tpu.memory_space<vmem>>, vector<16xf32>,
        %add3A_557 = arith.addf %get3A_553, %get3A_556 : vector<16xf32>
        %max3A_558 = arith.constant 0.000000e+00 : f32
        %max3A_559 = vector.broadcast %max3A_558 : f32 to vector<16xf32>
        %max3A_560 = arith.maximumf %add3A_557, %max3A_559 : vector<16xf32>
        %swap3A_561 = arith.index_cast %scan3A_499 : i32 to index
        %swap3A_562 = arith.constant 64 : index
        %swap3A_563 = tpu.vector_load %arg9[%swap3A_561, %swap3A_562] {strides = array<i32>} : memref<48x128xf32, #tpu.memory_space<vmem>>, vector<16xf32>,
        tpu.vector_store %arg9[%swap3A_561, %swap3A_562], %max3A_560 {strides = array<i32>} : memref<48x128xf32, #tpu.memory_space<vmem>>, vector<16xf32>,
        %get3A_564 = arith.index_cast %scan3A_499 : i32 to index
        %get3A_565 = arith.constant 80 : index
        %get3A_566 = tpu.vector_load %arg9[%get3A_564, %get3A_565] {strides = array<i32>} : memref<48x128xf32, #tpu.memory_space<vmem>>, vector<16xf32>,
        %get3A_567 = arith.index_cast %scan3A_499 : i32 to index
        %get3A_568 = arith.constant 80 : index
        %get3A_569 = tpu.vector_load %arg11[%get3A_567, %get3A_568] {strides = array<i32>} : memref<48x128xf32, #tpu.memory_space<vmem>>, vector<16xf32>,
        %add3A_570 = arith.addf %get3A_566, %get3A_569 : vector<16xf32>
        %max3A_571 = arith.constant 0.000000e+00 : f32
        %max3A_572 = vector.broadcast %max3A_571 : f32 to vector<16xf32>
        %max3A_573 = arith.maximumf %add3A_570, %max3A_572 : vector<16xf32>
        %swap3A_574 = arith.index_cast %scan3A_499 : i32 to index
        %swap3A_575 = arith.constant 80 : index
        %swap3A_576 = tpu.vector_load %arg9[%swap3A_574, %swap3A_575] {strides = array<i32>} : memref<48x128xf32, #tpu.memory_space<vmem>>, vector<16xf32>,
        tpu.vector_store %arg9[%swap3A_574, %swap3A_575], %max3A_573 {strides = array<i32>} : memref<48x128xf32, #tpu.memory_space<vmem>>, vector<16xf32>,
        %get3A_577 = arith.index_cast %scan3A_499 : i32 to index
        %get3A_578 = arith.constant 96 : index
        %get3A_579 = tpu.vector_load %arg9[%get3A_577, %get3A_578] {strides = array<i32>} : memref<48x128xf32, #tpu.memory_space<vmem>>, vector<16xf32>,
        %get3A_580 = arith.index_cast %scan3A_499 : i32 to index
        %get3A_581 = arith.constant 96 : index
        %get3A_582 = tpu.vector_load %arg11[%get3A_580, %get3A_581] {strides = array<i32>} : memref<48x128xf32, #tpu.memory_space<vmem>>, vector<16xf32>,
        %add3A_583 = arith.addf %get3A_579, %get3A_582 : vector<16xf32>
        %max3A_584 = arith.constant 0.000000e+00 : f32
        %max3A_585 = vector.broadcast %max3A_584 : f32 to vector<16xf32>
        %max3A_586 = arith.maximumf %add3A_583, %max3A_585 : vector<16xf32>
        %swap3A_587 = arith.index_cast %scan3A_499 : i32 to index
        %swap3A_588 = arith.constant 96 : index
        %swap3A_589 = tpu.vector_load %arg9[%swap3A_587, %swap3A_588] {strides = array<i32>} : memref<48x128xf32, #tpu.memory_space<vmem>>, vector<16xf32>,
        tpu.vector_store %arg9[%swap3A_587, %swap3A_588], %max3A_586 {strides = array<i32>} : memref<48x128xf32, #tpu.memory_space<vmem>>, vector<16xf32>,
        %get3A_590 = arith.index_cast %scan3A_499 : i32 to index
        %get3A_591 = arith.constant 112 : index
        %get3A_592 = tpu.vector_load %arg9[%get3A_590, %get3A_591] {strides = array<i32>} : memref<48x128xf32, #tpu.memory_space<vmem>>, vector<16xf32>,
        %get3A_593 = arith.index_cast %scan3A_499 : i32 to index
        %get3A_594 = arith.constant 112 : index
        %get3A_595 = tpu.vector_load %arg11[%get3A_593, %get3A_594] {strides = array<i32>} : memref<48x128xf32, #tpu.memory_space<vmem>>, vector<16xf32>,
        %add3A_596 = arith.addf %get3A_592, %get3A_595 : vector<16xf32>
        %max3A_597 = arith.constant 0.000000e+00 : f32
        %max3A_598 = vector.broadcast %max3A_597 : f32 to vector<16xf32>
        %max3A_599 = arith.maximumf %add3A_596, %max3A_598 : vector<16xf32>
        %swap3A_600 = arith.index_cast %scan3A_499 : i32 to index
        %swap3A_601 = arith.constant 112 : index
        %swap3A_602 = tpu.vector_load %arg9[%swap3A_600, %swap3A_601] {strides = array<i32>} : memref<48x128xf32, #tpu.memory_space<vmem>>, vector<16xf32>,
        tpu.vector_store %arg9[%swap3A_600, %swap3A_601], %max3A_599 {strides = array<i32>} : memref<48x128xf32, #tpu.memory_space<vmem>>, vector<16xf32>,
        %scan3A_603 = arith.constant 0 : i32
        scf.yield %scan3A_603 : i32
      }
      %scan3A_439 = arith.constant 48 : i32
      %mul3A_440 = arith.constant 48 : i32
      %mul3A_441 = arith.muli %mul3A_407, %mul3A_440 : i32
      %sub3A_442 = arith.constant 10128 : i32
      %sub3A_443 = arith.subi %sub3A_442, %mul3A_441 : i32
      %scan3A_444 = arith.constant 0 : i32
      %scan3A_445 = arith.constant 0 : i32
      %scan3A_446 = arith.constant 3 : i32
      %scan3A_447 = arith.addi %scan3A_445, %scan3A_446 : i32
      %scan3A_448 = arith.constant 1 : i32
      %scan3A_449 = scf.for %scan3A_499 = %scan3A_445 to %scan3A_447 step %scan3A_448 iter_args(%scan3A_500 = %scan3A_444) -> (i32)  : i32 {
        %mul3A_501 = arith.constant 16 : i32
        %mul3A_502 = arith.muli %scan3A_499, %mul3A_501 : i32
        %mul3A_503 = arith.constant 16 : i32
        %mul3A_504 = arith.muli %scan3A_499, %mul3A_503 : i32
        %add3A_505 = arith.addi %sub3A_443, %mul3A_504 : i32
        %get3A = arith.index_cast %add3A_505 : i32 to index
        %get3A_506 = tpu.vector_load %arg8[%get3A] {strides = array<i32>} : memref<10192xi32, #tpu.memory_space<vmem>>, vector<16xi32>,
        %shift_right_arithmetic3A = arith.constant 14 : i32
        %shift_right_arithmetic3A_507 = vector.broadcast %shift_right_arithmetic3A : i32 to vector<16xi32>
        %shift_right_arithmetic3A_508 = arith.shrsi %get3A_506, %shift_right_arithmetic3A_507 : vector<16xi32>
        %min3A = arith.constant 5127 : i32
        %min3A_509 = vector.broadcast %min3A : i32 to vector<16xi32>
        %min3A_510 = arith.minsi %shift_right_arithmetic3A_508, %min3A_509 : vector<16xi32>
        %swap3A_511 = arith.index_cast %mul3A_502 : i32 to index
        %swap3A_512 = tpu.vector_load %arg15[%swap3A_511] {strides = array<i32>} : memref<48xi32, #tpu.memory_space<vmem>>, vector<16xi32>,
        tpu.vector_store %arg15[%swap3A_511], %min3A_510 {strides = array<i32>} : memref<48xi32, #tpu.memory_space<vmem>>, vector<16xi32>,
        %scan3A_513 = arith.constant 0 : i32
        scf.yield %scan3A_513 : i32
      }
      %scan3A_450 = arith.constant 3 : i32
      "tpu.region"() ({
        %run_scoped3A = tpu.sem_alloc : memref<!tpu.dma_semaphore, #tpu.memory_space<semaphore_mem>>
        %dma_start3A_499 = arith.constant 0 : i32
        %dma_start3A_500 = arith.constant 0 : i32
        %dma_start3A_501 = tpu.memref_slice %arg18[%dma_start3A_499, %dma_start3A_500] : memref<5128x128xf32, #tpu.memory_space<vmem_shared>> -> memref<5128x128xf32, #tpu.memory_space<vmem_shared>>
        tpu.enqueue_indirect_dma source(%arg9 : memref<48x128xf32, #tpu.memory_space<vmem>>) target(%dma_start3A_501 : memref<5128x128xf32, #tpu.memory_space<vmem_shared>>) offsets(%arg15 : memref<48xi32, #tpu.memory_space<vmem>>) semaphore(%run_scoped3A : memref<!tpu.dma_semaphore, #tpu.memory_space<semaphore_mem>>) {add = true}
        %dma_wait3A_502 = arith.constant 0 : i32
        %dma_wait3A_503 = arith.constant 0 : i32
        %dma_wait3A_504 = tpu.memref_slice %arg18[%dma_wait3A_502, %dma_wait3A_503] : memref<5128x128xf32, #tpu.memory_space<vmem_shared>> -> memref<5128x128xf32, #tpu.memory_space<vmem_shared>>
        tpu.wait_indirect_dma semaphore(%run_scoped3A : memref<!tpu.dma_semaphore, #tpu.memory_space<semaphore_mem>>) src(%arg9 : memref<48x128xf32, #tpu.memory_space<vmem>>) dst(%dma_wait3A_504 : memref<5128x128xf32, #tpu.memory_space<vmem_shared>>)
        tpu.yield
      }) : () -> ()
      %mul3A_451 = arith.constant 2 : i32
      %mul3A_452 = arith.muli %mul3A_451, %while3A_404 : i32
      %add3A_453 = arith.constant 1 : i32
      %add3A_454 = arith.addi %mul3A_452, %add3A_453 : i32
      %dma_wait3A_455 = arith.constant 0 : i32
      %dma_wait3A_456 = arith.constant 0 : i32
      %dma_wait3A_457 = tpu.memref_slice %arg2[%dma_wait3A_455, %dma_wait3A_456] : memref<20000x128xf32, #tpu.memory_space<hbm>> -> memref<20000x128xf32, #tpu.memory_space<hbm>>
      tpu.wait_indirect_dma semaphore(%arg20 : memref<!tpu.dma_semaphore, #tpu.memory_space<semaphore_mem>>) src(%dma_wait3A_457 : memref<20000x128xf32, #tpu.memory_space<hbm>>) dst(%arg10 : memref<48x128xf32, #tpu.memory_space<vmem>>)
      %dma_wait3A_458 = arith.constant 0 : i32
      %dma_wait3A_459 = arith.constant 0 : i32
      %dma_wait3A_460 = tpu.memref_slice %arg3[%dma_wait3A_458, %dma_wait3A_459] : memref<320000x128xf32, #tpu.memory_space<hbm>> -> memref<320000x128xf32, #tpu.memory_space<hbm>>
      tpu.wait_indirect_dma semaphore(%arg22 : memref<!tpu.dma_semaphore, #tpu.memory_space<semaphore_mem>>) src(%dma_wait3A_460 : memref<320000x128xf32, #tpu.memory_space<hbm>>) dst(%arg12 : memref<48x128xf32, #tpu.memory_space<vmem>>)
      %add3A_461 = arith.constant 1 : i32
      %add3A_462 = arith.addi %add3A_454, %add3A_461 : i32
      %mul3A_463 = arith.constant 48 : i32
      %mul3A_464 = arith.muli %add3A_462, %mul3A_463 : i32
      %sub3A_465 = arith.constant 10128 : i32
      %sub3A_466 = arith.subi %sub3A_465, %mul3A_464 : i32
      %scan3A_467 = arith.constant 0 : i32
      %scan3A_468 = arith.constant 0 : i32
      %scan3A_469 = arith.constant 3 : i32
      %scan3A_470 = arith.addi %scan3A_468, %scan3A_469 : i32
      %scan3A_471 = arith.constant 1 : i32
      %scan3A_472 = scf.for %scan3A_499 = %scan3A_468 to %scan3A_470 step %scan3A_471 iter_args(%scan3A_500 = %scan3A_467) -> (i32)  : i32 {
        %mul3A_501 = arith.constant 16 : i32
        %mul3A_502 = arith.muli %scan3A_499, %mul3A_501 : i32
        %mul3A_503 = arith.constant 16 : i32
        %mul3A_504 = arith.muli %scan3A_499, %mul3A_503 : i32
        %add3A_505 = arith.addi %sub3A_466, %mul3A_504 : i32
        %get3A = arith.index_cast %add3A_505 : i32 to index
        %get3A_506 = tpu.vector_load %arg8[%get3A] {strides = array<i32>} : memref<10192xi32, #tpu.memory_space<vmem>>, vector<16xi32>,
        %and3A_507 = arith.constant 16383 : i32
        %and3A_508 = vector.broadcast %and3A_507 : i32 to vector<16xi32>
        %and3A_509 = arith.andi %get3A_506, %and3A_508 : vector<16xi32>
        %min3A = arith.constant 10000 : i32
        %min3A_510 = vector.broadcast %min3A : i32 to vector<16xi32>
        %min3A_511 = arith.minsi %and3A_509, %min3A_510 : vector<16xi32>
        %gather3A = tpu.vector_load_idx %arg7[%min3A_511] : memref<10016xi32, #tpu.memory_space<vmem>>[vector<16xi32>], vector<16xi32>,
        %swap3A_512 = arith.index_cast %mul3A_502 : i32 to index
        %swap3A_513 = tpu.vector_load %arg13[%swap3A_512] {strides = array<i32>} : memref<48xi32, #tpu.memory_space<vmem>>, vector<16xi32>,
        tpu.vector_store %arg13[%swap3A_512], %gather3A {strides = array<i32>} : memref<48xi32, #tpu.memory_space<vmem>>, vector<16xi32>,
        %mul3A_514 = arith.constant 160000 : i32
        %mul3A_515 = arith.muli %arg0, %mul3A_514 : i32
        %add3A_516 = arith.addi %mul3A_515, %mul3A_0 : i32
        %min3A_517 = arith.constant 9999 : i32
        %min3A_518 = vector.broadcast %min3A_517 : i32 to vector<16xi32>
        %min3A_519 = arith.minsi %min3A_511, %min3A_518 : vector<16xi32>
        %add3A_520 = vector.broadcast %add3A_516 : i32 to vector<16xi32>
        %add3A_521 = arith.addi %add3A_520, %min3A_519 : vector<16xi32>
        %swap3A_522 = arith.index_cast %mul3A_502 : i32 to index
        %swap3A_523 = tpu.vector_load %arg14[%swap3A_522] {strides = array<i32>} : memref<48xi32, #tpu.memory_space<vmem>>, vector<16xi32>,
        tpu.vector_store %arg14[%swap3A_522], %add3A_521 {strides = array<i32>} : memref<48xi32, #tpu.memory_space<vmem>>, vector<16xi32>,
        %scan3A_524 = arith.constant 0 : i32
        scf.yield %scan3A_524 : i32
      }
      %scan3A_473 = arith.constant 3 : i32
      %dma_start3A_474 = arith.constant 0 : i32
      %dma_start3A_475 = arith.constant 0 : i32
      %dma_start3A_476 = tpu.memref_slice %arg2[%dma_start3A_474, %dma_start3A_475] : memref<20000x128xf32, #tpu.memory_space<hbm>> -> memref<20000x128xf32, #tpu.memory_space<hbm>>
      tpu.enqueue_indirect_dma source(%dma_start3A_476 : memref<20000x128xf32, #tpu.memory_space<hbm>>) target(%arg9 : memref<48x128xf32, #tpu.memory_space<vmem>>) offsets(%arg13 : memref<48xi32, #tpu.memory_space<vmem>>) semaphore(%arg19 : memref<!tpu.dma_semaphore, #tpu.memory_space<semaphore_mem>>)
      %dma_start3A_477 = arith.constant 0 : i32
      %dma_start3A_478 = arith.constant 0 : i32
      %dma_start3A_479 = tpu.memref_slice %arg3[%dma_start3A_477, %dma_start3A_478] : memref<320000x128xf32, #tpu.memory_space<hbm>> -> memref<320000x128xf32, #tpu.memory_space<hbm>>
      tpu.enqueue_indirect_dma source(%dma_start3A_479 : memref<320000x128xf32, #tpu.memory_space<hbm>>) target(%arg11 : memref<48x128xf32, #tpu.memory_space<vmem>>) offsets(%arg14 : memref<48xi32, #tpu.memory_space<vmem>>) semaphore(%arg21 : memref<!tpu.dma_semaphore, #tpu.memory_space<semaphore_mem>>)
      %scan3A_480 = arith.constant 0 : i32
      %scan3A_481 = arith.constant 0 : i32
      %scan3A_482 = arith.constant 48 : i32
      %scan3A_483 = arith.addi %scan3A_481, %scan3A_482 : i32
      %scan3A_484 = arith.constant 1 : i32
      %scan3A_485 = scf.for %scan3A_499 = %scan3A_481 to %scan3A_483 step %scan3A_484 iter_args(%scan3A_500 = %scan3A_480) -> (i32)  : i32 {
        %get3A = arith.index_cast %scan3A_499 : i32 to index
        %get3A_501 = arith.constant 0 : index
        %get3A_502 = tpu.vector_load %arg10[%get3A, %get3A_501] {strides = array<i32>} : memref<48x128xf32, #tpu.memory_space<vmem>>, vector<16xf32>,
        %get3A_503 = arith.index_cast %scan3A_499 : i32 to index
        %get3A_504 = arith.constant 0 : index
        %get3A_505 = tpu.vector_load %arg12[%get3A_503, %get3A_504] {strides = array<i32>} : memref<48x128xf32, #tpu.memory_space<vmem>>, vector<16xf32>,
        %add3A_506 = arith.addf %get3A_502, %get3A_505 : vector<16xf32>
        %max3A = arith.constant 0.000000e+00 : f32
        %max3A_507 = vector.broadcast %max3A : f32 to vector<16xf32>
        %max3A_508 = arith.maximumf %add3A_506, %max3A_507 : vector<16xf32>
        %swap3A_509 = arith.index_cast %scan3A_499 : i32 to index
        %swap3A_510 = arith.constant 0 : index
        %swap3A_511 = tpu.vector_load %arg10[%swap3A_509, %swap3A_510] {strides = array<i32>} : memref<48x128xf32, #tpu.memory_space<vmem>>, vector<16xf32>,
        tpu.vector_store %arg10[%swap3A_509, %swap3A_510], %max3A_508 {strides = array<i32>} : memref<48x128xf32, #tpu.memory_space<vmem>>, vector<16xf32>,
        %get3A_512 = arith.index_cast %scan3A_499 : i32 to index
        %get3A_513 = arith.constant 16 : index
        %get3A_514 = tpu.vector_load %arg10[%get3A_512, %get3A_513] {strides = array<i32>} : memref<48x128xf32, #tpu.memory_space<vmem>>, vector<16xf32>,
        %get3A_515 = arith.index_cast %scan3A_499 : i32 to index
        %get3A_516 = arith.constant 16 : index
        %get3A_517 = tpu.vector_load %arg12[%get3A_515, %get3A_516] {strides = array<i32>} : memref<48x128xf32, #tpu.memory_space<vmem>>, vector<16xf32>,
        %add3A_518 = arith.addf %get3A_514, %get3A_517 : vector<16xf32>
        %max3A_519 = arith.constant 0.000000e+00 : f32
        %max3A_520 = vector.broadcast %max3A_519 : f32 to vector<16xf32>
        %max3A_521 = arith.maximumf %add3A_518, %max3A_520 : vector<16xf32>
        %swap3A_522 = arith.index_cast %scan3A_499 : i32 to index
        %swap3A_523 = arith.constant 16 : index
        %swap3A_524 = tpu.vector_load %arg10[%swap3A_522, %swap3A_523] {strides = array<i32>} : memref<48x128xf32, #tpu.memory_space<vmem>>, vector<16xf32>,
        tpu.vector_store %arg10[%swap3A_522, %swap3A_523], %max3A_521 {strides = array<i32>} : memref<48x128xf32, #tpu.memory_space<vmem>>, vector<16xf32>,
        %get3A_525 = arith.index_cast %scan3A_499 : i32 to index
        %get3A_526 = arith.constant 32 : index
        %get3A_527 = tpu.vector_load %arg10[%get3A_525, %get3A_526] {strides = array<i32>} : memref<48x128xf32, #tpu.memory_space<vmem>>, vector<16xf32>,
        %get3A_528 = arith.index_cast %scan3A_499 : i32 to index
        %get3A_529 = arith.constant 32 : index
        %get3A_530 = tpu.vector_load %arg12[%get3A_528, %get3A_529] {strides = array<i32>} : memref<48x128xf32, #tpu.memory_space<vmem>>, vector<16xf32>,
        %add3A_531 = arith.addf %get3A_527, %get3A_530 : vector<16xf32>
        %max3A_532 = arith.constant 0.000000e+00 : f32
        %max3A_533 = vector.broadcast %max3A_532 : f32 to vector<16xf32>
        %max3A_534 = arith.maximumf %add3A_531, %max3A_533 : vector<16xf32>
        %swap3A_535 = arith.index_cast %scan3A_499 : i32 to index
        %swap3A_536 = arith.constant 32 : index
        %swap3A_537 = tpu.vector_load %arg10[%swap3A_535, %swap3A_536] {strides = array<i32>} : memref<48x128xf32, #tpu.memory_space<vmem>>, vector<16xf32>,
        tpu.vector_store %arg10[%swap3A_535, %swap3A_536], %max3A_534 {strides = array<i32>} : memref<48x128xf32, #tpu.memory_space<vmem>>, vector<16xf32>,
        %get3A_538 = arith.index_cast %scan3A_499 : i32 to index
        %get3A_539 = arith.constant 48 : index
        %get3A_540 = tpu.vector_load %arg10[%get3A_538, %get3A_539] {strides = array<i32>} : memref<48x128xf32, #tpu.memory_space<vmem>>, vector<16xf32>,
        %get3A_541 = arith.index_cast %scan3A_499 : i32 to index
        %get3A_542 = arith.constant 48 : index
        %get3A_543 = tpu.vector_load %arg12[%get3A_541, %get3A_542] {strides = array<i32>} : memref<48x128xf32, #tpu.memory_space<vmem>>, vector<16xf32>,
        %add3A_544 = arith.addf %get3A_540, %get3A_543 : vector<16xf32>
        %max3A_545 = arith.constant 0.000000e+00 : f32
        %max3A_546 = vector.broadcast %max3A_545 : f32 to vector<16xf32>
        %max3A_547 = arith.maximumf %add3A_544, %max3A_546 : vector<16xf32>
        %swap3A_548 = arith.index_cast %scan3A_499 : i32 to index
        %swap3A_549 = arith.constant 48 : index
        %swap3A_550 = tpu.vector_load %arg10[%swap3A_548, %swap3A_549] {strides = array<i32>} : memref<48x128xf32, #tpu.memory_space<vmem>>, vector<16xf32>,
        tpu.vector_store %arg10[%swap3A_548, %swap3A_549], %max3A_547 {strides = array<i32>} : memref<48x128xf32, #tpu.memory_space<vmem>>, vector<16xf32>,
        %get3A_551 = arith.index_cast %scan3A_499 : i32 to index
        %get3A_552 = arith.constant 64 : index
        %get3A_553 = tpu.vector_load %arg10[%get3A_551, %get3A_552] {strides = array<i32>} : memref<48x128xf32, #tpu.memory_space<vmem>>, vector<16xf32>,
        %get3A_554 = arith.index_cast %scan3A_499 : i32 to index
        %get3A_555 = arith.constant 64 : index
        %get3A_556 = tpu.vector_load %arg12[%get3A_554, %get3A_555] {strides = array<i32>} : memref<48x128xf32, #tpu.memory_space<vmem>>, vector<16xf32>,
        %add3A_557 = arith.addf %get3A_553, %get3A_556 : vector<16xf32>
        %max3A_558 = arith.constant 0.000000e+00 : f32
        %max3A_559 = vector.broadcast %max3A_558 : f32 to vector<16xf32>
        %max3A_560 = arith.maximumf %add3A_557, %max3A_559 : vector<16xf32>
        %swap3A_561 = arith.index_cast %scan3A_499 : i32 to index
        %swap3A_562 = arith.constant 64 : index
        %swap3A_563 = tpu.vector_load %arg10[%swap3A_561, %swap3A_562] {strides = array<i32>} : memref<48x128xf32, #tpu.memory_space<vmem>>, vector<16xf32>,
        tpu.vector_store %arg10[%swap3A_561, %swap3A_562], %max3A_560 {strides = array<i32>} : memref<48x128xf32, #tpu.memory_space<vmem>>, vector<16xf32>,
        %get3A_564 = arith.index_cast %scan3A_499 : i32 to index
        %get3A_565 = arith.constant 80 : index
        %get3A_566 = tpu.vector_load %arg10[%get3A_564, %get3A_565] {strides = array<i32>} : memref<48x128xf32, #tpu.memory_space<vmem>>, vector<16xf32>,
        %get3A_567 = arith.index_cast %scan3A_499 : i32 to index
        %get3A_568 = arith.constant 80 : index
        %get3A_569 = tpu.vector_load %arg12[%get3A_567, %get3A_568] {strides = array<i32>} : memref<48x128xf32, #tpu.memory_space<vmem>>, vector<16xf32>,
        %add3A_570 = arith.addf %get3A_566, %get3A_569 : vector<16xf32>
        %max3A_571 = arith.constant 0.000000e+00 : f32
        %max3A_572 = vector.broadcast %max3A_571 : f32 to vector<16xf32>
        %max3A_573 = arith.maximumf %add3A_570, %max3A_572 : vector<16xf32>
        %swap3A_574 = arith.index_cast %scan3A_499 : i32 to index
        %swap3A_575 = arith.constant 80 : index
        %swap3A_576 = tpu.vector_load %arg10[%swap3A_574, %swap3A_575] {strides = array<i32>} : memref<48x128xf32, #tpu.memory_space<vmem>>, vector<16xf32>,
        tpu.vector_store %arg10[%swap3A_574, %swap3A_575], %max3A_573 {strides = array<i32>} : memref<48x128xf32, #tpu.memory_space<vmem>>, vector<16xf32>,
        %get3A_577 = arith.index_cast %scan3A_499 : i32 to index
        %get3A_578 = arith.constant 96 : index
        %get3A_579 = tpu.vector_load %arg10[%get3A_577, %get3A_578] {strides = array<i32>} : memref<48x128xf32, #tpu.memory_space<vmem>>, vector<16xf32>,
        %get3A_580 = arith.index_cast %scan3A_499 : i32 to index
        %get3A_581 = arith.constant 96 : index
        %get3A_582 = tpu.vector_load %arg12[%get3A_580, %get3A_581] {strides = array<i32>} : memref<48x128xf32, #tpu.memory_space<vmem>>, vector<16xf32>,
        %add3A_583 = arith.addf %get3A_579, %get3A_582 : vector<16xf32>
        %max3A_584 = arith.constant 0.000000e+00 : f32
        %max3A_585 = vector.broadcast %max3A_584 : f32 to vector<16xf32>
        %max3A_586 = arith.maximumf %add3A_583, %max3A_585 : vector<16xf32>
        %swap3A_587 = arith.index_cast %scan3A_499 : i32 to index
        %swap3A_588 = arith.constant 96 : index
        %swap3A_589 = tpu.vector_load %arg10[%swap3A_587, %swap3A_588] {strides = array<i32>} : memref<48x128xf32, #tpu.memory_space<vmem>>, vector<16xf32>,
        tpu.vector_store %arg10[%swap3A_587, %swap3A_588], %max3A_586 {strides = array<i32>} : memref<48x128xf32, #tpu.memory_space<vmem>>, vector<16xf32>,
        %get3A_590 = arith.index_cast %scan3A_499 : i32 to index
        %get3A_591 = arith.constant 112 : index
        %get3A_592 = tpu.vector_load %arg10[%get3A_590, %get3A_591] {strides = array<i32>} : memref<48x128xf32, #tpu.memory_space<vmem>>, vector<16xf32>,
        %get3A_593 = arith.index_cast %scan3A_499 : i32 to index
        %get3A_594 = arith.constant 112 : index
        %get3A_595 = tpu.vector_load %arg12[%get3A_593, %get3A_594] {strides = array<i32>} : memref<48x128xf32, #tpu.memory_space<vmem>>, vector<16xf32>,
        %add3A_596 = arith.addf %get3A_592, %get3A_595 : vector<16xf32>
        %max3A_597 = arith.constant 0.000000e+00 : f32
        %max3A_598 = vector.broadcast %max3A_597 : f32 to vector<16xf32>
        %max3A_599 = arith.maximumf %add3A_596, %max3A_598 : vector<16xf32>
        %swap3A_600 = arith.index_cast %scan3A_499 : i32 to index
        %swap3A_601 = arith.constant 112 : index
        %swap3A_602 = tpu.vector_load %arg10[%swap3A_600, %swap3A_601] {strides = array<i32>} : memref<48x128xf32, #tpu.memory_space<vmem>>, vector<16xf32>,
        tpu.vector_store %arg10[%swap3A_600, %swap3A_601], %max3A_599 {strides = array<i32>} : memref<48x128xf32, #tpu.memory_space<vmem>>, vector<16xf32>,
        %scan3A_603 = arith.constant 0 : i32
        scf.yield %scan3A_603 : i32
      }
      %scan3A_486 = arith.constant 48 : i32
      %mul3A_487 = arith.constant 48 : i32
      %mul3A_488 = arith.muli %add3A_454, %mul3A_487 : i32
      %sub3A_489 = arith.constant 10128 : i32
      %sub3A_490 = arith.subi %sub3A_489, %mul3A_488 : i32
      %scan3A_491 = arith.constant 0 : i32
      %scan3A_492 = arith.constant 0 : i32
      %scan3A_493 = arith.constant 3 : i32
      %scan3A_494 = arith.addi %scan3A_492, %scan3A_493 : i32
      %scan3A_495 = arith.constant 1 : i32
      %scan3A_496 = scf.for %scan3A_499 = %scan3A_492 to %scan3A_494 step %scan3A_495 iter_args(%scan3A_500 = %scan3A_491) -> (i32)  : i32 {
        %mul3A_501 = arith.constant 16 : i32
        %mul3A_502 = arith.muli %scan3A_499, %mul3A_501 : i32
        %mul3A_503 = arith.constant 16 : i32
        %mul3A_504 = arith.muli %scan3A_499, %mul3A_503 : i32
        %add3A_505 = arith.addi %sub3A_490, %mul3A_504 : i32
        %get3A = arith.index_cast %add3A_505 : i32 to index
        %get3A_506 = tpu.vector_load %arg8[%get3A] {strides = array<i32>} : memref<10192xi32, #tpu.memory_space<vmem>>, vector<16xi32>,
        %shift_right_arithmetic3A = arith.constant 14 : i32
        %shift_right_arithmetic3A_507 = vector.broadcast %shift_right_arithmetic3A : i32 to vector<16xi32>
        %shift_right_arithmetic3A_508 = arith.shrsi %get3A_506, %shift_right_arithmetic3A_507 : vector<16xi32>
        %min3A = arith.constant 5127 : i32
        %min3A_509 = vector.broadcast %min3A : i32 to vector<16xi32>
        %min3A_510 = arith.minsi %shift_right_arithmetic3A_508, %min3A_509 : vector<16xi32>
        %swap3A_511 = arith.index_cast %mul3A_502 : i32 to index
        %swap3A_512 = tpu.vector_load %arg15[%swap3A_511] {strides = array<i32>} : memref<48xi32, #tpu.memory_space<vmem>>, vector<16xi32>,
        tpu.vector_store %arg15[%swap3A_511], %min3A_510 {strides = array<i32>} : memref<48xi32, #tpu.memory_space<vmem>>, vector<16xi32>,
        %scan3A_513 = arith.constant 0 : i32
        scf.yield %scan3A_513 : i32
      }
      %scan3A_497 = arith.constant 3 : i32
      "tpu.region"() ({
        %run_scoped3A = tpu.sem_alloc : memref<!tpu.dma_semaphore, #tpu.memory_space<semaphore_mem>>
        %dma_start3A_499 = arith.constant 0 : i32
        %dma_start3A_500 = arith.constant 0 : i32
        %dma_start3A_501 = tpu.memref_slice %arg18[%dma_start3A_499, %dma_start3A_500] : memref<5128x128xf32, #tpu.memory_space<vmem_shared>> -> memref<5128x128xf32, #tpu.memory_space<vmem_shared>>
        tpu.enqueue_indirect_dma source(%arg10 : memref<48x128xf32, #tpu.memory_space<vmem>>) target(%dma_start3A_501 : memref<5128x128xf32, #tpu.memory_space<vmem_shared>>) offsets(%arg15 : memref<48xi32, #tpu.memory_space<vmem>>) semaphore(%run_scoped3A : memref<!tpu.dma_semaphore, #tpu.memory_space<semaphore_mem>>) {add = true}
        %dma_wait3A_502 = arith.constant 0 : i32
        %dma_wait3A_503 = arith.constant 0 : i32
        %dma_wait3A_504 = tpu.memref_slice %arg18[%dma_wait3A_502, %dma_wait3A_503] : memref<5128x128xf32, #tpu.memory_space<vmem_shared>> -> memref<5128x128xf32, #tpu.memory_space<vmem_shared>>
        tpu.wait_indirect_dma semaphore(%run_scoped3A : memref<!tpu.dma_semaphore, #tpu.memory_space<semaphore_mem>>) src(%arg10 : memref<48x128xf32, #tpu.memory_space<vmem>>) dst(%dma_wait3A_504 : memref<5128x128xf32, #tpu.memory_space<vmem_shared>>)
        tpu.yield
      }) : () -> ()
      %while3A_498 = arith.constant 0 : i32
      scf.yield %while3A_498 : i32
    }
    %dma_wait3A_391 = arith.constant 0 : i32
    %dma_wait3A_392 = arith.constant 0 : i32
    %dma_wait3A_393 = tpu.memref_slice %arg2[%dma_wait3A_391, %dma_wait3A_392] : memref<20000x128xf32, #tpu.memory_space<hbm>> -> memref<20000x128xf32, #tpu.memory_space<hbm>>
    tpu.wait_indirect_dma semaphore(%arg19 : memref<!tpu.dma_semaphore, #tpu.memory_space<semaphore_mem>>) src(%dma_wait3A_393 : memref<20000x128xf32, #tpu.memory_space<hbm>>) dst(%arg9 : memref<48x128xf32, #tpu.memory_space<vmem>>)
    %dma_wait3A_394 = arith.constant 0 : i32
    %dma_wait3A_395 = arith.constant 0 : i32
    %dma_wait3A_396 = tpu.memref_slice %arg3[%dma_wait3A_394, %dma_wait3A_395] : memref<320000x128xf32, #tpu.memory_space<hbm>> -> memref<320000x128xf32, #tpu.memory_space<hbm>>
    tpu.wait_indirect_dma semaphore(%arg21 : memref<!tpu.dma_semaphore, #tpu.memory_space<semaphore_mem>>) src(%dma_wait3A_396 : memref<320000x128xf32, #tpu.memory_space<hbm>>) dst(%arg11 : memref<48x128xf32, #tpu.memory_space<vmem>>)
    %barrier3A_397 = arith.constant 0 : index
    tpu.barrier barrier_id(%barrier3A_397)
    %mul3A_398 = arith.constant 320 : i32
    %mul3A_399 = arith.muli %arg1, %mul3A_398 : i32
    %mul3A_400 = arith.constant 320 : i32
    %mul3A_401 = arith.muli %arg1, %mul3A_400 : i32
    %add3A_402 = arith.constant 5120 : i32
    %add3A_403 = arith.addi %add3A_402, %mul3A_401 : i32
    "tpu.region"() ({
      %run_scoped3A = tpu.sem_alloc : memref<!tpu.dma_semaphore, #tpu.memory_space<semaphore_mem>>
      %dma_start3A_404 = arith.constant 0 : i32
      %dma_start3A_405 = tpu.memref_slice %arg6[%arg0, %add3A_403, %dma_start3A_404] : memref<2x10240x128xf32, #tpu.memory_space<hbm>> -> memref<1x320x128xf32, #tpu.memory_space<hbm>>
      %dma_start3A_406 = tpu.memref_squeeze %dma_start3A_405 : memref<1x320x128xf32, #tpu.memory_space<hbm>> -> memref<320x128xf32, #tpu.memory_space<hbm>>
      %dma_start3A_407 = arith.constant 0 : i32
      %dma_start3A_408 = tpu.memref_slice %arg18[%mul3A_399, %dma_start3A_407] : memref<5128x128xf32, #tpu.memory_space<vmem_shared>> -> memref<320x128xf32, #tpu.memory_space<vmem_shared>>
      tpu.enqueue_dma source(%dma_start3A_408 : memref<320x128xf32, #tpu.memory_space<vmem_shared>>) target(%dma_start3A_406 : memref<320x128xf32, #tpu.memory_space<hbm>>) target_semaphore(%run_scoped3A : memref<!tpu.dma_semaphore, #tpu.memory_space<semaphore_mem>>)
      %dma_wait3A_409 = arith.constant 0 : i32
      %dma_wait3A_410 = tpu.memref_slice %arg6[%arg0, %add3A_403, %dma_wait3A_409] : memref<2x10240x128xf32, #tpu.memory_space<hbm>> -> memref<1x320x128xf32, #tpu.memory_space<hbm>>
      %dma_wait3A_411 = tpu.memref_squeeze %dma_wait3A_410 : memref<1x320x128xf32, #tpu.memory_space<hbm>> -> memref<320x128xf32, #tpu.memory_space<hbm>>
      %dma_wait3A_412 = arith.constant 0 : i32
      %dma_wait3A_413 = tpu.memref_slice %arg18[%mul3A_399, %dma_wait3A_412] : memref<5128x128xf32, #tpu.memory_space<vmem_shared>> -> memref<320x128xf32, #tpu.memory_space<vmem_shared>>
      tpu.wait_dma2 semaphore(%run_scoped3A : memref<!tpu.dma_semaphore, #tpu.memory_space<semaphore_mem>>) src(%dma_wait3A_413 : memref<320x128xf32, #tpu.memory_space<vmem_shared>>) dst(%dma_wait3A_411 : memref<320x128xf32, #tpu.memory_space<hbm>>)
      tpu.yield
    }) : () -> ()
    return
  }
}

module attributes {stable_mosaic.version = 14 : i64} {
  func.func @_eenc_body(%arg0: i32, %arg1: memref<2000x3xf32, #tpu.memory_space<vmem>>, %arg2: memref<3x256xf32, #tpu.memory_space<vmem>>, %arg3: memref<1x256xf32, #tpu.memory_space<vmem>>, %arg4: memref<2x2000x128xf32, #tpu.memory_space<vmem>>) attributes {dimension_semantics = [#tpu.dimension_semantics<arbitrary>], iteration_bounds = array<i64: 80>, scalar_prefetch = 0 : i64, scratch_operands = 0 : i64, tpu.core_type = #tpu.core_type<tc>, window_params = [{transform_indices = @transform_0, window_bounds = array<i64: 2000, 3>}, {pipeline_mode = #tpu.pipeline_mode<synchronous>, transform_indices = @transform_1, window_bounds = array<i64: 3, 256>}, {pipeline_mode = #tpu.pipeline_mode<synchronous>, transform_indices = @transform_2, window_bounds = array<i64: 1, 256>}, {transform_indices = @transform_3, window_bounds = array<i64: 2, 2000, 128>}]} {
    %get3A = arith.constant 0 : index
    %get3A_0 = arith.constant 0 : index
    %get3A_1 = vector.load %arg1[%get3A, %get3A_0] : memref<2000x3xf32, #tpu.memory_space<vmem>>, vector<2000x3xf32>
    %get3A_2 = arith.constant 0 : index
    %get3A_3 = arith.constant 0 : index
    %get3A_4 = vector.load %arg2[%get3A_2, %get3A_3] : memref<3x256xf32, #tpu.memory_space<vmem>>, vector<3x256xf32>
    %dot_general3A = arith.constant dense<0.000000e+00> : vector<2000x256xf32>
    %dot_general3A_5 = tpu.matmul %get3A_1, %get3A_4, %dot_general3A {dimension_numbers = #tpu.dot_dimension_numbers<[1], [0], [0], [1], [0, 0, 1, 1], [], []>, transpose_lhs_hint = false} : vector<2000x3xf32>, vector<3x256xf32>, vector<2000x256xf32> -> vector<2000x256xf32>
    %get3A_6 = arith.constant 0 : index
    %get3A_7 = arith.constant 0 : index
    %get3A_8 = vector.load %arg3[%get3A_6, %get3A_7] : memref<1x256xf32, #tpu.memory_space<vmem>>, vector<1x256xf32>
    %add3A = vector.broadcast %get3A_8 : vector<1x256xf32> to vector<2000x256xf32>
    %add3A_9 = arith.addf %dot_general3A_5, %add3A : vector<2000x256xf32>
    %slice3A = vector.extract_strided_slice %add3A_9 {offsets = [0, 0], sizes = [2000, 128], strides = [1, 1]} : vector<2000x256xf32> to vector<2000x128xf32>
    %swap3A = arith.constant 0 : index
    %swap3A_10 = arith.constant 0 : index
    %swap3A_11 = arith.constant 0 : index
    %swap3A_12 = vector.load %arg4[%swap3A, %swap3A_10, %swap3A_11] : memref<2x2000x128xf32, #tpu.memory_space<vmem>>, vector<1x2000x128xf32>
    %swap3A_13 = vector.shape_cast %swap3A_12 : vector<1x2000x128xf32> to vector<2000x128xf32>
    %swap3A_14 = vector.shape_cast %slice3A : vector<2000x128xf32> to vector<1x2000x128xf32>
    tpu.vector_store %arg4[%swap3A, %swap3A_10, %swap3A_11], %swap3A_14 {strides = array<i32>} : memref<2x2000x128xf32, #tpu.memory_space<vmem>>, vector<1x2000x128xf32>,
    %slice3A_15 = vector.extract_strided_slice %add3A_9 {offsets = [0, 128], sizes = [2000, 128], strides = [1, 1]} : vector<2000x256xf32> to vector<2000x128xf32>
    %swap3A_16 = arith.constant 1 : index
    %swap3A_17 = arith.constant 0 : index
    %swap3A_18 = arith.constant 0 : index
    %swap3A_19 = vector.load %arg4[%swap3A_16, %swap3A_17, %swap3A_18] : memref<2x2000x128xf32, #tpu.memory_space<vmem>>, vector<1x2000x128xf32>
    %swap3A_20 = vector.shape_cast %swap3A_19 : vector<1x2000x128xf32> to vector<2000x128xf32>
    %swap3A_21 = vector.shape_cast %slice3A_15 : vector<2000x128xf32> to vector<1x2000x128xf32>
    tpu.vector_store %arg4[%swap3A_16, %swap3A_17, %swap3A_18], %swap3A_21 {strides = array<i32>} : memref<2x2000x128xf32, #tpu.memory_space<vmem>>, vector<1x2000x128xf32>,
    return
  }
  func.func @transform_0(%arg0: i32) -> (i32, i32) {
    %c0_i32 = arith.constant 0 : i32
    %c0_i32_0 = arith.constant 0 : i32
    return %arg0, %c0_i32 : i32, i32
  }
  func.func @transform_1(%arg0: i32) -> (i32, i32) {
    %c0_i32 = arith.constant 0 : i32
    %c0_i32_0 = arith.constant 0 : i32
    %c0_i32_1 = arith.constant 0 : i32
    return %c0_i32, %c0_i32_0 : i32, i32
  }
  func.func @transform_2(%arg0: i32) -> (i32, i32) {
    %c0_i32 = arith.constant 0 : i32
    %c0_i32_0 = arith.constant 0 : i32
    %c0_i32_1 = arith.constant 0 : i32
    return %c0_i32, %c0_i32_0 : i32, i32
  }
  func.func @transform_3(%arg0: i32) -> (i32, i32, i32) {
    %c0_i32 = arith.constant 0 : i32
    %c0_i32_0 = arith.constant 0 : i32
    %c0_i32_1 = arith.constant 0 : i32
    return %c0_i32, %arg0, %c0_i32_0 : i32, i32, i32
  }
}

module attributes {stable_mosaic.version = 14 : i64} {
  func.func @_enc_body(%arg0: i32, %arg1: memref<1000x9xf32, #tpu.memory_space<vmem>>, %arg2: memref<9x256xf32, #tpu.memory_space<vmem>>, %arg3: memref<1x256xf32, #tpu.memory_space<vmem>>, %arg4: memref<2x1000x128xf32, #tpu.memory_space<vmem>>) attributes {dimension_semantics = [#tpu.dimension_semantics<arbitrary>], iteration_bounds = array<i64: 10>, scalar_prefetch = 0 : i64, scratch_operands = 0 : i64, tpu.core_type = #tpu.core_type<tc>, window_params = [{transform_indices = @transform_0, window_bounds = array<i64: 1000, 9>}, {pipeline_mode = #tpu.pipeline_mode<synchronous>, transform_indices = @transform_1, window_bounds = array<i64: 9, 256>}, {pipeline_mode = #tpu.pipeline_mode<synchronous>, transform_indices = @transform_2, window_bounds = array<i64: 1, 256>}, {transform_indices = @transform_3, window_bounds = array<i64: 2, 1000, 128>}]} {
    %get3A = arith.constant 0 : index
    %get3A_0 = arith.constant 0 : index
    %get3A_1 = vector.load %arg1[%get3A, %get3A_0] : memref<1000x9xf32, #tpu.memory_space<vmem>>, vector<1000x9xf32>
    %get3A_2 = arith.constant 0 : index
    %get3A_3 = arith.constant 0 : index
    %get3A_4 = vector.load %arg2[%get3A_2, %get3A_3] : memref<9x256xf32, #tpu.memory_space<vmem>>, vector<9x256xf32>
    %dot_general3A = arith.constant dense<0.000000e+00> : vector<1000x256xf32>
    %dot_general3A_5 = tpu.matmul %get3A_1, %get3A_4, %dot_general3A {dimension_numbers = #tpu.dot_dimension_numbers<[1], [0], [0], [1], [0, 0, 1, 1], [], []>, transpose_lhs_hint = false} : vector<1000x9xf32>, vector<9x256xf32>, vector<1000x256xf32> -> vector<1000x256xf32>
    %get3A_6 = arith.constant 0 : index
    %get3A_7 = arith.constant 0 : index
    %get3A_8 = vector.load %arg3[%get3A_6, %get3A_7] : memref<1x256xf32, #tpu.memory_space<vmem>>, vector<1x256xf32>
    %add3A = vector.broadcast %get3A_8 : vector<1x256xf32> to vector<1000x256xf32>
    %add3A_9 = arith.addf %dot_general3A_5, %add3A : vector<1000x256xf32>
    %slice3A = vector.extract_strided_slice %add3A_9 {offsets = [0, 0], sizes = [1000, 128], strides = [1, 1]} : vector<1000x256xf32> to vector<1000x128xf32>
    %swap3A = arith.constant 0 : index
    %swap3A_10 = arith.constant 0 : index
    %swap3A_11 = arith.constant 0 : index
    %swap3A_12 = vector.load %arg4[%swap3A, %swap3A_10, %swap3A_11] : memref<2x1000x128xf32, #tpu.memory_space<vmem>>, vector<1x1000x128xf32>
    %swap3A_13 = vector.shape_cast %swap3A_12 : vector<1x1000x128xf32> to vector<1000x128xf32>
    %swap3A_14 = vector.shape_cast %slice3A : vector<1000x128xf32> to vector<1x1000x128xf32>
    tpu.vector_store %arg4[%swap3A, %swap3A_10, %swap3A_11], %swap3A_14 {strides = array<i32>} : memref<2x1000x128xf32, #tpu.memory_space<vmem>>, vector<1x1000x128xf32>,
    %slice3A_15 = vector.extract_strided_slice %add3A_9 {offsets = [0, 128], sizes = [1000, 128], strides = [1, 1]} : vector<1000x256xf32> to vector<1000x128xf32>
    %swap3A_16 = arith.constant 1 : index
    %swap3A_17 = arith.constant 0 : index
    %swap3A_18 = arith.constant 0 : index
    %swap3A_19 = vector.load %arg4[%swap3A_16, %swap3A_17, %swap3A_18] : memref<2x1000x128xf32, #tpu.memory_space<vmem>>, vector<1x1000x128xf32>
    %swap3A_20 = vector.shape_cast %swap3A_19 : vector<1x1000x128xf32> to vector<1000x128xf32>
    %swap3A_21 = vector.shape_cast %slice3A_15 : vector<1000x128xf32> to vector<1x1000x128xf32>
    tpu.vector_store %arg4[%swap3A_16, %swap3A_17, %swap3A_18], %swap3A_21 {strides = array<i32>} : memref<2x1000x128xf32, #tpu.memory_space<vmem>>, vector<1x1000x128xf32>,
    return
  }
  func.func @transform_0(%arg0: i32) -> (i32, i32) {
    %c0_i32 = arith.constant 0 : i32
    %c0_i32_0 = arith.constant 0 : i32
    return %arg0, %c0_i32 : i32, i32
  }
  func.func @transform_1(%arg0: i32) -> (i32, i32) {
    %c0_i32 = arith.constant 0 : i32
    %c0_i32_0 = arith.constant 0 : i32
    %c0_i32_1 = arith.constant 0 : i32
    return %c0_i32, %c0_i32_0 : i32, i32
  }
  func.func @transform_2(%arg0: i32) -> (i32, i32) {
    %c0_i32 = arith.constant 0 : i32
    %c0_i32_0 = arith.constant 0 : i32
    %c0_i32_1 = arith.constant 0 : i32
    return %c0_i32, %c0_i32_0 : i32, i32
  }
  func.func @transform_3(%arg0: i32) -> (i32, i32, i32) {
    %c0_i32 = arith.constant 0 : i32
    %c0_i32_0 = arith.constant 0 : i32
    %c0_i32_1 = arith.constant 0 : i32
    return %c0_i32, %arg0, %c0_i32_0 : i32, i32, i32
  }
}

module attributes {stable_mosaic.version = 14 : i64} {
  func.func @_mlp_body(%arg0: i32, %arg1: memref<2x1000x128xf32, #tpu.memory_space<vmem>>, %arg2: memref<2x1000x128xf32, #tpu.memory_space<vmem>>, %arg3: memref<256x256xf32, #tpu.memory_space<vmem>>, %arg4: memref<1x256xf32, #tpu.memory_space<vmem>>, %arg5: memref<256x256xf32, #tpu.memory_space<vmem>>, %arg6: memref<1x256xf32, #tpu.memory_space<vmem>>, %arg7: memref<2x1000x128xf32, #tpu.memory_space<vmem>>) attributes {dimension_semantics = [#tpu.dimension_semantics<arbitrary>], iteration_bounds = array<i64: 10>, scalar_prefetch = 0 : i64, scratch_operands = 0 : i64, tpu.core_type = #tpu.core_type<tc>, window_params = [{transform_indices = @transform_0, window_bounds = array<i64: 2, 1000, 128>}, {transform_indices = @transform_1, window_bounds = array<i64: 2, 1000, 128>}, {pipeline_mode = #tpu.pipeline_mode<synchronous>, transform_indices = @transform_2, window_bounds = array<i64: 256, 256>}, {pipeline_mode = #tpu.pipeline_mode<synchronous>, transform_indices = @transform_3, window_bounds = array<i64: 1, 256>}, {pipeline_mode = #tpu.pipeline_mode<synchronous>, transform_indices = @transform_4, window_bounds = array<i64: 256, 256>}, {pipeline_mode = #tpu.pipeline_mode<synchronous>, transform_indices = @transform_5, window_bounds = array<i64: 1, 256>}, {transform_indices = @transform_6, window_bounds = array<i64: 2, 1000, 128>}]} {
    %get3A = arith.constant 0 : index
    %get3A_0 = arith.constant 0 : index
    %get3A_1 = arith.constant 0 : index
    %get3A_2 = vector.load %arg1[%get3A, %get3A_0, %get3A_1] : memref<2x1000x128xf32, #tpu.memory_space<vmem>>, vector<1x1000x128xf32>
    %get3A_3 = vector.shape_cast %get3A_2 : vector<1x1000x128xf32> to vector<1000x128xf32>
    %get3A_4 = arith.constant 0 : index
    %get3A_5 = arith.constant 0 : index
    %get3A_6 = arith.constant 0 : index
    %get3A_7 = vector.load %arg2[%get3A_4, %get3A_5, %get3A_6] : memref<2x1000x128xf32, #tpu.memory_space<vmem>>, vector<1x1000x128xf32>
    %get3A_8 = vector.shape_cast %get3A_7 : vector<1x1000x128xf32> to vector<1000x128xf32>
    %add3A = arith.addf %get3A_3, %get3A_8 : vector<1000x128xf32>
    %get3A_9 = arith.constant 1 : index
    %get3A_10 = arith.constant 0 : index
    %get3A_11 = arith.constant 0 : index
    %get3A_12 = vector.load %arg1[%get3A_9, %get3A_10, %get3A_11] : memref<2x1000x128xf32, #tpu.memory_space<vmem>>, vector<1x1000x128xf32>
    %get3A_13 = vector.shape_cast %get3A_12 : vector<1x1000x128xf32> to vector<1000x128xf32>
    %get3A_14 = arith.constant 1 : index
    %get3A_15 = arith.constant 0 : index
    %get3A_16 = arith.constant 0 : index
    %get3A_17 = vector.load %arg2[%get3A_14, %get3A_15, %get3A_16] : memref<2x1000x128xf32, #tpu.memory_space<vmem>>, vector<1x1000x128xf32>
    %get3A_18 = vector.shape_cast %get3A_17 : vector<1x1000x128xf32> to vector<1000x128xf32>
    %add3A_19 = arith.addf %get3A_13, %get3A_18 : vector<1000x128xf32>
    %concatenate3A = tpu.concatenate %add3A, %add3A_19 in 1 : vector<1000x128xf32>, vector<1000x128xf32> -> vector<1000x256xf32>
    %get3A_20 = arith.constant 0 : index
    %get3A_21 = arith.constant 0 : index
    %get3A_22 = vector.load %arg3[%get3A_20, %get3A_21] : memref<256x256xf32, #tpu.memory_space<vmem>>, vector<256x256xf32>
    %dot_general3A = arith.constant dense<0.000000e+00> : vector<1000x256xf32>
    %dot_general3A_23 = tpu.matmul %concatenate3A, %get3A_22, %dot_general3A {dimension_numbers = #tpu.dot_dimension_numbers<[1], [0], [0], [1], [0, 0, 1, 1], [], []>, transpose_lhs_hint = false} : vector<1000x256xf32>, vector<256x256xf32>, vector<1000x256xf32> -> vector<1000x256xf32>
    %get3A_24 = arith.constant 0 : index
    %get3A_25 = arith.constant 0 : index
    %get3A_26 = vector.load %arg4[%get3A_24, %get3A_25] : memref<1x256xf32, #tpu.memory_space<vmem>>, vector<1x256xf32>
    %add3A_27 = vector.broadcast %get3A_26 : vector<1x256xf32> to vector<1000x256xf32>
    %add3A_28 = arith.addf %dot_general3A_23, %add3A_27 : vector<1000x256xf32>
    %max3A = arith.constant 0.000000e+00 : f32
    %max3A_29 = vector.broadcast %max3A : f32 to vector<1000x256xf32>
    %max3A_30 = arith.maximumf %add3A_28, %max3A_29 : vector<1000x256xf32>
    %get3A_31 = arith.constant 0 : index
    %get3A_32 = arith.constant 0 : index
    %get3A_33 = vector.load %arg5[%get3A_31, %get3A_32] : memref<256x256xf32, #tpu.memory_space<vmem>>, vector<256x256xf32>
    %dot_general3A_34 = arith.constant dense<0.000000e+00> : vector<1000x256xf32>
    %dot_general3A_35 = tpu.matmul %max3A_30, %get3A_33, %dot_general3A_34 {dimension_numbers = #tpu.dot_dimension_numbers<[1], [0], [0], [1], [0, 0, 1, 1], [], []>, transpose_lhs_hint = false} : vector<1000x256xf32>, vector<256x256xf32>, vector<1000x256xf32> -> vector<1000x256xf32>
    %get3A_36 = arith.constant 0 : index
    %get3A_37 = arith.constant 0 : index
    %get3A_38 = vector.load %arg6[%get3A_36, %get3A_37] : memref<1x256xf32, #tpu.memory_space<vmem>>, vector<1x256xf32>
    %add3A_39 = vector.broadcast %get3A_38 : vector<1x256xf32> to vector<1000x256xf32>
    %add3A_40 = arith.addf %dot_general3A_35, %add3A_39 : vector<1000x256xf32>
    %max3A_41 = arith.constant 0.000000e+00 : f32
    %max3A_42 = vector.broadcast %max3A_41 : f32 to vector<1000x256xf32>
    %max3A_43 = arith.maximumf %add3A_40, %max3A_42 : vector<1000x256xf32>
    %slice3A = vector.extract_strided_slice %max3A_43 {offsets = [0, 0], sizes = [1000, 128], strides = [1, 1]} : vector<1000x256xf32> to vector<1000x128xf32>
    %swap3A = arith.constant 0 : index
    %swap3A_44 = arith.constant 0 : index
    %swap3A_45 = arith.constant 0 : index
    %swap3A_46 = vector.load %arg7[%swap3A, %swap3A_44, %swap3A_45] : memref<2x1000x128xf32, #tpu.memory_space<vmem>>, vector<1x1000x128xf32>
    %swap3A_47 = vector.shape_cast %swap3A_46 : vector<1x1000x128xf32> to vector<1000x128xf32>
    %swap3A_48 = vector.shape_cast %slice3A : vector<1000x128xf32> to vector<1x1000x128xf32>
    tpu.vector_store %arg7[%swap3A, %swap3A_44, %swap3A_45], %swap3A_48 {strides = array<i32>} : memref<2x1000x128xf32, #tpu.memory_space<vmem>>, vector<1x1000x128xf32>,
    %slice3A_49 = vector.extract_strided_slice %max3A_43 {offsets = [0, 128], sizes = [1000, 128], strides = [1, 1]} : vector<1000x256xf32> to vector<1000x128xf32>
    %swap3A_50 = arith.constant 1 : index
    %swap3A_51 = arith.constant 0 : index
    %swap3A_52 = arith.constant 0 : index
    %swap3A_53 = vector.load %arg7[%swap3A_50, %swap3A_51, %swap3A_52] : memref<2x1000x128xf32, #tpu.memory_space<vmem>>, vector<1x1000x128xf32>
    %swap3A_54 = vector.shape_cast %swap3A_53 : vector<1x1000x128xf32> to vector<1000x128xf32>
    %swap3A_55 = vector.shape_cast %slice3A_49 : vector<1000x128xf32> to vector<1x1000x128xf32>
    tpu.vector_store %arg7[%swap3A_50, %swap3A_51, %swap3A_52], %swap3A_55 {strides = array<i32>} : memref<2x1000x128xf32, #tpu.memory_space<vmem>>, vector<1x1000x128xf32>,
    return
  }
  func.func @transform_0(%arg0: i32) -> (i32, i32, i32) {
    %c0_i32 = arith.constant 0 : i32
    %c0_i32_0 = arith.constant 0 : i32
    %c0_i32_1 = arith.constant 0 : i32
    return %c0_i32, %arg0, %c0_i32_0 : i32, i32, i32
  }
  func.func @transform_1(%arg0: i32) -> (i32, i32, i32) {
    %c0_i32 = arith.constant 0 : i32
    %c0_i32_0 = arith.constant 0 : i32
    %c0_i32_1 = arith.constant 0 : i32
    return %c0_i32, %arg0, %c0_i32_0 : i32, i32, i32
  }
  func.func @transform_2(%arg0: i32) -> (i32, i32) {
    %c0_i32 = arith.constant 0 : i32
    %c0_i32_0 = arith.constant 0 : i32
    %c0_i32_1 = arith.constant 0 : i32
    return %c0_i32, %c0_i32_0 : i32, i32
  }
  func.func @transform_3(%arg0: i32) -> (i32, i32) {
    %c0_i32 = arith.constant 0 : i32
    %c0_i32_0 = arith.constant 0 : i32
    %c0_i32_1 = arith.constant 0 : i32
    return %c0_i32, %c0_i32_0 : i32, i32
  }
  func.func @transform_4(%arg0: i32) -> (i32, i32) {
    %c0_i32 = arith.constant 0 : i32
    %c0_i32_0 = arith.constant 0 : i32
    %c0_i32_1 = arith.constant 0 : i32
    return %c0_i32, %c0_i32_0 : i32, i32
  }
  func.func @transform_5(%arg0: i32) -> (i32, i32) {
    %c0_i32 = arith.constant 0 : i32
    %c0_i32_0 = arith.constant 0 : i32
    %c0_i32_1 = arith.constant 0 : i32
    return %c0_i32, %c0_i32_0 : i32, i32
  }
  func.func @transform_6(%arg0: i32) -> (i32, i32, i32) {
    %c0_i32 = arith.constant 0 : i32
    %c0_i32_0 = arith.constant 0 : i32
    %c0_i32_1 = arith.constant 0 : i32
    return %c0_i32, %arg0, %c0_i32_0 : i32, i32, i32
  }
}

module attributes {stable_mosaic.version = 14 : i64} {
  func.func @_pool_body(%arg0: i32, %arg1: memref<2x1000x128xf32, #tpu.memory_space<vmem>>, %arg2: memref<1x1x1000xi32, #tpu.memory_space<vmem>>, %arg3: memref<64x256xf32, #tpu.memory_space<vmem>>, %arg4: memref<64x1xf32, #tpu.memory_space<vmem>>) attributes {dimension_semantics = [#tpu.dimension_semantics<arbitrary>], iteration_bounds = array<i64: 10>, scalar_prefetch = 0 : i64, scratch_operands = 1 : i64, tpu.core_type = #tpu.core_type<tc>, window_params = [{transform_indices = @transform_0, window_bounds = array<i64: 2, 1000, 128>}, {transform_indices = @transform_1, window_bounds = array<i64: 1, 1, 1000>}, {pipeline_mode = #tpu.pipeline_mode<synchronous>, transform_indices = @transform_2, window_bounds = array<i64: 64, 256>}]} {
    %eq3A = arith.constant 0 : i32
    %eq3A_0 = arith.cmpi eq, %arg0, %eq3A : i32
    %convert_element_type3A = arith.extui %eq3A_0 : i1 to i32
    %cond3A = arith.constant 0 : i32
    %cond3A_1 = arith.cmpi ne, %convert_element_type3A, %cond3A : i32
    scf.if %cond3A_1 {
      %broadcast_in_dim3A_41 = arith.constant 0.000000e+00 : f32
      %broadcast_in_dim3A_42 = vector.broadcast %broadcast_in_dim3A_41 : f32 to vector<64x256xf32>
      %swap3A_43 = arith.constant 0 : index
      %swap3A_44 = arith.constant 0 : index
      %swap3A_45 = vector.load %arg3[%swap3A_43, %swap3A_44] : memref<64x256xf32, #tpu.memory_space<vmem>>, vector<64x256xf32>
      tpu.vector_store %arg3[%swap3A_43, %swap3A_44], %broadcast_in_dim3A_42 {strides = array<i32>} : memref<64x256xf32, #tpu.memory_space<vmem>>, vector<64x256xf32>,
      %broadcast_in_dim3A_46 = arith.constant 0.000000e+00 : f32
      %broadcast_in_dim3A_47 = vector.broadcast %broadcast_in_dim3A_46 : f32 to vector<64x1xf32>
      %swap3A_48 = arith.constant 0 : index
      %swap3A_49 = arith.constant 0 : index
      %swap3A_50 = vector.load %arg4[%swap3A_48, %swap3A_49] : memref<64x1xf32, #tpu.memory_space<vmem>>, vector<64x1xf32>
      tpu.vector_store %arg4[%swap3A_48, %swap3A_49], %broadcast_in_dim3A_47 {strides = array<i32>} : memref<64x1xf32, #tpu.memory_space<vmem>>, vector<64x1xf32>,
    } else {
    }
    %get3A = arith.constant 0 : index
    %get3A_2 = arith.constant 0 : index
    %get3A_3 = arith.constant 0 : index
    %get3A_4 = vector.load %arg1[%get3A, %get3A_2, %get3A_3] : memref<2x1000x128xf32, #tpu.memory_space<vmem>>, vector<1x1000x128xf32>
    %get3A_5 = vector.shape_cast %get3A_4 : vector<1x1000x128xf32> to vector<1000x128xf32>
    %get3A_6 = arith.constant 1 : index
    %get3A_7 = arith.constant 0 : index
    %get3A_8 = arith.constant 0 : index
    %get3A_9 = vector.load %arg1[%get3A_6, %get3A_7, %get3A_8] : memref<2x1000x128xf32, #tpu.memory_space<vmem>>, vector<1x1000x128xf32>
    %get3A_10 = vector.shape_cast %get3A_9 : vector<1x1000x128xf32> to vector<1000x128xf32>
    %concatenate3A = tpu.concatenate %get3A_5, %get3A_10 in 1 : vector<1000x128xf32>, vector<1000x128xf32> -> vector<1000x256xf32>
    %get3A_11 = arith.constant 0 : index
    %get3A_12 = arith.constant 0 : index
    %get3A_13 = arith.constant 0 : index
    %get3A_14 = vector.load %arg2[%get3A_11, %get3A_12, %get3A_13] : memref<1x1x1000xi32, #tpu.memory_space<vmem>>, vector<1x1x1000xi32>
    %get3A_15 = vector.shape_cast %get3A_14 : vector<1x1x1000xi32> to vector<1000xi32>
    %broadcast_in_dim3A = vector.shape_cast %get3A_15 : vector<1000xi32> to vector<1x1000xi32>
    %iota3A = tpu.iota {dimensions = array<i32: 0>} : vector<64x1xi32>
    %eq3A_16 = vector.broadcast %broadcast_in_dim3A : vector<1x1000xi32> to vector<64x1000xi32>
    %eq3A_17 = vector.broadcast %iota3A : vector<64x1xi32> to vector<64x1000xi32>
    %eq3A_18 = arith.cmpi eq, %eq3A_16, %eq3A_17 : vector<64x1000xi32>
    %convert_element_type3A_19 = arith.extui %eq3A_18 : vector<64x1000xi1> to vector<64x1000xi32>
    %convert_element_type3A_20 = arith.sitofp %convert_element_type3A_19 : vector<64x1000xi32> to vector<64x1000xf32>
    %get3A_21 = arith.constant 0 : index
    %get3A_22 = arith.constant 0 : index
    %get3A_23 = vector.load %arg3[%get3A_21, %get3A_22] : memref<64x256xf32, #tpu.memory_space<vmem>>, vector<64x256xf32>
    %dot_general3A = arith.constant dense<0.000000e+00> : vector<64x256xf32>
    %dot_general3A_24 = tpu.matmul %convert_element_type3A_20, %concatenate3A, %dot_general3A {dimension_numbers = #tpu.dot_dimension_numbers<[1], [0], [0], [1], [0, 0, 1, 1], [], []>, transpose_lhs_hint = false} : vector<64x1000xf32>, vector<1000x256xf32>, vector<64x256xf32> -> vector<64x256xf32>
    %add3A = arith.addf %get3A_23, %dot_general3A_24 : vector<64x256xf32>
    %swap3A = arith.constant 0 : index
    %swap3A_25 = arith.constant 0 : index
    %swap3A_26 = vector.load %arg3[%swap3A, %swap3A_25] : memref<64x256xf32, #tpu.memory_space<vmem>>, vector<64x256xf32>
    tpu.vector_store %arg3[%swap3A, %swap3A_25], %add3A {strides = array<i32>} : memref<64x256xf32, #tpu.memory_space<vmem>>, vector<64x256xf32>,
    %get3A_27 = arith.constant 0 : index
    %get3A_28 = arith.constant 0 : index
    %get3A_29 = vector.load %arg4[%get3A_27, %get3A_28] : memref<64x1xf32, #tpu.memory_space<vmem>>, vector<64x1xf32>
    %reduce_sum3A = arith.constant dense<0.000000e+00> : vector<64xf32>
    %reduce_sum3A_30 = vector.multi_reduction <add>, %convert_element_type3A_20, %reduce_sum3A [1] : vector<64x1000xf32> to vector<64xf32>
    %broadcast_in_dim3A_31 = vector.shape_cast %reduce_sum3A_30 : vector<64xf32> to vector<64x1xf32>
    %add3A_32 = arith.addf %get3A_29, %broadcast_in_dim3A_31 : vector<64x1xf32>
    %swap3A_33 = arith.constant 0 : index
    %swap3A_34 = arith.constant 0 : index
    %swap3A_35 = vector.load %arg4[%swap3A_33, %swap3A_34] : memref<64x1xf32, #tpu.memory_space<vmem>>, vector<64x1xf32>
    tpu.vector_store %arg4[%swap3A_33, %swap3A_34], %add3A_32 {strides = array<i32>} : memref<64x1xf32, #tpu.memory_space<vmem>>, vector<64x1xf32>,
    %eq3A_36 = arith.constant 9 : i32
    %eq3A_37 = arith.cmpi eq, %arg0, %eq3A_36 : i32
    %convert_element_type3A_38 = arith.extui %eq3A_37 : i1 to i32
    %cond3A_39 = arith.constant 0 : i32
    %cond3A_40 = arith.cmpi ne, %convert_element_type3A_38, %cond3A_39 : i32
    scf.if %cond3A_40 {
      %get3A_41 = arith.constant 0 : index
      %get3A_42 = arith.constant 0 : index
      %get3A_43 = vector.load %arg3[%get3A_41, %get3A_42] : memref<64x256xf32, #tpu.memory_space<vmem>>, vector<64x256xf32>
      %get3A_44 = arith.constant 0 : index
      %get3A_45 = arith.constant 0 : index
      %get3A_46 = vector.load %arg4[%get3A_44, %get3A_45] : memref<64x1xf32, #tpu.memory_space<vmem>>, vector<64x1xf32>
      %max3A = arith.constant 1.000000e+00 : f32
      %max3A_47 = vector.broadcast %max3A : f32 to vector<64x1xf32>
      %max3A_48 = arith.maximumf %get3A_46, %max3A_47 : vector<64x1xf32>
      %div3A = vector.broadcast %max3A_48 : vector<64x1xf32> to vector<64x256xf32>
      %div3A_49 = arith.divf %get3A_43, %div3A : vector<64x256xf32>
      %swap3A_50 = arith.constant 0 : index
      %swap3A_51 = arith.constant 0 : index
      %swap3A_52 = vector.load %arg3[%swap3A_50, %swap3A_51] : memref<64x256xf32, #tpu.memory_space<vmem>>, vector<64x256xf32>
      tpu.vector_store %arg3[%swap3A_50, %swap3A_51], %div3A_49 {strides = array<i32>} : memref<64x256xf32, #tpu.memory_space<vmem>>, vector<64x256xf32>,
    } else {
    }
    return
  }
  func.func @transform_0(%arg0: i32) -> (i32, i32, i32) {
    %c0_i32 = arith.constant 0 : i32
    %c0_i32_0 = arith.constant 0 : i32
    %c0_i32_1 = arith.constant 0 : i32
    return %c0_i32, %arg0, %c0_i32_0 : i32, i32, i32
  }
  func.func @transform_1(%arg0: i32) -> (i32, i32, i32) {
    %c0_i32 = arith.constant 0 : i32
    %c0_i32_0 = arith.constant 0 : i32
    %c0_i32_1 = arith.constant 0 : i32
    return %arg0, %c0_i32, %c0_i32_0 : i32, i32, i32
  }
  func.func @transform_2(%arg0: i32) -> (i32, i32) {
    %c0_i32 = arith.constant 0 : i32
    %c0_i32_0 = arith.constant 0 : i32
    %c0_i32_1 = arith.constant 0 : i32
    return %c0_i32, %c0_i32_0 : i32, i32
  }
}

</mosaic_0001>

<sc_bundles>
// kernel: closed_call.9.cloned.1.call-start
scs
__scs_entry_jumppad:
0x0: {  	(pc) =	sbr.rel $0x88, $3  }
0x1: {  	(tag) =	ssettag $0x0;
	lr =	simm.s32 $0x1  }
0x2: {  	[smem:$0x3F91] =	sst lr;
	_ =	strace $0xD0000000  }
0x3: {  	_ = 	snop  }
0x4: {  	_ = 	snop  }
0x5: {  	_ = 	snop  }
0x6: {  	_ = 	snop  }
0x7: {  	_ = 	snop  }
__scs_overlays_trampoline_lowered:
0x8: {  	[smem:$0x3FA0] =	sst s0  }
0x9: {  	[smem:$0x3FA1] =	sst s1  }
0xa: {  	[smem:$0x3FA2] =	sst s2  }
0xb: {  	[smem:$0x3FA3] =	sst s3  }
0xc: {  	[smem:$0x3FA4] =	sst s4  }
0xd: {  	[smem:$0x3FA5] =	sst s5  }
0xe: {  	[smem:$0x3FA6] =	sst s6  }
0xf: {  	[smem:$0x3FA7] =	sst s7  }
0x10: {  	[smem:$0x3FA8] =	sst s8  }
0x11: {  	[smem:$0x3FA9] =	sst s9;
	s0 =	simm.s32 @!p0 $0x0  }
0x12: {  	s1 =	sld [smem:$0x3F8F];
	s0 =	simm.s32 @p0 $0x1  }
0x13: {  	[smem:$0x3FAA] =	sst s0;
	s0 =	simm.s32 @!p1 $0x0  }
0x14: {  	s2 =	sld [smem:$0x3F8E];
	s0 =	simm.s32 @p1 $0x1  }
0x15: {  	[smem:$0x3FAB] =	sst s0;
	s0 =	simm.s32 @!p2 $0x0  }
0x16: {  	s3 =	sld [smem:$0x3FDB];
	s0 =	simm.s32 @p2 $0x1  }
0x17: {  	s4 =	simm.s32 $0x1BF5;
	[smem:$0x3FAD] =	sst s0  }
0x18: {  	s0 =	sld [smem:$0x3F90];
	_ =	swait.ge [sflag:s4], $0x0  }
0x19: {  	s7 =	sld [smem:$0x3F91]  }
0x1a: {  	s8 =	sadd.s32 $0xFFFFE003, lr  }
0x1b: {  	s9 =	sadd.s32 $0xFFFFFEF7, lr;
	s5 =	simm.s32 $0xFFFFFFFF;
	p2 =	slt.u32 s8, $0xFFFFF086  }
0x1c: {  	p1 =	slt.u32 s9, $0xF7A;
	s5 =	simm.s32 @!p2 $0x0  }
0x1d: {  	s5 =	simm.s32 @p1 $0x1;
	p0 =	seq.s32 s7, s2  }
0x1e: {  	s7 =	smul.u32 @!p0 $0xF7A, s2;
	p2 =	seq.s32 @!p0 s5, $0x0  }
0x1f: {  	s9 =	smul.u32 $0xF7A, s1;
	s8 =	simm.s32 @!p0 $0x1BF5;
	p2 =	por !p2, p0  }
0x20: {  	[sflag:s8] =	ssyncset.s32 @!p0 $0xFFFFF086;
	s6 =	sadd.s32 @!p0 s3, s7;
	s7 =	simm.s32 @!p0 $0x108  }
0x21: {  	s3 =	sadd.s32 s3, s9;
	s6 =	sadd.s32 @!p0 $0x88, s6;
	s7 =	simm.s32 @p2 $0x1082  }
0x22: {  	[simem:s7], [sflag:s8] =	dma.local @!p0 [hbm:s6], $0xF7A  }
0x23: {  	s9 =	sor.u32 $0xD0000000, s2;
	s6 =	simm.s32 $0x108;
	_ =	swait.ge @!p0 [sflag:s8], $0x0  }
0x24: {  	s3 =	sadd.s32 $0x88, s3;
	s6 =	simm.s32 @!p1 $0x1082;
	[sflag:s4] =	ssyncset.s32 $0xFFFFF086  }
0x25: {  	[simem:s6], [sflag:s4] =	dma.local [hbm:s3], $0xF7A  }
0x26: {  	[smem:$0x3F91] =	sst s1;
	(tag) =	ssettag s2;
	_ =	strace s9  }
0x27: {  	s1 =	sld [smem:$0x3FA1]  }
0x28: {  	s2 =	sld [smem:$0x3FA2]  }
0x29: {  	s4 =	sld [smem:$0x3FA4]  }
0x2a: {  	p0 =	seq.s32 s5, $0x0;
	s5 =	sld [smem:$0x3FA5]  }
0x2b: {  	s6 =	sld [smem:$0x3FA6]  }
0x2c: {  	s7 =	sld [smem:$0x3FA7]  }
0x2d: {  	s3 =	simm.s32 $0x108;
	s8 =	sld [smem:$0x3FA8]  }
0x2e: {  	s3 =	simm.s32 @!p0 $0x1082;
	s9 =	sld [smem:$0x3FA9]  }
0x2f: {  	lr =	sadd.s32 s0, s3;
	s0 =	sld [smem:$0x3FA0]  }
0x30: {  	s3 =	sld [smem:$0x3FA3]  }
0x31: {  	[smem:$0x3FAC] =	sst s10  }
0x32: {  	s10 =	sld [smem:$0x3FAA];
	_ =	sdelay $0x3  }
0x33: {  	p0 =	seq.s32 s10, $0x1;
	s10 =	sld [smem:$0x3FAC];
	_ =	sdelay $0x3  }
0x34: {  	[smem:$0x3FAC] =	sst s10  }
0x35: {  	s10 =	sld [smem:$0x3FAB];
	_ =	sdelay $0x3  }
0x36: {  	p1 =	seq.s32 s10, $0x1;
	s10 =	sld [smem:$0x3FAC];
	_ =	sdelay $0x3  }
0x37: {  	[smem:$0x3FAC] =	sst s10  }
0x38: {  	s10 =	sld [smem:$0x3FAD]  }
0x39: {  	_ = 	snop;
	(pc) =	sbr.ind lr, $3  }
0x3a: {  	_ = 	snop  }
0x3b: {  	_ = 	snop  }
0x3c: {  	p2 =	seq.s32 s10, $0x1;
	s10 =	sld [smem:$0x3FAC]  }
0x3d: {  	_ =	shalt  }
0x3e: {  	_ =	shalt  }
0x3f: {  	_ =	shalt  }
0x40: {  	_ =	shalt  }
0x41: {  	_ =	shalt  }
0x42: {  	_ =	shalt  }
0x43: {  	_ =	shalt  }
0x44: {  	_ =	shalt  }
0x45: {  	_ =	shalt  }
0x46: {  	_ =	shalt  }
0x47: {  	_ =	shalt  }
0x48: {  	_ =	shalt  }
0x49: {  	_ =	shalt  }
0x4a: {  	_ =	shalt  }
0x4b: {  	_ =	shalt  }
0x4c: {  	_ =	shalt  }
0x4d: {  	_ =	shalt  }
0x4e: {  	_ =	shalt  }
0x4f: {  	_ =	shalt  }
0x50: {  	_ =	shalt  }
0x51: {  	_ =	shalt  }
0x52: {  	_ =	shalt  }
0x53: {  	_ =	shalt  }
0x54: {  	_ =	shalt  }
0x55: {  	_ =	shalt  }
0x56: {  	_ =	shalt  }
0x57: {  	_ =	shalt  }
0x58: {  	_ =	shalt  }
0x59: {  	_ =	shalt  }
0x5a: {  	_ =	shalt  }
0x5b: {  	_ =	shalt  }
0x5c: {  	_ =	shalt  }
0x5d: {  	_ =	shalt  }
0x5e: {  	_ =	shalt  }
0x5f: {  	_ =	shalt  }
0x60: {  	_ =	shalt  }
0x61: {  	_ =	shalt  }
0x62: {  	_ =	shalt  }
0x63: {  	_ =	shalt  }
0x64: {  	_ =	shalt  }
0x65: {  	_ =	shalt  }
0x66: {  	_ =	shalt  }
0x67: {  	_ =	shalt  }
0x68: {  	_ =	shalt  }
0x69: {  	_ =	shalt  }
0x6a: {  	_ =	shalt  }
0x6b: {  	_ =	shalt  }
0x6c: {  	_ =	shalt  }
0x6d: {  	_ =	shalt  }
0x6e: {  	_ =	shalt  }
0x6f: {  	_ =	shalt  }
0x70: {  	_ =	shalt  }
0x71: {  	_ =	shalt  }
0x72: {  	_ =	shalt  }
0x73: {  	_ =	shalt  }
0x74: {  	_ =	shalt  }
0x75: {  	_ =	shalt  }
0x76: {  	_ =	shalt  }
0x77: {  	_ =	shalt  }
0x78: {  	_ =	shalt  }
0x79: {  	_ =	shalt  }
0x7a: {  	_ =	shalt  }
0x7b: {  	_ =	shalt  }
0x7c: {  	_ =	shalt  }
0x7d: {  	_ =	shalt  }
0x7e: {  	_ =	shalt  }
0x7f: {  	_ =	shalt  }
0x80: {  	_ =	shalt  }
0x81: {  	_ =	shalt  }
0x82: {  	_ =	shalt  }
0x83: {  	_ =	shalt  }
0x84: {  	_ =	shalt  }
0x85: {  	_ =	shalt  }
0x86: {  	_ =	shalt  }
0x87: {  	_ =	shalt  }
.Lfunc_end0:
.L_simem_size_0:
called_computation_lowered:
.L_overlay_start_0:
0x88: {  	s2 =	sld [smem:$0x3FD9]  }
0x89: {  	s3 =	sld [smem:$0x3FFE];
	_ =	sdelay $0x1  }
0x8a: {  	s1 =	srdreg.scid  }
0x8b: {  	s0 =	sand.u32 $0x1, s1  }
0x8c: {  	s16 =	sshll.u32 s0, $0xA;
	s2 =	sadd.s32 s3, s2  }
0x8d: {  	s2 =	sadd.s32 s2, s16  }
0x8e: {  	[smem:$0x3FB8] =	sst s2  }
0x8f: {  	_ = 	snop  }
0x90: {  	(tm) =	ssettm $0x1  }
0x91: {  	s17 =	sld [smem:$0x3FFB];
	_ =	sdelay $0x3  }
0x92: {  	_ =	strace s17  }
0x93: {  	s2 =	sld [smem:$0x3FFC];
	_ =	sdelay $0x3  }
0x94: {  	_ =	strace s2  }
0x95: {  	s2 =	sld [smem:$0x3FFD];
	_ =	sdelay $0x3  }
0x96: {  	_ =	strace s2  }
0x97: {  	_ =	strace $0x8FFFFFFF  }
0x98: {  	s18 =	sld [smem:$0x3FDB];
	_ =	sdelay $0x1  }
0x99: {  	s19 =	simm.s32 $_scs_section_size  }
0x9a: {  	s4 =	simm.s32 $_size__tile_overlayer_lowered;
	s5 =	simm.s32 $_tile_overlayer_lowered  }
0x9b: {  	s22 =	simm.s32 $0x1BFF;
	s21 =	sshll.u32 s5, $0x1;
	s2 =	sadd.s32 s19, s18  }
0x9c: {  	s6 =	simm.s32 $0x0;
	s20 =	sshll.u32 s4, $0x1;
	s4 =	sadd.s32 s21, s2  }
0x9d: {  	[timem:s6], [sflag:s22] =	dma.local [hbm:s4], s20  }
0x9e: {  	_ =	swait.ge [sflag:s22], s20  }
0x9f: {  	s3 =	ssub.s32 $0x0, s20;
	[sflag:s22] =	ssyncset.done $0x0  }
0xa0: {  	[sflag:s22] =	ssyncadd.s32 s3;
	_ =	sdelay $0x1  }
0xa1: {  	s23 =	simm.s32 $0x1B8B  }
0xa2: {  	_ =	swait.ge [sflag:s23], $0x1  }
0xa3: {  	[sflag:s23] =	ssyncset.done $0x0  }
0xa4: {  	s25 =	simm.s32 $0x1B8E;
	s24 =	sld [smem:$0x3FFE];
	[sflag:s23] =	ssyncadd.s32 $0xFFFFFFFF  }
0xa5: {  	s26 =	simm.s32 $execute0_lowered;
	[smem:$0x3FD2] =	sst s25  }
0xa6: {  	s4 =	sshll.u32 s26, $0x1;
	_ =	strace $0x80000046;
	[dreg:$0x1] =	wrdreg $0xFFFFFFFF  }
0xa7: {  	s28 =	simm.s32 $_size_execute0_lowered;
	s2 =	sadd.s32 s2, s4;
	[dreg:$0x0] =	wrdreg $0x0  }
0xa8: {  	s4 =	sshll.u32 s28, $0x1;
	[dreg:$0x2] =	wrdreg s2  }
0xa9: {  	[dreg:$0x3] =	wrdreg s4  }
0xaa: {  	[dreg:$0x4] =	wrdreg $0xC0  }
0xab: {  	_ =	task [dreg:s6], $0x5FFFF  }
0xac: {  	[dreg:$0x1] =	wrdreg $0xFFFFFFFF  }
0xad: {  	[dreg:$0x0] =	wrdreg $0x60  }
0xae: {  	[dreg:$0x2] =	wrdreg s24  }
0xaf: {  	[dreg:$0x3] =	wrdreg $0xB5000  }
0xb0: {  	[dreg:$0x4] =	wrdreg $0x9  }
0xb1: {  	_ =	task.clear_ibuf [dreg:s6], $0x5FFFF;
	_ =	strace $0x90000046  }
0xb2: {  	s29 =	simm.s32 $0x9;
	_ =	strace $0x80000048  }
0xb3: {  	_ =	swait.ge [sflag:s29], $0x1  }
0xb4: {  	[sflag:s29] =	ssyncadd.s32 $0xFFFFFFFF  }
0xb5: {  	_ =	strace $0x90000048  }
0xb6: {  	_ =	sfence  }
0xb7: {  	s30 =	sld [smem:$0x0];
	_ =	sdelay $0x2  }
0xb8: {  	s31 =	sshll.u32 s1, $0xD;
	s1 =	sshrl.u32 s1, $0x2  }
0xb9: {  	s3 =	sand.u32 $0x4000, s31;
	s1 =	sadd.s32 s1, s30  }
0xba: {  	s0 =	sor.u32 s3, s0;
	s1 =	sshll.u32 s1, $0x11  }
0xbb: {  	s0 =	sor.u32 s1, s0  }
0xbc: {  	s0 =	sadd.s32 $0x8F2B, s0  }
0xbd: {  	[sflag:s0] =	ssyncadd.remote.s32 $0x1  }
0xbe: {  	_ =	sfence.sel $0xFFFF  }
0xbf: {  	[dreg:$0x0] =	wrdreg $0xFFFFFFFF;
	(pc) =	sbr.abs _section_cstart, $3  }
0xc0: {  	[dreg:$0x1] =	wrdreg $0xFFFFFFFF  }
0xc1: {  	_ =	task.clear_ibuf [dreg:s6], $0x2FFFF;
	_ =	strace $0x9FFFFFFF  }
0xc2: {  	(tm) =	ssettm $0x7FFFFFFF  }
0xc3: {  	_ =	shalt  }
tec
execute0_lowered:
.L_overlay_start_1:
0x0: {  	(tag) =	ssettag $0x1  }
0x1: {  	s0 =	rddreg [dreg:$0x0]  }
0x2: {  	s2 =	rddreg [dreg:$0x1]  }
0x3: {  	s12 =	stileid.u32;
	s1 =	srdreg.scid;
	s3 =	simm.s32 $0x0  }
0x4: {  	s29 =	simm.s32 $0x2780;
	s30 =	simm.s32 $0x6;
	s4 =	smul.u32 $0x2710, s12  }
0x5: {  	s31 =	simm.s32 $0x1;
	s1 =	sand.u32 $0x1, s1;
	s8 =	smul.u32 $0xA000, s12  }
0x6: {  	[smem:$0x7FF] =	sst s3;
	s5 =	sadd.s32 $0x62C00, s0;
	s12 =	smul.u32 $0x28000, s12  }
0x7: {  	s6 =	sadd.s32 $0x27B800, s0;
	s7 =	sadd.s32 $0x58C00, s0;
	s25 =	smul.u32 $0x140000, s1  }
0x8: {  	_ =	strace $0x80000047;
	s26 =	ssub.s32 $0x2, s1;
	s11 =	smul.u32 $0x2710, s1  }
0x9: {  	s1 =	smul.u32 $0x27100, s1;
	s9 =	sshrl.u32 s4, $0x3;
	s28 =	sshrl.u32 s26, $0x1  }
0xa: {  	s15 =	sshrl.u32 s12, $0x2;
	s10 =	sadd.s32 s9, s0;
	s14 =	sadd.s32 s7, s9  }
0xb: {  	s3 =	sadd.s32 s8, s25;
	s25 =	sadd.s32 s15, s2;
	[dreg:$0x4] =	wrdreg s14  }
0xc: {  	s12 =	simm.s32 $0x3;
	s13 =	sadd.s32 $0x5DC00, s10;
	[dreg:$0x5] =	wrdreg s25  }
0xd: {  	s8 =	simm.s32 $0xB000;
	s19 =	sadd.s32 $0x2000, s25;
	[dreg:$0x3] =	wrdreg s13  }
0xe: {  	s15 =	simm.s32 $0xB080;
	s20 =	sadd.s32 $0x3000, s25;
	[dreg:$0xa] =	wrdreg s19  }
0xf: {  	v1 =	vmov s11;
	s11 =	simm.s32 $0x0;
	s21 =	sadd.s32 $0x4000, s25;
	[dreg:$0xb] =	wrdreg s20  }
0x10: {  	s3 =	sshrl.u32 s3, $0x3;
	s22 =	sadd.s32 $0x5000, s25;
	[dreg:$0xc] =	wrdreg s21  }
0x11: {  	s10 =	sadd.s32 $0x320, s4;
	s23 =	sadd.s32 $0x6000, s25;
	[dreg:$0xd] =	wrdreg s22  }
0x12: {  	s18 =	sadd.s32 $0x1000, s25;
	s24 =	sadd.s32 $0x7000, s25;
	[dreg:$0xe] =	wrdreg s23  }
0x13: {  	s0 =	sadd.s32 s3, s0;
	s3 =	ssub.s32 s26, s28;
	[dreg:$0xf] =	wrdreg s24  }
0x14: {  	s13 =	sadd.s32 s4, s1;
	s26 =	sadd.s32 $0x8000, s25;
	[dreg:$0x9] =	wrdreg s18  }
0x15: {  	s28 =	sadd.s32 $0x9000, s25;
	s24 =	simm.s32 $0x7;
	[dreg:$0x10] =	wrdreg s26  }
.Ltmp0:
0x16: {  	s16 =	sadd.s32 $0xB0E00, s0;
	[dreg:$0x11] =	wrdreg s28;
	(pc) =	sbr.rel .LBB2_1-.Ltmp0, $4  }
0x17: {  	v0 =	vlaneseq.u32;
	s1 =	simm.s32 $0xAF80;
	s0 =	sadd.s32 $0xC4E00, s0;
	[dreg:$0x6] =	wrdreg s16  }
0x18: {  	v5 =	vmul.u32 $0xFFFFFFFF, v0;
	s17 =	smax.u32 s3, $0x1;
	s26 =	simm.s32 $0x5;
	[dreg:$0x7] =	wrdreg s0  }
0x19: {  	v3 =	vimm.s32 $0x0;
	s3 =	simm.s32 $0x30;
	v2 =	vmov s13;
	s13 =	simm.s32 $0x6780;
	[dreg:$0x8] =	wrdreg s17  }
0x1a: {  	v6 =	vimm.f32 $0.0e+00;
	v4 =	vor.u32 $0x27C0, v0;
	v5 =	vadd.s32 $0x27BF, v5;
	s0 =	simm.s32 $0x4F80;
	s16 =	simm.s32 $0x2;
	s17 =	simm.s32 $0x4  }
.LBB2_37:
0x1b: {  	_ =	swait.ge [sflag:s31], $0x1800  }
0x1c: {  	[sflag:s31] =	ssyncset.done $0x0  }
0x1d: {  	[sflag:s31] =	ssyncadd.s32 $0xFFFFE800  }
0x1e: {  	_ =	swait.ge [sflag:s12], $0x1800  }
0x1f: {  	[sflag:s12] =	ssyncset.done $0x0  }
0x20: {  	[sflag:s12] =	ssyncadd.s32 $0xFFFFE800  }
0x21: {  	[bflag:$0x0] =	sbarrier.arrive $0xFFFF  }
0x22: {  	s9 =	rddreg [dreg:$0x7]  }
0x23: {  	[hbm:s9], [sflag:s28] =	dma.local [spmem:s20], $0x1400  }
0x24: {  	_ =	swait.ge [sflag:s24], $0x1400  }
0x25: {  	s11 =	rddreg [dreg:$0x12]  }
0x26: {  	s28 =	rddreg [dreg:$0x8];
	s11 =	sadd.s32 $0x1, s11  }
0x27: {  	p0 =	sne.s32 s11, s28  }
.Ltmp1:
0x28: {  	_ = 	snop;
	(pc) =	sbr.rel @!p0 .LBB2_38-.Ltmp1, $3  }
0x29: {  	_ =	sdelay $0x1  }
0x2a: {  	[sflag:s24] =	ssyncset.done $0x0  }
0x2b: {  	[sflag:s24] =	ssyncadd.s32 $0xFFFFEC00  }
.LBB2_1:
0x2c: {  	[dreg:$0x12] =	wrdreg s11  }
0x2d: {  	s9 =	simm.s32 $0x0;
	s28 =	rddreg [dreg:$0x3]  }
0x2e: {  	[tilespmem:s9], [sflag:$0x7] =	stream.linear.gather [hbm4b:s28+s9], $0x2710, $0x38;
	[tilespmem:$0x15540] =	vst v63  }
0x2f: {  	_ =	swait.ge [sflag:s24], $0x2710  }
0x30: {  	[sflag:s24] =	ssyncset.done $0x0  }
0x31: {  	[sflag:s24] =	ssyncadd.s32 $0xFFFFD8F0  }
0x32: {  	s11 =	simm.s32 $0x0;
	s18 =	simm.s32 $0x40;
	[tilespmem:$0x2710] =	vst v3  }
.LBB2_2:
0x33: {  	p0 =	sne.s32 s18, $0x9C40;
	v7 =	vld [tilespmem:s11+$0x0];
	_ =	sdelay $0x1  }
.Ltmp2:
0x34: {  	(pc) =	sbr.rel @p0 .LBB2_2-.Ltmp2, $3  }
0x35: {  	_ =	sdelay $0x1  }
0x36: {  	v7 =	vadd.s32 v1, v7  }
0x37: {  	[tilespmem:s11+$0x0] =	vst v7;
	s11 =	sshra.s32 s18, $0x2;
	s18 =	sadd.s32 $0x40, s18  }
0x38: {  	v7 =	vld [tilespmem:s11+$0x0];
	_ =	sdelay $0x3  }
0x39: {  	s9 =	rddreg [dreg:$0x4];
	s14 =	simm.s32 $0xB100  }
0x3a: {  	s19 =	simm.s32 $0x190;
	s20 =	simm.s32 $0x0;
	s23 =	simm.s32 $0x0;
	v7 =	vadd.s32 v1, v7  }
0x3b: {  	s18 =	simm.s32 $0x0;
	s21 =	simm.s32 $0x0;
	[tilespmem:s11+$0x0] =	vst v7;
	s11 =	simm.s32 $0x0  }
0x3c: {  	[tilespmem:s14], [sflag:$0x5] =	stream.linear.gather [hbm4b:s9+s11], $0x190, $0x38;
	[tilespmem:$0x15540] =	vst v63  }
.LBB2_4:
0x3d: {  	s22 =	smul.u32 $0x320, s21;
	_ =	sdelay $0x1  }
0x3e: {  	s25 =	sadd.s32 s4, s22  }
0x3f: {  	_ =	swait.ge [sflag:s26], $0x190;
	s25 =	sshrl.u32 s25, $0x3  }
0x40: {  	s9 =	simm.s32 $0xB300;
	[sflag:s26] =	ssyncset.done $0x0;
	s25 =	sadd.s32 s7, s25  }
0x41: {  	s14 =	simm.s32 $0x0;
	[sflag:s26] =	ssyncadd.s32 $0xFFFFFE70;
	s25 =	sadd.s32 $0x32, s25  }
0x42: {  	[tilespmem:s9], [sflag:$0x6] =	stream.linear.gather [hbm4b:s25+s11], $0x190, $0x38;
	[tilespmem:$0x15540] =	vst v63  }
0x43: {  	v7 =	vld [tilespmem:s14+$0xB100];
	_ =	sdelay $0x4  }
0x44: {  	vm0 =	vlt.s32 v7, $0x1400  }
0x45: {  	v8 =	vsel vm0, $0x1, v3  }
0x46: {  	(xrf0) =	vadd.scan.msk.s32 $0xffff, v8;
	_ =	sdelay $0x3  }
0x47: {  	v9 =	vmov s23;
	v8 =	vmov s18  }
0x48: {  	v9 =	vsub.s32 $0x0, v9;
	v8 =	vadd.s32 $0xFFFFFFFF, v8  }
0x49: {  	v9 =	vbroadcast v9, $0x0;
	v8 =	vbroadcast v8, $0x0;
	v10, _, _ =	vpop (xrf0)  }
0x4a: {  	(v2sf) =	vpush v10, $0xF  }
0x4b: {  	v8 =	vadd.s32 v10, v8;
	v9 =	vadd.s32 v10, v9  }
0x4c: {  	v8 =	vsel vm0, v8, v4;
	v9 =	vadd.s32 v5, v9  }
0x4d: {  	v9 =	vsel vm0, v4, v9;
	_ =	sdelay $0x1  }
0x4e: {  	v7 =	vshll.u32 v7, $0xE;
	v10 =	vor.u32 s20, v0  }
0x4f: {  	v11 =	vadd.s32 $0xFB000000, v7;
	v7 =	vor.u32 v10, v7  }
0x50: {  	v10 =	vor.u32 v10, v11;
	[tilespmem:v8+s29+$0x0] =	vst.idx.msk $0xffff, v7  }
0x51: {  	s9 =	simm.s32 $0x10;
	[tilespmem:v9+s29+$0x0] =	vst.idx.msk $0xffff, v10  }
0x52: {  	v7 =	vld [tilespmem:s9+$0xB100];
	_ =	sdelay $0x4  }
0x53: {  	vm0 =	vlt.s32 v7, $0x1400  }
0x54: {  	s28 =	simm.s32 $0x80;
	v7 =	vshll.u32 v7, $0xE;
	v9 =	vsel vm0, $0x1, v3;
	s14 =	spop (v2sf)  }
0x55: {  	v8 =	vadd.s32 $0xFB000000, v7;
	(xrf0) =	vadd.scan.msk.s32 $0xffff, v9;
	s18 =	sadd.s32 s18, s14;
	s25 =	ssub.s32 s23, s14;
	s23 =	smov.u32 s20  }
.LBB2_5:
0x56: {  	s25 =	sadd.s32 $0x10, s25  }
0x57: {  	s23 =	sadd.s32 $0x10, s23;
	s14 =	smov.u32 s28;
	s9 =	sadd.s32 $0x40, s28  }
0x58: {  	p0 =	sne.s32 s28, $0x600;
	v9 =	vmov s18;
	v10 =	vmov s25  }
0x59: {  	v9 =	vadd.s32 $0xFFFFFFFF, v9;
	v10 =	vsub.s32 $0x0, v10  }
0x5a: {  	v9 =	vbroadcast v9, $0x0;
	v10 =	vbroadcast v10, $0x0  }
0x5b: {  	v11, _, _ =	vpop (xrf0)  }
0x5c: {  	v9 =	vadd.s32 v11, v9;
	v10 =	vadd.s32 v11, v10;
	(v2sf) =	vpush v11, $0xF  }
0x5d: {  	v9 =	vsel vm0, v9, v4;
	v10 =	vadd.s32 v5, v10  }
0x5e: {  	v10 =	vsel vm0, v4, v10;
	_ =	sdelay $0x1  }
0x5f: {  	v11 =	vor.u32 s23, v0  }
0x60: {  	v7 =	vor.u32 v11, v7  }
0x61: {  	v8 =	vor.u32 v11, v8;
	[tilespmem:v9+s29+$0x0] =	vst.idx.msk $0xffff, v7  }
0x62: {  	s14 =	sshra.s32 s14, $0x2;
	[tilespmem:v10+s29+$0x0] =	vst.idx.msk $0xffff, v8  }
0x63: {  	v7 =	vld [tilespmem:s14+$0xB100];
	_ =	sdelay $0x3  }
.Ltmp3:
0x64: {  	(pc) =	sbr.rel @p0 .LBB2_5-.Ltmp3, $4  }
0x65: {  	vm0 =	vlt.s32 v7, $0x1400;
	v7 =	vshll.u32 v7, $0xE  }
0x66: {  	v9 =	vsel vm0, $0x1, v3;
	v8 =	vadd.s32 $0xFB000000, v7  }
0x67: {  	(xrf0) =	vadd.scan.msk.s32 $0xffff, v9;
	s14 =	spop (v2sf)  }
0x68: {  	s28 =	smov.u32 s9;
	s18 =	sadd.s32 s18, s14;
	s25 =	ssub.s32 s25, s14  }
0x69: {  	_ =	sdelay $0x3  }
0x6a: {  	v9, _, _ =	vpop (xrf0)  }
0x6b: {  	(v2sf) =	vpush v9, $0xF;
	_ =	sdelay $0x2  }
0x6c: {  	s9 =	sadd.s32 $0x10, s25  }
0x6d: {  	v10 =	vmov s18;
	v11 =	vmov s9  }
0x6e: {  	v10 =	vadd.s32 $0xFFFFFFFF, v10;
	v11 =	vsub.s32 $0x0, v11  }
0x6f: {  	v10 =	vbroadcast v10, $0x0;
	v11 =	vbroadcast v11, $0x0;
	_ =	sdelay $0x1  }
0x70: {  	v10 =	vadd.s32 v9, v10;
	v9 =	vadd.s32 v9, v11  }
0x71: {  	v10 =	vsel vm0, v10, v4;
	v9 =	vadd.s32 v5, v9  }
0x72: {  	v9 =	vsel vm0, v4, v9  }
0x73: {  	s14 =	sadd.s32 $0x10, s23  }
0x74: {  	v11 =	vor.u32 s14, v0  }
0x75: {  	v7 =	vor.u32 v11, v7  }
0x76: {  	v8 =	vor.u32 v11, v8;
	[tilespmem:v10+s29+$0x0] =	vst.idx.msk $0xffff, v7  }
0x77: {  	[tilespmem:v9+s29+$0x0] =	vst.idx.msk $0xffff, v8;
	s14 =	spop (v2sf)  }
0x78: {  	s22 =	sadd.s32 s22, s10;
	s25 =	simm.s32 $0x0;
	_ =	swait.ge [sflag:s30], $0x190  }
0x79: {  	s28 =	simm.s32 $0xB100;
	s22 =	sshrl.u32 s22, $0x3;
	[sflag:s30] =	ssyncset.done $0x0  }
0x7a: {  	s23 =	simm.s32 $0x0;
	s22 =	sadd.s32 s7, s22;
	[sflag:s30] =	ssyncadd.s32 $0xFFFFFE70  }
0x7b: {  	[tilespmem:s28], [sflag:$0x5] =	stream.linear.gather [hbm4b:s22+s25], $0x190, $0x38;
	[tilespmem:$0x15540] =	vst v63  }
0x7c: {  	v7 =	vld [tilespmem:s23+$0xB300];
	_ =	sdelay $0x4  }
0x7d: {  	vm0 =	vlt.s32 v7, $0x1400  }
0x7e: {  	v8 =	vsel vm0, $0x1, v3  }
0x7f: {  	(xrf0) =	vadd.scan.msk.s32 $0xffff, v8;
	_ =	sdelay $0x1  }
0x80: {  	s9 =	ssub.s32 s9, s14  }
0x81: {  	s14 =	sadd.s32 s18, s14;
	s9 =	sadd.s32 $0x10, s9  }
0x82: {  	v9 =	vmov s9;
	v8 =	vmov s14  }
0x83: {  	v9 =	vsub.s32 $0x0, v9;
	v8 =	vadd.s32 $0xFFFFFFFF, v8  }
0x84: {  	v9 =	vbroadcast v9, $0x0;
	v8 =	vbroadcast v8, $0x0;
	v10, _, _ =	vpop (xrf0)  }
0x85: {  	(v2sf) =	vpush v10, $0xF  }
0x86: {  	v8 =	vadd.s32 v10, v8;
	v9 =	vadd.s32 v10, v9  }
0x87: {  	v8 =	vsel vm0, v8, v4;
	v9 =	vadd.s32 v5, v9  }
0x88: {  	v9 =	vsel vm0, v4, v9;
	_ =	sdelay $0x1  }
0x89: {  	v7 =	vshll.u32 v7, $0xE;
	v10 =	vor.u32 s19, v0  }
0x8a: {  	v11 =	vadd.s32 $0xFB000000, v7;
	v7 =	vor.u32 v10, v7  }
0x8b: {  	v10 =	vor.u32 v10, v11;
	[tilespmem:v8+s29+$0x0] =	vst.idx.msk $0xffff, v7  }
0x8c: {  	s25 =	simm.s32 $0x10;
	[tilespmem:v9+s29+$0x0] =	vst.idx.msk $0xffff, v10  }
0x8d: {  	v7 =	vld [tilespmem:s25+$0xB300];
	_ =	sdelay $0x4  }
0x8e: {  	vm0 =	vlt.s32 v7, $0x1400  }
0x8f: {  	s22 =	smov.u32 s19;
	v7 =	vshll.u32 v7, $0xE;
	v9 =	vsel vm0, $0x1, v3;
	s28 =	spop (v2sf)  }
0x90: {  	s23 =	simm.s32 $0x80;
	v8 =	vadd.s32 $0xFB000000, v7;
	(xrf0) =	vadd.scan.msk.s32 $0xffff, v9;
	s18 =	sadd.s32 s14, s28;
	s25 =	ssub.s32 s9, s28  }
.LBB2_7:
0x91: {  	s9 =	sadd.s32 $0x10, s25  }
0x92: {  	s22 =	sadd.s32 $0x10, s22;
	s14 =	smov.u32 s23;
	s28 =	sadd.s32 $0x40, s23  }
0x93: {  	p0 =	sne.s32 s23, $0x600;
	v9 =	vmov s18;
	v10 =	vmov s9  }
0x94: {  	v9 =	vadd.s32 $0xFFFFFFFF, v9;
	v10 =	vsub.s32 $0x0, v10  }
0x95: {  	v9 =	vbroadcast v9, $0x0;
	v10 =	vbroadcast v10, $0x0  }
0x96: {  	v11, _, _ =	vpop (xrf0)  }
0x97: {  	v9 =	vadd.s32 v11, v9;
	v10 =	vadd.s32 v11, v10;
	(v2sf) =	vpush v11, $0xF  }
0x98: {  	v9 =	vsel vm0, v9, v4;
	v10 =	vadd.s32 v5, v10  }
0x99: {  	v10 =	vsel vm0, v4, v10;
	_ =	sdelay $0x1  }
0x9a: {  	v11 =	vor.u32 s22, v0  }
0x9b: {  	v7 =	vor.u32 v11, v7  }
0x9c: {  	v8 =	vor.u32 v11, v8;
	[tilespmem:v9+s29+$0x0] =	vst.idx.msk $0xffff, v7  }
0x9d: {  	s14 =	sshra.s32 s14, $0x2;
	[tilespmem:v10+s29+$0x0] =	vst.idx.msk $0xffff, v8  }
0x9e: {  	v7 =	vld [tilespmem:s14+$0xB300];
	_ =	sdelay $0x3  }
.Ltmp4:
0x9f: {  	(pc) =	sbr.rel @p0 .LBB2_7-.Ltmp4, $4  }
0xa0: {  	vm0 =	vlt.s32 v7, $0x1400;
	v7 =	vshll.u32 v7, $0xE  }
0xa1: {  	v9 =	vsel vm0, $0x1, v3;
	v8 =	vadd.s32 $0xFB000000, v7  }
0xa2: {  	(xrf0) =	vadd.scan.msk.s32 $0xffff, v9;
	s14 =	spop (v2sf)  }
0xa3: {  	s23 =	smov.u32 s28;
	s18 =	sadd.s32 s18, s14;
	s25 =	ssub.s32 s9, s14  }
0xa4: {  	_ =	sdelay $0x3  }
0xa5: {  	v9, _, _ =	vpop (xrf0)  }
0xa6: {  	(v2sf) =	vpush v9, $0xF;
	_ =	sdelay $0x4  }
0xa7: {  	s9 =	sadd.s32 $0x10, s25  }
0xa8: {  	v10 =	vmov s18;
	v11 =	vmov s9  }
0xa9: {  	v10 =	vadd.s32 $0xFFFFFFFF, v10;
	v11 =	vsub.s32 $0x0, v11  }
0xaa: {  	v10 =	vbroadcast v10, $0x0;
	v11 =	vbroadcast v11, $0x0;
	_ =	sdelay $0x1  }
0xab: {  	v10 =	vadd.s32 v9, v10;
	v9 =	vadd.s32 v9, v11  }
0xac: {  	s21 =	sadd.s32 $0x1, s21;
	v10 =	vsel vm0, v10, v4;
	v9 =	vadd.s32 v5, v9  }
0xad: {  	p0 =	sne.s32 s21, $0xC;
	v9 =	vsel vm0, v4, v9  }
.Ltmp5:
0xae: {  	s14 =	sadd.s32 $0x10, s22;
	(pc) =	sbr.rel @p0 .LBB2_4-.Ltmp5, $4  }
0xaf: {  	v63 =	vor.u32 s14, v0  }
0xb0: {  	v7 =	vor.u32 v63, v7;
	s28 =	spop (v2sf)  }
0xb1: {  	s20 =	sadd.s32 $0x320, s20;
	v8 =	vor.u32 v63, v8;
	[tilespmem:v10+s29+$0x0] =	vst.idx.msk $0xffff, v7;
	s9 =	ssub.s32 s9, s28  }
0xb2: {  	s19 =	sadd.s32 $0x320, s19;
	[tilespmem:v9+s29+$0x0] =	vst.idx.msk $0xffff, v8;
	s18 =	sadd.s32 s18, s28;
	s23 =	sadd.s32 $0x10, s9  }
0xb3: {  	_ =	swait.ge [sflag:s26], $0x190  }
0xb4: {  	[sflag:s26] =	ssyncset.done $0x0  }
0xb5: {  	s9 =	simm.s32 $0xB100;
	[sflag:s26] =	ssyncadd.s32 $0xFFFFFE70  }
0xb6: {  	v7 =	vld [tilespmem:s9+$0x0];
	_ =	sdelay $0x4  }
0xb7: {  	vm0 =	vlt.s32 v7, $0x1400  }
0xb8: {  	v8 =	vsel vm0, $0x1, v3  }
0xb9: {  	(xrf0) =	vadd.scan.msk.s32 $0xffff, v8;
	_ =	sdelay $0x3  }
0xba: {  	v9 =	vmov s23;
	v8 =	vmov s18  }
0xbb: {  	v9 =	vsub.s32 $0x0, v9;
	v8 =	vadd.s32 $0xFFFFFFFF, v8  }
0xbc: {  	v9 =	vbroadcast v9, $0x0;
	v8 =	vbroadcast v8, $0x0;
	v10, _, _ =	vpop (xrf0)  }
0xbd: {  	(v2sf) =	vpush v10, $0xF  }
0xbe: {  	v8 =	vadd.s32 v10, v8;
	v9 =	vadd.s32 v10, v9  }
0xbf: {  	v8 =	vsel vm0, v8, v4;
	v9 =	vadd.s32 v5, v9  }
0xc0: {  	v9 =	vsel vm0, v4, v9  }
0xc1: {  	s22 =	simm.s32 $0x2580  }
0xc2: {  	v7 =	vshll.u32 v7, $0xE;
	v10 =	vor.u32 s22, v0  }
0xc3: {  	v11 =	vadd.s32 v10, v7;
	v7 =	vor.u32 v10, v7  }
0xc4: {  	v10 =	vadd.s32 $0xFB000000, v11;
	[tilespmem:v8+s29+$0x0] =	vst.idx.msk $0xffff, v7  }
0xc5: {  	s19 =	simm.s32 $0xB110;
	[tilespmem:v9+s29+$0x0] =	vst.idx.msk $0xffff, v10  }
0xc6: {  	v8 =	vld [tilespmem:s19+$0x0];
	_ =	sdelay $0x4  }
0xc7: {  	s25 =	simm.s32 $0x2590;
	vm0 =	vlt.s32 v8, $0x1400  }
0xc8: {  	v7 =	vor.u32 s25, v0;
	v8 =	vshll.u32 v8, $0xE;
	v10 =	vsel vm0, $0x1, v3;
	s28 =	spop (v2sf)  }
0xc9: {  	s20 =	simm.s32 $0x25A0;
	v9 =	vadd.s32 v7, v8;
	(xrf0) =	vadd.scan.msk.s32 $0xffff, v10;
	s11 =	sadd.s32 s18, s28;
	s18 =	ssub.s32 s23, s28  }
.LBB2_10:
0xca: {  	p0 =	sne.s32 s20, $0x2700  }
0xcb: {  	s9 =	sadd.s32 $0x10, s18;
	s14 =	smov.u32 s20;
	s20 =	sadd.s32 $0x10, s20  }
0xcc: {  	v10 =	vmov s11;
	v11 =	vmov s9  }
0xcd: {  	v10 =	vadd.s32 $0xFFFFFFFF, v10;
	v11 =	vsub.s32 $0x0, v11  }
0xce: {  	v10 =	vbroadcast v10, $0x0;
	v11 =	vbroadcast v11, $0x0  }
0xcf: {  	v12, _, _ =	vpop (xrf0)  }
0xd0: {  	v10 =	vadd.s32 v12, v10;
	v11 =	vadd.s32 v12, v11;
	(v2sf) =	vpush v12, $0xF  }
0xd1: {  	v10 =	vsel vm0, v10, v4;
	v11 =	vadd.s32 v5, v11  }
0xd2: {  	v11 =	vsel vm0, v4, v11;
	_ =	sdelay $0x2  }
0xd3: {  	v7 =	vor.u32 v7, v8  }
0xd4: {  	v8 =	vadd.s32 $0xFB000000, v9;
	[tilespmem:v10+s29+$0x0] =	vst.idx.msk $0xffff, v7  }
0xd5: {  	s19 =	sadd.s32 $0x10, s19;
	[tilespmem:v11+s29+$0x0] =	vst.idx.msk $0xffff, v8  }
0xd6: {  	v8 =	vld [tilespmem:s19+$0x0];
	_ =	sdelay $0x3  }
.Ltmp6:
0xd7: {  	(pc) =	sbr.rel @p0 .LBB2_10-.Ltmp6, $4  }
0xd8: {  	v7 =	vor.u32 s14, v0;
	vm0 =	vlt.s32 v8, $0x1400;
	v8 =	vshll.u32 v8, $0xE  }
0xd9: {  	v10 =	vsel vm0, $0x1, v3;
	v9 =	vadd.s32 v7, v8  }
0xda: {  	(xrf0) =	vadd.scan.msk.s32 $0xffff, v10;
	s14 =	spop (v2sf)  }
0xdb: {  	s11 =	sadd.s32 s11, s14;
	s18 =	ssub.s32 s9, s14  }
0xdc: {  	_ =	sdelay $0x3  }
0xdd: {  	v10, _, _ =	vpop (xrf0)  }
0xde: {  	(v2sf) =	vpush v10, $0xF;
	_ =	sdelay $0xe  }
0xdf: {  	s9 =	spop (v2sf)  }
0xe0: {  	s19 =	sadd.s32 s11, s9  }
0xe1: {  	s14 =	sadd.s32 $0x5F, s19  }
0xe2: {  	s20 =	smulhi.u32 $0x2AAAAAAB, s14;
	s21 =	sshra.s32 s14, $0x1F  }
0xe3: {  	s21 =	smul.u32 $0x2AAAAAAB, s21;
	_ =	sdelay $0x1  }
0xe4: {  	s20 =	sadd.s32 s21, s20  }
0xe5: {  	s21 =	sshrl.u32 s20, $0x1F;
	s20 =	sshra.s32 s20, $0x4  }
0xe6: {  	s20 =	sadd.s32 s21, s20  }
0xe7: {  	s21 =	smul.u32 $0xFFFFFFA0, s20  }
0xe8: {  	s22 =	ssub.s32 $0xFFFFFFA1, s19  }
0xe9: {  	s18 =	sadd.s32 $0x10, s18;
	p0 =	slt.s32 s14, $0x1;
	p1 =	sne.s32 s21, s22  }
0xea: {  	v11 =	vmov s11;
	s11 =	simm.s32 $0x1;
	s23 =	sand.u32 $0xF, s19;
	p0 =	por !p0, !p1  }
0xeb: {  	v12 =	vmov s18;
	s25 =	sshra.s32 s19, $0x1F;
	p5 =	slt.s32 s19, $0x1;
	p0 =	por !p0, !p0  }
0xec: {  	v11 =	vadd.s32 $0xFFFFFFFF, v11;
	v12 =	vsub.s32 $0x0, v12;
	p6 =	sne.s32 s23, $0x0;
	s28 =	sshrl.u32 s25, $0x1C;
	s11 =	simm.s32 @!p0 $0x0  }
0xed: {  	v11 =	vbroadcast v11, $0x0;
	v12 =	vbroadcast v12, $0x0;
	s14 =	sadd.s32 s28, s19;
	p0 =	por !p5, !p6;
	s11 =	ssub.s32 s20, s11  }
0xee: {  	p0 =	por !p0, !p0;
	s20 =	simm.s32 $0x1;
	s11 =	smul.u32 $0x60, s11  }
0xef: {  	v11 =	vadd.s32 v10, v11;
	v10 =	vadd.s32 v10, v12;
	s14 =	sshra.s32 s14, $0x4;
	s20 =	simm.s32 @!p0 $0x0  }
0xf0: {  	v11 =	vsel vm0, v11, v4;
	v10 =	vadd.s32 v5, v10;
	s22 =	ssub.s32 s14, s20;
	s20 =	sshra.s32 s11, $0x4  }
0xf1: {  	v10 =	vsel vm0, v4, v10;
	p0 =	sge.s32 s22, s20  }
.Ltmp7:
0xf2: {  	_ = 	snop;
	(pc) =	sbr.rel @p0 .LBB2_14-.Ltmp7, $4  }
0xf3: {  	_ = 	snop  }
0xf4: {  	v7 =	vor.u32 v7, v8  }
0xf5: {  	v8 =	vadd.s32 $0xFB000000, v9;
	[tilespmem:v11+s29+$0x0] =	vst.idx.msk $0xffff, v7;
	s9 =	ssub.s32 s18, s9;
	s25 =	rddreg [dreg:$0x5]  }
0xf6: {  	[tilespmem:v10+s29+$0x0] =	vst.idx.msk $0xffff, v8;
	s18 =	sadd.s32 $0x10, s9;
	s23 =	rddreg [dreg:$0x9]  }
0xf7: {  	s9 =	sshll.u32 s22, $0x6  }
0xf8: {  	s9 =	sshra.s32 s9, $0x2  }
0xf9: {  	s9 =	sadd.s32 $0x2780, s9  }
0xfa: {  	v7 =	vmov s19;
	s19 =	sadd.s32 $0x1, s22;
	v8 =	vld [tilespmem:s9+$0x0]  }
0xfb: {  	p0 =	slt.s32 s19, s20  }
.Ltmp8:
0xfc: {  	s21 =	sshll.u32 s22, $0x4;
	(pc) =	sbr.rel @!p0 .LBB2_14-.Ltmp8, $4  }
0xfd: {  	v9 =	vor.u32 s21, v0  }
0xfe: {  	vm0 =	vlt.s32 v9, v7  }
0xff: {  	v8 =	vnsel vm0, $0x5002710, v8  }
0x100: {  	s22 =	sadd.s32 $0x10, s9;
	[tilespmem:s9+$0x0] =	vst v8  }
.LBB2_13:
0x101: {  	v8 =	vld [tilespmem:s22+$0x0];
	s19 =	sadd.s32 $0x1, s19  }
0x102: {  	p0 =	slt.s32 s19, s20  }
.Ltmp9:
0x103: {  	s21 =	sadd.s32 $0x10, s21;
	(pc) =	sbr.rel @p0 .LBB2_13-.Ltmp9, $4  }
0x104: {  	v9 =	vor.u32 s21, v0  }
0x105: {  	vm0 =	vlt.s32 v9, v7  }
0x106: {  	v8 =	vnsel vm0, $0x5002710, v8  }
0x107: {  	[tilespmem:s22+$0x0] =	vst v8;
	s22 =	sadd.s32 $0x10, s22  }
.LBB2_14:
0x108: {  	s9 =	sadd.s32 $0x5F, s18  }
0x109: {  	s14 =	smulhi.u32 $0x2AAAAAAB, s9;
	s19 =	sshra.s32 s9, $0x1F  }
0x10a: {  	s19 =	smul.u32 $0x2AAAAAAB, s19;
	_ =	sdelay $0x1  }
0x10b: {  	s14 =	sadd.s32 s19, s14  }
0x10c: {  	s19 =	sshrl.u32 s14, $0x1F;
	s14 =	sshra.s32 s14, $0x4  }
0x10d: {  	s14 =	sadd.s32 s19, s14  }
0x10e: {  	s19 =	smul.u32 $0xFFFFFFA0, s14  }
0x10f: {  	s20 =	ssub.s32 $0xFFFFFFA1, s18;
	p0 =	slt.s32 s9, $0x1;
	s9 =	ssub.s32 $0x27CF, s18  }
0x110: {  	s21 =	sshra.s32 s9, $0x1F;
	p1 =	sne.s32 s19, s20  }
0x111: {  	s19 =	simm.s32 $0x1;
	p0 =	por !p0, !p1;
	p1 =	sne.s32 s18, $0x27CF  }
0x112: {  	s20 =	simm.s32 $0x1;
	p0 =	por !p0, !p0;
	s19 =	simm.s32 @!p1 $0x0  }
0x113: {  	s22 =	sand.u32 $0xF, s9;
	s20 =	simm.s32 @!p0 $0x0;
	s19 =	sor.u32 s19, s21  }
0x114: {  	p6 =	sne.s32 s22, $0x0;
	s14 =	ssub.s32 s14, s20;
	p5 =	sne.s32 s19, $0x1  }
0x115: {  	s28 =	sshrl.u32 s21, $0x1C;
	s19 =	smul.u32 $0x60, s14;
	p0 =	por !p6, !p5  }
0x116: {  	s9 =	sadd.s32 s28, s9;
	s14 =	simm.s32 $0x1;
	p0 =	por !p0, !p0  }
0x117: {  	s22 =	sshra.s32 s9, $0x4;
	s20 =	ssub.s32 $0x27C0, s19;
	s14 =	simm.s32 @!p0 $0x0  }
0x118: {  	s21 =	sshra.s32 s20, $0x4;
	s9 =	ssub.s32 s22, s14  }
0x119: {  	p1 =	sge.s32 s21, s9  }
.Ltmp10:
0x11a: {  	_ = 	snop;
	(pc) =	sbr.rel @p1 .LBB2_21-.Ltmp10, $1  }
0x11b: {  	_ =	sdelay $0x3  }
0x11c: {  	s9 =	simm.s32 $0xFFFFFFFF  }
0x11d: {  	s9 =	simm.s32 @!p0 $0x0  }
0x11e: {  	s9 =	sadd.s32 s9, s22  }
0x11f: {  	s9 =	ssub.s32 s9, s21  }
0x120: {  	p1 =	sne.s32 s9, $0x1  }
.Ltmp11:
0x121: {  	_ = 	snop;
	(pc) =	sbr.rel @!p1 .LBB2_16-.Ltmp11, $4  }
0x122: {  	s14 =	sshll.u32 s21, $0x6  }
0x123: {  	s14 =	sshra.s32 s14, $0x2  }
0x124: {  	s28 =	ssub.s32 $0x27C0, s18;
	s18 =	sadd.s32 $0x2780, s14  }
0x125: {  	v7 =	vmov s28;
	p0 =	por $0x0, $0x0;
	v8 =	vld [tilespmem:s18+$0x0];
	s21 =	sadd.s32 $0xFFFFFFFF, s9  }
0x126: {  	_ = 	snop  }
0x127: {  	p1 =	sne.s32 s21, $0x1  }
.Ltmp12:
0x128: {  	v9 =	vor.u32 s20, v0;
	(pc) =	sbr.rel @!p1 .LBB2_18-.Ltmp12, $4  }
0x129: {  	vm0 =	vlt.s32 v9, v7  }
0x12a: {  	v8 =	vsel vm0, $0x5002710, v8  }
0x12b: {  	[tilespmem:s18+$0x0] =	vst v8;
	s18 =	sadd.s32 $0x10, s18  }
0x12c: {  	s22 =	sadd.s32 $0xFFFFFFFF, s21;
	p0 =	por $0x1, $0x1;
	s21 =	smov.u32 s20;
	v8 =	vld [tilespmem:s18+$0x0]  }
.LBB2_19:
0x12d: {  	p1 =	sne.s32 s22, $0x1  }
0x12e: {  	s21 =	sadd.s32 $0x10, s21  }
.Ltmp13:
0x12f: {  	v9 =	vor.u32 s21, v0;
	(pc) =	sbr.rel @p1 .LBB2_19-.Ltmp13, $4  }
0x130: {  	vm0 =	vlt.s32 v9, v7  }
0x131: {  	v8 =	vsel vm0, $0x5002710, v8  }
0x132: {  	[tilespmem:s18+$0x0] =	vst v8;
	s18 =	sadd.s32 $0x10, s18  }
0x133: {  	s22 =	sadd.s32 $0xFFFFFFFF, s22;
	v8 =	vld [tilespmem:s18+$0x0]  }
.LBB2_20:
0x134: {  	s9 =	sadd.s32 @p0 $0x10, s21  }
0x135: {  	s20 =	smov.u32 @p0 s9  }
0x136: {  	v9 =	vor.u32 s20, v0  }
0x137: {  	vm0 =	vlt.s32 v9, v7  }
0x138: {  	v7 =	vsel vm0, $0x5002710, v8  }
0x139: {  	[tilespmem:s18+$0x0] =	vst v7  }
.LBB2_21:
0x13a: {  	s18 =	simm.s32 $0x0;
	s20 =	simm.s32 $0x200  }
.LBB2_22:
0x13b: {  	p0 =	sne.s32 s20, $0x3E00;
	[tilespmem:s18+$0x4FF0] =	vst v6  }
0x13c: {  	[tilespmem:s18+$0x4F80] =	vst v6  }
0x13d: {  	[tilespmem:s18+$0x4F90] =	vst v6  }
.Ltmp14:
0x13e: {  	[tilespmem:s18+$0x4FA0] =	vst v6;
	(pc) =	sbr.rel @p0 .LBB2_22-.Ltmp14, $4  }
0x13f: {  	[tilespmem:s18+$0x4FB0] =	vst v6  }
0x140: {  	[tilespmem:s18+$0x4FC0] =	vst v6  }
0x141: {  	[tilespmem:s18+$0x4FD0] =	vst v6  }
0x142: {  	[tilespmem:s18+$0x4FE0] =	vst v6;
	s18 =	sshra.s32 s20, $0x2;
	s20 =	sadd.s32 $0x200, s20  }
0x143: {  	[tilespmem:s18+$0x4FF0] =	vst v6  }
0x144: {  	[tilespmem:s18+$0x4F80] =	vst v6  }
0x145: {  	[tilespmem:s18+$0x4F90] =	vst v6  }
0x146: {  	[tilespmem:s18+$0x4FA0] =	vst v6  }
0x147: {  	[tilespmem:s18+$0x4FB0] =	vst v6  }
0x148: {  	[tilespmem:s18+$0x4FC0] =	vst v6  }
0x149: {  	[tilespmem:s18+$0x4FD0] =	vst v6  }
0x14a: {  	[tilespmem:s18+$0x4FE0] =	vst v6  }
0x14b: {  	[spmem:s25] =	stream.linear.scatter [tilespmem:s0], [sflag:$0x7], $0x1000, $0x38;
	[tilespmem:$0x15540] =	vst v63  }
0x14c: {  	_ =	swait.ge [sflag:s24], $0x1000  }
0x14d: {  	[sflag:s24] =	ssyncset.done $0x0  }
0x14e: {  	[sflag:s24] =	ssyncadd.s32 $0xFFFFF000  }
0x14f: {  	[spmem:s23] =	stream.linear.scatter [tilespmem:s0], [sflag:$0x7], $0x1000, $0x38;
	[tilespmem:$0x15540] =	vst v63  }
0x150: {  	_ =	swait.ge [sflag:s24], $0x1000  }
0x151: {  	[sflag:s24] =	ssyncset.done $0x0  }
0x152: {  	s9 =	rddreg [dreg:$0xa];
	[sflag:s24] =	ssyncadd.s32 $0xFFFFF000  }
0x153: {  	[spmem:s9] =	stream.linear.scatter [tilespmem:s0], [sflag:$0x7], $0x1000, $0x38;
	[tilespmem:$0x15540] =	vst v63  }
0x154: {  	_ =	swait.ge [sflag:s24], $0x1000  }
0x155: {  	[sflag:s24] =	ssyncset.done $0x0  }
0x156: {  	s22 =	rddreg [dreg:$0xb];
	[sflag:s24] =	ssyncadd.s32 $0xFFFFF000  }
0x157: {  	[spmem:s22] =	stream.linear.scatter [tilespmem:s0], [sflag:$0x7], $0x1000, $0x38;
	[tilespmem:$0x15540] =	vst v63  }
0x158: {  	_ =	swait.ge [sflag:s24], $0x1000  }
0x159: {  	[sflag:s24] =	ssyncset.done $0x0  }
0x15a: {  	s23 =	rddreg [dreg:$0xc];
	[sflag:s24] =	ssyncadd.s32 $0xFFFFF000  }
0x15b: {  	[spmem:s23] =	stream.linear.scatter [tilespmem:s0], [sflag:$0x7], $0x1000, $0x38;
	[tilespmem:$0x15540] =	vst v63  }
0x15c: {  	_ =	swait.ge [sflag:s24], $0x1000  }
0x15d: {  	[sflag:s24] =	ssyncset.done $0x0  }
0x15e: {  	s28 =	rddreg [dreg:$0xd];
	[sflag:s24] =	ssyncadd.s32 $0xFFFFF000  }
0x15f: {  	[spmem:s28] =	stream.linear.scatter [tilespmem:s0], [sflag:$0x7], $0x1000, $0x38;
	[tilespmem:$0x15540] =	vst v63  }
0x160: {  	_ =	swait.ge [sflag:s24], $0x1000  }
0x161: {  	[sflag:s24] =	ssyncset.done $0x0  }
0x162: {  	s14 =	rddreg [dreg:$0xe];
	[sflag:s24] =	ssyncadd.s32 $0xFFFFF000  }
0x163: {  	[spmem:s14] =	stream.linear.scatter [tilespmem:s0], [sflag:$0x7], $0x1000, $0x38;
	[tilespmem:$0x15540] =	vst v63  }
0x164: {  	_ =	swait.ge [sflag:s24], $0x1000  }
0x165: {  	[sflag:s24] =	ssyncset.done $0x0  }
0x166: {  	s18 =	rddreg [dreg:$0xf];
	[sflag:s24] =	ssyncadd.s32 $0xFFFFF000  }
0x167: {  	[spmem:s18] =	stream.linear.scatter [tilespmem:s0], [sflag:$0x7], $0x1000, $0x38;
	[tilespmem:$0x15540] =	vst v63  }
0x168: {  	_ =	swait.ge [sflag:s24], $0x1000  }
0x169: {  	[sflag:s24] =	ssyncset.done $0x0  }
0x16a: {  	s20 =	rddreg [dreg:$0x10];
	[sflag:s24] =	ssyncadd.s32 $0xFFFFF000  }
0x16b: {  	[spmem:s20] =	stream.linear.scatter [tilespmem:s0], [sflag:$0x7], $0x1000, $0x38;
	[tilespmem:$0x15540] =	vst v63  }
0x16c: {  	_ =	swait.ge [sflag:s24], $0x1000  }
0x16d: {  	[sflag:s24] =	ssyncset.done $0x0  }
0x16e: {  	s21 =	rddreg [dreg:$0x11];
	[sflag:s24] =	ssyncadd.s32 $0xFFFFF000  }
0x16f: {  	[spmem:s21] =	stream.linear.scatter [tilespmem:s0], [sflag:$0x7], $0x1000, $0x38;
	[tilespmem:$0x15540] =	vst v63  }
0x170: {  	_ =	swait.ge [sflag:s24], $0x1000  }
0x171: {  	[sflag:s24] =	ssyncset.done $0x0  }
0x172: {  	[sflag:s24] =	ssyncadd.s32 $0xFFFFF000  }
0x173: {  	[bflag:$0x0] =	sbarrier.arrive $0xFFFF  }
0x174: {  	v7 =	vld [tilespmem:$0x2780];
	_ =	sdelay $0x4  }
0x175: {  	v7 =	vand.u32 $0x3FFF, v7  }
0x176: {  	v9 =	vld [tilespmem:$0x2790];
	v8 =	vmin.u32 v7, $0x2710;
	_ =	sdelay $0x2  }
0x177: {  	s22 =	smulhi.u32 $0x2AAAAAAB, s11;
	s14 =	sshra.s32 s11, $0x1F  }
0x178: {  	s14 =	smul.u32 $0x2AAAAAAB, s14;
	s20 =	simm.s32 $0x0  }
0x179: {  	v9 =	vand.u32 $0x3FFF, v9;
	v8 =	vld.idx.msk [tilespmem:v8+s20+$0x0], $0xffff  }
0x17a: {  	s9 =	sadd.s32 s14, s22;
	v10 =	vmin.u32 v9, $0x2710  }
0x17b: {  	s14 =	sshrl.u32 s9, $0x1F;
	s9 =	sshra.s32 s9, $0x3;
	v11 =	vld [tilespmem:$0x27A0];
	v7 =	vmin.u32 v7, $0x270F  }
0x17c: {  	s9 =	sadd.s32 s14, s9;
	v7 =	vadd.s32 v2, v7  }
0x17d: {  	s14 =	smul.u32 $0xFFFFFFD0, s9;
	[tilespmem:$0xB000] =	vst v7  }
0x17e: {  	s23 =	ssub.s32 $0x0, s11;
	[tilespmem:$0xAF80] =	vst v8  }
0x17f: {  	p0 =	slt.s32 s11, $0x1;
	p1 =	sne.s32 s14, s23;
	v7 =	vld.idx.msk [tilespmem:v10+s20+$0x0], $0xffff  }
0x180: {  	p0 =	por !p0, !p1;
	v8 =	vand.u32 $0x3FFF, v11  }
0x181: {  	s11 =	simm.s32 $0x1;
	p0 =	por !p0, !p0;
	v63 =	vmin.u32 v8, $0x2710  }
0x182: {  	s11 =	simm.s32 @!p0 $0x0  }
0x183: {  	s9 =	ssub.s32 s9, s11;
	v9 =	vmin.u32 v9, $0x270F  }
0x184: {  	s11 =	sand.u32 $0x1, s9;
	[tilespmem:$0xAF90] =	vst v7;
	v7 =	vadd.s32 v2, v9  }
0x185: {  	p5 =	slt.s32 s9, $0x1;
	p6 =	seq.s32 s11, $0x1;
	[tilespmem:$0xB010] =	vst v7  }
0x186: {  	s28 =	sshrl.u32 s9, $0x1F;
	p0 =	por !p5, !p6;
	v7 =	vld.idx.msk [tilespmem:v63+s20+$0x0], $0xffff  }
0x187: {  	s9 =	sadd.s32 s28, s9;
	s11 =	simm.s32 $0x1;
	p0 =	por !p0, !p0  }
0x188: {  	s9 =	sshra.s32 s9, $0x1;
	s11 =	simm.s32 @!p0 $0x0  }
0x189: {  	s21 =	ssub.s32 s9, s11  }
0x18a: {  	p0 =	slt.s32 s21, $0x1;
	v8 =	vmin.u32 v8, $0x270F  }
.Ltmp15:
0x18b: {  	[tilespmem:$0xAFA0] =	vst v7;
	v7 =	vadd.s32 v2, v8;
	(pc) =	sbr.rel @p0 .LBB2_29-.Ltmp15, $4  }
0x18c: {  	[tilespmem:$0xB020] =	vst v7  }
0x18d: {  	[tilespmem:s0], [sflag:$0x1] =	stream.indirect.gather [hbm4b:s5+s3], $0x80, s1, s3, $0xb8;
	[tilespmem:$0x15540] =	vst v63  }
0x18e: {  	s22 =	simm.s32 $0x0;
	s14 =	simm.s32 $0x7F80  }
0x18f: {  	[tilespmem:s14], [sflag:$0x3] =	stream.indirect.gather [hbm4b:s6+s3], $0x80, s8, s3, $0xb8;
	[tilespmem:$0x15540] =	vst v63  }
.LBB2_24:
0x190: {  	_ =	swait.ge [sflag:s31], $0x1800  }
0x191: {  	[sflag:s31] =	ssyncset.done $0x0  }
0x192: {  	[sflag:s31] =	ssyncadd.s32 $0xFFFFE800  }
0x193: {  	s9 =	smul.u32 $0x180, s22;
	_ =	swait.ge [sflag:s12], $0x1800  }
0x194: {  	[sflag:s12] =	ssyncset.done $0x0  }
0x195: {  	s23 =	sshra.s32 s9, $0x2;
	[sflag:s12] =	ssyncadd.s32 $0xFFFFE800  }
0x196: {  	v7 =	vld [tilespmem:s23+$0x27B0];
	_ =	sdelay $0x4  }
0x197: {  	v7 =	vand.u32 $0x3FFF, v7  }
0x198: {  	v8 =	vmin.u32 v7, $0x2710;
	_ =	sdelay $0x4  }
0x199: {  	v8 =	vld.idx.msk [tilespmem:v8+s20+$0x0], $0xffff;
	_ =	sdelay $0x1  }
0x19a: {  	v7 =	vmin.u32 v7, $0x270F  }
0x19b: {  	v7 =	vadd.s32 v2, v7  }
0x19c: {  	[tilespmem:$0xB000] =	vst v7  }
0x19d: {  	[tilespmem:$0xAF80] =	vst v8  }
0x19e: {  	v7 =	vld [tilespmem:s23+$0x27C0];
	_ =	sdelay $0x4  }
0x19f: {  	v7 =	vand.u32 $0x3FFF, v7  }
0x1a0: {  	v8 =	vmin.u32 v7, $0x2710;
	_ =	sdelay $0x4  }
0x1a1: {  	v8 =	vld.idx.msk [tilespmem:v8+s20+$0x0], $0xffff;
	_ =	sdelay $0x1  }
0x1a2: {  	v7 =	vmin.u32 v7, $0x270F  }
0x1a3: {  	v7 =	vadd.s32 v2, v7  }
0x1a4: {  	[tilespmem:$0xB010] =	vst v7  }
0x1a5: {  	[tilespmem:$0xAF90] =	vst v8  }
0x1a6: {  	v7 =	vld [tilespmem:s23+$0x27D0];
	_ =	sdelay $0x4  }
0x1a7: {  	v7 =	vand.u32 $0x3FFF, v7  }
0x1a8: {  	v8 =	vmin.u32 v7, $0x2710;
	_ =	sdelay $0x4  }
0x1a9: {  	v8 =	vld.idx.msk [tilespmem:v8+s20+$0x0], $0xffff;
	_ =	sdelay $0x1  }
0x1aa: {  	v7 =	vmin.u32 v7, $0x270F  }
0x1ab: {  	v7 =	vadd.s32 v2, v7  }
0x1ac: {  	[tilespmem:$0xB020] =	vst v7  }
0x1ad: {  	[tilespmem:$0xAFA0] =	vst v8  }
0x1ae: {  	[tilespmem:s13], [sflag:$0x2] =	stream.indirect.gather [hbm4b:s5+s3], $0x80, s1, s3, $0xb8;
	[tilespmem:$0x15540] =	vst v63  }
0x1af: {  	s28 =	simm.s32 $0x9780;
	s11 =	simm.s32 $0x0  }
0x1b0: {  	[tilespmem:s28], [sflag:$0x4] =	stream.indirect.gather [hbm4b:s6+s3], $0x80, s8, s3, $0xb8;
	[tilespmem:$0x15540] =	vst v63  }
0x1b1: {  	v13 =	vld [tilespmem:s11+$0x7F80]  }
0x1b2: {  	v18 =	vld [tilespmem:s11+$0x7F90]  }
0x1b3: {  	v12 =	vld [tilespmem:s11+$0x7FA0]  }
0x1b4: {  	v11 =	vld [tilespmem:s11+$0x7FB0]  }
0x1b5: {  	v10 =	vld [tilespmem:s11+$0x7FC0]  }
0x1b6: {  	v9 =	vld [tilespmem:s11+$0x7FD0]  }
0x1b7: {  	v8 =	vld [tilespmem:s11+$0x7FE0]  }
0x1b8: {  	v7 =	vld [tilespmem:s11+$0x7FF0]  }
0x1b9: {  	v19 =	vld [tilespmem:s11+$0x4F80]  }
0x1ba: {  	v20 =	vld [tilespmem:s11+$0x4F90]  }
0x1bb: {  	v17 =	vld [tilespmem:s11+$0x4FA0]  }
0x1bc: {  	v16 =	vld [tilespmem:s11+$0x4FB0]  }
0x1bd: {  	v15 =	vld [tilespmem:s11+$0x4FC0]  }
0x1be: {  	v14 =	vld [tilespmem:s11+$0x4FD0];
	v19 =	vadd.f32 v13, v19  }
0x1bf: {  	s18 =	simm.s32 $0x200;
	v18 =	vadd.f32 v18, v20;
	v13 =	vld [tilespmem:s11+$0x4FE0]  }
.LBB2_25:
0x1c0: {  	s9 =	sshra.s32 s18, $0x2;
	p0 =	seq.s32 s18, $0x5E00;
	v19 =	vmax.f32 v19, $0.0e+00;
	v12 =	vadd.f32 v12, v17;
	v17 =	vld [tilespmem:s11+$0x4FF0]  }
0x1c1: {  	v20 =	vld [tilespmem:s9+$0x7F80];
	[tilespmem:s11+$0x4F80] =	vst v19;
	v18 =	vmax.f32 v18, $0.0e+00;
	v11 =	vadd.f32 v11, v16  }
0x1c2: {  	v21 =	vld [tilespmem:s9+$0x7F90];
	[tilespmem:s11+$0x4F90] =	vst v18;
	v16 =	vmax.f32 v12, $0.0e+00;
	v10 =	vadd.f32 v10, v15  }
0x1c3: {  	v12 =	vld [tilespmem:s9+$0x7FA0];
	[tilespmem:s11+$0x4FA0] =	vst v16;
	v15 =	vmax.f32 v11, $0.0e+00;
	v9 =	vadd.f32 v9, v14  }
0x1c4: {  	v11 =	vld [tilespmem:s9+$0x7FB0];
	[tilespmem:s11+$0x4FB0] =	vst v15;
	v14 =	vmax.f32 v10, $0.0e+00;
	v8 =	vadd.f32 v8, v13  }
0x1c5: {  	v10 =	vld [tilespmem:s9+$0x7FC0];
	[tilespmem:s11+$0x4FC0] =	vst v14;
	v13 =	vmax.f32 v9, $0.0e+00;
	v7 =	vadd.f32 v7, v17  }
0x1c6: {  	v9 =	vld [tilespmem:s9+$0x7FD0];
	[tilespmem:s11+$0x4FD0] =	vst v13;
	v13 =	vmax.f32 v8, $0.0e+00  }
0x1c7: {  	v8 =	vld [tilespmem:s9+$0x7FE0];
	[tilespmem:s11+$0x4FE0] =	vst v13;
	v13 =	vmax.f32 v7, $0.0e+00  }
0x1c8: {  	v7 =	vld [tilespmem:s9+$0x7FF0];
	[tilespmem:s11+$0x4FF0] =	vst v13;
	s11 =	smov.u32 s9  }
0x1c9: {  	v13 =	vld [tilespmem:s11+$0x4F80]  }
0x1ca: {  	v18 =	vld [tilespmem:s11+$0x4F90]  }
.Ltmp16:
0x1cb: {  	v17 =	vld [tilespmem:s11+$0x4FA0];
	(pc) =	sbr.rel @!p0 .LBB2_25-.Ltmp16, $4  }
0x1cc: {  	v16 =	vld [tilespmem:s11+$0x4FB0]  }
0x1cd: {  	v15 =	vld [tilespmem:s11+$0x4FC0]  }
0x1ce: {  	v19 =	vadd.f32 v20, v13;
	v14 =	vld [tilespmem:s11+$0x4FD0]  }
0x1cf: {  	s18 =	sadd.s32 $0x200, s18;
	v18 =	vadd.f32 v21, v18;
	v13 =	vld [tilespmem:s11+$0x4FE0]  }
0x1d0: {  	v19 =	vmax.f32 v19, $0.0e+00;
	v12 =	vadd.f32 v12, v17;
	v17 =	vld [tilespmem:s11+$0x4FF0]  }
0x1d1: {  	[tilespmem:s11+$0x4F80] =	vst v19;
	v18 =	vmax.f32 v18, $0.0e+00;
	v11 =	vadd.f32 v11, v16  }
0x1d2: {  	[tilespmem:s11+$0x4F90] =	vst v18;
	v12 =	vmax.f32 v12, $0.0e+00;
	v10 =	vadd.f32 v10, v15  }
0x1d3: {  	[tilespmem:s11+$0x4FA0] =	vst v12;
	v11 =	vmax.f32 v11, $0.0e+00;
	v9 =	vadd.f32 v9, v14  }
0x1d4: {  	[tilespmem:s11+$0x4FB0] =	vst v11;
	v10 =	vmax.f32 v10, $0.0e+00;
	v8 =	vadd.f32 v8, v13  }
0x1d5: {  	[tilespmem:s11+$0x4FC0] =	vst v10;
	v9 =	vmax.f32 v9, $0.0e+00;
	v7 =	vadd.f32 v7, v17  }
0x1d6: {  	[tilespmem:s11+$0x4FD0] =	vst v9;
	v8 =	vmax.f32 v8, $0.0e+00  }
0x1d7: {  	[tilespmem:s11+$0x4FE0] =	vst v8;
	v7 =	vmax.f32 v7, $0.0e+00  }
0x1d8: {  	[tilespmem:s11+$0x4FF0] =	vst v7  }
0x1d9: {  	v7 =	vld [tilespmem:s23+$0x2780];
	_ =	sdelay $0x4  }
0x1da: {  	v7 =	vshra.s32 v7, $0xE  }
0x1db: {  	vm0 =	vlt.s32 v7, $0x1407  }
0x1dc: {  	v7 =	vnsel vm0, $0x1407, v7  }
0x1dd: {  	[tilespmem:$0xB080] =	vst v7  }
0x1de: {  	v7 =	vld [tilespmem:s23+$0x2790];
	_ =	sdelay $0x4  }
0x1df: {  	v7 =	vshra.s32 v7, $0xE  }
0x1e0: {  	vm14 =	vlt.s32 v7, $0x1407  }
0x1e1: {  	v7 =	vnsel vm14, $0x1407, v7  }
0x1e2: {  	[tilespmem:$0xB090] =	vst v7  }
0x1e3: {  	v7 =	vld [tilespmem:s23+$0x27A0];
	_ =	sdelay $0x4  }
0x1e4: {  	v7 =	vshra.s32 v7, $0xE  }
0x1e5: {  	vm15 =	vlt.s32 v7, $0x1407  }
0x1e6: {  	v7 =	vnsel vm15, $0x1407, v7  }
0x1e7: {  	[tilespmem:$0xB0A0] =	vst v7  }
0x1e8: {  	[spmem:s2] =	stream.indirect.scatter.add.f32 [tilespmem:s0], [sflag:$0x7], $0x80, s15, s3, $0xb8;
	[tilespmem:$0x15540] =	vst v63  }
0x1e9: {  	_ =	swait.ge [sflag:s24], $0x1800  }
0x1ea: {  	[sflag:s24] =	ssyncset.done $0x0  }
0x1eb: {  	[sflag:s24] =	ssyncadd.s32 $0xFFFFE800  }
0x1ec: {  	_ =	swait.ge [sflag:s16], $0x1800  }
0x1ed: {  	[sflag:s16] =	ssyncset.done $0x0  }
0x1ee: {  	[sflag:s16] =	ssyncadd.s32 $0xFFFFE800  }
0x1ef: {  	_ =	swait.ge [sflag:s17], $0x1800  }
0x1f0: {  	[sflag:s17] =	ssyncset.done $0x0  }
0x1f1: {  	[sflag:s17] =	ssyncadd.s32 $0xFFFFE800  }
0x1f2: {  	v7 =	vld [tilespmem:s23+$0x27E0];
	_ =	sdelay $0x4  }
0x1f3: {  	v7 =	vand.u32 $0x3FFF, v7  }
0x1f4: {  	v8 =	vmin.u32 v7, $0x2710;
	_ =	sdelay $0x3  }
0x1f5: {  	s9 =	simm.s32 $0x0  }
0x1f6: {  	v8 =	vld.idx.msk [tilespmem:v8+s9+$0x0], $0xffff;
	_ =	sdelay $0x1  }
0x1f7: {  	v7 =	vmin.u32 v7, $0x270F  }
0x1f8: {  	v7 =	vadd.s32 v2, v7  }
0x1f9: {  	[tilespmem:$0xB000] =	vst v7  }
0x1fa: {  	[tilespmem:$0xAF80] =	vst v8  }
0x1fb: {  	v7 =	vld [tilespmem:s23+$0x27F0];
	_ =	sdelay $0x4  }
0x1fc: {  	v7 =	vand.u32 $0x3FFF, v7  }
0x1fd: {  	v8 =	vmin.u32 v7, $0x2710;
	_ =	sdelay $0x4  }
0x1fe: {  	v8 =	vld.idx.msk [tilespmem:v8+s9+$0x0], $0xffff;
	_ =	sdelay $0x1  }
0x1ff: {  	v7 =	vmin.u32 v7, $0x270F  }
0x200: {  	v7 =	vadd.s32 v2, v7  }
0x201: {  	[tilespmem:$0xB010] =	vst v7  }
0x202: {  	[tilespmem:$0xAF90] =	vst v8  }
0x203: {  	v7 =	vld [tilespmem:s23+$0x2800];
	_ =	sdelay $0x4  }
0x204: {  	v7 =	vand.u32 $0x3FFF, v7  }
0x205: {  	v8 =	vmin.u32 v7, $0x2710;
	_ =	sdelay $0x4  }
0x206: {  	v8 =	vld.idx.msk [tilespmem:v8+s9+$0x0], $0xffff;
	_ =	sdelay $0x1  }
0x207: {  	v7 =	vmin.u32 v7, $0x270F  }
0x208: {  	v7 =	vadd.s32 v2, v7  }
0x209: {  	[tilespmem:$0xB020] =	vst v7  }
0x20a: {  	[tilespmem:$0xAFA0] =	vst v8  }
0x20b: {  	[tilespmem:s0], [sflag:$0x1] =	stream.indirect.gather [hbm4b:s5+s3], $0x80, s1, s3, $0xb8;
	[tilespmem:$0x15540] =	vst v63  }
0x20c: {  	s11 =	simm.s32 $0x0  }
0x20d: {  	[tilespmem:s14], [sflag:$0x3] =	stream.indirect.gather [hbm4b:s6+s3], $0x80, s8, s3, $0xb8;
	[tilespmem:$0x15540] =	vst v63  }
0x20e: {  	v13 =	vld [tilespmem:s11+$0x9780]  }
0x20f: {  	v18 =	vld [tilespmem:s11+$0x9790]  }
0x210: {  	v12 =	vld [tilespmem:s11+$0x97A0]  }
0x211: {  	v11 =	vld [tilespmem:s11+$0x97B0]  }
0x212: {  	v10 =	vld [tilespmem:s11+$0x97C0]  }
0x213: {  	v9 =	vld [tilespmem:s11+$0x97D0]  }
0x214: {  	v8 =	vld [tilespmem:s11+$0x97E0]  }
0x215: {  	v7 =	vld [tilespmem:s11+$0x97F0]  }
0x216: {  	v19 =	vld [tilespmem:s11+$0x6780]  }
0x217: {  	v20 =	vld [tilespmem:s11+$0x6790]  }
0x218: {  	v17 =	vld [tilespmem:s11+$0x67A0]  }
0x219: {  	v16 =	vld [tilespmem:s11+$0x67B0]  }
0x21a: {  	v15 =	vld [tilespmem:s11+$0x67C0]  }
0x21b: {  	v14 =	vld [tilespmem:s11+$0x67D0];
	v19 =	vadd.f32 v13, v19  }
0x21c: {  	s18 =	simm.s32 $0x200;
	v18 =	vadd.f32 v18, v20;
	v13 =	vld [tilespmem:s11+$0x67E0]  }
.LBB2_27:
0x21d: {  	s9 =	sshra.s32 s18, $0x2;
	p0 =	seq.s32 s18, $0x5E00;
	v19 =	vmax.f32 v19, $0.0e+00;
	v12 =	vadd.f32 v12, v17;
	v17 =	vld [tilespmem:s11+$0x67F0]  }
0x21e: {  	v20 =	vld [tilespmem:s9+$0x9780];
	[tilespmem:s11+$0x6780] =	vst v19;
	v18 =	vmax.f32 v18, $0.0e+00;
	v11 =	vadd.f32 v11, v16  }
0x21f: {  	v21 =	vld [tilespmem:s9+$0x9790];
	[tilespmem:s11+$0x6790] =	vst v18;
	v16 =	vmax.f32 v12, $0.0e+00;
	v10 =	vadd.f32 v10, v15  }
0x220: {  	v12 =	vld [tilespmem:s9+$0x97A0];
	[tilespmem:s11+$0x67A0] =	vst v16;
	v15 =	vmax.f32 v11, $0.0e+00;
	v9 =	vadd.f32 v9, v14  }
0x221: {  	v11 =	vld [tilespmem:s9+$0x97B0];
	[tilespmem:s11+$0x67B0] =	vst v15;
	v14 =	vmax.f32 v10, $0.0e+00;
	v8 =	vadd.f32 v8, v13  }
0x222: {  	v10 =	vld [tilespmem:s9+$0x97C0];
	[tilespmem:s11+$0x67C0] =	vst v14;
	v13 =	vmax.f32 v9, $0.0e+00;
	v7 =	vadd.f32 v7, v17  }
0x223: {  	v9 =	vld [tilespmem:s9+$0x97D0];
	[tilespmem:s11+$0x67D0] =	vst v13;
	v13 =	vmax.f32 v8, $0.0e+00  }
0x224: {  	v8 =	vld [tilespmem:s9+$0x97E0];
	[tilespmem:s11+$0x67E0] =	vst v13;
	v13 =	vmax.f32 v7, $0.0e+00  }
0x225: {  	v7 =	vld [tilespmem:s9+$0x97F0];
	[tilespmem:s11+$0x67F0] =	vst v13;
	s11 =	smov.u32 s9  }
0x226: {  	v13 =	vld [tilespmem:s11+$0x6780]  }
0x227: {  	v18 =	vld [tilespmem:s11+$0x6790]  }
.Ltmp17:
0x228: {  	v17 =	vld [tilespmem:s11+$0x67A0];
	(pc) =	sbr.rel @!p0 .LBB2_27-.Ltmp17, $4  }
0x229: {  	v16 =	vld [tilespmem:s11+$0x67B0]  }
0x22a: {  	v15 =	vld [tilespmem:s11+$0x67C0]  }
0x22b: {  	v19 =	vadd.f32 v20, v13;
	v14 =	vld [tilespmem:s11+$0x67D0]  }
0x22c: {  	s18 =	sadd.s32 $0x200, s18;
	v18 =	vadd.f32 v21, v18;
	v13 =	vld [tilespmem:s11+$0x67E0]  }
0x22d: {  	v19 =	vmax.f32 v19, $0.0e+00;
	v12 =	vadd.f32 v12, v17;
	v63 =	vld [tilespmem:s11+$0x67F0]  }
0x22e: {  	[tilespmem:s11+$0x6780] =	vst v19;
	v18 =	vmax.f32 v18, $0.0e+00;
	v11 =	vadd.f32 v11, v16  }
0x22f: {  	[tilespmem:s11+$0x6790] =	vst v18;
	v12 =	vmax.f32 v12, $0.0e+00;
	v10 =	vadd.f32 v10, v15  }
0x230: {  	[tilespmem:s11+$0x67A0] =	vst v12;
	v11 =	vmax.f32 v11, $0.0e+00;
	v9 =	vadd.f32 v9, v14  }
0x231: {  	[tilespmem:s11+$0x67B0] =	vst v11;
	v10 =	vmax.f32 v10, $0.0e+00;
	v8 =	vadd.f32 v8, v13  }
0x232: {  	[tilespmem:s11+$0x67C0] =	vst v10;
	v9 =	vmax.f32 v9, $0.0e+00;
	v7 =	vadd.f32 v7, v63  }
0x233: {  	[tilespmem:s11+$0x67D0] =	vst v9;
	v8 =	vmax.f32 v8, $0.0e+00  }
0x234: {  	[tilespmem:s11+$0x67E0] =	vst v8;
	v7 =	vmax.f32 v7, $0.0e+00  }
0x235: {  	[tilespmem:s11+$0x67F0] =	vst v7  }
0x236: {  	v7 =	vld [tilespmem:s23+$0x27B0];
	_ =	sdelay $0x4  }
0x237: {  	v7 =	vshra.s32 v7, $0xE  }
0x238: {  	vm0 =	vlt.s32 v7, $0x1407  }
0x239: {  	v7 =	vnsel vm0, $0x1407, v7  }
0x23a: {  	[tilespmem:$0xB080] =	vst v7  }
0x23b: {  	v7 =	vld [tilespmem:s23+$0x27C0];
	_ =	sdelay $0x4  }
0x23c: {  	v7 =	vshra.s32 v7, $0xE  }
0x23d: {  	vm14 =	vlt.s32 v7, $0x1407  }
0x23e: {  	v7 =	vnsel vm14, $0x1407, v7  }
0x23f: {  	[tilespmem:$0xB090] =	vst v7  }
0x240: {  	v7 =	vld [tilespmem:s23+$0x27D0];
	_ =	sdelay $0x4  }
0x241: {  	v7 =	vshra.s32 v7, $0xE  }
0x242: {  	s22 =	sadd.s32 $0x1, s22;
	vm15 =	vlt.s32 v7, $0x1407  }
0x243: {  	p0 =	seq.s32 s22, s21;
	v7 =	vnsel vm15, $0x1407, v7  }
.Ltmp18:
0x244: {  	[tilespmem:$0xB0A0] =	vst v7;
	(pc) =	sbr.rel @!p0 .LBB2_24-.Ltmp18, $4  }
0x245: {  	[spmem:s2] =	stream.indirect.scatter.add.f32 [tilespmem:s13], [sflag:$0x7], $0x80, s15, s3, $0xb8;
	[tilespmem:$0x15540] =	vst v63  }
0x246: {  	_ =	swait.ge [sflag:s24], $0x1800  }
0x247: {  	[sflag:s24] =	ssyncset.done $0x0  }
0x248: {  	[sflag:s24] =	ssyncadd.s32 $0xFFFFE800  }
.LBB2_29:
0x249: {  	s9 =	smulhi.u32 $0x2AAAAAAB, s19;
	s11 =	sshra.s32 s19, $0x1F  }
0x24a: {  	s11 =	smul.u32 $0x2AAAAAAB, s11  }
0x24b: {  	_ =	swait.ge [sflag:s31], $0x1800  }
0x24c: {  	s14 =	ssub.s32 $0x0, s19;
	[sflag:s31] =	ssyncset.done $0x0;
	s9 =	sadd.s32 s11, s9  }
0x24d: {  	[sflag:s31] =	ssyncadd.s32 $0xFFFFE800;
	s11 =	sshrl.u32 s9, $0x1F;
	s9 =	sshra.s32 s9, $0x3  }
0x24e: {  	p0 =	slt.s32 s19, $0x1;
	_ =	swait.ge [sflag:s12], $0x1800;
	s9 =	sadd.s32 s11, s9  }
0x24f: {  	s22 =	stileid.u32;
	[sflag:s12] =	ssyncset.done $0x0;
	s11 =	smul.u32 $0xFFFFFFD0, s9  }
0x250: {  	s20 =	sshrl.u32 s25, $0x3;
	s19 =	simm.s32 $0x200;
	[sflag:s12] =	ssyncadd.s32 $0xFFFFE800  }
0x251: {  	[bflag:$0x0] =	sbarrier.arrive $0xFFFF;
	p1 =	sne.s32 s11, s14;
	s14 =	sshll.u32 s22, $0x6  }
0x252: {  	s23 =	rddreg [dreg:$0x6];
	p0 =	por !p0, !p1;
	s18 =	sor.u32 $0x1C07, s14  }
0x253: {  	[hbm:s23], [sflag:s18] =	dma.local [spmem:s20], $0x1400  }
0x254: {  	s11 =	simm.s32 $0x1;
	p0 =	por !p0, !p0;
	_ =	swait.ge [sflag:s24], $0x1400  }
0x255: {  	s28 =	smov.u32 s18;
	s11 =	simm.s32 @!p0 $0x0;
	[sflag:s24] =	ssyncset.done $0x0  }
0x256: {  	s18 =	simm.s32 $0x0;
	s11 =	ssub.s32 s9, s11;
	[sflag:s24] =	ssyncadd.s32 $0xFFFFEC00  }
.LBB2_30:
0x257: {  	p0 =	sne.s32 s19, $0x3E00;
	[tilespmem:s18+$0x4FF0] =	vst v6  }
0x258: {  	[tilespmem:s18+$0x4F80] =	vst v6  }
0x259: {  	[tilespmem:s18+$0x4F90] =	vst v6  }
.Ltmp19:
0x25a: {  	[tilespmem:s18+$0x4FA0] =	vst v6;
	(pc) =	sbr.rel @p0 .LBB2_30-.Ltmp19, $4  }
0x25b: {  	[tilespmem:s18+$0x4FB0] =	vst v6  }
0x25c: {  	[tilespmem:s18+$0x4FC0] =	vst v6  }
0x25d: {  	[tilespmem:s18+$0x4FD0] =	vst v6  }
0x25e: {  	[tilespmem:s18+$0x4FE0] =	vst v6;
	s18 =	sshra.s32 s19, $0x2;
	s19 =	sadd.s32 $0x200, s19  }
0x25f: {  	[tilespmem:s18+$0x4FF0] =	vst v6  }
0x260: {  	[tilespmem:s18+$0x4F80] =	vst v6  }
0x261: {  	[tilespmem:s18+$0x4F90] =	vst v6  }
0x262: {  	[tilespmem:s18+$0x4FA0] =	vst v6  }
0x263: {  	[tilespmem:s18+$0x4FB0] =	vst v6  }
0x264: {  	[tilespmem:s18+$0x4FC0] =	vst v6  }
0x265: {  	[tilespmem:s18+$0x4FD0] =	vst v6  }
0x266: {  	[tilespmem:s18+$0x4FE0] =	vst v6  }
0x267: {  	[spmem:s25] =	stream.linear.scatter [tilespmem:s0], [sflag:$0x7], $0x1000, $0x38;
	[tilespmem:$0x15540] =	vst v63  }
0x268: {  	_ =	swait.ge [sflag:s24], $0x1000  }
0x269: {  	[sflag:s24] =	ssyncset.done $0x0  }
0x26a: {  	s9 =	rddreg [dreg:$0x9];
	[sflag:s24] =	ssyncadd.s32 $0xFFFFF000  }
0x26b: {  	[spmem:s9] =	stream.linear.scatter [tilespmem:s0], [sflag:$0x7], $0x1000, $0x38;
	[tilespmem:$0x15540] =	vst v63  }
0x26c: {  	_ =	swait.ge [sflag:s24], $0x1000  }
0x26d: {  	[sflag:s24] =	ssyncset.done $0x0  }
0x26e: {  	s22 =	rddreg [dreg:$0xa];
	[sflag:s24] =	ssyncadd.s32 $0xFFFFF000  }
0x26f: {  	[spmem:s22] =	stream.linear.scatter [tilespmem:s0], [sflag:$0x7], $0x1000, $0x38;
	[tilespmem:$0x15540] =	vst v63  }
0x270: {  	_ =	swait.ge [sflag:s24], $0x1000  }
0x271: {  	[sflag:s24] =	ssyncset.done $0x0  }
0x272: {  	s23 =	rddreg [dreg:$0xb];
	[sflag:s24] =	ssyncadd.s32 $0xFFFFF000  }
0x273: {  	[spmem:s23] =	stream.linear.scatter [tilespmem:s0], [sflag:$0x7], $0x1000, $0x38;
	[tilespmem:$0x15540] =	vst v63  }
0x274: {  	_ =	swait.ge [sflag:s24], $0x1000  }
0x275: {  	[sflag:s24] =	ssyncset.done $0x0  }
0x276: {  	s25 =	rddreg [dreg:$0xc];
	[sflag:s24] =	ssyncadd.s32 $0xFFFFF000  }
0x277: {  	[spmem:s25] =	stream.linear.scatter [tilespmem:s0], [sflag:$0x7], $0x1000, $0x38;
	[tilespmem:$0x15540] =	vst v63  }
0x278: {  	_ =	swait.ge [sflag:s24], $0x1000  }
0x279: {  	[sflag:s24] =	ssyncset.done $0x0  }
0x27a: {  	s14 =	rddreg [dreg:$0xd];
	[sflag:s24] =	ssyncadd.s32 $0xFFFFF000  }
0x27b: {  	[spmem:s14] =	stream.linear.scatter [tilespmem:s0], [sflag:$0x7], $0x1000, $0x38;
	[tilespmem:$0x15540] =	vst v63  }
0x27c: {  	_ =	swait.ge [sflag:s24], $0x1000  }
0x27d: {  	[sflag:s24] =	ssyncset.done $0x0  }
0x27e: {  	s18 =	rddreg [dreg:$0xe];
	[sflag:s24] =	ssyncadd.s32 $0xFFFFF000  }
0x27f: {  	[spmem:s18] =	stream.linear.scatter [tilespmem:s0], [sflag:$0x7], $0x1000, $0x38;
	[tilespmem:$0x15540] =	vst v63  }
0x280: {  	_ =	swait.ge [sflag:s24], $0x1000  }
0x281: {  	[sflag:s24] =	ssyncset.done $0x0  }
0x282: {  	s19 =	rddreg [dreg:$0xf];
	[sflag:s24] =	ssyncadd.s32 $0xFFFFF000  }
0x283: {  	[spmem:s19] =	stream.linear.scatter [tilespmem:s0], [sflag:$0x7], $0x1000, $0x38;
	[tilespmem:$0x15540] =	vst v63  }
0x284: {  	_ =	swait.ge [sflag:s24], $0x1000  }
0x285: {  	[sflag:s24] =	ssyncset.done $0x0  }
0x286: {  	s21 =	rddreg [dreg:$0x10];
	[sflag:s24] =	ssyncadd.s32 $0xFFFFF000  }
0x287: {  	[spmem:s21] =	stream.linear.scatter [tilespmem:s0], [sflag:$0x7], $0x1000, $0x38;
	[tilespmem:$0x15540] =	vst v63  }
0x288: {  	_ =	swait.ge [sflag:s24], $0x1000  }
0x289: {  	[sflag:s24] =	ssyncset.done $0x0  }
0x28a: {  	s22 =	rddreg [dreg:$0x11];
	[sflag:s24] =	ssyncadd.s32 $0xFFFFF000  }
0x28b: {  	[spmem:s22] =	stream.linear.scatter [tilespmem:s0], [sflag:$0x7], $0x1000, $0x38;
	[tilespmem:$0x15540] =	vst v63  }
0x28c: {  	_ =	swait.ge [sflag:s24], $0x1000  }
0x28d: {  	[sflag:s24] =	ssyncset.done $0x0  }
0x28e: {  	[sflag:s24] =	ssyncadd.s32 $0xFFFFF000  }
0x28f: {  	[bflag:$0x0] =	sbarrier.arrive $0xFFFF  }
0x290: {  	v7 =	vld [tilespmem:$0x4F10];
	_ =	sdelay $0x4  }
0x291: {  	v7 =	vand.u32 $0x3FFF, v7  }
0x292: {  	v9 =	vld [tilespmem:$0x4F20];
	v8 =	vmin.u32 v7, $0x2710;
	_ =	sdelay $0x3  }
0x293: {  	s21 =	simm.s32 $0x0  }
0x294: {  	v9 =	vand.u32 $0x3FFF, v9;
	v8 =	vld.idx.msk [tilespmem:v8+s21+$0x0], $0xffff  }
0x295: {  	v10 =	vmin.u32 v9, $0x2710  }
0x296: {  	v11 =	vld [tilespmem:$0x4F30];
	v7 =	vmin.u32 v7, $0x270F  }
0x297: {  	v7 =	vadd.s32 v2, v7  }
0x298: {  	[tilespmem:$0xB000] =	vst v7  }
0x299: {  	[tilespmem:$0xAF80] =	vst v8  }
0x29a: {  	v7 =	vld.idx.msk [tilespmem:v10+s21+$0x0], $0xffff  }
0x29b: {  	v8 =	vand.u32 $0x3FFF, v11  }
0x29c: {  	v63 =	vmin.u32 v8, $0x2710;
	_ =	sdelay $0x1  }
0x29d: {  	v9 =	vmin.u32 v9, $0x270F  }
0x29e: {  	s23 =	sand.u32 $0x1, s11;
	[tilespmem:$0xAF90] =	vst v7;
	v7 =	vadd.s32 v2, v9  }
0x29f: {  	p0 =	slt.s32 s11, $0x1;
	p1 =	seq.s32 s23, $0x1;
	[tilespmem:$0xB010] =	vst v7  }
0x2a0: {  	p0 =	por !p0, !p1;
	s25 =	sshrl.u32 s11, $0x1F;
	v7 =	vld.idx.msk [tilespmem:v63+s21+$0x0], $0xffff  }
0x2a1: {  	p0 =	por !p0, !p0;
	s9 =	sadd.s32 s25, s11;
	s11 =	simm.s32 $0x1  }
0x2a2: {  	s9 =	sshra.s32 s9, $0x1;
	s11 =	simm.s32 @!p0 $0x0  }
0x2a3: {  	s22 =	ssub.s32 s9, s11  }
0x2a4: {  	p0 =	slt.s32 s22, $0x1;
	v8 =	vmin.u32 v8, $0x270F  }
.Ltmp20:
0x2a5: {  	[tilespmem:$0xAFA0] =	vst v7;
	v7 =	vadd.s32 v2, v8;
	(pc) =	sbr.rel @p0 .LBB2_37-.Ltmp20, $4  }
0x2a6: {  	[tilespmem:$0xB020] =	vst v7  }
0x2a7: {  	[tilespmem:s0], [sflag:$0x1] =	stream.indirect.gather [hbm4b:s5+s3], $0x80, s1, s3, $0xb8;
	[tilespmem:$0x15540] =	vst v63  }
0x2a8: {  	s23 =	simm.s32 $0x0;
	s14 =	simm.s32 $0x7F80  }
0x2a9: {  	[tilespmem:s14], [sflag:$0x3] =	stream.indirect.gather [hbm4b:s6+s3], $0x80, s8, s3, $0xb8;
	[tilespmem:$0x15540] =	vst v63  }
.LBB2_32:
0x2aa: {  	_ =	swait.ge [sflag:s31], $0x1800  }
0x2ab: {  	[sflag:s31] =	ssyncset.done $0x0  }
0x2ac: {  	[sflag:s31] =	ssyncadd.s32 $0xFFFFE800  }
0x2ad: {  	s9 =	smul.u32 $0xFFFFFE80, s23;
	_ =	swait.ge [sflag:s12], $0x1800  }
0x2ae: {  	[sflag:s12] =	ssyncset.done $0x0  }
0x2af: {  	s11 =	sshra.s32 s9, $0x2;
	[sflag:s12] =	ssyncadd.s32 $0xFFFFE800  }
0x2b0: {  	v7 =	vld [tilespmem:s11+$0x4EE0];
	_ =	sdelay $0x4  }
0x2b1: {  	v7 =	vand.u32 $0x3FFF, v7  }
0x2b2: {  	v8 =	vmin.u32 v7, $0x2710;
	_ =	sdelay $0x4  }
0x2b3: {  	v8 =	vld.idx.msk [tilespmem:v8+s21+$0x0], $0xffff;
	_ =	sdelay $0x1  }
0x2b4: {  	v7 =	vmin.u32 v7, $0x270F  }
0x2b5: {  	v7 =	vadd.s32 v2, v7  }
0x2b6: {  	[tilespmem:$0xB000] =	vst v7  }
0x2b7: {  	[tilespmem:$0xAF80] =	vst v8  }
0x2b8: {  	v7 =	vld [tilespmem:s11+$0x4EF0];
	_ =	sdelay $0x4  }
0x2b9: {  	v7 =	vand.u32 $0x3FFF, v7  }
0x2ba: {  	v8 =	vmin.u32 v7, $0x2710;
	_ =	sdelay $0x4  }
0x2bb: {  	v8 =	vld.idx.msk [tilespmem:v8+s21+$0x0], $0xffff;
	_ =	sdelay $0x1  }
0x2bc: {  	v7 =	vmin.u32 v7, $0x270F  }
0x2bd: {  	v7 =	vadd.s32 v2, v7  }
0x2be: {  	[tilespmem:$0xB010] =	vst v7  }
0x2bf: {  	[tilespmem:$0xAF90] =	vst v8  }
0x2c0: {  	v7 =	vld [tilespmem:s11+$0x4F00];
	_ =	sdelay $0x4  }
0x2c1: {  	v7 =	vand.u32 $0x3FFF, v7  }
0x2c2: {  	v8 =	vmin.u32 v7, $0x2710;
	_ =	sdelay $0x4  }
0x2c3: {  	v8 =	vld.idx.msk [tilespmem:v8+s21+$0x0], $0xffff;
	_ =	sdelay $0x1  }
0x2c4: {  	v7 =	vmin.u32 v7, $0x270F  }
0x2c5: {  	v7 =	vadd.s32 v2, v7  }
0x2c6: {  	[tilespmem:$0xB020] =	vst v7  }
0x2c7: {  	[tilespmem:$0xAFA0] =	vst v8  }
0x2c8: {  	[tilespmem:s13], [sflag:$0x2] =	stream.indirect.gather [hbm4b:s5+s3], $0x80, s1, s3, $0xb8;
	[tilespmem:$0x15540] =	vst v63  }
0x2c9: {  	s25 =	simm.s32 $0x9780;
	s18 =	simm.s32 $0x0  }
0x2ca: {  	[tilespmem:s25], [sflag:$0x4] =	stream.indirect.gather [hbm4b:s6+s3], $0x80, s8, s3, $0xb8;
	[tilespmem:$0x15540] =	vst v63  }
0x2cb: {  	v13 =	vld [tilespmem:s18+$0x7F80]  }
0x2cc: {  	v18 =	vld [tilespmem:s18+$0x7F90]  }
0x2cd: {  	v12 =	vld [tilespmem:s18+$0x7FA0]  }
0x2ce: {  	v11 =	vld [tilespmem:s18+$0x7FB0]  }
0x2cf: {  	v10 =	vld [tilespmem:s18+$0x7FC0]  }
0x2d0: {  	v9 =	vld [tilespmem:s18+$0x7FD0]  }
0x2d1: {  	v8 =	vld [tilespmem:s18+$0x7FE0]  }
0x2d2: {  	v7 =	vld [tilespmem:s18+$0x7FF0]  }
0x2d3: {  	v19 =	vld [tilespmem:s18+$0x4F80]  }
0x2d4: {  	v20 =	vld [tilespmem:s18+$0x4F90]  }
0x2d5: {  	v17 =	vld [tilespmem:s18+$0x4FA0]  }
0x2d6: {  	v16 =	vld [tilespmem:s18+$0x4FB0]  }
0x2d7: {  	v15 =	vld [tilespmem:s18+$0x4FC0]  }
0x2d8: {  	v14 =	vld [tilespmem:s18+$0x4FD0];
	v19 =	vadd.f32 v13, v19  }
0x2d9: {  	s19 =	simm.s32 $0x200;
	v18 =	vadd.f32 v18, v20;
	v13 =	vld [tilespmem:s18+$0x4FE0]  }
.LBB2_33:
0x2da: {  	s9 =	sshra.s32 s19, $0x2;
	p0 =	seq.s32 s19, $0x5E00;
	v19 =	vmax.f32 v19, $0.0e+00;
	v12 =	vadd.f32 v12, v17;
	v17 =	vld [tilespmem:s18+$0x4FF0]  }
0x2db: {  	v20 =	vld [tilespmem:s9+$0x7F80];
	[tilespmem:s18+$0x4F80] =	vst v19;
	v18 =	vmax.f32 v18, $0.0e+00;
	v11 =	vadd.f32 v11, v16  }
0x2dc: {  	v21 =	vld [tilespmem:s9+$0x7F90];
	[tilespmem:s18+$0x4F90] =	vst v18;
	v16 =	vmax.f32 v12, $0.0e+00;
	v10 =	vadd.f32 v10, v15  }
0x2dd: {  	v12 =	vld [tilespmem:s9+$0x7FA0];
	[tilespmem:s18+$0x4FA0] =	vst v16;
	v15 =	vmax.f32 v11, $0.0e+00;
	v9 =	vadd.f32 v9, v14  }
0x2de: {  	v11 =	vld [tilespmem:s9+$0x7FB0];
	[tilespmem:s18+$0x4FB0] =	vst v15;
	v14 =	vmax.f32 v10, $0.0e+00;
	v8 =	vadd.f32 v8, v13  }
0x2df: {  	v10 =	vld [tilespmem:s9+$0x7FC0];
	[tilespmem:s18+$0x4FC0] =	vst v14;
	v13 =	vmax.f32 v9, $0.0e+00;
	v7 =	vadd.f32 v7, v17  }
0x2e0: {  	v9 =	vld [tilespmem:s9+$0x7FD0];
	[tilespmem:s18+$0x4FD0] =	vst v13;
	v13 =	vmax.f32 v8, $0.0e+00  }
0x2e1: {  	v8 =	vld [tilespmem:s9+$0x7FE0];
	[tilespmem:s18+$0x4FE0] =	vst v13;
	v13 =	vmax.f32 v7, $0.0e+00  }
0x2e2: {  	v7 =	vld [tilespmem:s9+$0x7FF0];
	[tilespmem:s18+$0x4FF0] =	vst v13;
	s18 =	smov.u32 s9  }
0x2e3: {  	v13 =	vld [tilespmem:s18+$0x4F80]  }
0x2e4: {  	v18 =	vld [tilespmem:s18+$0x4F90]  }
.Ltmp21:
0x2e5: {  	v17 =	vld [tilespmem:s18+$0x4FA0];
	(pc) =	sbr.rel @!p0 .LBB2_33-.Ltmp21, $4  }
0x2e6: {  	v16 =	vld [tilespmem:s18+$0x4FB0]  }
0x2e7: {  	v15 =	vld [tilespmem:s18+$0x4FC0]  }
0x2e8: {  	v19 =	vadd.f32 v20, v13;
	v14 =	vld [tilespmem:s18+$0x4FD0]  }
0x2e9: {  	s19 =	sadd.s32 $0x200, s19;
	v18 =	vadd.f32 v21, v18;
	v13 =	vld [tilespmem:s18+$0x4FE0]  }
0x2ea: {  	v19 =	vmax.f32 v19, $0.0e+00;
	v12 =	vadd.f32 v12, v17;
	v17 =	vld [tilespmem:s18+$0x4FF0]  }
0x2eb: {  	[tilespmem:s18+$0x4F80] =	vst v19;
	v18 =	vmax.f32 v18, $0.0e+00;
	v11 =	vadd.f32 v11, v16  }
0x2ec: {  	[tilespmem:s18+$0x4F90] =	vst v18;
	v12 =	vmax.f32 v12, $0.0e+00;
	v10 =	vadd.f32 v10, v15  }
0x2ed: {  	[tilespmem:s18+$0x4FA0] =	vst v12;
	v11 =	vmax.f32 v11, $0.0e+00;
	v9 =	vadd.f32 v9, v14  }
0x2ee: {  	[tilespmem:s18+$0x4FB0] =	vst v11;
	v10 =	vmax.f32 v10, $0.0e+00;
	v8 =	vadd.f32 v8, v13  }
0x2ef: {  	[tilespmem:s18+$0x4FC0] =	vst v10;
	v9 =	vmax.f32 v9, $0.0e+00;
	v7 =	vadd.f32 v7, v17  }
0x2f0: {  	[tilespmem:s18+$0x4FD0] =	vst v9;
	v8 =	vmax.f32 v8, $0.0e+00  }
0x2f1: {  	[tilespmem:s18+$0x4FE0] =	vst v8;
	v7 =	vmax.f32 v7, $0.0e+00  }
0x2f2: {  	[tilespmem:s18+$0x4FF0] =	vst v7  }
0x2f3: {  	v7 =	vld [tilespmem:s11+$0x4F10];
	_ =	sdelay $0x4  }
0x2f4: {  	v7 =	vshra.s32 v7, $0xE  }
0x2f5: {  	vm0 =	vlt.s32 v7, $0x1407  }
0x2f6: {  	v7 =	vnsel vm0, $0x1407, v7  }
0x2f7: {  	[tilespmem:$0xB080] =	vst v7  }
0x2f8: {  	v7 =	vld [tilespmem:s11+$0x4F20];
	_ =	sdelay $0x4  }
0x2f9: {  	v7 =	vshra.s32 v7, $0xE  }
0x2fa: {  	vm14 =	vlt.s32 v7, $0x1407  }
0x2fb: {  	v7 =	vnsel vm14, $0x1407, v7  }
0x2fc: {  	[tilespmem:$0xB090] =	vst v7  }
0x2fd: {  	v7 =	vld [tilespmem:s11+$0x4F30];
	_ =	sdelay $0x4  }
0x2fe: {  	v7 =	vshra.s32 v7, $0xE  }
0x2ff: {  	vm15 =	vlt.s32 v7, $0x1407  }
0x300: {  	v7 =	vnsel vm15, $0x1407, v7  }
0x301: {  	[tilespmem:$0xB0A0] =	vst v7  }
0x302: {  	[spmem:s2] =	stream.indirect.scatter.add.f32 [tilespmem:s0], [sflag:$0x7], $0x80, s15, s3, $0xb8;
	[tilespmem:$0x15540] =	vst v63  }
0x303: {  	_ =	swait.ge [sflag:s24], $0x1800  }
0x304: {  	[sflag:s24] =	ssyncset.done $0x0  }
0x305: {  	[sflag:s24] =	ssyncadd.s32 $0xFFFFE800  }
0x306: {  	_ =	swait.ge [sflag:s16], $0x1800  }
0x307: {  	[sflag:s16] =	ssyncset.done $0x0  }
0x308: {  	[sflag:s16] =	ssyncadd.s32 $0xFFFFE800  }
0x309: {  	_ =	swait.ge [sflag:s17], $0x1800  }
0x30a: {  	[sflag:s17] =	ssyncset.done $0x0  }
0x30b: {  	[sflag:s17] =	ssyncadd.s32 $0xFFFFE800  }
0x30c: {  	v7 =	vld [tilespmem:s11+$0x4EB0];
	_ =	sdelay $0x4  }
0x30d: {  	v7 =	vand.u32 $0x3FFF, v7  }
0x30e: {  	v8 =	vmin.u32 v7, $0x2710;
	_ =	sdelay $0x3  }
0x30f: {  	s9 =	simm.s32 $0x0  }
0x310: {  	v8 =	vld.idx.msk [tilespmem:v8+s9+$0x0], $0xffff;
	_ =	sdelay $0x1  }
0x311: {  	v7 =	vmin.u32 v7, $0x270F  }
0x312: {  	v7 =	vadd.s32 v2, v7  }
0x313: {  	[tilespmem:$0xB000] =	vst v7  }
0x314: {  	[tilespmem:$0xAF80] =	vst v8  }
0x315: {  	v7 =	vld [tilespmem:s11+$0x4EC0];
	_ =	sdelay $0x4  }
0x316: {  	v7 =	vand.u32 $0x3FFF, v7  }
0x317: {  	v8 =	vmin.u32 v7, $0x2710;
	_ =	sdelay $0x4  }
0x318: {  	v8 =	vld.idx.msk [tilespmem:v8+s9+$0x0], $0xffff;
	_ =	sdelay $0x1  }
0x319: {  	v7 =	vmin.u32 v7, $0x270F  }
0x31a: {  	v7 =	vadd.s32 v2, v7  }
0x31b: {  	[tilespmem:$0xB010] =	vst v7  }
0x31c: {  	[tilespmem:$0xAF90] =	vst v8  }
0x31d: {  	v7 =	vld [tilespmem:s11+$0x4ED0];
	_ =	sdelay $0x4  }
0x31e: {  	v7 =	vand.u32 $0x3FFF, v7  }
0x31f: {  	v8 =	vmin.u32 v7, $0x2710;
	_ =	sdelay $0x4  }
0x320: {  	v8 =	vld.idx.msk [tilespmem:v8+s9+$0x0], $0xffff;
	_ =	sdelay $0x1  }
0x321: {  	v7 =	vmin.u32 v7, $0x270F  }
0x322: {  	v7 =	vadd.s32 v2, v7  }
0x323: {  	[tilespmem:$0xB020] =	vst v7  }
0x324: {  	[tilespmem:$0xAFA0] =	vst v8  }
0x325: {  	[tilespmem:s0], [sflag:$0x1] =	stream.indirect.gather [hbm4b:s5+s3], $0x80, s1, s3, $0xb8;
	[tilespmem:$0x15540] =	vst v63  }
0x326: {  	s18 =	simm.s32 $0x0  }
0x327: {  	[tilespmem:s14], [sflag:$0x3] =	stream.indirect.gather [hbm4b:s6+s3], $0x80, s8, s3, $0xb8;
	[tilespmem:$0x15540] =	vst v63  }
0x328: {  	v13 =	vld [tilespmem:s18+$0x9780]  }
0x329: {  	v18 =	vld [tilespmem:s18+$0x9790]  }
0x32a: {  	v12 =	vld [tilespmem:s18+$0x97A0]  }
0x32b: {  	v11 =	vld [tilespmem:s18+$0x97B0]  }
0x32c: {  	v10 =	vld [tilespmem:s18+$0x97C0]  }
0x32d: {  	v9 =	vld [tilespmem:s18+$0x97D0]  }
0x32e: {  	v8 =	vld [tilespmem:s18+$0x97E0]  }
0x32f: {  	v7 =	vld [tilespmem:s18+$0x97F0]  }
0x330: {  	v19 =	vld [tilespmem:s18+$0x6780]  }
0x331: {  	v20 =	vld [tilespmem:s18+$0x6790]  }
0x332: {  	v17 =	vld [tilespmem:s18+$0x67A0]  }
0x333: {  	v16 =	vld [tilespmem:s18+$0x67B0]  }
0x334: {  	v15 =	vld [tilespmem:s18+$0x67C0]  }
0x335: {  	v14 =	vld [tilespmem:s18+$0x67D0];
	v19 =	vadd.f32 v13, v19  }
0x336: {  	s19 =	simm.s32 $0x200;
	v18 =	vadd.f32 v18, v20;
	v13 =	vld [tilespmem:s18+$0x67E0]  }
.LBB2_35:
0x337: {  	s9 =	sshra.s32 s19, $0x2;
	p0 =	seq.s32 s19, $0x5E00;
	v19 =	vmax.f32 v19, $0.0e+00;
	v12 =	vadd.f32 v12, v17;
	v17 =	vld [tilespmem:s18+$0x67F0]  }
0x338: {  	v20 =	vld [tilespmem:s9+$0x9780];
	[tilespmem:s18+$0x6780] =	vst v19;
	v18 =	vmax.f32 v18, $0.0e+00;
	v11 =	vadd.f32 v11, v16  }
0x339: {  	v21 =	vld [tilespmem:s9+$0x9790];
	[tilespmem:s18+$0x6790] =	vst v18;
	v16 =	vmax.f32 v12, $0.0e+00;
	v10 =	vadd.f32 v10, v15  }
0x33a: {  	v12 =	vld [tilespmem:s9+$0x97A0];
	[tilespmem:s18+$0x67A0] =	vst v16;
	v15 =	vmax.f32 v11, $0.0e+00;
	v9 =	vadd.f32 v9, v14  }
0x33b: {  	v11 =	vld [tilespmem:s9+$0x97B0];
	[tilespmem:s18+$0x67B0] =	vst v15;
	v14 =	vmax.f32 v10, $0.0e+00;
	v8 =	vadd.f32 v8, v13  }
0x33c: {  	v10 =	vld [tilespmem:s9+$0x97C0];
	[tilespmem:s18+$0x67C0] =	vst v14;
	v13 =	vmax.f32 v9, $0.0e+00;
	v7 =	vadd.f32 v7, v17  }
0x33d: {  	v9 =	vld [tilespmem:s9+$0x97D0];
	[tilespmem:s18+$0x67D0] =	vst v13;
	v13 =	vmax.f32 v8, $0.0e+00  }
0x33e: {  	v8 =	vld [tilespmem:s9+$0x97E0];
	[tilespmem:s18+$0x67E0] =	vst v13;
	v13 =	vmax.f32 v7, $0.0e+00  }
0x33f: {  	v7 =	vld [tilespmem:s9+$0x97F0];
	[tilespmem:s18+$0x67F0] =	vst v13;
	s18 =	smov.u32 s9  }
0x340: {  	v13 =	vld [tilespmem:s18+$0x6780]  }
0x341: {  	v18 =	vld [tilespmem:s18+$0x6790]  }
.Ltmp22:
0x342: {  	v17 =	vld [tilespmem:s18+$0x67A0];
	(pc) =	sbr.rel @!p0 .LBB2_35-.Ltmp22, $4  }
0x343: {  	v16 =	vld [tilespmem:s18+$0x67B0]  }
0x344: {  	v15 =	vld [tilespmem:s18+$0x67C0]  }
0x345: {  	v19 =	vadd.f32 v20, v13;
	v14 =	vld [tilespmem:s18+$0x67D0]  }
0x346: {  	s19 =	sadd.s32 $0x200, s19;
	v18 =	vadd.f32 v21, v18;
	v13 =	vld [tilespmem:s18+$0x67E0]  }
0x347: {  	v19 =	vmax.f32 v19, $0.0e+00;
	v12 =	vadd.f32 v12, v17;
	v63 =	vld [tilespmem:s18+$0x67F0]  }
0x348: {  	[tilespmem:s18+$0x6780] =	vst v19;
	v18 =	vmax.f32 v18, $0.0e+00;
	v11 =	vadd.f32 v11, v16  }
0x349: {  	[tilespmem:s18+$0x6790] =	vst v18;
	v12 =	vmax.f32 v12, $0.0e+00;
	v10 =	vadd.f32 v10, v15  }
0x34a: {  	[tilespmem:s18+$0x67A0] =	vst v12;
	v11 =	vmax.f32 v11, $0.0e+00;
	v9 =	vadd.f32 v9, v14  }
0x34b: {  	[tilespmem:s18+$0x67B0] =	vst v11;
	v10 =	vmax.f32 v10, $0.0e+00;
	v8 =	vadd.f32 v8, v13  }
0x34c: {  	[tilespmem:s18+$0x67C0] =	vst v10;
	v9 =	vmax.f32 v9, $0.0e+00;
	v7 =	vadd.f32 v7, v63  }
0x34d: {  	[tilespmem:s18+$0x67D0] =	vst v9;
	v8 =	vmax.f32 v8, $0.0e+00  }
0x34e: {  	[tilespmem:s18+$0x67E0] =	vst v8;
	v7 =	vmax.f32 v7, $0.0e+00  }
0x34f: {  	[tilespmem:s18+$0x67F0] =	vst v7  }
0x350: {  	v7 =	vld [tilespmem:s11+$0x4EE0];
	_ =	sdelay $0x4  }
0x351: {  	v7 =	vshra.s32 v7, $0xE  }
0x352: {  	vm0 =	vlt.s32 v7, $0x1407  }
0x353: {  	v7 =	vnsel vm0, $0x1407, v7  }
0x354: {  	[tilespmem:$0xB080] =	vst v7  }
0x355: {  	v7 =	vld [tilespmem:s11+$0x4EF0];
	_ =	sdelay $0x4  }
0x356: {  	v7 =	vshra.s32 v7, $0xE  }
0x357: {  	vm14 =	vlt.s32 v7, $0x1407  }
0x358: {  	v7 =	vnsel vm14, $0x1407, v7  }
0x359: {  	[tilespmem:$0xB090] =	vst v7  }
0x35a: {  	v7 =	vld [tilespmem:s11+$0x4F00];
	_ =	sdelay $0x4  }
0x35b: {  	v7 =	vshra.s32 v7, $0xE  }
0x35c: {  	vm15 =	vlt.s32 v7, $0x1407  }
0x35d: {  	s23 =	sadd.s32 $0x1, s23;
	v7 =	vnsel vm15, $0x1407, v7  }
0x35e: {  	p0 =	seq.s32 s23, s22;
	[tilespmem:$0xB0A0] =	vst v7  }
0x35f: {  	[spmem:s2] =	stream.indirect.scatter.add.f32 [tilespmem:s13], [sflag:$0x7], $0x80, s15, s3, $0xb8;
	[tilespmem:$0x15540] =	vst v63  }
.Ltmp23:
0x360: {  	_ = 	snop;
	(pc) =	sbr.rel @!p0 .LBB2_32-.Ltmp23, $4  }
.Ltmp24:
0x361: {  	_ = 	snop;
	(pc) =	sbr.rel @p0 .LBB2_37-.Ltmp24, $4  }
0x362: {  	_ =	swait.ge [sflag:s24], $0x1800  }
0x363: {  	[sflag:s24] =	ssyncset.done $0x0  }
0x364: {  	[sflag:s24] =	ssyncadd.s32 $0xFFFFE800  }
0x365: {  	_ = 	snop  }
.LBB2_16:
.Ltmp25:
0x366: {  	(pc) =	sbr.rel .LBB2_20-.Ltmp25, $2  }
0x367: {  	_ =	sdelay $0x2  }
0x368: {  	s21 =	smov.u32 s20  }
.LBB2_18:
.Ltmp26:
0x369: {  	(pc) =	sbr.rel .LBB2_20-.Ltmp26, $2  }
0x36a: {  	_ =	sdelay $0x2  }
0x36b: {  	s21 =	smov.u32 s20  }
.LBB2_38:
0x36c: {  	_ =	sfence.sel $0x180000  }
0x36d: {  	[bflag:$0x0] =	sbarrier.arrive $0xFFFF  }
0x36e: {  	_ =	strace $0x90000047  }
0x36f: {  	s0 =	stileid.u32;
	[bflag:$0x2] =	sbarrier.arrive $0xFFFF  }
0x370: {  	p0 =	sne.s32 s0, $0x0;
	s0 =	rddreg [dreg:$0x2]  }
0x371: {  	s0 =	sadd.s32 @!p0 $0x100000, s0  }
0x372: {  	[sflag:s0] =	ssyncadd.tile.s32 @!p0 $0x1;
	_ =	shalt  }
.Lfunc_end2:
_tile_overlayer_lowered:
.L_overlay_start_2:
0x373: {  	(tag) =	ssettag $0x2  }
0x374: {  	s0 =	rddreg [dreg:$0x0];
	s2 =	stileid.u32  }
0x375: {  	s1 =	rddreg [dreg:$0x1];
	p0 =	sne.s32 s2, $0x0  }
0x376: {  	s3 =	rddreg [dreg:$0x2];
	[bflag:$0x3] =	sbarrier.arrive $0xFFFF;
	s2 =	simm.s32 @!p0 $0x1C07  }
0x377: {  	[timem:s3], [sflag:s2] =	dma.local @!p0 [hbm:s0], s1  }
0x378: {  	s0 =	simm.s32 @!p0 $0x7  }
0x379: {  	_ =	swait.ge @!p0 [sflag:s0], s1  }
0x37a: {  	s1 =	ssub.s32 @!p0 $0x0, s1;
	[sflag:s0] =	ssyncset.done @!p0 $0x0  }
0x37b: {  	[sflag:s0] =	ssyncadd.s32 @!p0 s1  }
0x37c: {  	[bflag:$0x3] =	sbarrier.arrive $0xFFFF  }
0x37d: {  	_ =	shalt  }

</sc_bundles>
